<compile_context>
chip_gen: v7x
topology: tpu7x:2x2x1
jax: 0.10.2.dev20260603
libtpu: 0.0.44.dev20260713+nightly
codegen_flags: <defaults>
</compile_context>

<pallas_src>
import functools

import jax
import jax.numpy as jnp
from jax import lax
from jax.experimental import pallas as pl
from jax.experimental.pallas import tpu as pltpu
from jax.experimental.pallas import tpu_sc as plsc

B, N, G, M = 8, 16384, 512, 64
L = 16
NC, NS = 2, 16
NW = NC * NS
WPB = NW // B
CPW = G // WPB
CAP = 2048
FINF = float("inf")



def _fps_body(x_ref, y_ref, z_ref, cx_ref, cy_ref, cz_ref, dist_ref):
    x = x_ref[...]
    y = y_ref[...]
    z = z_ref[...]
    iota = lax.broadcasted_iota(jnp.int32, (B, N), 1)
    col = lax.broadcasted_iota(jnp.int32, (B, G), 1)
    lx = x[:, 0:1]
    ly = y[:, 0:1]
    lz = z[:, 0:1]
    m0 = col == 0
    cxa = jnp.where(m0, jnp.broadcast_to(lx, (B, G)), 0.0)
    cya = jnp.where(m0, jnp.broadcast_to(ly, (B, G)), 0.0)
    cza = jnp.where(m0, jnp.broadcast_to(lz, (B, G)), 0.0)
    dist_ref[...] = jnp.full((B, N), 1e10, jnp.float32)

    def body(i, carry):
        lx, ly, lz, cxa, cya, cza = carry
        dx = x - lx
        dy = y - ly
        dz = z - lz
        d = (dx * dx + dy * dy) + dz * dz
        dist = jnp.minimum(dist_ref[...], d)
        dist_ref[...] = dist
        m = jnp.max(dist, axis=1, keepdims=True)
        idx = jnp.min(jnp.where(dist == m, iota, N), axis=1, keepdims=True)
        hit = iota == idx
        lx = jnp.sum(jnp.where(hit, x, 0.0), axis=1, keepdims=True)
        ly = jnp.sum(jnp.where(hit, y, 0.0), axis=1, keepdims=True)
        lz = jnp.sum(jnp.where(hit, z, 0.0), axis=1, keepdims=True)
        mi = col == i
        cxa = jnp.where(mi, jnp.broadcast_to(lx, (B, G)), cxa)
        cya = jnp.where(mi, jnp.broadcast_to(ly, (B, G)), cya)
        cza = jnp.where(mi, jnp.broadcast_to(lz, (B, G)), cza)
        return (lx, ly, lz, cxa, cya, cza)

    _, _, _, cxa, cya, cza = lax.fori_loop(
        1, G, body, (lx, ly, lz, cxa, cya, cza))
    cx_ref[...] = cxa
    cy_ref[...] = cya
    cz_ref[...] = cza


def _fps(xs, ys, zs):
    return pl.pallas_call(
        _fps_body,
        out_shape=[jax.ShapeDtypeStruct((B, G), jnp.float32)] * 3,
        scratch_shapes=[pltpu.VMEM((B, N), jnp.float32)],
    )(xs, ys, zs)



def _oems_pairs(n):
    pairs = []
    p = 1
    while p < n:
        k = p
        while k >= 1:
            for j in range(k % p, n - k, 2 * k):
                for i in range(0, min(k, n - j - k)):
                    if (i + j) // (2 * p) == (i + j + k) // (2 * p):
                        pairs.append((i + j, i + j + k))
            k //= 2
        p *= 2
    return pairs


_SORT16 = _oems_pairs(16)


@functools.cache
def _make_knn_kernel():
    return pl.kernel(
        _knn_body,
        mesh=plsc.VectorSubcoreMesh(core_axis_name="c", subcore_axis_name="s"),
        out_type=jax.ShapeDtypeStruct((B, G, 3 * M), jnp.float32),
        compiler_params=pltpu.CompilerParams(needs_layout_passes=False),
        scratch_types=[
            pltpu.VMEM((N,), jnp.float32),
            pltpu.VMEM((N,), jnp.float32),
            pltpu.VMEM((N,), jnp.float32),
            pltpu.VMEM((N,), jnp.float32),
            pltpu.VMEM((N,), jnp.float32),
            pltpu.VMEM((N,), jnp.float32),
            pltpu.VMEM((N,), jnp.float32),
            pltpu.VMEM((CPW,), jnp.float32),
            pltpu.VMEM((CPW,), jnp.float32),
            pltpu.VMEM((CPW,), jnp.float32),
            pltpu.VMEM((CAP + 4 * L,), jnp.float32),
            pltpu.VMEM((CAP + 4 * L,), jnp.int32),
            pltpu.VMEM((CAP + 4 * L,), jnp.float32),
            pltpu.VMEM((CAP + 4 * L,), jnp.int32),
            pltpu.VMEM((M,), jnp.int32),
            pltpu.VMEM((3 * M,), jnp.float32),
        ],
    )


def _bf16_round(x):
    u = lax.bitcast_convert_type(x, jnp.uint32)
    r = (u + 0x7FFF + ((u >> 16) & 1)) & jnp.uint32(0xFFFF0000)
    return lax.bitcast_convert_type(r, jnp.float32)


def _knn_body(x_hbm, y_hbm, z_hbm, cx_hbm, cy_hbm, cz_hbm, out_hbm,
              xv, yv, zv, xr, yr, zr, pp, cxv, cyv, czv,
              sd, si, sd2, si2, wbuf, og):
    cid = lax.axis_index("c")
    sid = lax.axis_index("s")
    wid = sid * NC + cid
    b = wid // WPB
    q = wid % WPB
    pltpu.sync_copy(x_hbm.at[b], xv)
    pltpu.sync_copy(y_hbm.at[b], yv)
    pltpu.sync_copy(z_hbm.at[b], zv)
    pltpu.sync_copy(cx_hbm.at[b, pl.ds(q * CPW, CPW)], cxv)
    pltpu.sync_copy(cy_hbm.at[b, pl.ds(q * CPW, CPW)], cyv)
    pltpu.sync_copy(cz_hbm.at[b, pl.ds(q * CPW, CPW)], czv)

    iv0 = lax.broadcasted_iota(jnp.int32, (L,), 0)
    ones = iv0 == iv0
    lane0 = iv0 == 0

    def prep_body(cc, _):
        base = cc * L
        px = xv[pl.ds(base, L)]
        py = yv[pl.ds(base, L)]
        pz = zv[pl.ds(base, L)]
        pp[pl.ds(base, L)] = (px * px + py * py) + pz * pz
        xr[pl.ds(base, L)] = _bf16_round(px)
        yr[pl.ds(base, L)] = _bf16_round(py)
        zr[pl.ds(base, L)] = _bf16_round(pz)
        return 0

    lax.fori_loop(0, N // L, prep_body, 0)

    def bcast_center(g):
        gv = jnp.full((L,), 0, jnp.int32) + g
        cxb = plsc.load_gather(cxv, [gv])
        cyb = plsc.load_gather(cyv, [gv])
        czb = plsc.load_gather(czv, [gv])
        cs = (cxb * cxb + cyb * cyb) + czb * czb
        return (cxb, cyb, czb, cs,
                _bf16_round(cxb), _bf16_round(cyb), _bf16_round(czb))

    def tbound16(arr16):
        arr = list(arr16)
        for (i, j) in _SORT16:
            lo = jnp.minimum(arr[i], arr[j])
            hi = jnp.maximum(arr[i], arr[j])
            arr[i] = lo
            arr[j] = hi
        return jnp.full((L,), 0.0, jnp.float32) + jnp.max(arr[3])

    def extract_emit(sdr, sir, mn, g, cxb, cyb, czb):
        padf = jnp.full((L,), FINF, jnp.float32)
        padi = jnp.full((L,), N, jnp.int32)
        for j in range(4):
            sdr[pl.ds(mn + j * L, L)] = padf
            sir[pl.ds(mn + j * L, L)] = padi
        nv4 = (mn + 63) // 64

        bigk = N * 4096

        def round_body(r2, _):
            def scan_body(v, st):
                bd, bk, cd, ck = st
                for j in range(4):
                    base = (v * 4 + j) * L
                    d = sdr[pl.ds(base, L)]
                    k = sir[pl.ds(base, L)] * 4096 + (iv0 + base)
                    t1 = (d < bd) | ((d == bd) & (k < bk))
                    sdd = jnp.where(t1, bd, d)
                    skk = jnp.where(t1, bk, k)
                    bd = jnp.where(t1, d, bd)
                    bk = jnp.where(t1, k, bk)
                    t2 = (sdd < cd) | ((sdd == cd) & (skk < ck))
                    cd = jnp.where(t2, sdd, cd)
                    ck = jnp.where(t2, skk, ck)
                return (bd, bk, cd, ck)

            bd, bk, cd, ck = lax.fori_loop(
                0, nv4, scan_body,
                (jnp.full((L,), FINF, jnp.float32),
                 jnp.full((L,), bigk, jnp.int32),
                 jnp.full((L,), FINF, jnp.float32),
                 jnp.full((L,), bigk, jnp.int32)))
            dmin = jnp.min(bd)
            kmin = jnp.min(jnp.where(bd == dmin, bk, bigk))
            hitw = (bd == dmin) & (bk == kmin)
            bd = jnp.where(hitw, cd, bd)
            bk = jnp.where(hitw, ck, bk)
            dmin2 = jnp.min(bd)
            kmin2 = jnp.min(jnp.where(bd == dmin2, bk, bigk))
            k01 = jnp.where(lane0, kmin, kmin2)
            two = iv0 < 2
            plsc.store_scatter(sdr, [k01 & 4095],
                               jnp.full((L,), FINF, jnp.float32), mask=two)
            plsc.store_scatter(wbuf, [r2 * 2 + iv0], k01 >> 12, mask=two)
            return 0

        lax.fori_loop(0, M // 2, round_body, 0)

        for t in range(M // L):
            iv = wbuf[pl.ds(t * L, L)]
            gx = plsc.load_gather(xv, [iv]) - cxb
            gy = plsc.load_gather(yv, [iv]) - cyb
            gz = plsc.load_gather(zv, [iv]) - czb
            pos = (iv0 + t * L) * 3
            plsc.store_scatter(og, [pos], gx, mask=ones)
            plsc.store_scatter(og, [pos + 1], gy, mask=ones)
            plsc.store_scatter(og, [pos + 2], gz, mask=ones)
        pltpu.sync_copy(og, out_hbm.at[b, q * CPW + g])

    def pair_body(gp, _):
        ga = gp * 2
        gb = ga + 1
        cxa, cya, cza, csa, cxra, cyra, czra = bcast_center(ga)
        cxb2, cyb2, czb2, csb2, cxrb, cyrb, czrb = bcast_center(gb)

        def dist2(base):
            xq = xr[pl.ds(base, L)]
            yq = yr[pl.ds(base, L)]
            zq = zr[pl.ds(base, L)]
            pq = pp[pl.ds(base, L)]
            ta = (xq * cxra + yq * cyra) + zq * czra
            tb = (xq * cxrb + yq * cyrb) + zq * czrb
            return (ta * -2.0 + csa) + pq, (tb * -2.0 + csb2) + pq

        def chunk_body(cc, cms):
            outa, outb = [], []
            for j in range(16):
                da, db = dist2((cc * 16 + j) * L)
                outa.append(jnp.minimum(cms[j], da))
                outb.append(jnp.minimum(cms[16 + j], db))
            return tuple(outa + outb)

        cms = lax.fori_loop(
            0, N // (16 * L), chunk_body,
            tuple([jnp.full((L,), FINF, jnp.float32)] * 32))
        tva = tbound16(cms[:16])
        tvb = tbound16(cms[16:])

        def filt_body(cc, ns):
            na, nb = ns
            dva, dvb, cva, cvb = [], [], [], []
            for j in range(8):
                da, db = dist2((cc * 8 + j) * L)
                dva.append(da)
                dvb.append(db)
                cva.append(plsc.all_reduce_population_count(da <= tva)[0])
                cvb.append(plsc.all_reduce_population_count(db <= tvb)[0])
            for j in range(8):
                base = (cc * 8 + j) * L
                ma = dva[j] <= tva
                plsc.store_compressed(sd.at[pl.ds(na, L)], dva[j], mask=ma)
                plsc.store_compressed(si.at[pl.ds(na, L)], iv0 + base,
                                      mask=ma)
                na = na + cva[j]
                if j % 2 == 1:
                    na = jnp.minimum(na, CAP)
            for j in range(8):
                base = (cc * 8 + j) * L
                mb = dvb[j] <= tvb
                plsc.store_compressed(sd2.at[pl.ds(nb, L)], dvb[j], mask=mb)
                plsc.store_compressed(si2.at[pl.ds(nb, L)], iv0 + base,
                                      mask=mb)
                nb = nb + cvb[j]
                if j % 2 == 1:
                    nb = jnp.minimum(nb, CAP)
            return (na, nb)

        mna, mnb = lax.fori_loop(0, N // L // 8, filt_body,
                                 (jnp.int32(0), jnp.int32(0)))

        extract_emit(sd, si, mna, ga, cxa, cya, cza)
        extract_emit(sd2, si2, mnb, gb, cxb2, cyb2, czb2)
        return 0

    lax.fori_loop(0, CPW // 2, pair_body, 0)



def kernel(xyz):
    xs = xyz[:, :, 0]
    ys = xyz[:, :, 1]
    zs = xyz[:, :, 2]
    cx, cy, cz = _fps(xs, ys, zs)
    centers = jnp.stack([cx, cy, cz], axis=-1)
    flat = _make_knn_kernel()(xs, ys, zs, cx, cy, cz)
    neighborhood = flat.reshape(B, G, M, 3)
    return (neighborhood, centers)

# --- scband reference (transcript-rebuilt; emitter-appended) ---
"""Pipeline reference for scband-encoder-26104811225237 (READ-ONLY COPY).

The authoritative reference and input builder live on the scoring server;
editing this copy changes nothing except your own understanding.
"""

import jax, jax.numpy as jnp
import numpy as np

B, N, NUM_GROUP, GROUP_SIZE = 8, 16384, 512, 64


def setup_inputs(seed: int = 0) -> dict:
    key = jax.random.key(seed)
    xyz = jax.random.normal(key, (B, N, 3), dtype=jnp.float32)
    return {"xyz": xyz}


def fps(xyz, num_group):
    # farthest point sampling, vmapped over batch
    def sample_one(pts):
        n = pts.shape[0]

        def body(i, state):
            idxs, dists = state
            last = pts[idxs[i - 1]]
            d = jnp.sum((pts - last) ** 2, axis=-1)
            dists = jnp.minimum(dists, d)
            idxs = idxs.at[i].set(jnp.argmax(dists).astype(jnp.int32))
            return (idxs, dists)

        idxs0 = jnp.zeros((num_group,), dtype=jnp.int32)
        dists0 = jnp.full((n,), 1e10, dtype=pts.dtype)
        idxs, _ = jax.lax.fori_loop(1, num_group, body, (idxs0, dists0))
        return pts[idxs]

    return jax.vmap(sample_one)(xyz)


def square_distance(src, dst):
    # dist = |src|^2 + |dst|^2 - 2 src.dst, matching torch reference exactly
    dist = -2.0 * jnp.einsum('bnc,bmc->bnm', src, dst)
    dist = dist + jnp.sum(src ** 2, -1)[:, :, None]
    dist = dist + jnp.sum(dst ** 2, -1)[:, None, :]
    return dist


def knn_point(nsample, xyz, new_xyz):
    sqrdists = square_distance(new_xyz, xyz)  # (B, S, N)
    _, group_idx = jax.lax.top_k(-sqrdists, nsample)  # smallest distances
    return group_idx  # (B, S, nsample)


def reference(xyz):
    # Group.forward with group_config=[(512, 64)], color=None
    center = fps(xyz, NUM_GROUP)                       # (B, G, 3)
    idx = knn_point(GROUP_SIZE, xyz, center)           # (B, G, M)
    neighborhood = jax.vmap(lambda pts, i: pts[i])(xyz, idx)  # (B, G, M, 3)
    neighborhood = neighborhood - center[:, :, None, :]
    return (neighborhood, center)

if __name__ == "__main__":
    import jax
    _d = setup_inputs()
    print(jax.jit(kernel)(*tuple(_d.values())))

</pallas_src>

<mosaic_0001>
#map = affine_map<(d0, d1) -> (0, 0)>
#map1 = affine_map<(d0, d1) -> (0, 0, 0)>
module attributes {stable_mosaic.version = 14 : i64} {
  func.func @_knn_body(%arg0: i32, %arg1: i32, %arg2: memref<8x16384xf32, #tpu.memory_space<hbm>>, %arg3: memref<8x16384xf32, #tpu.memory_space<hbm>>, %arg4: memref<8x16384xf32, #tpu.memory_space<hbm>>, %arg5: memref<8x512xf32, #tpu.memory_space<hbm>>, %arg6: memref<8x512xf32, #tpu.memory_space<hbm>>, %arg7: memref<8x512xf32, #tpu.memory_space<hbm>>, %arg8: memref<8x512x192xf32, #tpu.memory_space<hbm>>, %arg9: memref<16384xf32, #tpu.memory_space<vmem>>, %arg10: memref<16384xf32, #tpu.memory_space<vmem>>, %arg11: memref<16384xf32, #tpu.memory_space<vmem>>, %arg12: memref<16384xf32, #tpu.memory_space<vmem>>, %arg13: memref<16384xf32, #tpu.memory_space<vmem>>, %arg14: memref<16384xf32, #tpu.memory_space<vmem>>, %arg15: memref<16384xf32, #tpu.memory_space<vmem>>, %arg16: memref<128xf32, #tpu.memory_space<vmem>>, %arg17: memref<128xf32, #tpu.memory_space<vmem>>, %arg18: memref<128xf32, #tpu.memory_space<vmem>>, %arg19: memref<2112xf32, #tpu.memory_space<vmem>>, %arg20: memref<2112xi32, #tpu.memory_space<vmem>>, %arg21: memref<2112xf32, #tpu.memory_space<vmem>>, %arg22: memref<2112xi32, #tpu.memory_space<vmem>>, %arg23: memref<64xi32, #tpu.memory_space<vmem>>, %arg24: memref<192xf32, #tpu.memory_space<vmem>>) attributes {dimension_semantics = [#tpu.dimension_semantics<core_parallel>, #tpu.dimension_semantics<subcore_parallel>], iteration_bounds = array<i64: 2, 16>, scalar_prefetch = 0 : i64, scratch_operands = 16 : i64, tpu.core_type = #tpu.core_type<sc_vector_subcore>, window_params = [{transform_indices = #map}, {transform_indices = #map}, {transform_indices = #map}, {transform_indices = #map}, {transform_indices = #map}, {transform_indices = #map}, {transform_indices = #map1}]} {
    %mul3A = arith.constant 2 : i32
    %mul3A_0 = arith.muli %arg1, %mul3A : i32
    %add3A = arith.addi %mul3A_0, %arg0 : i32
    %jit3A = arith.constant 4 : i32
    %div3A = arith.divsi %add3A, %jit3A : i32
    %sign3A = arith.constant 0 : i32
    %sign3A_1 = arith.cmpi sgt, %add3A, %sign3A : i32
    %sign3A_2 = arith.extui %sign3A_1 : i1 to i32
    %sign3A_3 = arith.constant 0 : i32
    %sign3A_4 = arith.cmpi slt, %add3A, %sign3A_3 : i32
    %sign3A_5 = arith.extui %sign3A_4 : i1 to i32
    %sign3A_6 = arith.subi %sign3A_2, %sign3A_5 : i32
    %sign3A_7 = arith.constant 0 : i32
    %sign3A_8 = arith.cmpi sgt, %jit3A, %sign3A_7 : i32
    %sign3A_9 = arith.extui %sign3A_8 : i1 to i32
    %sign3A_10 = arith.constant 0 : i32
    %sign3A_11 = arith.cmpi slt, %jit3A, %sign3A_10 : i32
    %sign3A_12 = arith.extui %sign3A_11 : i1 to i32
    %sign3A_13 = arith.subi %sign3A_9, %sign3A_12 : i32
    %ne3A = arith.cmpi ne, %sign3A_6, %sign3A_13 : i32
    %rem3A = arith.remsi %add3A, %jit3A : i32
    %ne3A_14 = arith.constant 0 : i32
    %ne3A_15 = arith.cmpi ne, %rem3A, %ne3A_14 : i32
    %and3A = arith.andi %ne3A, %ne3A_15 : i1
    %sub3A = arith.constant 1 : i32
    %sub3A_16 = arith.subi %div3A, %sub3A : i32
    %select_n3A = arith.select %and3A, %sub3A_16, %div3A : i32
    %jit3A_17 = arith.constant 4 : i32
    %eq3A = arith.constant 0 : i32
    %eq3A_18 = arith.cmpi eq, %jit3A_17, %eq3A : i32
    %jit3A_19 = arith.constant 1 : i32
    %select_n3A_20 = arith.select %eq3A_18, %jit3A_19, %jit3A_17 : i32
    %rem3A_21 = arith.remsi %add3A, %select_n3A_20 : i32
    %ne3A_22 = arith.constant 0 : i32
    %ne3A_23 = arith.cmpi ne, %rem3A_21, %ne3A_22 : i32
    %lt3A = arith.constant 0 : i32
    %lt3A_24 = arith.cmpi slt, %rem3A_21, %lt3A : i32
    %lt3A_25 = arith.constant 0 : i32
    %lt3A_26 = arith.cmpi slt, %select_n3A_20, %lt3A_25 : i32
    %ne3A_27 = arith.xori %lt3A_24, %lt3A_26 : i1
    %and3A_28 = arith.andi %ne3A_27, %ne3A_23 : i1
    %add3A_29 = arith.addi %rem3A_21, %select_n3A_20 : i32
    %select_n3A_30 = arith.select %and3A_28, %add3A_29, %rem3A_21 : i32
    "tpu.region"() ({
      %run_scoped3A = tpu.sem_alloc : memref<!tpu.dma_semaphore, #tpu.memory_space<semaphore_mem>>
      %dma_start3A = arith.constant 0 : i32
      %dma_start3A_54 = tpu.memref_slice %arg2[%select_n3A, %dma_start3A] : memref<8x16384xf32, #tpu.memory_space<hbm>> -> memref<1x16384xf32, #tpu.memory_space<hbm>>
      %dma_start3A_55 = tpu.memref_squeeze %dma_start3A_54 : memref<1x16384xf32, #tpu.memory_space<hbm>> -> memref<16384xf32, #tpu.memory_space<hbm>>
      %dma_start3A_56 = arith.constant 0 : i32
      %dma_start3A_57 = tpu.memref_slice %arg2[%select_n3A, %dma_start3A_56] : memref<8x16384xf32, #tpu.memory_space<hbm>> -> memref<1x16384xf32, #tpu.memory_space<hbm>>
      %dma_start3A_58 = tpu.memref_squeeze %dma_start3A_57 : memref<1x16384xf32, #tpu.memory_space<hbm>> -> memref<16384xf32, #tpu.memory_space<hbm>>
      tpu.enqueue_dma source(%dma_start3A_58 : memref<16384xf32, #tpu.memory_space<hbm>>) target(%arg9 : memref<16384xf32, #tpu.memory_space<vmem>>) target_semaphore(%run_scoped3A : memref<!tpu.dma_semaphore, #tpu.memory_space<semaphore_mem>>)
      %dma_wait3A = arith.constant 0 : i32
      %dma_wait3A_59 = tpu.memref_slice %arg2[%select_n3A, %dma_wait3A] : memref<8x16384xf32, #tpu.memory_space<hbm>> -> memref<1x16384xf32, #tpu.memory_space<hbm>>
      %dma_wait3A_60 = tpu.memref_squeeze %dma_wait3A_59 : memref<1x16384xf32, #tpu.memory_space<hbm>> -> memref<16384xf32, #tpu.memory_space<hbm>>
      %dma_wait3A_61 = arith.constant 0 : i32
      %dma_wait3A_62 = tpu.memref_slice %arg2[%select_n3A, %dma_wait3A_61] : memref<8x16384xf32, #tpu.memory_space<hbm>> -> memref<1x16384xf32, #tpu.memory_space<hbm>>
      %dma_wait3A_63 = tpu.memref_squeeze %dma_wait3A_62 : memref<1x16384xf32, #tpu.memory_space<hbm>> -> memref<16384xf32, #tpu.memory_space<hbm>>
      tpu.wait_dma2 semaphore(%run_scoped3A : memref<!tpu.dma_semaphore, #tpu.memory_space<semaphore_mem>>) src(%dma_wait3A_63 : memref<16384xf32, #tpu.memory_space<hbm>>) dst(%arg9 : memref<16384xf32, #tpu.memory_space<vmem>>)
      tpu.yield
    }) : () -> ()
    "tpu.region"() ({
      %run_scoped3A = tpu.sem_alloc : memref<!tpu.dma_semaphore, #tpu.memory_space<semaphore_mem>>
      %dma_start3A = arith.constant 0 : i32
      %dma_start3A_54 = tpu.memref_slice %arg3[%select_n3A, %dma_start3A] : memref<8x16384xf32, #tpu.memory_space<hbm>> -> memref<1x16384xf32, #tpu.memory_space<hbm>>
      %dma_start3A_55 = tpu.memref_squeeze %dma_start3A_54 : memref<1x16384xf32, #tpu.memory_space<hbm>> -> memref<16384xf32, #tpu.memory_space<hbm>>
      %dma_start3A_56 = arith.constant 0 : i32
      %dma_start3A_57 = tpu.memref_slice %arg3[%select_n3A, %dma_start3A_56] : memref<8x16384xf32, #tpu.memory_space<hbm>> -> memref<1x16384xf32, #tpu.memory_space<hbm>>
      %dma_start3A_58 = tpu.memref_squeeze %dma_start3A_57 : memref<1x16384xf32, #tpu.memory_space<hbm>> -> memref<16384xf32, #tpu.memory_space<hbm>>
      tpu.enqueue_dma source(%dma_start3A_58 : memref<16384xf32, #tpu.memory_space<hbm>>) target(%arg10 : memref<16384xf32, #tpu.memory_space<vmem>>) target_semaphore(%run_scoped3A : memref<!tpu.dma_semaphore, #tpu.memory_space<semaphore_mem>>)
      %dma_wait3A = arith.constant 0 : i32
      %dma_wait3A_59 = tpu.memref_slice %arg3[%select_n3A, %dma_wait3A] : memref<8x16384xf32, #tpu.memory_space<hbm>> -> memref<1x16384xf32, #tpu.memory_space<hbm>>
      %dma_wait3A_60 = tpu.memref_squeeze %dma_wait3A_59 : memref<1x16384xf32, #tpu.memory_space<hbm>> -> memref<16384xf32, #tpu.memory_space<hbm>>
      %dma_wait3A_61 = arith.constant 0 : i32
      %dma_wait3A_62 = tpu.memref_slice %arg3[%select_n3A, %dma_wait3A_61] : memref<8x16384xf32, #tpu.memory_space<hbm>> -> memref<1x16384xf32, #tpu.memory_space<hbm>>
      %dma_wait3A_63 = tpu.memref_squeeze %dma_wait3A_62 : memref<1x16384xf32, #tpu.memory_space<hbm>> -> memref<16384xf32, #tpu.memory_space<hbm>>
      tpu.wait_dma2 semaphore(%run_scoped3A : memref<!tpu.dma_semaphore, #tpu.memory_space<semaphore_mem>>) src(%dma_wait3A_63 : memref<16384xf32, #tpu.memory_space<hbm>>) dst(%arg10 : memref<16384xf32, #tpu.memory_space<vmem>>)
      tpu.yield
    }) : () -> ()
    "tpu.region"() ({
      %run_scoped3A = tpu.sem_alloc : memref<!tpu.dma_semaphore, #tpu.memory_space<semaphore_mem>>
      %dma_start3A = arith.constant 0 : i32
      %dma_start3A_54 = tpu.memref_slice %arg4[%select_n3A, %dma_start3A] : memref<8x16384xf32, #tpu.memory_space<hbm>> -> memref<1x16384xf32, #tpu.memory_space<hbm>>
      %dma_start3A_55 = tpu.memref_squeeze %dma_start3A_54 : memref<1x16384xf32, #tpu.memory_space<hbm>> -> memref<16384xf32, #tpu.memory_space<hbm>>
      %dma_start3A_56 = arith.constant 0 : i32
      %dma_start3A_57 = tpu.memref_slice %arg4[%select_n3A, %dma_start3A_56] : memref<8x16384xf32, #tpu.memory_space<hbm>> -> memref<1x16384xf32, #tpu.memory_space<hbm>>
      %dma_start3A_58 = tpu.memref_squeeze %dma_start3A_57 : memref<1x16384xf32, #tpu.memory_space<hbm>> -> memref<16384xf32, #tpu.memory_space<hbm>>
      tpu.enqueue_dma source(%dma_start3A_58 : memref<16384xf32, #tpu.memory_space<hbm>>) target(%arg11 : memref<16384xf32, #tpu.memory_space<vmem>>) target_semaphore(%run_scoped3A : memref<!tpu.dma_semaphore, #tpu.memory_space<semaphore_mem>>)
      %dma_wait3A = arith.constant 0 : i32
      %dma_wait3A_59 = tpu.memref_slice %arg4[%select_n3A, %dma_wait3A] : memref<8x16384xf32, #tpu.memory_space<hbm>> -> memref<1x16384xf32, #tpu.memory_space<hbm>>
      %dma_wait3A_60 = tpu.memref_squeeze %dma_wait3A_59 : memref<1x16384xf32, #tpu.memory_space<hbm>> -> memref<16384xf32, #tpu.memory_space<hbm>>
      %dma_wait3A_61 = arith.constant 0 : i32
      %dma_wait3A_62 = tpu.memref_slice %arg4[%select_n3A, %dma_wait3A_61] : memref<8x16384xf32, #tpu.memory_space<hbm>> -> memref<1x16384xf32, #tpu.memory_space<hbm>>
      %dma_wait3A_63 = tpu.memref_squeeze %dma_wait3A_62 : memref<1x16384xf32, #tpu.memory_space<hbm>> -> memref<16384xf32, #tpu.memory_space<hbm>>
      tpu.wait_dma2 semaphore(%run_scoped3A : memref<!tpu.dma_semaphore, #tpu.memory_space<semaphore_mem>>) src(%dma_wait3A_63 : memref<16384xf32, #tpu.memory_space<hbm>>) dst(%arg11 : memref<16384xf32, #tpu.memory_space<vmem>>)
      tpu.yield
    }) : () -> ()
    %mul3A_31 = arith.constant 128 : i32
    %mul3A_32 = arith.muli %select_n3A_30, %mul3A_31 : i32
    "tpu.region"() ({
      %run_scoped3A = tpu.sem_alloc : memref<!tpu.dma_semaphore, #tpu.memory_space<semaphore_mem>>
      %dma_start3A = tpu.memref_slice %arg5[%select_n3A, %mul3A_32] : memref<8x512xf32, #tpu.memory_space<hbm>> -> memref<1x128xf32, #tpu.memory_space<hbm>>
      %dma_start3A_54 = tpu.memref_squeeze %dma_start3A : memref<1x128xf32, #tpu.memory_space<hbm>> -> memref<128xf32, #tpu.memory_space<hbm>>
      %dma_start3A_55 = tpu.memref_slice %arg5[%select_n3A, %mul3A_32] : memref<8x512xf32, #tpu.memory_space<hbm>> -> memref<1x128xf32, #tpu.memory_space<hbm>>
      %dma_start3A_56 = tpu.memref_squeeze %dma_start3A_55 : memref<1x128xf32, #tpu.memory_space<hbm>> -> memref<128xf32, #tpu.memory_space<hbm>>
      tpu.enqueue_dma source(%dma_start3A_56 : memref<128xf32, #tpu.memory_space<hbm>>) target(%arg16 : memref<128xf32, #tpu.memory_space<vmem>>) target_semaphore(%run_scoped3A : memref<!tpu.dma_semaphore, #tpu.memory_space<semaphore_mem>>)
      %dma_wait3A = tpu.memref_slice %arg5[%select_n3A, %mul3A_32] : memref<8x512xf32, #tpu.memory_space<hbm>> -> memref<1x128xf32, #tpu.memory_space<hbm>>
      %dma_wait3A_57 = tpu.memref_squeeze %dma_wait3A : memref<1x128xf32, #tpu.memory_space<hbm>> -> memref<128xf32, #tpu.memory_space<hbm>>
      %dma_wait3A_58 = tpu.memref_slice %arg5[%select_n3A, %mul3A_32] : memref<8x512xf32, #tpu.memory_space<hbm>> -> memref<1x128xf32, #tpu.memory_space<hbm>>
      %dma_wait3A_59 = tpu.memref_squeeze %dma_wait3A_58 : memref<1x128xf32, #tpu.memory_space<hbm>> -> memref<128xf32, #tpu.memory_space<hbm>>
      tpu.wait_dma2 semaphore(%run_scoped3A : memref<!tpu.dma_semaphore, #tpu.memory_space<semaphore_mem>>) src(%dma_wait3A_59 : memref<128xf32, #tpu.memory_space<hbm>>) dst(%arg16 : memref<128xf32, #tpu.memory_space<vmem>>)
      tpu.yield
    }) : () -> ()
    %mul3A_33 = arith.constant 128 : i32
    %mul3A_34 = arith.muli %select_n3A_30, %mul3A_33 : i32
    "tpu.region"() ({
      %run_scoped3A = tpu.sem_alloc : memref<!tpu.dma_semaphore, #tpu.memory_space<semaphore_mem>>
      %dma_start3A = tpu.memref_slice %arg6[%select_n3A, %mul3A_34] : memref<8x512xf32, #tpu.memory_space<hbm>> -> memref<1x128xf32, #tpu.memory_space<hbm>>
      %dma_start3A_54 = tpu.memref_squeeze %dma_start3A : memref<1x128xf32, #tpu.memory_space<hbm>> -> memref<128xf32, #tpu.memory_space<hbm>>
      %dma_start3A_55 = tpu.memref_slice %arg6[%select_n3A, %mul3A_34] : memref<8x512xf32, #tpu.memory_space<hbm>> -> memref<1x128xf32, #tpu.memory_space<hbm>>
      %dma_start3A_56 = tpu.memref_squeeze %dma_start3A_55 : memref<1x128xf32, #tpu.memory_space<hbm>> -> memref<128xf32, #tpu.memory_space<hbm>>
      tpu.enqueue_dma source(%dma_start3A_56 : memref<128xf32, #tpu.memory_space<hbm>>) target(%arg17 : memref<128xf32, #tpu.memory_space<vmem>>) target_semaphore(%run_scoped3A : memref<!tpu.dma_semaphore, #tpu.memory_space<semaphore_mem>>)
      %dma_wait3A = tpu.memref_slice %arg6[%select_n3A, %mul3A_34] : memref<8x512xf32, #tpu.memory_space<hbm>> -> memref<1x128xf32, #tpu.memory_space<hbm>>
      %dma_wait3A_57 = tpu.memref_squeeze %dma_wait3A : memref<1x128xf32, #tpu.memory_space<hbm>> -> memref<128xf32, #tpu.memory_space<hbm>>
      %dma_wait3A_58 = tpu.memref_slice %arg6[%select_n3A, %mul3A_34] : memref<8x512xf32, #tpu.memory_space<hbm>> -> memref<1x128xf32, #tpu.memory_space<hbm>>
      %dma_wait3A_59 = tpu.memref_squeeze %dma_wait3A_58 : memref<1x128xf32, #tpu.memory_space<hbm>> -> memref<128xf32, #tpu.memory_space<hbm>>
      tpu.wait_dma2 semaphore(%run_scoped3A : memref<!tpu.dma_semaphore, #tpu.memory_space<semaphore_mem>>) src(%dma_wait3A_59 : memref<128xf32, #tpu.memory_space<hbm>>) dst(%arg17 : memref<128xf32, #tpu.memory_space<vmem>>)
      tpu.yield
    }) : () -> ()
    %mul3A_35 = arith.constant 128 : i32
    %mul3A_36 = arith.muli %select_n3A_30, %mul3A_35 : i32
    "tpu.region"() ({
      %run_scoped3A = tpu.sem_alloc : memref<!tpu.dma_semaphore, #tpu.memory_space<semaphore_mem>>
      %dma_start3A = tpu.memref_slice %arg7[%select_n3A, %mul3A_36] : memref<8x512xf32, #tpu.memory_space<hbm>> -> memref<1x128xf32, #tpu.memory_space<hbm>>
      %dma_start3A_54 = tpu.memref_squeeze %dma_start3A : memref<1x128xf32, #tpu.memory_space<hbm>> -> memref<128xf32, #tpu.memory_space<hbm>>
      %dma_start3A_55 = tpu.memref_slice %arg7[%select_n3A, %mul3A_36] : memref<8x512xf32, #tpu.memory_space<hbm>> -> memref<1x128xf32, #tpu.memory_space<hbm>>
      %dma_start3A_56 = tpu.memref_squeeze %dma_start3A_55 : memref<1x128xf32, #tpu.memory_space<hbm>> -> memref<128xf32, #tpu.memory_space<hbm>>
      tpu.enqueue_dma source(%dma_start3A_56 : memref<128xf32, #tpu.memory_space<hbm>>) target(%arg18 : memref<128xf32, #tpu.memory_space<vmem>>) target_semaphore(%run_scoped3A : memref<!tpu.dma_semaphore, #tpu.memory_space<semaphore_mem>>)
      %dma_wait3A = tpu.memref_slice %arg7[%select_n3A, %mul3A_36] : memref<8x512xf32, #tpu.memory_space<hbm>> -> memref<1x128xf32, #tpu.memory_space<hbm>>
      %dma_wait3A_57 = tpu.memref_squeeze %dma_wait3A : memref<1x128xf32, #tpu.memory_space<hbm>> -> memref<128xf32, #tpu.memory_space<hbm>>
      %dma_wait3A_58 = tpu.memref_slice %arg7[%select_n3A, %mul3A_36] : memref<8x512xf32, #tpu.memory_space<hbm>> -> memref<1x128xf32, #tpu.memory_space<hbm>>
      %dma_wait3A_59 = tpu.memref_squeeze %dma_wait3A_58 : memref<1x128xf32, #tpu.memory_space<hbm>> -> memref<128xf32, #tpu.memory_space<hbm>>
      tpu.wait_dma2 semaphore(%run_scoped3A : memref<!tpu.dma_semaphore, #tpu.memory_space<semaphore_mem>>) src(%dma_wait3A_59 : memref<128xf32, #tpu.memory_space<hbm>>) dst(%arg18 : memref<128xf32, #tpu.memory_space<vmem>>)
      tpu.yield
    }) : () -> ()
    %iota3A = tpu.iota {dimensions = array<i32: 0>} : vector<16xi32>
    %eq3A_37 = arith.cmpi eq, %iota3A, %iota3A : vector<16xi32>
    %eq3A_38 = arith.constant 0 : i32
    %eq3A_39 = vector.broadcast %eq3A_38 : i32 to vector<16xi32>
    %eq3A_40 = arith.cmpi eq, %iota3A, %eq3A_39 : vector<16xi32>
    %scan3A = arith.constant 0 : i32
    %scan3A_41 = arith.constant 0 : i32
    %scan3A_42 = arith.constant 1024 : i32
    %scan3A_43 = arith.addi %scan3A_41, %scan3A_42 : i32
    %scan3A_44 = arith.constant 1 : i32
    %scan3A_45 = scf.for %scan3A_54 = %scan3A_41 to %scan3A_43 step %scan3A_44 iter_args(%scan3A_55 = %scan3A) -> (i32)  : i32 {
      %mul3A_56 = arith.constant 16 : i32
      %mul3A_57 = arith.muli %scan3A_54, %mul3A_56 : i32
      %get3A = arith.index_cast %mul3A_57 : i32 to index
      %get3A_58 = tpu.vector_load %arg9[%get3A] {strides = array<i32>} : memref<16384xf32, #tpu.memory_space<vmem>>, vector<16xf32>,
      %get3A_59 = arith.index_cast %mul3A_57 : i32 to index
      %get3A_60 = tpu.vector_load %arg10[%get3A_59] {strides = array<i32>} : memref<16384xf32, #tpu.memory_space<vmem>>, vector<16xf32>,
      %get3A_61 = arith.index_cast %mul3A_57 : i32 to index
      %get3A_62 = tpu.vector_load %arg11[%get3A_61] {strides = array<i32>} : memref<16384xf32, #tpu.memory_space<vmem>>, vector<16xf32>,
      %mul3A_63 = arith.mulf %get3A_58, %get3A_58 : vector<16xf32>
      %mul3A_64 = arith.mulf %get3A_60, %get3A_60 : vector<16xf32>
      %add3A_65 = arith.addf %mul3A_63, %mul3A_64 : vector<16xf32>
      %mul3A_66 = arith.mulf %get3A_62, %get3A_62 : vector<16xf32>
      %add3A_67 = arith.addf %add3A_65, %mul3A_66 : vector<16xf32>
      %swap3A = arith.index_cast %mul3A_57 : i32 to index
      %swap3A_68 = tpu.vector_load %arg15[%swap3A] {strides = array<i32>} : memref<16384xf32, #tpu.memory_space<vmem>>, vector<16xf32>,
      tpu.vector_store %arg15[%swap3A], %add3A_67 {strides = array<i32>} : memref<16384xf32, #tpu.memory_space<vmem>>, vector<16xf32>,
      %bitcast_convert_type3A = tpu.bitcast %get3A_58 : vector<16xf32> -> vector<16xi32>
      %add3A_69 = arith.constant 32767 : i32
      %add3A_70 = vector.broadcast %add3A_69 : i32 to vector<16xi32>
      %add3A_71 = arith.addi %bitcast_convert_type3A, %add3A_70 : vector<16xi32>
      %shift_right_logical3A = arith.constant 16 : i32
      %shift_right_logical3A_72 = vector.broadcast %shift_right_logical3A : i32 to vector<16xi32>
      %shift_right_logical3A_73 = arith.shrui %bitcast_convert_type3A, %shift_right_logical3A_72 : vector<16xi32>
      %and3A_74 = arith.constant 1 : i32
      %and3A_75 = vector.broadcast %and3A_74 : i32 to vector<16xi32>
      %and3A_76 = arith.andi %shift_right_logical3A_73, %and3A_75 : vector<16xi32>
      %add3A_77 = arith.addi %add3A_71, %and3A_76 : vector<16xi32>
      %and3A_78 = arith.constant -65536 : i32
      %and3A_79 = vector.broadcast %and3A_78 : i32 to vector<16xi32>
      %and3A_80 = arith.andi %add3A_77, %and3A_79 : vector<16xi32>
      %bitcast_convert_type3A_81 = tpu.bitcast %and3A_80 : vector<16xi32> -> vector<16xf32>
      %swap3A_82 = arith.index_cast %mul3A_57 : i32 to index
      %swap3A_83 = tpu.vector_load %arg12[%swap3A_82] {strides = array<i32>} : memref<16384xf32, #tpu.memory_space<vmem>>, vector<16xf32>,
      tpu.vector_store %arg12[%swap3A_82], %bitcast_convert_type3A_81 {strides = array<i32>} : memref<16384xf32, #tpu.memory_space<vmem>>, vector<16xf32>,
      %bitcast_convert_type3A_84 = tpu.bitcast %get3A_60 : vector<16xf32> -> vector<16xi32>
      %add3A_85 = arith.constant 32767 : i32
      %add3A_86 = vector.broadcast %add3A_85 : i32 to vector<16xi32>
      %add3A_87 = arith.addi %bitcast_convert_type3A_84, %add3A_86 : vector<16xi32>
      %shift_right_logical3A_88 = arith.constant 16 : i32
      %shift_right_logical3A_89 = vector.broadcast %shift_right_logical3A_88 : i32 to vector<16xi32>
      %shift_right_logical3A_90 = arith.shrui %bitcast_convert_type3A_84, %shift_right_logical3A_89 : vector<16xi32>
      %and3A_91 = arith.constant 1 : i32
      %and3A_92 = vector.broadcast %and3A_91 : i32 to vector<16xi32>
      %and3A_93 = arith.andi %shift_right_logical3A_90, %and3A_92 : vector<16xi32>
      %add3A_94 = arith.addi %add3A_87, %and3A_93 : vector<16xi32>
      %and3A_95 = arith.constant -65536 : i32
      %and3A_96 = vector.broadcast %and3A_95 : i32 to vector<16xi32>
      %and3A_97 = arith.andi %add3A_94, %and3A_96 : vector<16xi32>
      %bitcast_convert_type3A_98 = tpu.bitcast %and3A_97 : vector<16xi32> -> vector<16xf32>
      %swap3A_99 = arith.index_cast %mul3A_57 : i32 to index
      %swap3A_100 = tpu.vector_load %arg13[%swap3A_99] {strides = array<i32>} : memref<16384xf32, #tpu.memory_space<vmem>>, vector<16xf32>,
      tpu.vector_store %arg13[%swap3A_99], %bitcast_convert_type3A_98 {strides = array<i32>} : memref<16384xf32, #tpu.memory_space<vmem>>, vector<16xf32>,
      %bitcast_convert_type3A_101 = tpu.bitcast %get3A_62 : vector<16xf32> -> vector<16xi32>
      %add3A_102 = arith.constant 32767 : i32
      %add3A_103 = vector.broadcast %add3A_102 : i32 to vector<16xi32>
      %add3A_104 = arith.addi %bitcast_convert_type3A_101, %add3A_103 : vector<16xi32>
      %shift_right_logical3A_105 = arith.constant 16 : i32
      %shift_right_logical3A_106 = vector.broadcast %shift_right_logical3A_105 : i32 to vector<16xi32>
      %shift_right_logical3A_107 = arith.shrui %bitcast_convert_type3A_101, %shift_right_logical3A_106 : vector<16xi32>
      %and3A_108 = arith.constant 1 : i32
      %and3A_109 = vector.broadcast %and3A_108 : i32 to vector<16xi32>
      %and3A_110 = arith.andi %shift_right_logical3A_107, %and3A_109 : vector<16xi32>
      %add3A_111 = arith.addi %add3A_104, %and3A_110 : vector<16xi32>
      %and3A_112 = arith.constant -65536 : i32
      %and3A_113 = vector.broadcast %and3A_112 : i32 to vector<16xi32>
      %and3A_114 = arith.andi %add3A_111, %and3A_113 : vector<16xi32>
      %bitcast_convert_type3A_115 = tpu.bitcast %and3A_114 : vector<16xi32> -> vector<16xf32>
      %swap3A_116 = arith.index_cast %mul3A_57 : i32 to index
      %swap3A_117 = tpu.vector_load %arg14[%swap3A_116] {strides = array<i32>} : memref<16384xf32, #tpu.memory_space<vmem>>, vector<16xf32>,
      tpu.vector_store %arg14[%swap3A_116], %bitcast_convert_type3A_115 {strides = array<i32>} : memref<16384xf32, #tpu.memory_space<vmem>>, vector<16xf32>,
      %scan3A_118 = arith.constant 0 : i32
      scf.yield %scan3A_118 : i32
    }
    %scan3A_46 = arith.constant 1024 : i32
    %scan3A_47 = arith.constant 0 : i32
    %scan3A_48 = arith.constant 0 : i32
    %scan3A_49 = arith.constant 64 : i32
    %scan3A_50 = arith.addi %scan3A_48, %scan3A_49 : i32
    %scan3A_51 = arith.constant 1 : i32
    %scan3A_52 = scf.for %scan3A_54 = %scan3A_48 to %scan3A_50 step %scan3A_51 iter_args(%scan3A_55 = %scan3A_47) -> (i32)  : i32 {
      %mul3A_56 = arith.constant 2 : i32
      %mul3A_57 = arith.muli %scan3A_54, %mul3A_56 : i32
      %add3A_58 = arith.constant 1 : i32
      %add3A_59 = arith.addi %mul3A_57, %add3A_58 : i32
      %broadcast_in_dim3A = arith.constant 0 : i32
      %broadcast_in_dim3A_60 = vector.broadcast %broadcast_in_dim3A : i32 to vector<16xi32>
      %add3A_61 = vector.broadcast %mul3A_57 : i32 to vector<16xi32>
      %add3A_62 = arith.addi %broadcast_in_dim3A_60, %add3A_61 : vector<16xi32>
      %gather3A = tpu.vector_load_idx %arg16[%add3A_62] : memref<128xf32, #tpu.memory_space<vmem>>[vector<16xi32>], vector<16xf32>,
      %gather3A_63 = tpu.vector_load_idx %arg17[%add3A_62] : memref<128xf32, #tpu.memory_space<vmem>>[vector<16xi32>], vector<16xf32>,
      %gather3A_64 = tpu.vector_load_idx %arg18[%add3A_62] : memref<128xf32, #tpu.memory_space<vmem>>[vector<16xi32>], vector<16xf32>,
      %mul3A_65 = arith.mulf %gather3A, %gather3A : vector<16xf32>
      %mul3A_66 = arith.mulf %gather3A_63, %gather3A_63 : vector<16xf32>
      %add3A_67 = arith.addf %mul3A_65, %mul3A_66 : vector<16xf32>
      %mul3A_68 = arith.mulf %gather3A_64, %gather3A_64 : vector<16xf32>
      %add3A_69 = arith.addf %add3A_67, %mul3A_68 : vector<16xf32>
      %bitcast_convert_type3A = tpu.bitcast %gather3A : vector<16xf32> -> vector<16xi32>
      %add3A_70 = arith.constant 32767 : i32
      %add3A_71 = vector.broadcast %add3A_70 : i32 to vector<16xi32>
      %add3A_72 = arith.addi %bitcast_convert_type3A, %add3A_71 : vector<16xi32>
      %shift_right_logical3A = arith.constant 16 : i32
      %shift_right_logical3A_73 = vector.broadcast %shift_right_logical3A : i32 to vector<16xi32>
      %shift_right_logical3A_74 = arith.shrui %bitcast_convert_type3A, %shift_right_logical3A_73 : vector<16xi32>
      %and3A_75 = arith.constant 1 : i32
      %and3A_76 = vector.broadcast %and3A_75 : i32 to vector<16xi32>
      %and3A_77 = arith.andi %shift_right_logical3A_74, %and3A_76 : vector<16xi32>
      %add3A_78 = arith.addi %add3A_72, %and3A_77 : vector<16xi32>
      %and3A_79 = arith.constant -65536 : i32
      %and3A_80 = vector.broadcast %and3A_79 : i32 to vector<16xi32>
      %and3A_81 = arith.andi %add3A_78, %and3A_80 : vector<16xi32>
      %bitcast_convert_type3A_82 = tpu.bitcast %and3A_81 : vector<16xi32> -> vector<16xf32>
      %bitcast_convert_type3A_83 = tpu.bitcast %gather3A_63 : vector<16xf32> -> vector<16xi32>
      %add3A_84 = arith.constant 32767 : i32
      %add3A_85 = vector.broadcast %add3A_84 : i32 to vector<16xi32>
      %add3A_86 = arith.addi %bitcast_convert_type3A_83, %add3A_85 : vector<16xi32>
      %shift_right_logical3A_87 = arith.constant 16 : i32
      %shift_right_logical3A_88 = vector.broadcast %shift_right_logical3A_87 : i32 to vector<16xi32>
      %shift_right_logical3A_89 = arith.shrui %bitcast_convert_type3A_83, %shift_right_logical3A_88 : vector<16xi32>
      %and3A_90 = arith.constant 1 : i32
      %and3A_91 = vector.broadcast %and3A_90 : i32 to vector<16xi32>
      %and3A_92 = arith.andi %shift_right_logical3A_89, %and3A_91 : vector<16xi32>
      %add3A_93 = arith.addi %add3A_86, %and3A_92 : vector<16xi32>
      %and3A_94 = arith.constant -65536 : i32
      %and3A_95 = vector.broadcast %and3A_94 : i32 to vector<16xi32>
      %and3A_96 = arith.andi %add3A_93, %and3A_95 : vector<16xi32>
      %bitcast_convert_type3A_97 = tpu.bitcast %and3A_96 : vector<16xi32> -> vector<16xf32>
      %bitcast_convert_type3A_98 = tpu.bitcast %gather3A_64 : vector<16xf32> -> vector<16xi32>
      %add3A_99 = arith.constant 32767 : i32
      %add3A_100 = vector.broadcast %add3A_99 : i32 to vector<16xi32>
      %add3A_101 = arith.addi %bitcast_convert_type3A_98, %add3A_100 : vector<16xi32>
      %shift_right_logical3A_102 = arith.constant 16 : i32
      %shift_right_logical3A_103 = vector.broadcast %shift_right_logical3A_102 : i32 to vector<16xi32>
      %shift_right_logical3A_104 = arith.shrui %bitcast_convert_type3A_98, %shift_right_logical3A_103 : vector<16xi32>
      %and3A_105 = arith.constant 1 : i32
      %and3A_106 = vector.broadcast %and3A_105 : i32 to vector<16xi32>
      %and3A_107 = arith.andi %shift_right_logical3A_104, %and3A_106 : vector<16xi32>
      %add3A_108 = arith.addi %add3A_101, %and3A_107 : vector<16xi32>
      %and3A_109 = arith.constant -65536 : i32
      %and3A_110 = vector.broadcast %and3A_109 : i32 to vector<16xi32>
      %and3A_111 = arith.andi %add3A_108, %and3A_110 : vector<16xi32>
      %bitcast_convert_type3A_112 = tpu.bitcast %and3A_111 : vector<16xi32> -> vector<16xf32>
      %broadcast_in_dim3A_113 = arith.constant 0 : i32
      %broadcast_in_dim3A_114 = vector.broadcast %broadcast_in_dim3A_113 : i32 to vector<16xi32>
      %add3A_115 = vector.broadcast %add3A_59 : i32 to vector<16xi32>
      %add3A_116 = arith.addi %broadcast_in_dim3A_114, %add3A_115 : vector<16xi32>
      %gather3A_117 = tpu.vector_load_idx %arg16[%add3A_116] : memref<128xf32, #tpu.memory_space<vmem>>[vector<16xi32>], vector<16xf32>,
      %gather3A_118 = tpu.vector_load_idx %arg17[%add3A_116] : memref<128xf32, #tpu.memory_space<vmem>>[vector<16xi32>], vector<16xf32>,
      %gather3A_119 = tpu.vector_load_idx %arg18[%add3A_116] : memref<128xf32, #tpu.memory_space<vmem>>[vector<16xi32>], vector<16xf32>,
      %mul3A_120 = arith.mulf %gather3A_117, %gather3A_117 : vector<16xf32>
      %mul3A_121 = arith.mulf %gather3A_118, %gather3A_118 : vector<16xf32>
      %add3A_122 = arith.addf %mul3A_120, %mul3A_121 : vector<16xf32>
      %mul3A_123 = arith.mulf %gather3A_119, %gather3A_119 : vector<16xf32>
      %add3A_124 = arith.addf %add3A_122, %mul3A_123 : vector<16xf32>
      %bitcast_convert_type3A_125 = tpu.bitcast %gather3A_117 : vector<16xf32> -> vector<16xi32>
      %add3A_126 = arith.constant 32767 : i32
      %add3A_127 = vector.broadcast %add3A_126 : i32 to vector<16xi32>
      %add3A_128 = arith.addi %bitcast_convert_type3A_125, %add3A_127 : vector<16xi32>
      %shift_right_logical3A_129 = arith.constant 16 : i32
      %shift_right_logical3A_130 = vector.broadcast %shift_right_logical3A_129 : i32 to vector<16xi32>
      %shift_right_logical3A_131 = arith.shrui %bitcast_convert_type3A_125, %shift_right_logical3A_130 : vector<16xi32>
      %and3A_132 = arith.constant 1 : i32
      %and3A_133 = vector.broadcast %and3A_132 : i32 to vector<16xi32>
      %and3A_134 = arith.andi %shift_right_logical3A_131, %and3A_133 : vector<16xi32>
      %add3A_135 = arith.addi %add3A_128, %and3A_134 : vector<16xi32>
      %and3A_136 = arith.constant -65536 : i32
      %and3A_137 = vector.broadcast %and3A_136 : i32 to vector<16xi32>
      %and3A_138 = arith.andi %add3A_135, %and3A_137 : vector<16xi32>
      %bitcast_convert_type3A_139 = tpu.bitcast %and3A_138 : vector<16xi32> -> vector<16xf32>
      %bitcast_convert_type3A_140 = tpu.bitcast %gather3A_118 : vector<16xf32> -> vector<16xi32>
      %add3A_141 = arith.constant 32767 : i32
      %add3A_142 = vector.broadcast %add3A_141 : i32 to vector<16xi32>
      %add3A_143 = arith.addi %bitcast_convert_type3A_140, %add3A_142 : vector<16xi32>
      %shift_right_logical3A_144 = arith.constant 16 : i32
      %shift_right_logical3A_145 = vector.broadcast %shift_right_logical3A_144 : i32 to vector<16xi32>
      %shift_right_logical3A_146 = arith.shrui %bitcast_convert_type3A_140, %shift_right_logical3A_145 : vector<16xi32>
      %and3A_147 = arith.constant 1 : i32
      %and3A_148 = vector.broadcast %and3A_147 : i32 to vector<16xi32>
      %and3A_149 = arith.andi %shift_right_logical3A_146, %and3A_148 : vector<16xi32>
      %add3A_150 = arith.addi %add3A_143, %and3A_149 : vector<16xi32>
      %and3A_151 = arith.constant -65536 : i32
      %and3A_152 = vector.broadcast %and3A_151 : i32 to vector<16xi32>
      %and3A_153 = arith.andi %add3A_150, %and3A_152 : vector<16xi32>
      %bitcast_convert_type3A_154 = tpu.bitcast %and3A_153 : vector<16xi32> -> vector<16xf32>
      %bitcast_convert_type3A_155 = tpu.bitcast %gather3A_119 : vector<16xf32> -> vector<16xi32>
      %add3A_156 = arith.constant 32767 : i32
      %add3A_157 = vector.broadcast %add3A_156 : i32 to vector<16xi32>
      %add3A_158 = arith.addi %bitcast_convert_type3A_155, %add3A_157 : vector<16xi32>
      %shift_right_logical3A_159 = arith.constant 16 : i32
      %shift_right_logical3A_160 = vector.broadcast %shift_right_logical3A_159 : i32 to vector<16xi32>
      %shift_right_logical3A_161 = arith.shrui %bitcast_convert_type3A_155, %shift_right_logical3A_160 : vector<16xi32>
      %and3A_162 = arith.constant 1 : i32
      %and3A_163 = vector.broadcast %and3A_162 : i32 to vector<16xi32>
      %and3A_164 = arith.andi %shift_right_logical3A_161, %and3A_163 : vector<16xi32>
      %add3A_165 = arith.addi %add3A_158, %and3A_164 : vector<16xi32>
      %and3A_166 = arith.constant -65536 : i32
      %and3A_167 = vector.broadcast %and3A_166 : i32 to vector<16xi32>
      %and3A_168 = arith.andi %add3A_165, %and3A_167 : vector<16xi32>
      %bitcast_convert_type3A_169 = tpu.bitcast %and3A_168 : vector<16xi32> -> vector<16xf32>
      %broadcast_in_dim3A_170 = arith.constant 0x7F800000 : f32
      %broadcast_in_dim3A_171 = vector.broadcast %broadcast_in_dim3A_170 : f32 to vector<16xf32>
      %scan3A_172 = arith.constant 0 : i32
      %scan3A_173 = arith.constant 64 : i32
      %scan3A_174 = arith.addi %scan3A_172, %scan3A_173 : i32
      %scan3A_175 = arith.constant 1 : i32
      %scan3A_176:32 = scf.for %scan3A_754 = %scan3A_172 to %scan3A_174 step %scan3A_175 iter_args(%scan3A_755 = %broadcast_in_dim3A_171, %scan3A_756 = %broadcast_in_dim3A_171, %scan3A_757 = %broadcast_in_dim3A_171, %scan3A_758 = %broadcast_in_dim3A_171, %scan3A_759 = %broadcast_in_dim3A_171, %scan3A_760 = %broadcast_in_dim3A_171, %scan3A_761 = %broadcast_in_dim3A_171, %scan3A_762 = %broadcast_in_dim3A_171, %scan3A_763 = %broadcast_in_dim3A_171, %scan3A_764 = %broadcast_in_dim3A_171, %scan3A_765 = %broadcast_in_dim3A_171, %scan3A_766 = %broadcast_in_dim3A_171, %scan3A_767 = %broadcast_in_dim3A_171, %scan3A_768 = %broadcast_in_dim3A_171, %scan3A_769 = %broadcast_in_dim3A_171, %scan3A_770 = %broadcast_in_dim3A_171, %scan3A_771 = %broadcast_in_dim3A_171, %scan3A_772 = %broadcast_in_dim3A_171, %scan3A_773 = %broadcast_in_dim3A_171, %scan3A_774 = %broadcast_in_dim3A_171, %scan3A_775 = %broadcast_in_dim3A_171, %scan3A_776 = %broadcast_in_dim3A_171, %scan3A_777 = %broadcast_in_dim3A_171, %scan3A_778 = %broadcast_in_dim3A_171, %scan3A_779 = %broadcast_in_dim3A_171, %scan3A_780 = %broadcast_in_dim3A_171, %scan3A_781 = %broadcast_in_dim3A_171, %scan3A_782 = %broadcast_in_dim3A_171, %scan3A_783 = %broadcast_in_dim3A_171, %scan3A_784 = %broadcast_in_dim3A_171, %scan3A_785 = %broadcast_in_dim3A_171, %scan3A_786 = %broadcast_in_dim3A_171) -> (vector<16xf32>, vector<16xf32>, vector<16xf32>, vector<16xf32>, vector<16xf32>, vector<16xf32>, vector<16xf32>, vector<16xf32>, vector<16xf32>, vector<16xf32>, vector<16xf32>, vector<16xf32>, vector<16xf32>, vector<16xf32>, vector<16xf32>, vector<16xf32>, vector<16xf32>, vector<16xf32>, vector<16xf32>, vector<16xf32>, vector<16xf32>, vector<16xf32>, vector<16xf32>, vector<16xf32>, vector<16xf32>, vector<16xf32>, vector<16xf32>, vector<16xf32>, vector<16xf32>, vector<16xf32>, vector<16xf32>, vector<16xf32>)  : i32 {
        %mul3A_787 = arith.constant 16 : i32
        %mul3A_788 = arith.muli %scan3A_754, %mul3A_787 : i32
        %add3A_789 = arith.constant 0 : i32
        %add3A_790 = arith.addi %mul3A_788, %add3A_789 : i32
        %mul3A_791 = arith.constant 16 : i32
        %mul3A_792 = arith.muli %add3A_790, %mul3A_791 : i32
        %get3A_793 = arith.index_cast %mul3A_792 : i32 to index
        %get3A_794 = tpu.vector_load %arg12[%get3A_793] {strides = array<i32>} : memref<16384xf32, #tpu.memory_space<vmem>>, vector<16xf32>,
        %get3A_795 = arith.index_cast %mul3A_792 : i32 to index
        %get3A_796 = tpu.vector_load %arg13[%get3A_795] {strides = array<i32>} : memref<16384xf32, #tpu.memory_space<vmem>>, vector<16xf32>,
        %get3A_797 = arith.index_cast %mul3A_792 : i32 to index
        %get3A_798 = tpu.vector_load %arg14[%get3A_797] {strides = array<i32>} : memref<16384xf32, #tpu.memory_space<vmem>>, vector<16xf32>,
        %get3A_799 = arith.index_cast %mul3A_792 : i32 to index
        %get3A_800 = tpu.vector_load %arg15[%get3A_799] {strides = array<i32>} : memref<16384xf32, #tpu.memory_space<vmem>>, vector<16xf32>,
        %mul3A_801 = arith.mulf %get3A_794, %bitcast_convert_type3A_82 : vector<16xf32>
        %mul3A_802 = arith.mulf %get3A_796, %bitcast_convert_type3A_97 : vector<16xf32>
        %add3A_803 = arith.addf %mul3A_801, %mul3A_802 : vector<16xf32>
        %mul3A_804 = arith.mulf %get3A_798, %bitcast_convert_type3A_112 : vector<16xf32>
        %add3A_805 = arith.addf %add3A_803, %mul3A_804 : vector<16xf32>
        %mul3A_806 = arith.mulf %get3A_794, %bitcast_convert_type3A_139 : vector<16xf32>
        %mul3A_807 = arith.mulf %get3A_796, %bitcast_convert_type3A_154 : vector<16xf32>
        %add3A_808 = arith.addf %mul3A_806, %mul3A_807 : vector<16xf32>
        %mul3A_809 = arith.mulf %get3A_798, %bitcast_convert_type3A_169 : vector<16xf32>
        %add3A_810 = arith.addf %add3A_808, %mul3A_809 : vector<16xf32>
        %mul3A_811 = arith.constant -2.000000e+00 : f32
        %mul3A_812 = vector.broadcast %mul3A_811 : f32 to vector<16xf32>
        %mul3A_813 = arith.mulf %add3A_805, %mul3A_812 : vector<16xf32>
        %add3A_814 = arith.addf %mul3A_813, %add3A_69 : vector<16xf32>
        %add3A_815 = arith.addf %add3A_814, %get3A_800 : vector<16xf32>
        %mul3A_816 = arith.constant -2.000000e+00 : f32
        %mul3A_817 = vector.broadcast %mul3A_816 : f32 to vector<16xf32>
        %mul3A_818 = arith.mulf %add3A_810, %mul3A_817 : vector<16xf32>
        %add3A_819 = arith.addf %mul3A_818, %add3A_124 : vector<16xf32>
        %add3A_820 = arith.addf %add3A_819, %get3A_800 : vector<16xf32>
        %min3A_821 = arith.minimumf %scan3A_755, %add3A_815 : vector<16xf32>
        %min3A_822 = arith.minimumf %scan3A_771, %add3A_820 : vector<16xf32>
        %mul3A_823 = arith.constant 16 : i32
        %mul3A_824 = arith.muli %scan3A_754, %mul3A_823 : i32
        %add3A_825 = arith.constant 1 : i32
        %add3A_826 = arith.addi %mul3A_824, %add3A_825 : i32
        %mul3A_827 = arith.constant 16 : i32
        %mul3A_828 = arith.muli %add3A_826, %mul3A_827 : i32
        %get3A_829 = arith.index_cast %mul3A_828 : i32 to index
        %get3A_830 = tpu.vector_load %arg12[%get3A_829] {strides = array<i32>} : memref<16384xf32, #tpu.memory_space<vmem>>, vector<16xf32>,
        %get3A_831 = arith.index_cast %mul3A_828 : i32 to index
        %get3A_832 = tpu.vector_load %arg13[%get3A_831] {strides = array<i32>} : memref<16384xf32, #tpu.memory_space<vmem>>, vector<16xf32>,
        %get3A_833 = arith.index_cast %mul3A_828 : i32 to index
        %get3A_834 = tpu.vector_load %arg14[%get3A_833] {strides = array<i32>} : memref<16384xf32, #tpu.memory_space<vmem>>, vector<16xf32>,
        %get3A_835 = arith.index_cast %mul3A_828 : i32 to index
        %get3A_836 = tpu.vector_load %arg15[%get3A_835] {strides = array<i32>} : memref<16384xf32, #tpu.memory_space<vmem>>, vector<16xf32>,
        %mul3A_837 = arith.mulf %get3A_830, %bitcast_convert_type3A_82 : vector<16xf32>
        %mul3A_838 = arith.mulf %get3A_832, %bitcast_convert_type3A_97 : vector<16xf32>
        %add3A_839 = arith.addf %mul3A_837, %mul3A_838 : vector<16xf32>
        %mul3A_840 = arith.mulf %get3A_834, %bitcast_convert_type3A_112 : vector<16xf32>
        %add3A_841 = arith.addf %add3A_839, %mul3A_840 : vector<16xf32>
        %mul3A_842 = arith.mulf %get3A_830, %bitcast_convert_type3A_139 : vector<16xf32>
        %mul3A_843 = arith.mulf %get3A_832, %bitcast_convert_type3A_154 : vector<16xf32>
        %add3A_844 = arith.addf %mul3A_842, %mul3A_843 : vector<16xf32>
        %mul3A_845 = arith.mulf %get3A_834, %bitcast_convert_type3A_169 : vector<16xf32>
        %add3A_846 = arith.addf %add3A_844, %mul3A_845 : vector<16xf32>
        %mul3A_847 = arith.constant -2.000000e+00 : f32
        %mul3A_848 = vector.broadcast %mul3A_847 : f32 to vector<16xf32>
        %mul3A_849 = arith.mulf %add3A_841, %mul3A_848 : vector<16xf32>
        %add3A_850 = arith.addf %mul3A_849, %add3A_69 : vector<16xf32>
        %add3A_851 = arith.addf %add3A_850, %get3A_836 : vector<16xf32>
        %mul3A_852 = arith.constant -2.000000e+00 : f32
        %mul3A_853 = vector.broadcast %mul3A_852 : f32 to vector<16xf32>
        %mul3A_854 = arith.mulf %add3A_846, %mul3A_853 : vector<16xf32>
        %add3A_855 = arith.addf %mul3A_854, %add3A_124 : vector<16xf32>
        %add3A_856 = arith.addf %add3A_855, %get3A_836 : vector<16xf32>
        %min3A_857 = arith.minimumf %scan3A_756, %add3A_851 : vector<16xf32>
        %min3A_858 = arith.minimumf %scan3A_772, %add3A_856 : vector<16xf32>
        %mul3A_859 = arith.constant 16 : i32
        %mul3A_860 = arith.muli %scan3A_754, %mul3A_859 : i32
        %add3A_861 = arith.constant 2 : i32
        %add3A_862 = arith.addi %mul3A_860, %add3A_861 : i32
        %mul3A_863 = arith.constant 16 : i32
        %mul3A_864 = arith.muli %add3A_862, %mul3A_863 : i32
        %get3A_865 = arith.index_cast %mul3A_864 : i32 to index
        %get3A_866 = tpu.vector_load %arg12[%get3A_865] {strides = array<i32>} : memref<16384xf32, #tpu.memory_space<vmem>>, vector<16xf32>,
        %get3A_867 = arith.index_cast %mul3A_864 : i32 to index
        %get3A_868 = tpu.vector_load %arg13[%get3A_867] {strides = array<i32>} : memref<16384xf32, #tpu.memory_space<vmem>>, vector<16xf32>,
        %get3A_869 = arith.index_cast %mul3A_864 : i32 to index
        %get3A_870 = tpu.vector_load %arg14[%get3A_869] {strides = array<i32>} : memref<16384xf32, #tpu.memory_space<vmem>>, vector<16xf32>,
        %get3A_871 = arith.index_cast %mul3A_864 : i32 to index
        %get3A_872 = tpu.vector_load %arg15[%get3A_871] {strides = array<i32>} : memref<16384xf32, #tpu.memory_space<vmem>>, vector<16xf32>,
        %mul3A_873 = arith.mulf %get3A_866, %bitcast_convert_type3A_82 : vector<16xf32>
        %mul3A_874 = arith.mulf %get3A_868, %bitcast_convert_type3A_97 : vector<16xf32>
        %add3A_875 = arith.addf %mul3A_873, %mul3A_874 : vector<16xf32>
        %mul3A_876 = arith.mulf %get3A_870, %bitcast_convert_type3A_112 : vector<16xf32>
        %add3A_877 = arith.addf %add3A_875, %mul3A_876 : vector<16xf32>
        %mul3A_878 = arith.mulf %get3A_866, %bitcast_convert_type3A_139 : vector<16xf32>
        %mul3A_879 = arith.mulf %get3A_868, %bitcast_convert_type3A_154 : vector<16xf32>
        %add3A_880 = arith.addf %mul3A_878, %mul3A_879 : vector<16xf32>
        %mul3A_881 = arith.mulf %get3A_870, %bitcast_convert_type3A_169 : vector<16xf32>
        %add3A_882 = arith.addf %add3A_880, %mul3A_881 : vector<16xf32>
        %mul3A_883 = arith.constant -2.000000e+00 : f32
        %mul3A_884 = vector.broadcast %mul3A_883 : f32 to vector<16xf32>
        %mul3A_885 = arith.mulf %add3A_877, %mul3A_884 : vector<16xf32>
        %add3A_886 = arith.addf %mul3A_885, %add3A_69 : vector<16xf32>
        %add3A_887 = arith.addf %add3A_886, %get3A_872 : vector<16xf32>
        %mul3A_888 = arith.constant -2.000000e+00 : f32
        %mul3A_889 = vector.broadcast %mul3A_888 : f32 to vector<16xf32>
        %mul3A_890 = arith.mulf %add3A_882, %mul3A_889 : vector<16xf32>
        %add3A_891 = arith.addf %mul3A_890, %add3A_124 : vector<16xf32>
        %add3A_892 = arith.addf %add3A_891, %get3A_872 : vector<16xf32>
        %min3A_893 = arith.minimumf %scan3A_757, %add3A_887 : vector<16xf32>
        %min3A_894 = arith.minimumf %scan3A_773, %add3A_892 : vector<16xf32>
        %mul3A_895 = arith.constant 16 : i32
        %mul3A_896 = arith.muli %scan3A_754, %mul3A_895 : i32
        %add3A_897 = arith.constant 3 : i32
        %add3A_898 = arith.addi %mul3A_896, %add3A_897 : i32
        %mul3A_899 = arith.constant 16 : i32
        %mul3A_900 = arith.muli %add3A_898, %mul3A_899 : i32
        %get3A_901 = arith.index_cast %mul3A_900 : i32 to index
        %get3A_902 = tpu.vector_load %arg12[%get3A_901] {strides = array<i32>} : memref<16384xf32, #tpu.memory_space<vmem>>, vector<16xf32>,
        %get3A_903 = arith.index_cast %mul3A_900 : i32 to index
        %get3A_904 = tpu.vector_load %arg13[%get3A_903] {strides = array<i32>} : memref<16384xf32, #tpu.memory_space<vmem>>, vector<16xf32>,
        %get3A_905 = arith.index_cast %mul3A_900 : i32 to index
        %get3A_906 = tpu.vector_load %arg14[%get3A_905] {strides = array<i32>} : memref<16384xf32, #tpu.memory_space<vmem>>, vector<16xf32>,
        %get3A_907 = arith.index_cast %mul3A_900 : i32 to index
        %get3A_908 = tpu.vector_load %arg15[%get3A_907] {strides = array<i32>} : memref<16384xf32, #tpu.memory_space<vmem>>, vector<16xf32>,
        %mul3A_909 = arith.mulf %get3A_902, %bitcast_convert_type3A_82 : vector<16xf32>
        %mul3A_910 = arith.mulf %get3A_904, %bitcast_convert_type3A_97 : vector<16xf32>
        %add3A_911 = arith.addf %mul3A_909, %mul3A_910 : vector<16xf32>
        %mul3A_912 = arith.mulf %get3A_906, %bitcast_convert_type3A_112 : vector<16xf32>
        %add3A_913 = arith.addf %add3A_911, %mul3A_912 : vector<16xf32>
        %mul3A_914 = arith.mulf %get3A_902, %bitcast_convert_type3A_139 : vector<16xf32>
        %mul3A_915 = arith.mulf %get3A_904, %bitcast_convert_type3A_154 : vector<16xf32>
        %add3A_916 = arith.addf %mul3A_914, %mul3A_915 : vector<16xf32>
        %mul3A_917 = arith.mulf %get3A_906, %bitcast_convert_type3A_169 : vector<16xf32>
        %add3A_918 = arith.addf %add3A_916, %mul3A_917 : vector<16xf32>
        %mul3A_919 = arith.constant -2.000000e+00 : f32
        %mul3A_920 = vector.broadcast %mul3A_919 : f32 to vector<16xf32>
        %mul3A_921 = arith.mulf %add3A_913, %mul3A_920 : vector<16xf32>
        %add3A_922 = arith.addf %mul3A_921, %add3A_69 : vector<16xf32>
        %add3A_923 = arith.addf %add3A_922, %get3A_908 : vector<16xf32>
        %mul3A_924 = arith.constant -2.000000e+00 : f32
        %mul3A_925 = vector.broadcast %mul3A_924 : f32 to vector<16xf32>
        %mul3A_926 = arith.mulf %add3A_918, %mul3A_925 : vector<16xf32>
        %add3A_927 = arith.addf %mul3A_926, %add3A_124 : vector<16xf32>
        %add3A_928 = arith.addf %add3A_927, %get3A_908 : vector<16xf32>
        %min3A_929 = arith.minimumf %scan3A_758, %add3A_923 : vector<16xf32>
        %min3A_930 = arith.minimumf %scan3A_774, %add3A_928 : vector<16xf32>
        %mul3A_931 = arith.constant 16 : i32
        %mul3A_932 = arith.muli %scan3A_754, %mul3A_931 : i32
        %add3A_933 = arith.constant 4 : i32
        %add3A_934 = arith.addi %mul3A_932, %add3A_933 : i32
        %mul3A_935 = arith.constant 16 : i32
        %mul3A_936 = arith.muli %add3A_934, %mul3A_935 : i32
        %get3A_937 = arith.index_cast %mul3A_936 : i32 to index
        %get3A_938 = tpu.vector_load %arg12[%get3A_937] {strides = array<i32>} : memref<16384xf32, #tpu.memory_space<vmem>>, vector<16xf32>,
        %get3A_939 = arith.index_cast %mul3A_936 : i32 to index
        %get3A_940 = tpu.vector_load %arg13[%get3A_939] {strides = array<i32>} : memref<16384xf32, #tpu.memory_space<vmem>>, vector<16xf32>,
        %get3A_941 = arith.index_cast %mul3A_936 : i32 to index
        %get3A_942 = tpu.vector_load %arg14[%get3A_941] {strides = array<i32>} : memref<16384xf32, #tpu.memory_space<vmem>>, vector<16xf32>,
        %get3A_943 = arith.index_cast %mul3A_936 : i32 to index
        %get3A_944 = tpu.vector_load %arg15[%get3A_943] {strides = array<i32>} : memref<16384xf32, #tpu.memory_space<vmem>>, vector<16xf32>,
        %mul3A_945 = arith.mulf %get3A_938, %bitcast_convert_type3A_82 : vector<16xf32>
        %mul3A_946 = arith.mulf %get3A_940, %bitcast_convert_type3A_97 : vector<16xf32>
        %add3A_947 = arith.addf %mul3A_945, %mul3A_946 : vector<16xf32>
        %mul3A_948 = arith.mulf %get3A_942, %bitcast_convert_type3A_112 : vector<16xf32>
        %add3A_949 = arith.addf %add3A_947, %mul3A_948 : vector<16xf32>
        %mul3A_950 = arith.mulf %get3A_938, %bitcast_convert_type3A_139 : vector<16xf32>
        %mul3A_951 = arith.mulf %get3A_940, %bitcast_convert_type3A_154 : vector<16xf32>
        %add3A_952 = arith.addf %mul3A_950, %mul3A_951 : vector<16xf32>
        %mul3A_953 = arith.mulf %get3A_942, %bitcast_convert_type3A_169 : vector<16xf32>
        %add3A_954 = arith.addf %add3A_952, %mul3A_953 : vector<16xf32>
        %mul3A_955 = arith.constant -2.000000e+00 : f32
        %mul3A_956 = vector.broadcast %mul3A_955 : f32 to vector<16xf32>
        %mul3A_957 = arith.mulf %add3A_949, %mul3A_956 : vector<16xf32>
        %add3A_958 = arith.addf %mul3A_957, %add3A_69 : vector<16xf32>
        %add3A_959 = arith.addf %add3A_958, %get3A_944 : vector<16xf32>
        %mul3A_960 = arith.constant -2.000000e+00 : f32
        %mul3A_961 = vector.broadcast %mul3A_960 : f32 to vector<16xf32>
        %mul3A_962 = arith.mulf %add3A_954, %mul3A_961 : vector<16xf32>
        %add3A_963 = arith.addf %mul3A_962, %add3A_124 : vector<16xf32>
        %add3A_964 = arith.addf %add3A_963, %get3A_944 : vector<16xf32>
        %min3A_965 = arith.minimumf %scan3A_759, %add3A_959 : vector<16xf32>
        %min3A_966 = arith.minimumf %scan3A_775, %add3A_964 : vector<16xf32>
        %mul3A_967 = arith.constant 16 : i32
        %mul3A_968 = arith.muli %scan3A_754, %mul3A_967 : i32
        %add3A_969 = arith.constant 5 : i32
        %add3A_970 = arith.addi %mul3A_968, %add3A_969 : i32
        %mul3A_971 = arith.constant 16 : i32
        %mul3A_972 = arith.muli %add3A_970, %mul3A_971 : i32
        %get3A_973 = arith.index_cast %mul3A_972 : i32 to index
        %get3A_974 = tpu.vector_load %arg12[%get3A_973] {strides = array<i32>} : memref<16384xf32, #tpu.memory_space<vmem>>, vector<16xf32>,
        %get3A_975 = arith.index_cast %mul3A_972 : i32 to index
        %get3A_976 = tpu.vector_load %arg13[%get3A_975] {strides = array<i32>} : memref<16384xf32, #tpu.memory_space<vmem>>, vector<16xf32>,
        %get3A_977 = arith.index_cast %mul3A_972 : i32 to index
        %get3A_978 = tpu.vector_load %arg14[%get3A_977] {strides = array<i32>} : memref<16384xf32, #tpu.memory_space<vmem>>, vector<16xf32>,
        %get3A_979 = arith.index_cast %mul3A_972 : i32 to index
        %get3A_980 = tpu.vector_load %arg15[%get3A_979] {strides = array<i32>} : memref<16384xf32, #tpu.memory_space<vmem>>, vector<16xf32>,
        %mul3A_981 = arith.mulf %get3A_974, %bitcast_convert_type3A_82 : vector<16xf32>
        %mul3A_982 = arith.mulf %get3A_976, %bitcast_convert_type3A_97 : vector<16xf32>
        %add3A_983 = arith.addf %mul3A_981, %mul3A_982 : vector<16xf32>
        %mul3A_984 = arith.mulf %get3A_978, %bitcast_convert_type3A_112 : vector<16xf32>
        %add3A_985 = arith.addf %add3A_983, %mul3A_984 : vector<16xf32>
        %mul3A_986 = arith.mulf %get3A_974, %bitcast_convert_type3A_139 : vector<16xf32>
        %mul3A_987 = arith.mulf %get3A_976, %bitcast_convert_type3A_154 : vector<16xf32>
        %add3A_988 = arith.addf %mul3A_986, %mul3A_987 : vector<16xf32>
        %mul3A_989 = arith.mulf %get3A_978, %bitcast_convert_type3A_169 : vector<16xf32>
        %add3A_990 = arith.addf %add3A_988, %mul3A_989 : vector<16xf32>
        %mul3A_991 = arith.constant -2.000000e+00 : f32
        %mul3A_992 = vector.broadcast %mul3A_991 : f32 to vector<16xf32>
        %mul3A_993 = arith.mulf %add3A_985, %mul3A_992 : vector<16xf32>
        %add3A_994 = arith.addf %mul3A_993, %add3A_69 : vector<16xf32>
        %add3A_995 = arith.addf %add3A_994, %get3A_980 : vector<16xf32>
        %mul3A_996 = arith.constant -2.000000e+00 : f32
        %mul3A_997 = vector.broadcast %mul3A_996 : f32 to vector<16xf32>
        %mul3A_998 = arith.mulf %add3A_990, %mul3A_997 : vector<16xf32>
        %add3A_999 = arith.addf %mul3A_998, %add3A_124 : vector<16xf32>
        %add3A_1000 = arith.addf %add3A_999, %get3A_980 : vector<16xf32>
        %min3A_1001 = arith.minimumf %scan3A_760, %add3A_995 : vector<16xf32>
        %min3A_1002 = arith.minimumf %scan3A_776, %add3A_1000 : vector<16xf32>
        %mul3A_1003 = arith.constant 16 : i32
        %mul3A_1004 = arith.muli %scan3A_754, %mul3A_1003 : i32
        %add3A_1005 = arith.constant 6 : i32
        %add3A_1006 = arith.addi %mul3A_1004, %add3A_1005 : i32
        %mul3A_1007 = arith.constant 16 : i32
        %mul3A_1008 = arith.muli %add3A_1006, %mul3A_1007 : i32
        %get3A_1009 = arith.index_cast %mul3A_1008 : i32 to index
        %get3A_1010 = tpu.vector_load %arg12[%get3A_1009] {strides = array<i32>} : memref<16384xf32, #tpu.memory_space<vmem>>, vector<16xf32>,
        %get3A_1011 = arith.index_cast %mul3A_1008 : i32 to index
        %get3A_1012 = tpu.vector_load %arg13[%get3A_1011] {strides = array<i32>} : memref<16384xf32, #tpu.memory_space<vmem>>, vector<16xf32>,
        %get3A_1013 = arith.index_cast %mul3A_1008 : i32 to index
        %get3A_1014 = tpu.vector_load %arg14[%get3A_1013] {strides = array<i32>} : memref<16384xf32, #tpu.memory_space<vmem>>, vector<16xf32>,
        %get3A_1015 = arith.index_cast %mul3A_1008 : i32 to index
        %get3A_1016 = tpu.vector_load %arg15[%get3A_1015] {strides = array<i32>} : memref<16384xf32, #tpu.memory_space<vmem>>, vector<16xf32>,
        %mul3A_1017 = arith.mulf %get3A_1010, %bitcast_convert_type3A_82 : vector<16xf32>
        %mul3A_1018 = arith.mulf %get3A_1012, %bitcast_convert_type3A_97 : vector<16xf32>
        %add3A_1019 = arith.addf %mul3A_1017, %mul3A_1018 : vector<16xf32>
        %mul3A_1020 = arith.mulf %get3A_1014, %bitcast_convert_type3A_112 : vector<16xf32>
        %add3A_1021 = arith.addf %add3A_1019, %mul3A_1020 : vector<16xf32>
        %mul3A_1022 = arith.mulf %get3A_1010, %bitcast_convert_type3A_139 : vector<16xf32>
        %mul3A_1023 = arith.mulf %get3A_1012, %bitcast_convert_type3A_154 : vector<16xf32>
        %add3A_1024 = arith.addf %mul3A_1022, %mul3A_1023 : vector<16xf32>
        %mul3A_1025 = arith.mulf %get3A_1014, %bitcast_convert_type3A_169 : vector<16xf32>
        %add3A_1026 = arith.addf %add3A_1024, %mul3A_1025 : vector<16xf32>
        %mul3A_1027 = arith.constant -2.000000e+00 : f32
        %mul3A_1028 = vector.broadcast %mul3A_1027 : f32 to vector<16xf32>
        %mul3A_1029 = arith.mulf %add3A_1021, %mul3A_1028 : vector<16xf32>
        %add3A_1030 = arith.addf %mul3A_1029, %add3A_69 : vector<16xf32>
        %add3A_1031 = arith.addf %add3A_1030, %get3A_1016 : vector<16xf32>
        %mul3A_1032 = arith.constant -2.000000e+00 : f32
        %mul3A_1033 = vector.broadcast %mul3A_1032 : f32 to vector<16xf32>
        %mul3A_1034 = arith.mulf %add3A_1026, %mul3A_1033 : vector<16xf32>
        %add3A_1035 = arith.addf %mul3A_1034, %add3A_124 : vector<16xf32>
        %add3A_1036 = arith.addf %add3A_1035, %get3A_1016 : vector<16xf32>
        %min3A_1037 = arith.minimumf %scan3A_761, %add3A_1031 : vector<16xf32>
        %min3A_1038 = arith.minimumf %scan3A_777, %add3A_1036 : vector<16xf32>
        %mul3A_1039 = arith.constant 16 : i32
        %mul3A_1040 = arith.muli %scan3A_754, %mul3A_1039 : i32
        %add3A_1041 = arith.constant 7 : i32
        %add3A_1042 = arith.addi %mul3A_1040, %add3A_1041 : i32
        %mul3A_1043 = arith.constant 16 : i32
        %mul3A_1044 = arith.muli %add3A_1042, %mul3A_1043 : i32
        %get3A_1045 = arith.index_cast %mul3A_1044 : i32 to index
        %get3A_1046 = tpu.vector_load %arg12[%get3A_1045] {strides = array<i32>} : memref<16384xf32, #tpu.memory_space<vmem>>, vector<16xf32>,
        %get3A_1047 = arith.index_cast %mul3A_1044 : i32 to index
        %get3A_1048 = tpu.vector_load %arg13[%get3A_1047] {strides = array<i32>} : memref<16384xf32, #tpu.memory_space<vmem>>, vector<16xf32>,
        %get3A_1049 = arith.index_cast %mul3A_1044 : i32 to index
        %get3A_1050 = tpu.vector_load %arg14[%get3A_1049] {strides = array<i32>} : memref<16384xf32, #tpu.memory_space<vmem>>, vector<16xf32>,
        %get3A_1051 = arith.index_cast %mul3A_1044 : i32 to index
        %get3A_1052 = tpu.vector_load %arg15[%get3A_1051] {strides = array<i32>} : memref<16384xf32, #tpu.memory_space<vmem>>, vector<16xf32>,
        %mul3A_1053 = arith.mulf %get3A_1046, %bitcast_convert_type3A_82 : vector<16xf32>
        %mul3A_1054 = arith.mulf %get3A_1048, %bitcast_convert_type3A_97 : vector<16xf32>
        %add3A_1055 = arith.addf %mul3A_1053, %mul3A_1054 : vector<16xf32>
        %mul3A_1056 = arith.mulf %get3A_1050, %bitcast_convert_type3A_112 : vector<16xf32>
        %add3A_1057 = arith.addf %add3A_1055, %mul3A_1056 : vector<16xf32>
        %mul3A_1058 = arith.mulf %get3A_1046, %bitcast_convert_type3A_139 : vector<16xf32>
        %mul3A_1059 = arith.mulf %get3A_1048, %bitcast_convert_type3A_154 : vector<16xf32>
        %add3A_1060 = arith.addf %mul3A_1058, %mul3A_1059 : vector<16xf32>
        %mul3A_1061 = arith.mulf %get3A_1050, %bitcast_convert_type3A_169 : vector<16xf32>
        %add3A_1062 = arith.addf %add3A_1060, %mul3A_1061 : vector<16xf32>
        %mul3A_1063 = arith.constant -2.000000e+00 : f32
        %mul3A_1064 = vector.broadcast %mul3A_1063 : f32 to vector<16xf32>
        %mul3A_1065 = arith.mulf %add3A_1057, %mul3A_1064 : vector<16xf32>
        %add3A_1066 = arith.addf %mul3A_1065, %add3A_69 : vector<16xf32>
        %add3A_1067 = arith.addf %add3A_1066, %get3A_1052 : vector<16xf32>
        %mul3A_1068 = arith.constant -2.000000e+00 : f32
        %mul3A_1069 = vector.broadcast %mul3A_1068 : f32 to vector<16xf32>
        %mul3A_1070 = arith.mulf %add3A_1062, %mul3A_1069 : vector<16xf32>
        %add3A_1071 = arith.addf %mul3A_1070, %add3A_124 : vector<16xf32>
        %add3A_1072 = arith.addf %add3A_1071, %get3A_1052 : vector<16xf32>
        %min3A_1073 = arith.minimumf %scan3A_762, %add3A_1067 : vector<16xf32>
        %min3A_1074 = arith.minimumf %scan3A_778, %add3A_1072 : vector<16xf32>
        %mul3A_1075 = arith.constant 16 : i32
        %mul3A_1076 = arith.muli %scan3A_754, %mul3A_1075 : i32
        %add3A_1077 = arith.constant 8 : i32
        %add3A_1078 = arith.addi %mul3A_1076, %add3A_1077 : i32
        %mul3A_1079 = arith.constant 16 : i32
        %mul3A_1080 = arith.muli %add3A_1078, %mul3A_1079 : i32
        %get3A_1081 = arith.index_cast %mul3A_1080 : i32 to index
        %get3A_1082 = tpu.vector_load %arg12[%get3A_1081] {strides = array<i32>} : memref<16384xf32, #tpu.memory_space<vmem>>, vector<16xf32>,
        %get3A_1083 = arith.index_cast %mul3A_1080 : i32 to index
        %get3A_1084 = tpu.vector_load %arg13[%get3A_1083] {strides = array<i32>} : memref<16384xf32, #tpu.memory_space<vmem>>, vector<16xf32>,
        %get3A_1085 = arith.index_cast %mul3A_1080 : i32 to index
        %get3A_1086 = tpu.vector_load %arg14[%get3A_1085] {strides = array<i32>} : memref<16384xf32, #tpu.memory_space<vmem>>, vector<16xf32>,
        %get3A_1087 = arith.index_cast %mul3A_1080 : i32 to index
        %get3A_1088 = tpu.vector_load %arg15[%get3A_1087] {strides = array<i32>} : memref<16384xf32, #tpu.memory_space<vmem>>, vector<16xf32>,
        %mul3A_1089 = arith.mulf %get3A_1082, %bitcast_convert_type3A_82 : vector<16xf32>
        %mul3A_1090 = arith.mulf %get3A_1084, %bitcast_convert_type3A_97 : vector<16xf32>
        %add3A_1091 = arith.addf %mul3A_1089, %mul3A_1090 : vector<16xf32>
        %mul3A_1092 = arith.mulf %get3A_1086, %bitcast_convert_type3A_112 : vector<16xf32>
        %add3A_1093 = arith.addf %add3A_1091, %mul3A_1092 : vector<16xf32>
        %mul3A_1094 = arith.mulf %get3A_1082, %bitcast_convert_type3A_139 : vector<16xf32>
        %mul3A_1095 = arith.mulf %get3A_1084, %bitcast_convert_type3A_154 : vector<16xf32>
        %add3A_1096 = arith.addf %mul3A_1094, %mul3A_1095 : vector<16xf32>
        %mul3A_1097 = arith.mulf %get3A_1086, %bitcast_convert_type3A_169 : vector<16xf32>
        %add3A_1098 = arith.addf %add3A_1096, %mul3A_1097 : vector<16xf32>
        %mul3A_1099 = arith.constant -2.000000e+00 : f32
        %mul3A_1100 = vector.broadcast %mul3A_1099 : f32 to vector<16xf32>
        %mul3A_1101 = arith.mulf %add3A_1093, %mul3A_1100 : vector<16xf32>
        %add3A_1102 = arith.addf %mul3A_1101, %add3A_69 : vector<16xf32>
        %add3A_1103 = arith.addf %add3A_1102, %get3A_1088 : vector<16xf32>
        %mul3A_1104 = arith.constant -2.000000e+00 : f32
        %mul3A_1105 = vector.broadcast %mul3A_1104 : f32 to vector<16xf32>
        %mul3A_1106 = arith.mulf %add3A_1098, %mul3A_1105 : vector<16xf32>
        %add3A_1107 = arith.addf %mul3A_1106, %add3A_124 : vector<16xf32>
        %add3A_1108 = arith.addf %add3A_1107, %get3A_1088 : vector<16xf32>
        %min3A_1109 = arith.minimumf %scan3A_763, %add3A_1103 : vector<16xf32>
        %min3A_1110 = arith.minimumf %scan3A_779, %add3A_1108 : vector<16xf32>
        %mul3A_1111 = arith.constant 16 : i32
        %mul3A_1112 = arith.muli %scan3A_754, %mul3A_1111 : i32
        %add3A_1113 = arith.constant 9 : i32
        %add3A_1114 = arith.addi %mul3A_1112, %add3A_1113 : i32
        %mul3A_1115 = arith.constant 16 : i32
        %mul3A_1116 = arith.muli %add3A_1114, %mul3A_1115 : i32
        %get3A_1117 = arith.index_cast %mul3A_1116 : i32 to index
        %get3A_1118 = tpu.vector_load %arg12[%get3A_1117] {strides = array<i32>} : memref<16384xf32, #tpu.memory_space<vmem>>, vector<16xf32>,
        %get3A_1119 = arith.index_cast %mul3A_1116 : i32 to index
        %get3A_1120 = tpu.vector_load %arg13[%get3A_1119] {strides = array<i32>} : memref<16384xf32, #tpu.memory_space<vmem>>, vector<16xf32>,
        %get3A_1121 = arith.index_cast %mul3A_1116 : i32 to index
        %get3A_1122 = tpu.vector_load %arg14[%get3A_1121] {strides = array<i32>} : memref<16384xf32, #tpu.memory_space<vmem>>, vector<16xf32>,
        %get3A_1123 = arith.index_cast %mul3A_1116 : i32 to index
        %get3A_1124 = tpu.vector_load %arg15[%get3A_1123] {strides = array<i32>} : memref<16384xf32, #tpu.memory_space<vmem>>, vector<16xf32>,
        %mul3A_1125 = arith.mulf %get3A_1118, %bitcast_convert_type3A_82 : vector<16xf32>
        %mul3A_1126 = arith.mulf %get3A_1120, %bitcast_convert_type3A_97 : vector<16xf32>
        %add3A_1127 = arith.addf %mul3A_1125, %mul3A_1126 : vector<16xf32>
        %mul3A_1128 = arith.mulf %get3A_1122, %bitcast_convert_type3A_112 : vector<16xf32>
        %add3A_1129 = arith.addf %add3A_1127, %mul3A_1128 : vector<16xf32>
        %mul3A_1130 = arith.mulf %get3A_1118, %bitcast_convert_type3A_139 : vector<16xf32>
        %mul3A_1131 = arith.mulf %get3A_1120, %bitcast_convert_type3A_154 : vector<16xf32>
        %add3A_1132 = arith.addf %mul3A_1130, %mul3A_1131 : vector<16xf32>
        %mul3A_1133 = arith.mulf %get3A_1122, %bitcast_convert_type3A_169 : vector<16xf32>
        %add3A_1134 = arith.addf %add3A_1132, %mul3A_1133 : vector<16xf32>
        %mul3A_1135 = arith.constant -2.000000e+00 : f32
        %mul3A_1136 = vector.broadcast %mul3A_1135 : f32 to vector<16xf32>
        %mul3A_1137 = arith.mulf %add3A_1129, %mul3A_1136 : vector<16xf32>
        %add3A_1138 = arith.addf %mul3A_1137, %add3A_69 : vector<16xf32>
        %add3A_1139 = arith.addf %add3A_1138, %get3A_1124 : vector<16xf32>
        %mul3A_1140 = arith.constant -2.000000e+00 : f32
        %mul3A_1141 = vector.broadcast %mul3A_1140 : f32 to vector<16xf32>
        %mul3A_1142 = arith.mulf %add3A_1134, %mul3A_1141 : vector<16xf32>
        %add3A_1143 = arith.addf %mul3A_1142, %add3A_124 : vector<16xf32>
        %add3A_1144 = arith.addf %add3A_1143, %get3A_1124 : vector<16xf32>
        %min3A_1145 = arith.minimumf %scan3A_764, %add3A_1139 : vector<16xf32>
        %min3A_1146 = arith.minimumf %scan3A_780, %add3A_1144 : vector<16xf32>
        %mul3A_1147 = arith.constant 16 : i32
        %mul3A_1148 = arith.muli %scan3A_754, %mul3A_1147 : i32
        %add3A_1149 = arith.constant 10 : i32
        %add3A_1150 = arith.addi %mul3A_1148, %add3A_1149 : i32
        %mul3A_1151 = arith.constant 16 : i32
        %mul3A_1152 = arith.muli %add3A_1150, %mul3A_1151 : i32
        %get3A_1153 = arith.index_cast %mul3A_1152 : i32 to index
        %get3A_1154 = tpu.vector_load %arg12[%get3A_1153] {strides = array<i32>} : memref<16384xf32, #tpu.memory_space<vmem>>, vector<16xf32>,
        %get3A_1155 = arith.index_cast %mul3A_1152 : i32 to index
        %get3A_1156 = tpu.vector_load %arg13[%get3A_1155] {strides = array<i32>} : memref<16384xf32, #tpu.memory_space<vmem>>, vector<16xf32>,
        %get3A_1157 = arith.index_cast %mul3A_1152 : i32 to index
        %get3A_1158 = tpu.vector_load %arg14[%get3A_1157] {strides = array<i32>} : memref<16384xf32, #tpu.memory_space<vmem>>, vector<16xf32>,
        %get3A_1159 = arith.index_cast %mul3A_1152 : i32 to index
        %get3A_1160 = tpu.vector_load %arg15[%get3A_1159] {strides = array<i32>} : memref<16384xf32, #tpu.memory_space<vmem>>, vector<16xf32>,
        %mul3A_1161 = arith.mulf %get3A_1154, %bitcast_convert_type3A_82 : vector<16xf32>
        %mul3A_1162 = arith.mulf %get3A_1156, %bitcast_convert_type3A_97 : vector<16xf32>
        %add3A_1163 = arith.addf %mul3A_1161, %mul3A_1162 : vector<16xf32>
        %mul3A_1164 = arith.mulf %get3A_1158, %bitcast_convert_type3A_112 : vector<16xf32>
        %add3A_1165 = arith.addf %add3A_1163, %mul3A_1164 : vector<16xf32>
        %mul3A_1166 = arith.mulf %get3A_1154, %bitcast_convert_type3A_139 : vector<16xf32>
        %mul3A_1167 = arith.mulf %get3A_1156, %bitcast_convert_type3A_154 : vector<16xf32>
        %add3A_1168 = arith.addf %mul3A_1166, %mul3A_1167 : vector<16xf32>
        %mul3A_1169 = arith.mulf %get3A_1158, %bitcast_convert_type3A_169 : vector<16xf32>
        %add3A_1170 = arith.addf %add3A_1168, %mul3A_1169 : vector<16xf32>
        %mul3A_1171 = arith.constant -2.000000e+00 : f32
        %mul3A_1172 = vector.broadcast %mul3A_1171 : f32 to vector<16xf32>
        %mul3A_1173 = arith.mulf %add3A_1165, %mul3A_1172 : vector<16xf32>
        %add3A_1174 = arith.addf %mul3A_1173, %add3A_69 : vector<16xf32>
        %add3A_1175 = arith.addf %add3A_1174, %get3A_1160 : vector<16xf32>
        %mul3A_1176 = arith.constant -2.000000e+00 : f32
        %mul3A_1177 = vector.broadcast %mul3A_1176 : f32 to vector<16xf32>
        %mul3A_1178 = arith.mulf %add3A_1170, %mul3A_1177 : vector<16xf32>
        %add3A_1179 = arith.addf %mul3A_1178, %add3A_124 : vector<16xf32>
        %add3A_1180 = arith.addf %add3A_1179, %get3A_1160 : vector<16xf32>
        %min3A_1181 = arith.minimumf %scan3A_765, %add3A_1175 : vector<16xf32>
        %min3A_1182 = arith.minimumf %scan3A_781, %add3A_1180 : vector<16xf32>
        %mul3A_1183 = arith.constant 16 : i32
        %mul3A_1184 = arith.muli %scan3A_754, %mul3A_1183 : i32
        %add3A_1185 = arith.constant 11 : i32
        %add3A_1186 = arith.addi %mul3A_1184, %add3A_1185 : i32
        %mul3A_1187 = arith.constant 16 : i32
        %mul3A_1188 = arith.muli %add3A_1186, %mul3A_1187 : i32
        %get3A_1189 = arith.index_cast %mul3A_1188 : i32 to index
        %get3A_1190 = tpu.vector_load %arg12[%get3A_1189] {strides = array<i32>} : memref<16384xf32, #tpu.memory_space<vmem>>, vector<16xf32>,
        %get3A_1191 = arith.index_cast %mul3A_1188 : i32 to index
        %get3A_1192 = tpu.vector_load %arg13[%get3A_1191] {strides = array<i32>} : memref<16384xf32, #tpu.memory_space<vmem>>, vector<16xf32>,
        %get3A_1193 = arith.index_cast %mul3A_1188 : i32 to index
        %get3A_1194 = tpu.vector_load %arg14[%get3A_1193] {strides = array<i32>} : memref<16384xf32, #tpu.memory_space<vmem>>, vector<16xf32>,
        %get3A_1195 = arith.index_cast %mul3A_1188 : i32 to index
        %get3A_1196 = tpu.vector_load %arg15[%get3A_1195] {strides = array<i32>} : memref<16384xf32, #tpu.memory_space<vmem>>, vector<16xf32>,
        %mul3A_1197 = arith.mulf %get3A_1190, %bitcast_convert_type3A_82 : vector<16xf32>
        %mul3A_1198 = arith.mulf %get3A_1192, %bitcast_convert_type3A_97 : vector<16xf32>
        %add3A_1199 = arith.addf %mul3A_1197, %mul3A_1198 : vector<16xf32>
        %mul3A_1200 = arith.mulf %get3A_1194, %bitcast_convert_type3A_112 : vector<16xf32>
        %add3A_1201 = arith.addf %add3A_1199, %mul3A_1200 : vector<16xf32>
        %mul3A_1202 = arith.mulf %get3A_1190, %bitcast_convert_type3A_139 : vector<16xf32>
        %mul3A_1203 = arith.mulf %get3A_1192, %bitcast_convert_type3A_154 : vector<16xf32>
        %add3A_1204 = arith.addf %mul3A_1202, %mul3A_1203 : vector<16xf32>
        %mul3A_1205 = arith.mulf %get3A_1194, %bitcast_convert_type3A_169 : vector<16xf32>
        %add3A_1206 = arith.addf %add3A_1204, %mul3A_1205 : vector<16xf32>
        %mul3A_1207 = arith.constant -2.000000e+00 : f32
        %mul3A_1208 = vector.broadcast %mul3A_1207 : f32 to vector<16xf32>
        %mul3A_1209 = arith.mulf %add3A_1201, %mul3A_1208 : vector<16xf32>
        %add3A_1210 = arith.addf %mul3A_1209, %add3A_69 : vector<16xf32>
        %add3A_1211 = arith.addf %add3A_1210, %get3A_1196 : vector<16xf32>
        %mul3A_1212 = arith.constant -2.000000e+00 : f32
        %mul3A_1213 = vector.broadcast %mul3A_1212 : f32 to vector<16xf32>
        %mul3A_1214 = arith.mulf %add3A_1206, %mul3A_1213 : vector<16xf32>
        %add3A_1215 = arith.addf %mul3A_1214, %add3A_124 : vector<16xf32>
        %add3A_1216 = arith.addf %add3A_1215, %get3A_1196 : vector<16xf32>
        %min3A_1217 = arith.minimumf %scan3A_766, %add3A_1211 : vector<16xf32>
        %min3A_1218 = arith.minimumf %scan3A_782, %add3A_1216 : vector<16xf32>
        %mul3A_1219 = arith.constant 16 : i32
        %mul3A_1220 = arith.muli %scan3A_754, %mul3A_1219 : i32
        %add3A_1221 = arith.constant 12 : i32
        %add3A_1222 = arith.addi %mul3A_1220, %add3A_1221 : i32
        %mul3A_1223 = arith.constant 16 : i32
        %mul3A_1224 = arith.muli %add3A_1222, %mul3A_1223 : i32
        %get3A_1225 = arith.index_cast %mul3A_1224 : i32 to index
        %get3A_1226 = tpu.vector_load %arg12[%get3A_1225] {strides = array<i32>} : memref<16384xf32, #tpu.memory_space<vmem>>, vector<16xf32>,
        %get3A_1227 = arith.index_cast %mul3A_1224 : i32 to index
        %get3A_1228 = tpu.vector_load %arg13[%get3A_1227] {strides = array<i32>} : memref<16384xf32, #tpu.memory_space<vmem>>, vector<16xf32>,
        %get3A_1229 = arith.index_cast %mul3A_1224 : i32 to index
        %get3A_1230 = tpu.vector_load %arg14[%get3A_1229] {strides = array<i32>} : memref<16384xf32, #tpu.memory_space<vmem>>, vector<16xf32>,
        %get3A_1231 = arith.index_cast %mul3A_1224 : i32 to index
        %get3A_1232 = tpu.vector_load %arg15[%get3A_1231] {strides = array<i32>} : memref<16384xf32, #tpu.memory_space<vmem>>, vector<16xf32>,
        %mul3A_1233 = arith.mulf %get3A_1226, %bitcast_convert_type3A_82 : vector<16xf32>
        %mul3A_1234 = arith.mulf %get3A_1228, %bitcast_convert_type3A_97 : vector<16xf32>
        %add3A_1235 = arith.addf %mul3A_1233, %mul3A_1234 : vector<16xf32>
        %mul3A_1236 = arith.mulf %get3A_1230, %bitcast_convert_type3A_112 : vector<16xf32>
        %add3A_1237 = arith.addf %add3A_1235, %mul3A_1236 : vector<16xf32>
        %mul3A_1238 = arith.mulf %get3A_1226, %bitcast_convert_type3A_139 : vector<16xf32>
        %mul3A_1239 = arith.mulf %get3A_1228, %bitcast_convert_type3A_154 : vector<16xf32>
        %add3A_1240 = arith.addf %mul3A_1238, %mul3A_1239 : vector<16xf32>
        %mul3A_1241 = arith.mulf %get3A_1230, %bitcast_convert_type3A_169 : vector<16xf32>
        %add3A_1242 = arith.addf %add3A_1240, %mul3A_1241 : vector<16xf32>
        %mul3A_1243 = arith.constant -2.000000e+00 : f32
        %mul3A_1244 = vector.broadcast %mul3A_1243 : f32 to vector<16xf32>
        %mul3A_1245 = arith.mulf %add3A_1237, %mul3A_1244 : vector<16xf32>
        %add3A_1246 = arith.addf %mul3A_1245, %add3A_69 : vector<16xf32>
        %add3A_1247 = arith.addf %add3A_1246, %get3A_1232 : vector<16xf32>
        %mul3A_1248 = arith.constant -2.000000e+00 : f32
        %mul3A_1249 = vector.broadcast %mul3A_1248 : f32 to vector<16xf32>
        %mul3A_1250 = arith.mulf %add3A_1242, %mul3A_1249 : vector<16xf32>
        %add3A_1251 = arith.addf %mul3A_1250, %add3A_124 : vector<16xf32>
        %add3A_1252 = arith.addf %add3A_1251, %get3A_1232 : vector<16xf32>
        %min3A_1253 = arith.minimumf %scan3A_767, %add3A_1247 : vector<16xf32>
        %min3A_1254 = arith.minimumf %scan3A_783, %add3A_1252 : vector<16xf32>
        %mul3A_1255 = arith.constant 16 : i32
        %mul3A_1256 = arith.muli %scan3A_754, %mul3A_1255 : i32
        %add3A_1257 = arith.constant 13 : i32
        %add3A_1258 = arith.addi %mul3A_1256, %add3A_1257 : i32
        %mul3A_1259 = arith.constant 16 : i32
        %mul3A_1260 = arith.muli %add3A_1258, %mul3A_1259 : i32
        %get3A_1261 = arith.index_cast %mul3A_1260 : i32 to index
        %get3A_1262 = tpu.vector_load %arg12[%get3A_1261] {strides = array<i32>} : memref<16384xf32, #tpu.memory_space<vmem>>, vector<16xf32>,
        %get3A_1263 = arith.index_cast %mul3A_1260 : i32 to index
        %get3A_1264 = tpu.vector_load %arg13[%get3A_1263] {strides = array<i32>} : memref<16384xf32, #tpu.memory_space<vmem>>, vector<16xf32>,
        %get3A_1265 = arith.index_cast %mul3A_1260 : i32 to index
        %get3A_1266 = tpu.vector_load %arg14[%get3A_1265] {strides = array<i32>} : memref<16384xf32, #tpu.memory_space<vmem>>, vector<16xf32>,
        %get3A_1267 = arith.index_cast %mul3A_1260 : i32 to index
        %get3A_1268 = tpu.vector_load %arg15[%get3A_1267] {strides = array<i32>} : memref<16384xf32, #tpu.memory_space<vmem>>, vector<16xf32>,
        %mul3A_1269 = arith.mulf %get3A_1262, %bitcast_convert_type3A_82 : vector<16xf32>
        %mul3A_1270 = arith.mulf %get3A_1264, %bitcast_convert_type3A_97 : vector<16xf32>
        %add3A_1271 = arith.addf %mul3A_1269, %mul3A_1270 : vector<16xf32>
        %mul3A_1272 = arith.mulf %get3A_1266, %bitcast_convert_type3A_112 : vector<16xf32>
        %add3A_1273 = arith.addf %add3A_1271, %mul3A_1272 : vector<16xf32>
        %mul3A_1274 = arith.mulf %get3A_1262, %bitcast_convert_type3A_139 : vector<16xf32>
        %mul3A_1275 = arith.mulf %get3A_1264, %bitcast_convert_type3A_154 : vector<16xf32>
        %add3A_1276 = arith.addf %mul3A_1274, %mul3A_1275 : vector<16xf32>
        %mul3A_1277 = arith.mulf %get3A_1266, %bitcast_convert_type3A_169 : vector<16xf32>
        %add3A_1278 = arith.addf %add3A_1276, %mul3A_1277 : vector<16xf32>
        %mul3A_1279 = arith.constant -2.000000e+00 : f32
        %mul3A_1280 = vector.broadcast %mul3A_1279 : f32 to vector<16xf32>
        %mul3A_1281 = arith.mulf %add3A_1273, %mul3A_1280 : vector<16xf32>
        %add3A_1282 = arith.addf %mul3A_1281, %add3A_69 : vector<16xf32>
        %add3A_1283 = arith.addf %add3A_1282, %get3A_1268 : vector<16xf32>
        %mul3A_1284 = arith.constant -2.000000e+00 : f32
        %mul3A_1285 = vector.broadcast %mul3A_1284 : f32 to vector<16xf32>
        %mul3A_1286 = arith.mulf %add3A_1278, %mul3A_1285 : vector<16xf32>
        %add3A_1287 = arith.addf %mul3A_1286, %add3A_124 : vector<16xf32>
        %add3A_1288 = arith.addf %add3A_1287, %get3A_1268 : vector<16xf32>
        %min3A_1289 = arith.minimumf %scan3A_768, %add3A_1283 : vector<16xf32>
        %min3A_1290 = arith.minimumf %scan3A_784, %add3A_1288 : vector<16xf32>
        %mul3A_1291 = arith.constant 16 : i32
        %mul3A_1292 = arith.muli %scan3A_754, %mul3A_1291 : i32
        %add3A_1293 = arith.constant 14 : i32
        %add3A_1294 = arith.addi %mul3A_1292, %add3A_1293 : i32
        %mul3A_1295 = arith.constant 16 : i32
        %mul3A_1296 = arith.muli %add3A_1294, %mul3A_1295 : i32
        %get3A_1297 = arith.index_cast %mul3A_1296 : i32 to index
        %get3A_1298 = tpu.vector_load %arg12[%get3A_1297] {strides = array<i32>} : memref<16384xf32, #tpu.memory_space<vmem>>, vector<16xf32>,
        %get3A_1299 = arith.index_cast %mul3A_1296 : i32 to index
        %get3A_1300 = tpu.vector_load %arg13[%get3A_1299] {strides = array<i32>} : memref<16384xf32, #tpu.memory_space<vmem>>, vector<16xf32>,
        %get3A_1301 = arith.index_cast %mul3A_1296 : i32 to index
        %get3A_1302 = tpu.vector_load %arg14[%get3A_1301] {strides = array<i32>} : memref<16384xf32, #tpu.memory_space<vmem>>, vector<16xf32>,
        %get3A_1303 = arith.index_cast %mul3A_1296 : i32 to index
        %get3A_1304 = tpu.vector_load %arg15[%get3A_1303] {strides = array<i32>} : memref<16384xf32, #tpu.memory_space<vmem>>, vector<16xf32>,
        %mul3A_1305 = arith.mulf %get3A_1298, %bitcast_convert_type3A_82 : vector<16xf32>
        %mul3A_1306 = arith.mulf %get3A_1300, %bitcast_convert_type3A_97 : vector<16xf32>
        %add3A_1307 = arith.addf %mul3A_1305, %mul3A_1306 : vector<16xf32>
        %mul3A_1308 = arith.mulf %get3A_1302, %bitcast_convert_type3A_112 : vector<16xf32>
        %add3A_1309 = arith.addf %add3A_1307, %mul3A_1308 : vector<16xf32>
        %mul3A_1310 = arith.mulf %get3A_1298, %bitcast_convert_type3A_139 : vector<16xf32>
        %mul3A_1311 = arith.mulf %get3A_1300, %bitcast_convert_type3A_154 : vector<16xf32>
        %add3A_1312 = arith.addf %mul3A_1310, %mul3A_1311 : vector<16xf32>
        %mul3A_1313 = arith.mulf %get3A_1302, %bitcast_convert_type3A_169 : vector<16xf32>
        %add3A_1314 = arith.addf %add3A_1312, %mul3A_1313 : vector<16xf32>
        %mul3A_1315 = arith.constant -2.000000e+00 : f32
        %mul3A_1316 = vector.broadcast %mul3A_1315 : f32 to vector<16xf32>
        %mul3A_1317 = arith.mulf %add3A_1309, %mul3A_1316 : vector<16xf32>
        %add3A_1318 = arith.addf %mul3A_1317, %add3A_69 : vector<16xf32>
        %add3A_1319 = arith.addf %add3A_1318, %get3A_1304 : vector<16xf32>
        %mul3A_1320 = arith.constant -2.000000e+00 : f32
        %mul3A_1321 = vector.broadcast %mul3A_1320 : f32 to vector<16xf32>
        %mul3A_1322 = arith.mulf %add3A_1314, %mul3A_1321 : vector<16xf32>
        %add3A_1323 = arith.addf %mul3A_1322, %add3A_124 : vector<16xf32>
        %add3A_1324 = arith.addf %add3A_1323, %get3A_1304 : vector<16xf32>
        %min3A_1325 = arith.minimumf %scan3A_769, %add3A_1319 : vector<16xf32>
        %min3A_1326 = arith.minimumf %scan3A_785, %add3A_1324 : vector<16xf32>
        %mul3A_1327 = arith.constant 16 : i32
        %mul3A_1328 = arith.muli %scan3A_754, %mul3A_1327 : i32
        %add3A_1329 = arith.constant 15 : i32
        %add3A_1330 = arith.addi %mul3A_1328, %add3A_1329 : i32
        %mul3A_1331 = arith.constant 16 : i32
        %mul3A_1332 = arith.muli %add3A_1330, %mul3A_1331 : i32
        %get3A_1333 = arith.index_cast %mul3A_1332 : i32 to index
        %get3A_1334 = tpu.vector_load %arg12[%get3A_1333] {strides = array<i32>} : memref<16384xf32, #tpu.memory_space<vmem>>, vector<16xf32>,
        %get3A_1335 = arith.index_cast %mul3A_1332 : i32 to index
        %get3A_1336 = tpu.vector_load %arg13[%get3A_1335] {strides = array<i32>} : memref<16384xf32, #tpu.memory_space<vmem>>, vector<16xf32>,
        %get3A_1337 = arith.index_cast %mul3A_1332 : i32 to index
        %get3A_1338 = tpu.vector_load %arg14[%get3A_1337] {strides = array<i32>} : memref<16384xf32, #tpu.memory_space<vmem>>, vector<16xf32>,
        %get3A_1339 = arith.index_cast %mul3A_1332 : i32 to index
        %get3A_1340 = tpu.vector_load %arg15[%get3A_1339] {strides = array<i32>} : memref<16384xf32, #tpu.memory_space<vmem>>, vector<16xf32>,
        %mul3A_1341 = arith.mulf %get3A_1334, %bitcast_convert_type3A_82 : vector<16xf32>
        %mul3A_1342 = arith.mulf %get3A_1336, %bitcast_convert_type3A_97 : vector<16xf32>
        %add3A_1343 = arith.addf %mul3A_1341, %mul3A_1342 : vector<16xf32>
        %mul3A_1344 = arith.mulf %get3A_1338, %bitcast_convert_type3A_112 : vector<16xf32>
        %add3A_1345 = arith.addf %add3A_1343, %mul3A_1344 : vector<16xf32>
        %mul3A_1346 = arith.mulf %get3A_1334, %bitcast_convert_type3A_139 : vector<16xf32>
        %mul3A_1347 = arith.mulf %get3A_1336, %bitcast_convert_type3A_154 : vector<16xf32>
        %add3A_1348 = arith.addf %mul3A_1346, %mul3A_1347 : vector<16xf32>
        %mul3A_1349 = arith.mulf %get3A_1338, %bitcast_convert_type3A_169 : vector<16xf32>
        %add3A_1350 = arith.addf %add3A_1348, %mul3A_1349 : vector<16xf32>
        %mul3A_1351 = arith.constant -2.000000e+00 : f32
        %mul3A_1352 = vector.broadcast %mul3A_1351 : f32 to vector<16xf32>
        %mul3A_1353 = arith.mulf %add3A_1345, %mul3A_1352 : vector<16xf32>
        %add3A_1354 = arith.addf %mul3A_1353, %add3A_69 : vector<16xf32>
        %add3A_1355 = arith.addf %add3A_1354, %get3A_1340 : vector<16xf32>
        %mul3A_1356 = arith.constant -2.000000e+00 : f32
        %mul3A_1357 = vector.broadcast %mul3A_1356 : f32 to vector<16xf32>
        %mul3A_1358 = arith.mulf %add3A_1350, %mul3A_1357 : vector<16xf32>
        %add3A_1359 = arith.addf %mul3A_1358, %add3A_124 : vector<16xf32>
        %add3A_1360 = arith.addf %add3A_1359, %get3A_1340 : vector<16xf32>
        %min3A_1361 = arith.minimumf %scan3A_770, %add3A_1355 : vector<16xf32>
        %min3A_1362 = arith.minimumf %scan3A_786, %add3A_1360 : vector<16xf32>
        scf.yield %min3A_821, %min3A_857, %min3A_893, %min3A_929, %min3A_965, %min3A_1001, %min3A_1037, %min3A_1073, %min3A_1109, %min3A_1145, %min3A_1181, %min3A_1217, %min3A_1253, %min3A_1289, %min3A_1325, %min3A_1361, %min3A_822, %min3A_858, %min3A_894, %min3A_930, %min3A_966, %min3A_1002, %min3A_1038, %min3A_1074, %min3A_1110, %min3A_1146, %min3A_1182, %min3A_1218, %min3A_1254, %min3A_1290, %min3A_1326, %min3A_1362 : vector<16xf32>, vector<16xf32>, vector<16xf32>, vector<16xf32>, vector<16xf32>, vector<16xf32>, vector<16xf32>, vector<16xf32>, vector<16xf32>, vector<16xf32>, vector<16xf32>, vector<16xf32>, vector<16xf32>, vector<16xf32>, vector<16xf32>, vector<16xf32>, vector<16xf32>, vector<16xf32>, vector<16xf32>, vector<16xf32>, vector<16xf32>, vector<16xf32>, vector<16xf32>, vector<16xf32>, vector<16xf32>, vector<16xf32>, vector<16xf32>, vector<16xf32>, vector<16xf32>, vector<16xf32>, vector<16xf32>, vector<16xf32>
      }
      %scan3A_177 = arith.constant 64 : i32
      %min3A = arith.minimumf %scan3A_176#0, %scan3A_176#1 : vector<16xf32>
      %max3A = arith.maximumf %scan3A_176#0, %scan3A_176#1 : vector<16xf32>
      %min3A_178 = arith.minimumf %scan3A_176#2, %scan3A_176#3 : vector<16xf32>
      %max3A_179 = arith.maximumf %scan3A_176#2, %scan3A_176#3 : vector<16xf32>
      %min3A_180 = arith.minimumf %scan3A_176#4, %scan3A_176#5 : vector<16xf32>
      %max3A_181 = arith.maximumf %scan3A_176#4, %scan3A_176#5 : vector<16xf32>
      %min3A_182 = arith.minimumf %scan3A_176#6, %scan3A_176#7 : vector<16xf32>
      %max3A_183 = arith.maximumf %scan3A_176#6, %scan3A_176#7 : vector<16xf32>
      %min3A_184 = arith.minimumf %scan3A_176#8, %scan3A_176#9 : vector<16xf32>
      %max3A_185 = arith.maximumf %scan3A_176#8, %scan3A_176#9 : vector<16xf32>
      %min3A_186 = arith.minimumf %scan3A_176#10, %scan3A_176#11 : vector<16xf32>
      %max3A_187 = arith.maximumf %scan3A_176#10, %scan3A_176#11 : vector<16xf32>
      %min3A_188 = arith.minimumf %scan3A_176#12, %scan3A_176#13 : vector<16xf32>
      %max3A_189 = arith.maximumf %scan3A_176#12, %scan3A_176#13 : vector<16xf32>
      %min3A_190 = arith.minimumf %scan3A_176#14, %scan3A_176#15 : vector<16xf32>
      %max3A_191 = arith.maximumf %scan3A_176#14, %scan3A_176#15 : vector<16xf32>
      %min3A_192 = arith.minimumf %min3A, %min3A_178 : vector<16xf32>
      %max3A_193 = arith.maximumf %min3A, %min3A_178 : vector<16xf32>
      %min3A_194 = arith.minimumf %max3A, %max3A_179 : vector<16xf32>
      %max3A_195 = arith.maximumf %max3A, %max3A_179 : vector<16xf32>
      %min3A_196 = arith.minimumf %min3A_180, %min3A_182 : vector<16xf32>
      %max3A_197 = arith.maximumf %min3A_180, %min3A_182 : vector<16xf32>
      %min3A_198 = arith.minimumf %max3A_181, %max3A_183 : vector<16xf32>
      %max3A_199 = arith.maximumf %max3A_181, %max3A_183 : vector<16xf32>
      %min3A_200 = arith.minimumf %min3A_184, %min3A_186 : vector<16xf32>
      %max3A_201 = arith.maximumf %min3A_184, %min3A_186 : vector<16xf32>
      %min3A_202 = arith.minimumf %max3A_185, %max3A_187 : vector<16xf32>
      %max3A_203 = arith.maximumf %max3A_185, %max3A_187 : vector<16xf32>
      %min3A_204 = arith.minimumf %min3A_188, %min3A_190 : vector<16xf32>
      %max3A_205 = arith.maximumf %min3A_188, %min3A_190 : vector<16xf32>
      %min3A_206 = arith.minimumf %max3A_189, %max3A_191 : vector<16xf32>
      %max3A_207 = arith.maximumf %max3A_189, %max3A_191 : vector<16xf32>
      %min3A_208 = arith.minimumf %min3A_194, %max3A_193 : vector<16xf32>
      %max3A_209 = arith.maximumf %min3A_194, %max3A_193 : vector<16xf32>
      %min3A_210 = arith.minimumf %min3A_198, %max3A_197 : vector<16xf32>
      %max3A_211 = arith.maximumf %min3A_198, %max3A_197 : vector<16xf32>
      %min3A_212 = arith.minimumf %min3A_202, %max3A_201 : vector<16xf32>
      %max3A_213 = arith.maximumf %min3A_202, %max3A_201 : vector<16xf32>
      %min3A_214 = arith.minimumf %min3A_206, %max3A_205 : vector<16xf32>
      %max3A_215 = arith.maximumf %min3A_206, %max3A_205 : vector<16xf32>
      %min3A_216 = arith.minimumf %min3A_192, %min3A_196 : vector<16xf32>
      %max3A_217 = arith.maximumf %min3A_192, %min3A_196 : vector<16xf32>
      %min3A_218 = arith.minimumf %min3A_208, %min3A_210 : vector<16xf32>
      %max3A_219 = arith.maximumf %min3A_208, %min3A_210 : vector<16xf32>
      %min3A_220 = arith.minimumf %max3A_209, %max3A_211 : vector<16xf32>
      %max3A_221 = arith.maximumf %max3A_209, %max3A_211 : vector<16xf32>
      %min3A_222 = arith.minimumf %max3A_195, %max3A_199 : vector<16xf32>
      %max3A_223 = arith.maximumf %max3A_195, %max3A_199 : vector<16xf32>
      %min3A_224 = arith.minimumf %min3A_200, %min3A_204 : vector<16xf32>
      %max3A_225 = arith.maximumf %min3A_200, %min3A_204 : vector<16xf32>
      %min3A_226 = arith.minimumf %min3A_212, %min3A_214 : vector<16xf32>
      %max3A_227 = arith.maximumf %min3A_212, %min3A_214 : vector<16xf32>
      %min3A_228 = arith.minimumf %max3A_213, %max3A_215 : vector<16xf32>
      %max3A_229 = arith.maximumf %max3A_213, %max3A_215 : vector<16xf32>
      %min3A_230 = arith.minimumf %max3A_203, %max3A_207 : vector<16xf32>
      %max3A_231 = arith.maximumf %max3A_203, %max3A_207 : vector<16xf32>
      %min3A_232 = arith.minimumf %min3A_220, %max3A_217 : vector<16xf32>
      %max3A_233 = arith.maximumf %min3A_220, %max3A_217 : vector<16xf32>
      %min3A_234 = arith.minimumf %min3A_222, %max3A_219 : vector<16xf32>
      %max3A_235 = arith.maximumf %min3A_222, %max3A_219 : vector<16xf32>
      %min3A_236 = arith.minimumf %min3A_228, %max3A_225 : vector<16xf32>
      %max3A_237 = arith.maximumf %min3A_228, %max3A_225 : vector<16xf32>
      %min3A_238 = arith.minimumf %min3A_230, %max3A_227 : vector<16xf32>
      %max3A_239 = arith.maximumf %min3A_230, %max3A_227 : vector<16xf32>
      %min3A_240 = arith.minimumf %min3A_218, %min3A_232 : vector<16xf32>
      %max3A_241 = arith.maximumf %min3A_218, %min3A_232 : vector<16xf32>
      %min3A_242 = arith.minimumf %min3A_234, %max3A_233 : vector<16xf32>
      %max3A_243 = arith.maximumf %min3A_234, %max3A_233 : vector<16xf32>
      %min3A_244 = arith.minimumf %max3A_235, %max3A_221 : vector<16xf32>
      %max3A_245 = arith.maximumf %max3A_235, %max3A_221 : vector<16xf32>
      %min3A_246 = arith.minimumf %min3A_226, %min3A_236 : vector<16xf32>
      %max3A_247 = arith.maximumf %min3A_226, %min3A_236 : vector<16xf32>
      %min3A_248 = arith.minimumf %min3A_238, %max3A_237 : vector<16xf32>
      %max3A_249 = arith.maximumf %min3A_238, %max3A_237 : vector<16xf32>
      %min3A_250 = arith.minimumf %max3A_239, %max3A_229 : vector<16xf32>
      %max3A_251 = arith.maximumf %max3A_239, %max3A_229 : vector<16xf32>
      %min3A_252 = arith.minimumf %min3A_216, %min3A_224 : vector<16xf32>
      %max3A_253 = arith.maximumf %min3A_216, %min3A_224 : vector<16xf32>
      %min3A_254 = arith.minimumf %min3A_240, %min3A_246 : vector<16xf32>
      %max3A_255 = arith.maximumf %min3A_240, %min3A_246 : vector<16xf32>
      %min3A_256 = arith.minimumf %max3A_241, %max3A_247 : vector<16xf32>
      %max3A_257 = arith.maximumf %max3A_241, %max3A_247 : vector<16xf32>
      %min3A_258 = arith.minimumf %min3A_242, %min3A_248 : vector<16xf32>
      %max3A_259 = arith.maximumf %min3A_242, %min3A_248 : vector<16xf32>
      %min3A_260 = arith.minimumf %max3A_243, %max3A_249 : vector<16xf32>
      %max3A_261 = arith.maximumf %max3A_243, %max3A_249 : vector<16xf32>
      %min3A_262 = arith.minimumf %min3A_244, %min3A_250 : vector<16xf32>
      %max3A_263 = arith.maximumf %min3A_244, %min3A_250 : vector<16xf32>
      %min3A_264 = arith.minimumf %max3A_245, %max3A_251 : vector<16xf32>
      %max3A_265 = arith.maximumf %max3A_245, %max3A_251 : vector<16xf32>
      %min3A_266 = arith.minimumf %max3A_223, %max3A_231 : vector<16xf32>
      %max3A_267 = arith.maximumf %max3A_223, %max3A_231 : vector<16xf32>
      %min3A_268 = arith.minimumf %min3A_260, %max3A_253 : vector<16xf32>
      %max3A_269 = arith.maximumf %min3A_260, %max3A_253 : vector<16xf32>
      %min3A_270 = arith.minimumf %min3A_262, %max3A_255 : vector<16xf32>
      %max3A_271 = arith.maximumf %min3A_262, %max3A_255 : vector<16xf32>
      %min3A_272 = arith.minimumf %min3A_264, %max3A_257 : vector<16xf32>
      %max3A_273 = arith.maximumf %min3A_264, %max3A_257 : vector<16xf32>
      %min3A_274 = arith.minimumf %min3A_266, %max3A_259 : vector<16xf32>
      %max3A_275 = arith.maximumf %min3A_266, %max3A_259 : vector<16xf32>
      %min3A_276 = arith.minimumf %min3A_256, %min3A_268 : vector<16xf32>
      %max3A_277 = arith.maximumf %min3A_256, %min3A_268 : vector<16xf32>
      %min3A_278 = arith.minimumf %min3A_258, %min3A_270 : vector<16xf32>
      %max3A_279 = arith.maximumf %min3A_258, %min3A_270 : vector<16xf32>
      %min3A_280 = arith.minimumf %min3A_272, %max3A_269 : vector<16xf32>
      %max3A_281 = arith.maximumf %min3A_272, %max3A_269 : vector<16xf32>
      %min3A_282 = arith.minimumf %min3A_274, %max3A_271 : vector<16xf32>
      %max3A_283 = arith.maximumf %min3A_274, %max3A_271 : vector<16xf32>
      %min3A_284 = arith.minimumf %max3A_273, %max3A_261 : vector<16xf32>
      %max3A_285 = arith.maximumf %max3A_273, %max3A_261 : vector<16xf32>
      %min3A_286 = arith.minimumf %max3A_275, %max3A_263 : vector<16xf32>
      %max3A_287 = arith.maximumf %max3A_275, %max3A_263 : vector<16xf32>
      %min3A_288 = arith.minimumf %min3A_254, %min3A_276 : vector<16xf32>
      %max3A_289 = arith.maximumf %min3A_254, %min3A_276 : vector<16xf32>
      %min3A_290 = arith.minimumf %min3A_278, %max3A_277 : vector<16xf32>
      %max3A_291 = arith.maximumf %min3A_278, %max3A_277 : vector<16xf32>
      %min3A_292 = arith.minimumf %max3A_279, %min3A_280 : vector<16xf32>
      %max3A_293 = arith.maximumf %max3A_279, %min3A_280 : vector<16xf32>
      %min3A_294 = arith.minimumf %min3A_282, %max3A_281 : vector<16xf32>
      %max3A_295 = arith.maximumf %min3A_282, %max3A_281 : vector<16xf32>
      %min3A_296 = arith.minimumf %max3A_283, %min3A_284 : vector<16xf32>
      %max3A_297 = arith.maximumf %max3A_283, %min3A_284 : vector<16xf32>
      %min3A_298 = arith.minimumf %min3A_286, %max3A_285 : vector<16xf32>
      %max3A_299 = arith.maximumf %min3A_286, %max3A_285 : vector<16xf32>
      %min3A_300 = arith.minimumf %max3A_287, %max3A_265 : vector<16xf32>
      %max3A_301 = arith.maximumf %max3A_287, %max3A_265 : vector<16xf32>
      %broadcast_in_dim3A_302 = arith.constant 0.000000e+00 : f32
      %broadcast_in_dim3A_303 = vector.broadcast %broadcast_in_dim3A_302 : f32 to vector<16xf32>
      %reduce_max3A = arith.constant true
      %reduce_max3A_304 = vector.broadcast %reduce_max3A : i1 to vector<16xi1>
      %reduce_max3A_305 = tpu.scan <max>, %min3A_290 masked %reduce_max3A_304 : vector<16xf32>, vector<16xi1> -> vector<16xf32>
      %reduce_max3A_306 = vector.extract %reduce_max3A_305[15] : f32 from vector<16xf32>
      %add3A_307 = vector.broadcast %reduce_max3A_306 : f32 to vector<16xf32>
      %add3A_308 = arith.addf %broadcast_in_dim3A_303, %add3A_307 : vector<16xf32>
      %min3A_309 = arith.minimumf %scan3A_176#16, %scan3A_176#17 : vector<16xf32>
      %max3A_310 = arith.maximumf %scan3A_176#16, %scan3A_176#17 : vector<16xf32>
      %min3A_311 = arith.minimumf %scan3A_176#18, %scan3A_176#19 : vector<16xf32>
      %max3A_312 = arith.maximumf %scan3A_176#18, %scan3A_176#19 : vector<16xf32>
      %min3A_313 = arith.minimumf %scan3A_176#20, %scan3A_176#21 : vector<16xf32>
      %max3A_314 = arith.maximumf %scan3A_176#20, %scan3A_176#21 : vector<16xf32>
      %min3A_315 = arith.minimumf %scan3A_176#22, %scan3A_176#23 : vector<16xf32>
      %max3A_316 = arith.maximumf %scan3A_176#22, %scan3A_176#23 : vector<16xf32>
      %min3A_317 = arith.minimumf %scan3A_176#24, %scan3A_176#25 : vector<16xf32>
      %max3A_318 = arith.maximumf %scan3A_176#24, %scan3A_176#25 : vector<16xf32>
      %min3A_319 = arith.minimumf %scan3A_176#26, %scan3A_176#27 : vector<16xf32>
      %max3A_320 = arith.maximumf %scan3A_176#26, %scan3A_176#27 : vector<16xf32>
      %min3A_321 = arith.minimumf %scan3A_176#28, %scan3A_176#29 : vector<16xf32>
      %max3A_322 = arith.maximumf %scan3A_176#28, %scan3A_176#29 : vector<16xf32>
      %min3A_323 = arith.minimumf %scan3A_176#30, %scan3A_176#31 : vector<16xf32>
      %max3A_324 = arith.maximumf %scan3A_176#30, %scan3A_176#31 : vector<16xf32>
      %min3A_325 = arith.minimumf %min3A_309, %min3A_311 : vector<16xf32>
      %max3A_326 = arith.maximumf %min3A_309, %min3A_311 : vector<16xf32>
      %min3A_327 = arith.minimumf %max3A_310, %max3A_312 : vector<16xf32>
      %max3A_328 = arith.maximumf %max3A_310, %max3A_312 : vector<16xf32>
      %min3A_329 = arith.minimumf %min3A_313, %min3A_315 : vector<16xf32>
      %max3A_330 = arith.maximumf %min3A_313, %min3A_315 : vector<16xf32>
      %min3A_331 = arith.minimumf %max3A_314, %max3A_316 : vector<16xf32>
      %max3A_332 = arith.maximumf %max3A_314, %max3A_316 : vector<16xf32>
      %min3A_333 = arith.minimumf %min3A_317, %min3A_319 : vector<16xf32>
      %max3A_334 = arith.maximumf %min3A_317, %min3A_319 : vector<16xf32>
      %min3A_335 = arith.minimumf %max3A_318, %max3A_320 : vector<16xf32>
      %max3A_336 = arith.maximumf %max3A_318, %max3A_320 : vector<16xf32>
      %min3A_337 = arith.minimumf %min3A_321, %min3A_323 : vector<16xf32>
      %max3A_338 = arith.maximumf %min3A_321, %min3A_323 : vector<16xf32>
      %min3A_339 = arith.minimumf %max3A_322, %max3A_324 : vector<16xf32>
      %max3A_340 = arith.maximumf %max3A_322, %max3A_324 : vector<16xf32>
      %min3A_341 = arith.minimumf %min3A_327, %max3A_326 : vector<16xf32>
      %max3A_342 = arith.maximumf %min3A_327, %max3A_326 : vector<16xf32>
      %min3A_343 = arith.minimumf %min3A_331, %max3A_330 : vector<16xf32>
      %max3A_344 = arith.maximumf %min3A_331, %max3A_330 : vector<16xf32>
      %min3A_345 = arith.minimumf %min3A_335, %max3A_334 : vector<16xf32>
      %max3A_346 = arith.maximumf %min3A_335, %max3A_334 : vector<16xf32>
      %min3A_347 = arith.minimumf %min3A_339, %max3A_338 : vector<16xf32>
      %max3A_348 = arith.maximumf %min3A_339, %max3A_338 : vector<16xf32>
      %min3A_349 = arith.minimumf %min3A_325, %min3A_329 : vector<16xf32>
      %max3A_350 = arith.maximumf %min3A_325, %min3A_329 : vector<16xf32>
      %min3A_351 = arith.minimumf %min3A_341, %min3A_343 : vector<16xf32>
      %max3A_352 = arith.maximumf %min3A_341, %min3A_343 : vector<16xf32>
      %min3A_353 = arith.minimumf %max3A_342, %max3A_344 : vector<16xf32>
      %max3A_354 = arith.maximumf %max3A_342, %max3A_344 : vector<16xf32>
      %min3A_355 = arith.minimumf %max3A_328, %max3A_332 : vector<16xf32>
      %max3A_356 = arith.maximumf %max3A_328, %max3A_332 : vector<16xf32>
      %min3A_357 = arith.minimumf %min3A_333, %min3A_337 : vector<16xf32>
      %max3A_358 = arith.maximumf %min3A_333, %min3A_337 : vector<16xf32>
      %min3A_359 = arith.minimumf %min3A_345, %min3A_347 : vector<16xf32>
      %max3A_360 = arith.maximumf %min3A_345, %min3A_347 : vector<16xf32>
      %min3A_361 = arith.minimumf %max3A_346, %max3A_348 : vector<16xf32>
      %max3A_362 = arith.maximumf %max3A_346, %max3A_348 : vector<16xf32>
      %min3A_363 = arith.minimumf %max3A_336, %max3A_340 : vector<16xf32>
      %max3A_364 = arith.maximumf %max3A_336, %max3A_340 : vector<16xf32>
      %min3A_365 = arith.minimumf %min3A_353, %max3A_350 : vector<16xf32>
      %max3A_366 = arith.maximumf %min3A_353, %max3A_350 : vector<16xf32>
      %min3A_367 = arith.minimumf %min3A_355, %max3A_352 : vector<16xf32>
      %max3A_368 = arith.maximumf %min3A_355, %max3A_352 : vector<16xf32>
      %min3A_369 = arith.minimumf %min3A_361, %max3A_358 : vector<16xf32>
      %max3A_370 = arith.maximumf %min3A_361, %max3A_358 : vector<16xf32>
      %min3A_371 = arith.minimumf %min3A_363, %max3A_360 : vector<16xf32>
      %max3A_372 = arith.maximumf %min3A_363, %max3A_360 : vector<16xf32>
      %min3A_373 = arith.minimumf %min3A_351, %min3A_365 : vector<16xf32>
      %max3A_374 = arith.maximumf %min3A_351, %min3A_365 : vector<16xf32>
      %min3A_375 = arith.minimumf %min3A_367, %max3A_366 : vector<16xf32>
      %max3A_376 = arith.maximumf %min3A_367, %max3A_366 : vector<16xf32>
      %min3A_377 = arith.minimumf %max3A_368, %max3A_354 : vector<16xf32>
      %max3A_378 = arith.maximumf %max3A_368, %max3A_354 : vector<16xf32>
      %min3A_379 = arith.minimumf %min3A_359, %min3A_369 : vector<16xf32>
      %max3A_380 = arith.maximumf %min3A_359, %min3A_369 : vector<16xf32>
      %min3A_381 = arith.minimumf %min3A_371, %max3A_370 : vector<16xf32>
      %max3A_382 = arith.maximumf %min3A_371, %max3A_370 : vector<16xf32>
      %min3A_383 = arith.minimumf %max3A_372, %max3A_362 : vector<16xf32>
      %max3A_384 = arith.maximumf %max3A_372, %max3A_362 : vector<16xf32>
      %min3A_385 = arith.minimumf %min3A_349, %min3A_357 : vector<16xf32>
      %max3A_386 = arith.maximumf %min3A_349, %min3A_357 : vector<16xf32>
      %min3A_387 = arith.minimumf %min3A_373, %min3A_379 : vector<16xf32>
      %max3A_388 = arith.maximumf %min3A_373, %min3A_379 : vector<16xf32>
      %min3A_389 = arith.minimumf %max3A_374, %max3A_380 : vector<16xf32>
      %max3A_390 = arith.maximumf %max3A_374, %max3A_380 : vector<16xf32>
      %min3A_391 = arith.minimumf %min3A_375, %min3A_381 : vector<16xf32>
      %max3A_392 = arith.maximumf %min3A_375, %min3A_381 : vector<16xf32>
      %min3A_393 = arith.minimumf %max3A_376, %max3A_382 : vector<16xf32>
      %max3A_394 = arith.maximumf %max3A_376, %max3A_382 : vector<16xf32>
      %min3A_395 = arith.minimumf %min3A_377, %min3A_383 : vector<16xf32>
      %max3A_396 = arith.maximumf %min3A_377, %min3A_383 : vector<16xf32>
      %min3A_397 = arith.minimumf %max3A_378, %max3A_384 : vector<16xf32>
      %max3A_398 = arith.maximumf %max3A_378, %max3A_384 : vector<16xf32>
      %min3A_399 = arith.minimumf %max3A_356, %max3A_364 : vector<16xf32>
      %max3A_400 = arith.maximumf %max3A_356, %max3A_364 : vector<16xf32>
      %min3A_401 = arith.minimumf %min3A_393, %max3A_386 : vector<16xf32>
      %max3A_402 = arith.maximumf %min3A_393, %max3A_386 : vector<16xf32>
      %min3A_403 = arith.minimumf %min3A_395, %max3A_388 : vector<16xf32>
      %max3A_404 = arith.maximumf %min3A_395, %max3A_388 : vector<16xf32>
      %min3A_405 = arith.minimumf %min3A_397, %max3A_390 : vector<16xf32>
      %max3A_406 = arith.maximumf %min3A_397, %max3A_390 : vector<16xf32>
      %min3A_407 = arith.minimumf %min3A_399, %max3A_392 : vector<16xf32>
      %max3A_408 = arith.maximumf %min3A_399, %max3A_392 : vector<16xf32>
      %min3A_409 = arith.minimumf %min3A_389, %min3A_401 : vector<16xf32>
      %max3A_410 = arith.maximumf %min3A_389, %min3A_401 : vector<16xf32>
      %min3A_411 = arith.minimumf %min3A_391, %min3A_403 : vector<16xf32>
      %max3A_412 = arith.maximumf %min3A_391, %min3A_403 : vector<16xf32>
      %min3A_413 = arith.minimumf %min3A_405, %max3A_402 : vector<16xf32>
      %max3A_414 = arith.maximumf %min3A_405, %max3A_402 : vector<16xf32>
      %min3A_415 = arith.minimumf %min3A_407, %max3A_404 : vector<16xf32>
      %max3A_416 = arith.maximumf %min3A_407, %max3A_404 : vector<16xf32>
      %min3A_417 = arith.minimumf %max3A_406, %max3A_394 : vector<16xf32>
      %max3A_418 = arith.maximumf %max3A_406, %max3A_394 : vector<16xf32>
      %min3A_419 = arith.minimumf %max3A_408, %max3A_396 : vector<16xf32>
      %max3A_420 = arith.maximumf %max3A_408, %max3A_396 : vector<16xf32>
      %min3A_421 = arith.minimumf %min3A_387, %min3A_409 : vector<16xf32>
      %max3A_422 = arith.maximumf %min3A_387, %min3A_409 : vector<16xf32>
      %min3A_423 = arith.minimumf %min3A_411, %max3A_410 : vector<16xf32>
      %max3A_424 = arith.maximumf %min3A_411, %max3A_410 : vector<16xf32>
      %min3A_425 = arith.minimumf %max3A_412, %min3A_413 : vector<16xf32>
      %max3A_426 = arith.maximumf %max3A_412, %min3A_413 : vector<16xf32>
      %min3A_427 = arith.minimumf %min3A_415, %max3A_414 : vector<16xf32>
      %max3A_428 = arith.maximumf %min3A_415, %max3A_414 : vector<16xf32>
      %min3A_429 = arith.minimumf %max3A_416, %min3A_417 : vector<16xf32>
      %max3A_430 = arith.maximumf %max3A_416, %min3A_417 : vector<16xf32>
      %min3A_431 = arith.minimumf %min3A_419, %max3A_418 : vector<16xf32>
      %max3A_432 = arith.maximumf %min3A_419, %max3A_418 : vector<16xf32>
      %min3A_433 = arith.minimumf %max3A_420, %max3A_398 : vector<16xf32>
      %max3A_434 = arith.maximumf %max3A_420, %max3A_398 : vector<16xf32>
      %broadcast_in_dim3A_435 = arith.constant 0.000000e+00 : f32
      %broadcast_in_dim3A_436 = vector.broadcast %broadcast_in_dim3A_435 : f32 to vector<16xf32>
      %reduce_max3A_437 = arith.constant true
      %reduce_max3A_438 = vector.broadcast %reduce_max3A_437 : i1 to vector<16xi1>
      %reduce_max3A_439 = tpu.scan <max>, %min3A_423 masked %reduce_max3A_438 : vector<16xf32>, vector<16xi1> -> vector<16xf32>
      %reduce_max3A_440 = vector.extract %reduce_max3A_439[15] : f32 from vector<16xf32>
      %add3A_441 = vector.broadcast %reduce_max3A_440 : f32 to vector<16xf32>
      %add3A_442 = arith.addf %broadcast_in_dim3A_436, %add3A_441 : vector<16xf32>
      %scan3A_443 = arith.constant 0 : i32
      %scan3A_444 = arith.constant 0 : i32
      %scan3A_445 = arith.constant 0 : i32
      %scan3A_446 = arith.constant 128 : i32
      %scan3A_447 = arith.addi %scan3A_445, %scan3A_446 : i32
      %scan3A_448 = arith.constant 1 : i32
      %scan3A_449:2 = scf.for %scan3A_754 = %scan3A_445 to %scan3A_447 step %scan3A_448 iter_args(%scan3A_755 = %scan3A_443, %scan3A_756 = %scan3A_444) -> (i32, i32)  : i32 {
        %mul3A_757 = arith.constant 8 : i32
        %mul3A_758 = arith.muli %scan3A_754, %mul3A_757 : i32
        %add3A_759 = arith.constant 0 : i32
        %add3A_760 = arith.addi %mul3A_758, %add3A_759 : i32
        %mul3A_761 = arith.constant 16 : i32
        %mul3A_762 = arith.muli %add3A_760, %mul3A_761 : i32
        %get3A_763 = arith.index_cast %mul3A_762 : i32 to index
        %get3A_764 = tpu.vector_load %arg12[%get3A_763] {strides = array<i32>} : memref<16384xf32, #tpu.memory_space<vmem>>, vector<16xf32>,
        %get3A_765 = arith.index_cast %mul3A_762 : i32 to index
        %get3A_766 = tpu.vector_load %arg13[%get3A_765] {strides = array<i32>} : memref<16384xf32, #tpu.memory_space<vmem>>, vector<16xf32>,
        %get3A_767 = arith.index_cast %mul3A_762 : i32 to index
        %get3A_768 = tpu.vector_load %arg14[%get3A_767] {strides = array<i32>} : memref<16384xf32, #tpu.memory_space<vmem>>, vector<16xf32>,
        %get3A_769 = arith.index_cast %mul3A_762 : i32 to index
        %get3A_770 = tpu.vector_load %arg15[%get3A_769] {strides = array<i32>} : memref<16384xf32, #tpu.memory_space<vmem>>, vector<16xf32>,
        %mul3A_771 = arith.mulf %get3A_764, %bitcast_convert_type3A_82 : vector<16xf32>
        %mul3A_772 = arith.mulf %get3A_766, %bitcast_convert_type3A_97 : vector<16xf32>
        %add3A_773 = arith.addf %mul3A_771, %mul3A_772 : vector<16xf32>
        %mul3A_774 = arith.mulf %get3A_768, %bitcast_convert_type3A_112 : vector<16xf32>
        %add3A_775 = arith.addf %add3A_773, %mul3A_774 : vector<16xf32>
        %mul3A_776 = arith.mulf %get3A_764, %bitcast_convert_type3A_139 : vector<16xf32>
        %mul3A_777 = arith.mulf %get3A_766, %bitcast_convert_type3A_154 : vector<16xf32>
        %add3A_778 = arith.addf %mul3A_776, %mul3A_777 : vector<16xf32>
        %mul3A_779 = arith.mulf %get3A_768, %bitcast_convert_type3A_169 : vector<16xf32>
        %add3A_780 = arith.addf %add3A_778, %mul3A_779 : vector<16xf32>
        %mul3A_781 = arith.constant -2.000000e+00 : f32
        %mul3A_782 = vector.broadcast %mul3A_781 : f32 to vector<16xf32>
        %mul3A_783 = arith.mulf %add3A_775, %mul3A_782 : vector<16xf32>
        %add3A_784 = arith.addf %mul3A_783, %add3A_69 : vector<16xf32>
        %add3A_785 = arith.addf %add3A_784, %get3A_770 : vector<16xf32>
        %mul3A_786 = arith.constant -2.000000e+00 : f32
        %mul3A_787 = vector.broadcast %mul3A_786 : f32 to vector<16xf32>
        %mul3A_788 = arith.mulf %add3A_780, %mul3A_787 : vector<16xf32>
        %add3A_789 = arith.addf %mul3A_788, %add3A_124 : vector<16xf32>
        %add3A_790 = arith.addf %add3A_789, %get3A_770 : vector<16xf32>
        %le3A = arith.cmpf ole, %add3A_785, %add3A_308 : vector<16xf32>
        %all_reduce_population_count3A = tpu.all_reduce %le3A {dim = 0 : i64, kind = #tpu.reduction_kind<sum>} : vector<16xi1> -> vector<16xi32>
        %slice3A = vector.extract_strided_slice %all_reduce_population_count3A {offsets = [0], sizes = [1], strides = [1]} : vector<16xi32> to vector<1xi32>
        %squeeze3A = vector.extract %slice3A[0] : i32 from vector<1xi32>
        %le3A_791 = arith.cmpf ole, %add3A_790, %add3A_442 : vector<16xf32>
        %all_reduce_population_count3A_792 = tpu.all_reduce %le3A_791 {dim = 0 : i64, kind = #tpu.reduction_kind<sum>} : vector<16xi1> -> vector<16xi32>
        %slice3A_793 = vector.extract_strided_slice %all_reduce_population_count3A_792 {offsets = [0], sizes = [1], strides = [1]} : vector<16xi32> to vector<1xi32>
        %squeeze3A_794 = vector.extract %slice3A_793[0] : i32 from vector<1xi32>
        %mul3A_795 = arith.constant 8 : i32
        %mul3A_796 = arith.muli %scan3A_754, %mul3A_795 : i32
        %add3A_797 = arith.constant 1 : i32
        %add3A_798 = arith.addi %mul3A_796, %add3A_797 : i32
        %mul3A_799 = arith.constant 16 : i32
        %mul3A_800 = arith.muli %add3A_798, %mul3A_799 : i32
        %get3A_801 = arith.index_cast %mul3A_800 : i32 to index
        %get3A_802 = tpu.vector_load %arg12[%get3A_801] {strides = array<i32>} : memref<16384xf32, #tpu.memory_space<vmem>>, vector<16xf32>,
        %get3A_803 = arith.index_cast %mul3A_800 : i32 to index
        %get3A_804 = tpu.vector_load %arg13[%get3A_803] {strides = array<i32>} : memref<16384xf32, #tpu.memory_space<vmem>>, vector<16xf32>,
        %get3A_805 = arith.index_cast %mul3A_800 : i32 to index
        %get3A_806 = tpu.vector_load %arg14[%get3A_805] {strides = array<i32>} : memref<16384xf32, #tpu.memory_space<vmem>>, vector<16xf32>,
        %get3A_807 = arith.index_cast %mul3A_800 : i32 to index
        %get3A_808 = tpu.vector_load %arg15[%get3A_807] {strides = array<i32>} : memref<16384xf32, #tpu.memory_space<vmem>>, vector<16xf32>,
        %mul3A_809 = arith.mulf %get3A_802, %bitcast_convert_type3A_82 : vector<16xf32>
        %mul3A_810 = arith.mulf %get3A_804, %bitcast_convert_type3A_97 : vector<16xf32>
        %add3A_811 = arith.addf %mul3A_809, %mul3A_810 : vector<16xf32>
        %mul3A_812 = arith.mulf %get3A_806, %bitcast_convert_type3A_112 : vector<16xf32>
        %add3A_813 = arith.addf %add3A_811, %mul3A_812 : vector<16xf32>
        %mul3A_814 = arith.mulf %get3A_802, %bitcast_convert_type3A_139 : vector<16xf32>
        %mul3A_815 = arith.mulf %get3A_804, %bitcast_convert_type3A_154 : vector<16xf32>
        %add3A_816 = arith.addf %mul3A_814, %mul3A_815 : vector<16xf32>
        %mul3A_817 = arith.mulf %get3A_806, %bitcast_convert_type3A_169 : vector<16xf32>
        %add3A_818 = arith.addf %add3A_816, %mul3A_817 : vector<16xf32>
        %mul3A_819 = arith.constant -2.000000e+00 : f32
        %mul3A_820 = vector.broadcast %mul3A_819 : f32 to vector<16xf32>
        %mul3A_821 = arith.mulf %add3A_813, %mul3A_820 : vector<16xf32>
        %add3A_822 = arith.addf %mul3A_821, %add3A_69 : vector<16xf32>
        %add3A_823 = arith.addf %add3A_822, %get3A_808 : vector<16xf32>
        %mul3A_824 = arith.constant -2.000000e+00 : f32
        %mul3A_825 = vector.broadcast %mul3A_824 : f32 to vector<16xf32>
        %mul3A_826 = arith.mulf %add3A_818, %mul3A_825 : vector<16xf32>
        %add3A_827 = arith.addf %mul3A_826, %add3A_124 : vector<16xf32>
        %add3A_828 = arith.addf %add3A_827, %get3A_808 : vector<16xf32>
        %le3A_829 = arith.cmpf ole, %add3A_823, %add3A_308 : vector<16xf32>
        %all_reduce_population_count3A_830 = tpu.all_reduce %le3A_829 {dim = 0 : i64, kind = #tpu.reduction_kind<sum>} : vector<16xi1> -> vector<16xi32>
        %slice3A_831 = vector.extract_strided_slice %all_reduce_population_count3A_830 {offsets = [0], sizes = [1], strides = [1]} : vector<16xi32> to vector<1xi32>
        %squeeze3A_832 = vector.extract %slice3A_831[0] : i32 from vector<1xi32>
        %le3A_833 = arith.cmpf ole, %add3A_828, %add3A_442 : vector<16xf32>
        %all_reduce_population_count3A_834 = tpu.all_reduce %le3A_833 {dim = 0 : i64, kind = #tpu.reduction_kind<sum>} : vector<16xi1> -> vector<16xi32>
        %slice3A_835 = vector.extract_strided_slice %all_reduce_population_count3A_834 {offsets = [0], sizes = [1], strides = [1]} : vector<16xi32> to vector<1xi32>
        %squeeze3A_836 = vector.extract %slice3A_835[0] : i32 from vector<1xi32>
        %mul3A_837 = arith.constant 8 : i32
        %mul3A_838 = arith.muli %scan3A_754, %mul3A_837 : i32
        %add3A_839 = arith.constant 2 : i32
        %add3A_840 = arith.addi %mul3A_838, %add3A_839 : i32
        %mul3A_841 = arith.constant 16 : i32
        %mul3A_842 = arith.muli %add3A_840, %mul3A_841 : i32
        %get3A_843 = arith.index_cast %mul3A_842 : i32 to index
        %get3A_844 = tpu.vector_load %arg12[%get3A_843] {strides = array<i32>} : memref<16384xf32, #tpu.memory_space<vmem>>, vector<16xf32>,
        %get3A_845 = arith.index_cast %mul3A_842 : i32 to index
        %get3A_846 = tpu.vector_load %arg13[%get3A_845] {strides = array<i32>} : memref<16384xf32, #tpu.memory_space<vmem>>, vector<16xf32>,
        %get3A_847 = arith.index_cast %mul3A_842 : i32 to index
        %get3A_848 = tpu.vector_load %arg14[%get3A_847] {strides = array<i32>} : memref<16384xf32, #tpu.memory_space<vmem>>, vector<16xf32>,
        %get3A_849 = arith.index_cast %mul3A_842 : i32 to index
        %get3A_850 = tpu.vector_load %arg15[%get3A_849] {strides = array<i32>} : memref<16384xf32, #tpu.memory_space<vmem>>, vector<16xf32>,
        %mul3A_851 = arith.mulf %get3A_844, %bitcast_convert_type3A_82 : vector<16xf32>
        %mul3A_852 = arith.mulf %get3A_846, %bitcast_convert_type3A_97 : vector<16xf32>
        %add3A_853 = arith.addf %mul3A_851, %mul3A_852 : vector<16xf32>
        %mul3A_854 = arith.mulf %get3A_848, %bitcast_convert_type3A_112 : vector<16xf32>
        %add3A_855 = arith.addf %add3A_853, %mul3A_854 : vector<16xf32>
        %mul3A_856 = arith.mulf %get3A_844, %bitcast_convert_type3A_139 : vector<16xf32>
        %mul3A_857 = arith.mulf %get3A_846, %bitcast_convert_type3A_154 : vector<16xf32>
        %add3A_858 = arith.addf %mul3A_856, %mul3A_857 : vector<16xf32>
        %mul3A_859 = arith.mulf %get3A_848, %bitcast_convert_type3A_169 : vector<16xf32>
        %add3A_860 = arith.addf %add3A_858, %mul3A_859 : vector<16xf32>
        %mul3A_861 = arith.constant -2.000000e+00 : f32
        %mul3A_862 = vector.broadcast %mul3A_861 : f32 to vector<16xf32>
        %mul3A_863 = arith.mulf %add3A_855, %mul3A_862 : vector<16xf32>
        %add3A_864 = arith.addf %mul3A_863, %add3A_69 : vector<16xf32>
        %add3A_865 = arith.addf %add3A_864, %get3A_850 : vector<16xf32>
        %mul3A_866 = arith.constant -2.000000e+00 : f32
        %mul3A_867 = vector.broadcast %mul3A_866 : f32 to vector<16xf32>
        %mul3A_868 = arith.mulf %add3A_860, %mul3A_867 : vector<16xf32>
        %add3A_869 = arith.addf %mul3A_868, %add3A_124 : vector<16xf32>
        %add3A_870 = arith.addf %add3A_869, %get3A_850 : vector<16xf32>
        %le3A_871 = arith.cmpf ole, %add3A_865, %add3A_308 : vector<16xf32>
        %all_reduce_population_count3A_872 = tpu.all_reduce %le3A_871 {dim = 0 : i64, kind = #tpu.reduction_kind<sum>} : vector<16xi1> -> vector<16xi32>
        %slice3A_873 = vector.extract_strided_slice %all_reduce_population_count3A_872 {offsets = [0], sizes = [1], strides = [1]} : vector<16xi32> to vector<1xi32>
        %squeeze3A_874 = vector.extract %slice3A_873[0] : i32 from vector<1xi32>
        %le3A_875 = arith.cmpf ole, %add3A_870, %add3A_442 : vector<16xf32>
        %all_reduce_population_count3A_876 = tpu.all_reduce %le3A_875 {dim = 0 : i64, kind = #tpu.reduction_kind<sum>} : vector<16xi1> -> vector<16xi32>
        %slice3A_877 = vector.extract_strided_slice %all_reduce_population_count3A_876 {offsets = [0], sizes = [1], strides = [1]} : vector<16xi32> to vector<1xi32>
        %squeeze3A_878 = vector.extract %slice3A_877[0] : i32 from vector<1xi32>
        %mul3A_879 = arith.constant 8 : i32
        %mul3A_880 = arith.muli %scan3A_754, %mul3A_879 : i32
        %add3A_881 = arith.constant 3 : i32
        %add3A_882 = arith.addi %mul3A_880, %add3A_881 : i32
        %mul3A_883 = arith.constant 16 : i32
        %mul3A_884 = arith.muli %add3A_882, %mul3A_883 : i32
        %get3A_885 = arith.index_cast %mul3A_884 : i32 to index
        %get3A_886 = tpu.vector_load %arg12[%get3A_885] {strides = array<i32>} : memref<16384xf32, #tpu.memory_space<vmem>>, vector<16xf32>,
        %get3A_887 = arith.index_cast %mul3A_884 : i32 to index
        %get3A_888 = tpu.vector_load %arg13[%get3A_887] {strides = array<i32>} : memref<16384xf32, #tpu.memory_space<vmem>>, vector<16xf32>,
        %get3A_889 = arith.index_cast %mul3A_884 : i32 to index
        %get3A_890 = tpu.vector_load %arg14[%get3A_889] {strides = array<i32>} : memref<16384xf32, #tpu.memory_space<vmem>>, vector<16xf32>,
        %get3A_891 = arith.index_cast %mul3A_884 : i32 to index
        %get3A_892 = tpu.vector_load %arg15[%get3A_891] {strides = array<i32>} : memref<16384xf32, #tpu.memory_space<vmem>>, vector<16xf32>,
        %mul3A_893 = arith.mulf %get3A_886, %bitcast_convert_type3A_82 : vector<16xf32>
        %mul3A_894 = arith.mulf %get3A_888, %bitcast_convert_type3A_97 : vector<16xf32>
        %add3A_895 = arith.addf %mul3A_893, %mul3A_894 : vector<16xf32>
        %mul3A_896 = arith.mulf %get3A_890, %bitcast_convert_type3A_112 : vector<16xf32>
        %add3A_897 = arith.addf %add3A_895, %mul3A_896 : vector<16xf32>
        %mul3A_898 = arith.mulf %get3A_886, %bitcast_convert_type3A_139 : vector<16xf32>
        %mul3A_899 = arith.mulf %get3A_888, %bitcast_convert_type3A_154 : vector<16xf32>
        %add3A_900 = arith.addf %mul3A_898, %mul3A_899 : vector<16xf32>
        %mul3A_901 = arith.mulf %get3A_890, %bitcast_convert_type3A_169 : vector<16xf32>
        %add3A_902 = arith.addf %add3A_900, %mul3A_901 : vector<16xf32>
        %mul3A_903 = arith.constant -2.000000e+00 : f32
        %mul3A_904 = vector.broadcast %mul3A_903 : f32 to vector<16xf32>
        %mul3A_905 = arith.mulf %add3A_897, %mul3A_904 : vector<16xf32>
        %add3A_906 = arith.addf %mul3A_905, %add3A_69 : vector<16xf32>
        %add3A_907 = arith.addf %add3A_906, %get3A_892 : vector<16xf32>
        %mul3A_908 = arith.constant -2.000000e+00 : f32
        %mul3A_909 = vector.broadcast %mul3A_908 : f32 to vector<16xf32>
        %mul3A_910 = arith.mulf %add3A_902, %mul3A_909 : vector<16xf32>
        %add3A_911 = arith.addf %mul3A_910, %add3A_124 : vector<16xf32>
        %add3A_912 = arith.addf %add3A_911, %get3A_892 : vector<16xf32>
        %le3A_913 = arith.cmpf ole, %add3A_907, %add3A_308 : vector<16xf32>
        %all_reduce_population_count3A_914 = tpu.all_reduce %le3A_913 {dim = 0 : i64, kind = #tpu.reduction_kind<sum>} : vector<16xi1> -> vector<16xi32>
        %slice3A_915 = vector.extract_strided_slice %all_reduce_population_count3A_914 {offsets = [0], sizes = [1], strides = [1]} : vector<16xi32> to vector<1xi32>
        %squeeze3A_916 = vector.extract %slice3A_915[0] : i32 from vector<1xi32>
        %le3A_917 = arith.cmpf ole, %add3A_912, %add3A_442 : vector<16xf32>
        %all_reduce_population_count3A_918 = tpu.all_reduce %le3A_917 {dim = 0 : i64, kind = #tpu.reduction_kind<sum>} : vector<16xi1> -> vector<16xi32>
        %slice3A_919 = vector.extract_strided_slice %all_reduce_population_count3A_918 {offsets = [0], sizes = [1], strides = [1]} : vector<16xi32> to vector<1xi32>
        %squeeze3A_920 = vector.extract %slice3A_919[0] : i32 from vector<1xi32>
        %mul3A_921 = arith.constant 8 : i32
        %mul3A_922 = arith.muli %scan3A_754, %mul3A_921 : i32
        %add3A_923 = arith.constant 4 : i32
        %add3A_924 = arith.addi %mul3A_922, %add3A_923 : i32
        %mul3A_925 = arith.constant 16 : i32
        %mul3A_926 = arith.muli %add3A_924, %mul3A_925 : i32
        %get3A_927 = arith.index_cast %mul3A_926 : i32 to index
        %get3A_928 = tpu.vector_load %arg12[%get3A_927] {strides = array<i32>} : memref<16384xf32, #tpu.memory_space<vmem>>, vector<16xf32>,
        %get3A_929 = arith.index_cast %mul3A_926 : i32 to index
        %get3A_930 = tpu.vector_load %arg13[%get3A_929] {strides = array<i32>} : memref<16384xf32, #tpu.memory_space<vmem>>, vector<16xf32>,
        %get3A_931 = arith.index_cast %mul3A_926 : i32 to index
        %get3A_932 = tpu.vector_load %arg14[%get3A_931] {strides = array<i32>} : memref<16384xf32, #tpu.memory_space<vmem>>, vector<16xf32>,
        %get3A_933 = arith.index_cast %mul3A_926 : i32 to index
        %get3A_934 = tpu.vector_load %arg15[%get3A_933] {strides = array<i32>} : memref<16384xf32, #tpu.memory_space<vmem>>, vector<16xf32>,
        %mul3A_935 = arith.mulf %get3A_928, %bitcast_convert_type3A_82 : vector<16xf32>
        %mul3A_936 = arith.mulf %get3A_930, %bitcast_convert_type3A_97 : vector<16xf32>
        %add3A_937 = arith.addf %mul3A_935, %mul3A_936 : vector<16xf32>
        %mul3A_938 = arith.mulf %get3A_932, %bitcast_convert_type3A_112 : vector<16xf32>
        %add3A_939 = arith.addf %add3A_937, %mul3A_938 : vector<16xf32>
        %mul3A_940 = arith.mulf %get3A_928, %bitcast_convert_type3A_139 : vector<16xf32>
        %mul3A_941 = arith.mulf %get3A_930, %bitcast_convert_type3A_154 : vector<16xf32>
        %add3A_942 = arith.addf %mul3A_940, %mul3A_941 : vector<16xf32>
        %mul3A_943 = arith.mulf %get3A_932, %bitcast_convert_type3A_169 : vector<16xf32>
        %add3A_944 = arith.addf %add3A_942, %mul3A_943 : vector<16xf32>
        %mul3A_945 = arith.constant -2.000000e+00 : f32
        %mul3A_946 = vector.broadcast %mul3A_945 : f32 to vector<16xf32>
        %mul3A_947 = arith.mulf %add3A_939, %mul3A_946 : vector<16xf32>
        %add3A_948 = arith.addf %mul3A_947, %add3A_69 : vector<16xf32>
        %add3A_949 = arith.addf %add3A_948, %get3A_934 : vector<16xf32>
        %mul3A_950 = arith.constant -2.000000e+00 : f32
        %mul3A_951 = vector.broadcast %mul3A_950 : f32 to vector<16xf32>
        %mul3A_952 = arith.mulf %add3A_944, %mul3A_951 : vector<16xf32>
        %add3A_953 = arith.addf %mul3A_952, %add3A_124 : vector<16xf32>
        %add3A_954 = arith.addf %add3A_953, %get3A_934 : vector<16xf32>
        %le3A_955 = arith.cmpf ole, %add3A_949, %add3A_308 : vector<16xf32>
        %all_reduce_population_count3A_956 = tpu.all_reduce %le3A_955 {dim = 0 : i64, kind = #tpu.reduction_kind<sum>} : vector<16xi1> -> vector<16xi32>
        %slice3A_957 = vector.extract_strided_slice %all_reduce_population_count3A_956 {offsets = [0], sizes = [1], strides = [1]} : vector<16xi32> to vector<1xi32>
        %squeeze3A_958 = vector.extract %slice3A_957[0] : i32 from vector<1xi32>
        %le3A_959 = arith.cmpf ole, %add3A_954, %add3A_442 : vector<16xf32>
        %all_reduce_population_count3A_960 = tpu.all_reduce %le3A_959 {dim = 0 : i64, kind = #tpu.reduction_kind<sum>} : vector<16xi1> -> vector<16xi32>
        %slice3A_961 = vector.extract_strided_slice %all_reduce_population_count3A_960 {offsets = [0], sizes = [1], strides = [1]} : vector<16xi32> to vector<1xi32>
        %squeeze3A_962 = vector.extract %slice3A_961[0] : i32 from vector<1xi32>
        %mul3A_963 = arith.constant 8 : i32
        %mul3A_964 = arith.muli %scan3A_754, %mul3A_963 : i32
        %add3A_965 = arith.constant 5 : i32
        %add3A_966 = arith.addi %mul3A_964, %add3A_965 : i32
        %mul3A_967 = arith.constant 16 : i32
        %mul3A_968 = arith.muli %add3A_966, %mul3A_967 : i32
        %get3A_969 = arith.index_cast %mul3A_968 : i32 to index
        %get3A_970 = tpu.vector_load %arg12[%get3A_969] {strides = array<i32>} : memref<16384xf32, #tpu.memory_space<vmem>>, vector<16xf32>,
        %get3A_971 = arith.index_cast %mul3A_968 : i32 to index
        %get3A_972 = tpu.vector_load %arg13[%get3A_971] {strides = array<i32>} : memref<16384xf32, #tpu.memory_space<vmem>>, vector<16xf32>,
        %get3A_973 = arith.index_cast %mul3A_968 : i32 to index
        %get3A_974 = tpu.vector_load %arg14[%get3A_973] {strides = array<i32>} : memref<16384xf32, #tpu.memory_space<vmem>>, vector<16xf32>,
        %get3A_975 = arith.index_cast %mul3A_968 : i32 to index
        %get3A_976 = tpu.vector_load %arg15[%get3A_975] {strides = array<i32>} : memref<16384xf32, #tpu.memory_space<vmem>>, vector<16xf32>,
        %mul3A_977 = arith.mulf %get3A_970, %bitcast_convert_type3A_82 : vector<16xf32>
        %mul3A_978 = arith.mulf %get3A_972, %bitcast_convert_type3A_97 : vector<16xf32>
        %add3A_979 = arith.addf %mul3A_977, %mul3A_978 : vector<16xf32>
        %mul3A_980 = arith.mulf %get3A_974, %bitcast_convert_type3A_112 : vector<16xf32>
        %add3A_981 = arith.addf %add3A_979, %mul3A_980 : vector<16xf32>
        %mul3A_982 = arith.mulf %get3A_970, %bitcast_convert_type3A_139 : vector<16xf32>
        %mul3A_983 = arith.mulf %get3A_972, %bitcast_convert_type3A_154 : vector<16xf32>
        %add3A_984 = arith.addf %mul3A_982, %mul3A_983 : vector<16xf32>
        %mul3A_985 = arith.mulf %get3A_974, %bitcast_convert_type3A_169 : vector<16xf32>
        %add3A_986 = arith.addf %add3A_984, %mul3A_985 : vector<16xf32>
        %mul3A_987 = arith.constant -2.000000e+00 : f32
        %mul3A_988 = vector.broadcast %mul3A_987 : f32 to vector<16xf32>
        %mul3A_989 = arith.mulf %add3A_981, %mul3A_988 : vector<16xf32>
        %add3A_990 = arith.addf %mul3A_989, %add3A_69 : vector<16xf32>
        %add3A_991 = arith.addf %add3A_990, %get3A_976 : vector<16xf32>
        %mul3A_992 = arith.constant -2.000000e+00 : f32
        %mul3A_993 = vector.broadcast %mul3A_992 : f32 to vector<16xf32>
        %mul3A_994 = arith.mulf %add3A_986, %mul3A_993 : vector<16xf32>
        %add3A_995 = arith.addf %mul3A_994, %add3A_124 : vector<16xf32>
        %add3A_996 = arith.addf %add3A_995, %get3A_976 : vector<16xf32>
        %le3A_997 = arith.cmpf ole, %add3A_991, %add3A_308 : vector<16xf32>
        %all_reduce_population_count3A_998 = tpu.all_reduce %le3A_997 {dim = 0 : i64, kind = #tpu.reduction_kind<sum>} : vector<16xi1> -> vector<16xi32>
        %slice3A_999 = vector.extract_strided_slice %all_reduce_population_count3A_998 {offsets = [0], sizes = [1], strides = [1]} : vector<16xi32> to vector<1xi32>
        %squeeze3A_1000 = vector.extract %slice3A_999[0] : i32 from vector<1xi32>
        %le3A_1001 = arith.cmpf ole, %add3A_996, %add3A_442 : vector<16xf32>
        %all_reduce_population_count3A_1002 = tpu.all_reduce %le3A_1001 {dim = 0 : i64, kind = #tpu.reduction_kind<sum>} : vector<16xi1> -> vector<16xi32>
        %slice3A_1003 = vector.extract_strided_slice %all_reduce_population_count3A_1002 {offsets = [0], sizes = [1], strides = [1]} : vector<16xi32> to vector<1xi32>
        %squeeze3A_1004 = vector.extract %slice3A_1003[0] : i32 from vector<1xi32>
        %mul3A_1005 = arith.constant 8 : i32
        %mul3A_1006 = arith.muli %scan3A_754, %mul3A_1005 : i32
        %add3A_1007 = arith.constant 6 : i32
        %add3A_1008 = arith.addi %mul3A_1006, %add3A_1007 : i32
        %mul3A_1009 = arith.constant 16 : i32
        %mul3A_1010 = arith.muli %add3A_1008, %mul3A_1009 : i32
        %get3A_1011 = arith.index_cast %mul3A_1010 : i32 to index
        %get3A_1012 = tpu.vector_load %arg12[%get3A_1011] {strides = array<i32>} : memref<16384xf32, #tpu.memory_space<vmem>>, vector<16xf32>,
        %get3A_1013 = arith.index_cast %mul3A_1010 : i32 to index
        %get3A_1014 = tpu.vector_load %arg13[%get3A_1013] {strides = array<i32>} : memref<16384xf32, #tpu.memory_space<vmem>>, vector<16xf32>,
        %get3A_1015 = arith.index_cast %mul3A_1010 : i32 to index
        %get3A_1016 = tpu.vector_load %arg14[%get3A_1015] {strides = array<i32>} : memref<16384xf32, #tpu.memory_space<vmem>>, vector<16xf32>,
        %get3A_1017 = arith.index_cast %mul3A_1010 : i32 to index
        %get3A_1018 = tpu.vector_load %arg15[%get3A_1017] {strides = array<i32>} : memref<16384xf32, #tpu.memory_space<vmem>>, vector<16xf32>,
        %mul3A_1019 = arith.mulf %get3A_1012, %bitcast_convert_type3A_82 : vector<16xf32>
        %mul3A_1020 = arith.mulf %get3A_1014, %bitcast_convert_type3A_97 : vector<16xf32>
        %add3A_1021 = arith.addf %mul3A_1019, %mul3A_1020 : vector<16xf32>
        %mul3A_1022 = arith.mulf %get3A_1016, %bitcast_convert_type3A_112 : vector<16xf32>
        %add3A_1023 = arith.addf %add3A_1021, %mul3A_1022 : vector<16xf32>
        %mul3A_1024 = arith.mulf %get3A_1012, %bitcast_convert_type3A_139 : vector<16xf32>
        %mul3A_1025 = arith.mulf %get3A_1014, %bitcast_convert_type3A_154 : vector<16xf32>
        %add3A_1026 = arith.addf %mul3A_1024, %mul3A_1025 : vector<16xf32>
        %mul3A_1027 = arith.mulf %get3A_1016, %bitcast_convert_type3A_169 : vector<16xf32>
        %add3A_1028 = arith.addf %add3A_1026, %mul3A_1027 : vector<16xf32>
        %mul3A_1029 = arith.constant -2.000000e+00 : f32
        %mul3A_1030 = vector.broadcast %mul3A_1029 : f32 to vector<16xf32>
        %mul3A_1031 = arith.mulf %add3A_1023, %mul3A_1030 : vector<16xf32>
        %add3A_1032 = arith.addf %mul3A_1031, %add3A_69 : vector<16xf32>
        %add3A_1033 = arith.addf %add3A_1032, %get3A_1018 : vector<16xf32>
        %mul3A_1034 = arith.constant -2.000000e+00 : f32
        %mul3A_1035 = vector.broadcast %mul3A_1034 : f32 to vector<16xf32>
        %mul3A_1036 = arith.mulf %add3A_1028, %mul3A_1035 : vector<16xf32>
        %add3A_1037 = arith.addf %mul3A_1036, %add3A_124 : vector<16xf32>
        %add3A_1038 = arith.addf %add3A_1037, %get3A_1018 : vector<16xf32>
        %le3A_1039 = arith.cmpf ole, %add3A_1033, %add3A_308 : vector<16xf32>
        %all_reduce_population_count3A_1040 = tpu.all_reduce %le3A_1039 {dim = 0 : i64, kind = #tpu.reduction_kind<sum>} : vector<16xi1> -> vector<16xi32>
        %slice3A_1041 = vector.extract_strided_slice %all_reduce_population_count3A_1040 {offsets = [0], sizes = [1], strides = [1]} : vector<16xi32> to vector<1xi32>
        %squeeze3A_1042 = vector.extract %slice3A_1041[0] : i32 from vector<1xi32>
        %le3A_1043 = arith.cmpf ole, %add3A_1038, %add3A_442 : vector<16xf32>
        %all_reduce_population_count3A_1044 = tpu.all_reduce %le3A_1043 {dim = 0 : i64, kind = #tpu.reduction_kind<sum>} : vector<16xi1> -> vector<16xi32>
        %slice3A_1045 = vector.extract_strided_slice %all_reduce_population_count3A_1044 {offsets = [0], sizes = [1], strides = [1]} : vector<16xi32> to vector<1xi32>
        %squeeze3A_1046 = vector.extract %slice3A_1045[0] : i32 from vector<1xi32>
        %mul3A_1047 = arith.constant 8 : i32
        %mul3A_1048 = arith.muli %scan3A_754, %mul3A_1047 : i32
        %add3A_1049 = arith.constant 7 : i32
        %add3A_1050 = arith.addi %mul3A_1048, %add3A_1049 : i32
        %mul3A_1051 = arith.constant 16 : i32
        %mul3A_1052 = arith.muli %add3A_1050, %mul3A_1051 : i32
        %get3A_1053 = arith.index_cast %mul3A_1052 : i32 to index
        %get3A_1054 = tpu.vector_load %arg12[%get3A_1053] {strides = array<i32>} : memref<16384xf32, #tpu.memory_space<vmem>>, vector<16xf32>,
        %get3A_1055 = arith.index_cast %mul3A_1052 : i32 to index
        %get3A_1056 = tpu.vector_load %arg13[%get3A_1055] {strides = array<i32>} : memref<16384xf32, #tpu.memory_space<vmem>>, vector<16xf32>,
        %get3A_1057 = arith.index_cast %mul3A_1052 : i32 to index
        %get3A_1058 = tpu.vector_load %arg14[%get3A_1057] {strides = array<i32>} : memref<16384xf32, #tpu.memory_space<vmem>>, vector<16xf32>,
        %get3A_1059 = arith.index_cast %mul3A_1052 : i32 to index
        %get3A_1060 = tpu.vector_load %arg15[%get3A_1059] {strides = array<i32>} : memref<16384xf32, #tpu.memory_space<vmem>>, vector<16xf32>,
        %mul3A_1061 = arith.mulf %get3A_1054, %bitcast_convert_type3A_82 : vector<16xf32>
        %mul3A_1062 = arith.mulf %get3A_1056, %bitcast_convert_type3A_97 : vector<16xf32>
        %add3A_1063 = arith.addf %mul3A_1061, %mul3A_1062 : vector<16xf32>
        %mul3A_1064 = arith.mulf %get3A_1058, %bitcast_convert_type3A_112 : vector<16xf32>
        %add3A_1065 = arith.addf %add3A_1063, %mul3A_1064 : vector<16xf32>
        %mul3A_1066 = arith.mulf %get3A_1054, %bitcast_convert_type3A_139 : vector<16xf32>
        %mul3A_1067 = arith.mulf %get3A_1056, %bitcast_convert_type3A_154 : vector<16xf32>
        %add3A_1068 = arith.addf %mul3A_1066, %mul3A_1067 : vector<16xf32>
        %mul3A_1069 = arith.mulf %get3A_1058, %bitcast_convert_type3A_169 : vector<16xf32>
        %add3A_1070 = arith.addf %add3A_1068, %mul3A_1069 : vector<16xf32>
        %mul3A_1071 = arith.constant -2.000000e+00 : f32
        %mul3A_1072 = vector.broadcast %mul3A_1071 : f32 to vector<16xf32>
        %mul3A_1073 = arith.mulf %add3A_1065, %mul3A_1072 : vector<16xf32>
        %add3A_1074 = arith.addf %mul3A_1073, %add3A_69 : vector<16xf32>
        %add3A_1075 = arith.addf %add3A_1074, %get3A_1060 : vector<16xf32>
        %mul3A_1076 = arith.constant -2.000000e+00 : f32
        %mul3A_1077 = vector.broadcast %mul3A_1076 : f32 to vector<16xf32>
        %mul3A_1078 = arith.mulf %add3A_1070, %mul3A_1077 : vector<16xf32>
        %add3A_1079 = arith.addf %mul3A_1078, %add3A_124 : vector<16xf32>
        %add3A_1080 = arith.addf %add3A_1079, %get3A_1060 : vector<16xf32>
        %le3A_1081 = arith.cmpf ole, %add3A_1075, %add3A_308 : vector<16xf32>
        %all_reduce_population_count3A_1082 = tpu.all_reduce %le3A_1081 {dim = 0 : i64, kind = #tpu.reduction_kind<sum>} : vector<16xi1> -> vector<16xi32>
        %slice3A_1083 = vector.extract_strided_slice %all_reduce_population_count3A_1082 {offsets = [0], sizes = [1], strides = [1]} : vector<16xi32> to vector<1xi32>
        %squeeze3A_1084 = vector.extract %slice3A_1083[0] : i32 from vector<1xi32>
        %le3A_1085 = arith.cmpf ole, %add3A_1080, %add3A_442 : vector<16xf32>
        %all_reduce_population_count3A_1086 = tpu.all_reduce %le3A_1085 {dim = 0 : i64, kind = #tpu.reduction_kind<sum>} : vector<16xi1> -> vector<16xi32>
        %slice3A_1087 = vector.extract_strided_slice %all_reduce_population_count3A_1086 {offsets = [0], sizes = [1], strides = [1]} : vector<16xi32> to vector<1xi32>
        %squeeze3A_1088 = vector.extract %slice3A_1087[0] : i32 from vector<1xi32>
        %mul3A_1089 = arith.constant 8 : i32
        %mul3A_1090 = arith.muli %scan3A_754, %mul3A_1089 : i32
        %add3A_1091 = arith.constant 0 : i32
        %add3A_1092 = arith.addi %mul3A_1090, %add3A_1091 : i32
        %mul3A_1093 = arith.constant 16 : i32
        %mul3A_1094 = arith.muli %add3A_1092, %mul3A_1093 : i32
        %le3A_1095 = arith.cmpf ole, %add3A_785, %add3A_308 : vector<16xf32>
        %swap3A_1096 = arith.index_cast %scan3A_755 : i32 to index
        %swap3A_1097 = tpu.vector_load %arg19[%swap3A_1096] masked %le3A_1095 {strides = array<i32>} : memref<2112xf32, #tpu.memory_space<vmem>>, vector<16xf32>, vector<16xi1>
        tpu.vector_store %arg19[%swap3A_1096], %add3A_785 masked %le3A_1095 {strides = array<i32>} : memref<2112xf32, #tpu.memory_space<vmem>>, vector<16xf32>, vector<16xi1>
        %add3A_1098 = vector.broadcast %mul3A_1094 : i32 to vector<16xi32>
        %add3A_1099 = arith.addi %iota3A, %add3A_1098 : vector<16xi32>
        %swap3A_1100 = arith.index_cast %scan3A_755 : i32 to index
        %swap3A_1101 = tpu.vector_load %arg20[%swap3A_1100] masked %le3A_1095 {strides = array<i32>} : memref<2112xi32, #tpu.memory_space<vmem>>, vector<16xi32>, vector<16xi1>
        tpu.vector_store %arg20[%swap3A_1100], %add3A_1099 masked %le3A_1095 {strides = array<i32>} : memref<2112xi32, #tpu.memory_space<vmem>>, vector<16xi32>, vector<16xi1>
        %add3A_1102 = arith.addi %scan3A_755, %squeeze3A : i32
        %mul3A_1103 = arith.constant 8 : i32
        %mul3A_1104 = arith.muli %scan3A_754, %mul3A_1103 : i32
        %add3A_1105 = arith.constant 1 : i32
        %add3A_1106 = arith.addi %mul3A_1104, %add3A_1105 : i32
        %mul3A_1107 = arith.constant 16 : i32
        %mul3A_1108 = arith.muli %add3A_1106, %mul3A_1107 : i32
        %le3A_1109 = arith.cmpf ole, %add3A_823, %add3A_308 : vector<16xf32>
        %swap3A_1110 = arith.index_cast %add3A_1102 : i32 to index
        %swap3A_1111 = tpu.vector_load %arg19[%swap3A_1110] masked %le3A_1109 {strides = array<i32>} : memref<2112xf32, #tpu.memory_space<vmem>>, vector<16xf32>, vector<16xi1>
        tpu.vector_store %arg19[%swap3A_1110], %add3A_823 masked %le3A_1109 {strides = array<i32>} : memref<2112xf32, #tpu.memory_space<vmem>>, vector<16xf32>, vector<16xi1>
        %add3A_1112 = vector.broadcast %mul3A_1108 : i32 to vector<16xi32>
        %add3A_1113 = arith.addi %iota3A, %add3A_1112 : vector<16xi32>
        %swap3A_1114 = arith.index_cast %add3A_1102 : i32 to index
        %swap3A_1115 = tpu.vector_load %arg20[%swap3A_1114] masked %le3A_1109 {strides = array<i32>} : memref<2112xi32, #tpu.memory_space<vmem>>, vector<16xi32>, vector<16xi1>
        tpu.vector_store %arg20[%swap3A_1114], %add3A_1113 masked %le3A_1109 {strides = array<i32>} : memref<2112xi32, #tpu.memory_space<vmem>>, vector<16xi32>, vector<16xi1>
        %add3A_1116 = arith.addi %add3A_1102, %squeeze3A_832 : i32
        %min3A_1117 = arith.constant 2048 : i32
        %min3A_1118 = arith.minsi %add3A_1116, %min3A_1117 : i32
        %mul3A_1119 = arith.constant 8 : i32
        %mul3A_1120 = arith.muli %scan3A_754, %mul3A_1119 : i32
        %add3A_1121 = arith.constant 2 : i32
        %add3A_1122 = arith.addi %mul3A_1120, %add3A_1121 : i32
        %mul3A_1123 = arith.constant 16 : i32
        %mul3A_1124 = arith.muli %add3A_1122, %mul3A_1123 : i32
        %le3A_1125 = arith.cmpf ole, %add3A_865, %add3A_308 : vector<16xf32>
        %swap3A_1126 = arith.index_cast %min3A_1118 : i32 to index
        %swap3A_1127 = tpu.vector_load %arg19[%swap3A_1126] masked %le3A_1125 {strides = array<i32>} : memref<2112xf32, #tpu.memory_space<vmem>>, vector<16xf32>, vector<16xi1>
        tpu.vector_store %arg19[%swap3A_1126], %add3A_865 masked %le3A_1125 {strides = array<i32>} : memref<2112xf32, #tpu.memory_space<vmem>>, vector<16xf32>, vector<16xi1>
        %add3A_1128 = vector.broadcast %mul3A_1124 : i32 to vector<16xi32>
        %add3A_1129 = arith.addi %iota3A, %add3A_1128 : vector<16xi32>
        %swap3A_1130 = arith.index_cast %min3A_1118 : i32 to index
        %swap3A_1131 = tpu.vector_load %arg20[%swap3A_1130] masked %le3A_1125 {strides = array<i32>} : memref<2112xi32, #tpu.memory_space<vmem>>, vector<16xi32>, vector<16xi1>
        tpu.vector_store %arg20[%swap3A_1130], %add3A_1129 masked %le3A_1125 {strides = array<i32>} : memref<2112xi32, #tpu.memory_space<vmem>>, vector<16xi32>, vector<16xi1>
        %add3A_1132 = arith.addi %min3A_1118, %squeeze3A_874 : i32
        %mul3A_1133 = arith.constant 8 : i32
        %mul3A_1134 = arith.muli %scan3A_754, %mul3A_1133 : i32
        %add3A_1135 = arith.constant 3 : i32
        %add3A_1136 = arith.addi %mul3A_1134, %add3A_1135 : i32
        %mul3A_1137 = arith.constant 16 : i32
        %mul3A_1138 = arith.muli %add3A_1136, %mul3A_1137 : i32
        %le3A_1139 = arith.cmpf ole, %add3A_907, %add3A_308 : vector<16xf32>
        %swap3A_1140 = arith.index_cast %add3A_1132 : i32 to index
        %swap3A_1141 = tpu.vector_load %arg19[%swap3A_1140] masked %le3A_1139 {strides = array<i32>} : memref<2112xf32, #tpu.memory_space<vmem>>, vector<16xf32>, vector<16xi1>
        tpu.vector_store %arg19[%swap3A_1140], %add3A_907 masked %le3A_1139 {strides = array<i32>} : memref<2112xf32, #tpu.memory_space<vmem>>, vector<16xf32>, vector<16xi1>
        %add3A_1142 = vector.broadcast %mul3A_1138 : i32 to vector<16xi32>
        %add3A_1143 = arith.addi %iota3A, %add3A_1142 : vector<16xi32>
        %swap3A_1144 = arith.index_cast %add3A_1132 : i32 to index
        %swap3A_1145 = tpu.vector_load %arg20[%swap3A_1144] masked %le3A_1139 {strides = array<i32>} : memref<2112xi32, #tpu.memory_space<vmem>>, vector<16xi32>, vector<16xi1>
        tpu.vector_store %arg20[%swap3A_1144], %add3A_1143 masked %le3A_1139 {strides = array<i32>} : memref<2112xi32, #tpu.memory_space<vmem>>, vector<16xi32>, vector<16xi1>
        %add3A_1146 = arith.addi %add3A_1132, %squeeze3A_916 : i32
        %min3A_1147 = arith.constant 2048 : i32
        %min3A_1148 = arith.minsi %add3A_1146, %min3A_1147 : i32
        %mul3A_1149 = arith.constant 8 : i32
        %mul3A_1150 = arith.muli %scan3A_754, %mul3A_1149 : i32
        %add3A_1151 = arith.constant 4 : i32
        %add3A_1152 = arith.addi %mul3A_1150, %add3A_1151 : i32
        %mul3A_1153 = arith.constant 16 : i32
        %mul3A_1154 = arith.muli %add3A_1152, %mul3A_1153 : i32
        %le3A_1155 = arith.cmpf ole, %add3A_949, %add3A_308 : vector<16xf32>
        %swap3A_1156 = arith.index_cast %min3A_1148 : i32 to index
        %swap3A_1157 = tpu.vector_load %arg19[%swap3A_1156] masked %le3A_1155 {strides = array<i32>} : memref<2112xf32, #tpu.memory_space<vmem>>, vector<16xf32>, vector<16xi1>
        tpu.vector_store %arg19[%swap3A_1156], %add3A_949 masked %le3A_1155 {strides = array<i32>} : memref<2112xf32, #tpu.memory_space<vmem>>, vector<16xf32>, vector<16xi1>
        %add3A_1158 = vector.broadcast %mul3A_1154 : i32 to vector<16xi32>
        %add3A_1159 = arith.addi %iota3A, %add3A_1158 : vector<16xi32>
        %swap3A_1160 = arith.index_cast %min3A_1148 : i32 to index
        %swap3A_1161 = tpu.vector_load %arg20[%swap3A_1160] masked %le3A_1155 {strides = array<i32>} : memref<2112xi32, #tpu.memory_space<vmem>>, vector<16xi32>, vector<16xi1>
        tpu.vector_store %arg20[%swap3A_1160], %add3A_1159 masked %le3A_1155 {strides = array<i32>} : memref<2112xi32, #tpu.memory_space<vmem>>, vector<16xi32>, vector<16xi1>
        %add3A_1162 = arith.addi %min3A_1148, %squeeze3A_958 : i32
        %mul3A_1163 = arith.constant 8 : i32
        %mul3A_1164 = arith.muli %scan3A_754, %mul3A_1163 : i32
        %add3A_1165 = arith.constant 5 : i32
        %add3A_1166 = arith.addi %mul3A_1164, %add3A_1165 : i32
        %mul3A_1167 = arith.constant 16 : i32
        %mul3A_1168 = arith.muli %add3A_1166, %mul3A_1167 : i32
        %le3A_1169 = arith.cmpf ole, %add3A_991, %add3A_308 : vector<16xf32>
        %swap3A_1170 = arith.index_cast %add3A_1162 : i32 to index
        %swap3A_1171 = tpu.vector_load %arg19[%swap3A_1170] masked %le3A_1169 {strides = array<i32>} : memref<2112xf32, #tpu.memory_space<vmem>>, vector<16xf32>, vector<16xi1>
        tpu.vector_store %arg19[%swap3A_1170], %add3A_991 masked %le3A_1169 {strides = array<i32>} : memref<2112xf32, #tpu.memory_space<vmem>>, vector<16xf32>, vector<16xi1>
        %add3A_1172 = vector.broadcast %mul3A_1168 : i32 to vector<16xi32>
        %add3A_1173 = arith.addi %iota3A, %add3A_1172 : vector<16xi32>
        %swap3A_1174 = arith.index_cast %add3A_1162 : i32 to index
        %swap3A_1175 = tpu.vector_load %arg20[%swap3A_1174] masked %le3A_1169 {strides = array<i32>} : memref<2112xi32, #tpu.memory_space<vmem>>, vector<16xi32>, vector<16xi1>
        tpu.vector_store %arg20[%swap3A_1174], %add3A_1173 masked %le3A_1169 {strides = array<i32>} : memref<2112xi32, #tpu.memory_space<vmem>>, vector<16xi32>, vector<16xi1>
        %add3A_1176 = arith.addi %add3A_1162, %squeeze3A_1000 : i32
        %min3A_1177 = arith.constant 2048 : i32
        %min3A_1178 = arith.minsi %add3A_1176, %min3A_1177 : i32
        %mul3A_1179 = arith.constant 8 : i32
        %mul3A_1180 = arith.muli %scan3A_754, %mul3A_1179 : i32
        %add3A_1181 = arith.constant 6 : i32
        %add3A_1182 = arith.addi %mul3A_1180, %add3A_1181 : i32
        %mul3A_1183 = arith.constant 16 : i32
        %mul3A_1184 = arith.muli %add3A_1182, %mul3A_1183 : i32
        %le3A_1185 = arith.cmpf ole, %add3A_1033, %add3A_308 : vector<16xf32>
        %swap3A_1186 = arith.index_cast %min3A_1178 : i32 to index
        %swap3A_1187 = tpu.vector_load %arg19[%swap3A_1186] masked %le3A_1185 {strides = array<i32>} : memref<2112xf32, #tpu.memory_space<vmem>>, vector<16xf32>, vector<16xi1>
        tpu.vector_store %arg19[%swap3A_1186], %add3A_1033 masked %le3A_1185 {strides = array<i32>} : memref<2112xf32, #tpu.memory_space<vmem>>, vector<16xf32>, vector<16xi1>
        %add3A_1188 = vector.broadcast %mul3A_1184 : i32 to vector<16xi32>
        %add3A_1189 = arith.addi %iota3A, %add3A_1188 : vector<16xi32>
        %swap3A_1190 = arith.index_cast %min3A_1178 : i32 to index
        %swap3A_1191 = tpu.vector_load %arg20[%swap3A_1190] masked %le3A_1185 {strides = array<i32>} : memref<2112xi32, #tpu.memory_space<vmem>>, vector<16xi32>, vector<16xi1>
        tpu.vector_store %arg20[%swap3A_1190], %add3A_1189 masked %le3A_1185 {strides = array<i32>} : memref<2112xi32, #tpu.memory_space<vmem>>, vector<16xi32>, vector<16xi1>
        %add3A_1192 = arith.addi %min3A_1178, %squeeze3A_1042 : i32
        %mul3A_1193 = arith.constant 8 : i32
        %mul3A_1194 = arith.muli %scan3A_754, %mul3A_1193 : i32
        %add3A_1195 = arith.constant 7 : i32
        %add3A_1196 = arith.addi %mul3A_1194, %add3A_1195 : i32
        %mul3A_1197 = arith.constant 16 : i32
        %mul3A_1198 = arith.muli %add3A_1196, %mul3A_1197 : i32
        %le3A_1199 = arith.cmpf ole, %add3A_1075, %add3A_308 : vector<16xf32>
        %swap3A_1200 = arith.index_cast %add3A_1192 : i32 to index
        %swap3A_1201 = tpu.vector_load %arg19[%swap3A_1200] masked %le3A_1199 {strides = array<i32>} : memref<2112xf32, #tpu.memory_space<vmem>>, vector<16xf32>, vector<16xi1>
        tpu.vector_store %arg19[%swap3A_1200], %add3A_1075 masked %le3A_1199 {strides = array<i32>} : memref<2112xf32, #tpu.memory_space<vmem>>, vector<16xf32>, vector<16xi1>
        %add3A_1202 = vector.broadcast %mul3A_1198 : i32 to vector<16xi32>
        %add3A_1203 = arith.addi %iota3A, %add3A_1202 : vector<16xi32>
        %swap3A_1204 = arith.index_cast %add3A_1192 : i32 to index
        %swap3A_1205 = tpu.vector_load %arg20[%swap3A_1204] masked %le3A_1199 {strides = array<i32>} : memref<2112xi32, #tpu.memory_space<vmem>>, vector<16xi32>, vector<16xi1>
        tpu.vector_store %arg20[%swap3A_1204], %add3A_1203 masked %le3A_1199 {strides = array<i32>} : memref<2112xi32, #tpu.memory_space<vmem>>, vector<16xi32>, vector<16xi1>
        %add3A_1206 = arith.addi %add3A_1192, %squeeze3A_1084 : i32
        %min3A_1207 = arith.constant 2048 : i32
        %min3A_1208 = arith.minsi %add3A_1206, %min3A_1207 : i32
        %mul3A_1209 = arith.constant 8 : i32
        %mul3A_1210 = arith.muli %scan3A_754, %mul3A_1209 : i32
        %add3A_1211 = arith.constant 0 : i32
        %add3A_1212 = arith.addi %mul3A_1210, %add3A_1211 : i32
        %mul3A_1213 = arith.constant 16 : i32
        %mul3A_1214 = arith.muli %add3A_1212, %mul3A_1213 : i32
        %le3A_1215 = arith.cmpf ole, %add3A_790, %add3A_442 : vector<16xf32>
        %swap3A_1216 = arith.index_cast %scan3A_756 : i32 to index
        %swap3A_1217 = tpu.vector_load %arg21[%swap3A_1216] masked %le3A_1215 {strides = array<i32>} : memref<2112xf32, #tpu.memory_space<vmem>>, vector<16xf32>, vector<16xi1>
        tpu.vector_store %arg21[%swap3A_1216], %add3A_790 masked %le3A_1215 {strides = array<i32>} : memref<2112xf32, #tpu.memory_space<vmem>>, vector<16xf32>, vector<16xi1>
        %add3A_1218 = vector.broadcast %mul3A_1214 : i32 to vector<16xi32>
        %add3A_1219 = arith.addi %iota3A, %add3A_1218 : vector<16xi32>
        %swap3A_1220 = arith.index_cast %scan3A_756 : i32 to index
        %swap3A_1221 = tpu.vector_load %arg22[%swap3A_1220] masked %le3A_1215 {strides = array<i32>} : memref<2112xi32, #tpu.memory_space<vmem>>, vector<16xi32>, vector<16xi1>
        tpu.vector_store %arg22[%swap3A_1220], %add3A_1219 masked %le3A_1215 {strides = array<i32>} : memref<2112xi32, #tpu.memory_space<vmem>>, vector<16xi32>, vector<16xi1>
        %add3A_1222 = arith.addi %scan3A_756, %squeeze3A_794 : i32
        %mul3A_1223 = arith.constant 8 : i32
        %mul3A_1224 = arith.muli %scan3A_754, %mul3A_1223 : i32
        %add3A_1225 = arith.constant 1 : i32
        %add3A_1226 = arith.addi %mul3A_1224, %add3A_1225 : i32
        %mul3A_1227 = arith.constant 16 : i32
        %mul3A_1228 = arith.muli %add3A_1226, %mul3A_1227 : i32
        %le3A_1229 = arith.cmpf ole, %add3A_828, %add3A_442 : vector<16xf32>
        %swap3A_1230 = arith.index_cast %add3A_1222 : i32 to index
        %swap3A_1231 = tpu.vector_load %arg21[%swap3A_1230] masked %le3A_1229 {strides = array<i32>} : memref<2112xf32, #tpu.memory_space<vmem>>, vector<16xf32>, vector<16xi1>
        tpu.vector_store %arg21[%swap3A_1230], %add3A_828 masked %le3A_1229 {strides = array<i32>} : memref<2112xf32, #tpu.memory_space<vmem>>, vector<16xf32>, vector<16xi1>
        %add3A_1232 = vector.broadcast %mul3A_1228 : i32 to vector<16xi32>
        %add3A_1233 = arith.addi %iota3A, %add3A_1232 : vector<16xi32>
        %swap3A_1234 = arith.index_cast %add3A_1222 : i32 to index
        %swap3A_1235 = tpu.vector_load %arg22[%swap3A_1234] masked %le3A_1229 {strides = array<i32>} : memref<2112xi32, #tpu.memory_space<vmem>>, vector<16xi32>, vector<16xi1>
        tpu.vector_store %arg22[%swap3A_1234], %add3A_1233 masked %le3A_1229 {strides = array<i32>} : memref<2112xi32, #tpu.memory_space<vmem>>, vector<16xi32>, vector<16xi1>
        %add3A_1236 = arith.addi %add3A_1222, %squeeze3A_836 : i32
        %min3A_1237 = arith.constant 2048 : i32
        %min3A_1238 = arith.minsi %add3A_1236, %min3A_1237 : i32
        %mul3A_1239 = arith.constant 8 : i32
        %mul3A_1240 = arith.muli %scan3A_754, %mul3A_1239 : i32
        %add3A_1241 = arith.constant 2 : i32
        %add3A_1242 = arith.addi %mul3A_1240, %add3A_1241 : i32
        %mul3A_1243 = arith.constant 16 : i32
        %mul3A_1244 = arith.muli %add3A_1242, %mul3A_1243 : i32
        %le3A_1245 = arith.cmpf ole, %add3A_870, %add3A_442 : vector<16xf32>
        %swap3A_1246 = arith.index_cast %min3A_1238 : i32 to index
        %swap3A_1247 = tpu.vector_load %arg21[%swap3A_1246] masked %le3A_1245 {strides = array<i32>} : memref<2112xf32, #tpu.memory_space<vmem>>, vector<16xf32>, vector<16xi1>
        tpu.vector_store %arg21[%swap3A_1246], %add3A_870 masked %le3A_1245 {strides = array<i32>} : memref<2112xf32, #tpu.memory_space<vmem>>, vector<16xf32>, vector<16xi1>
        %add3A_1248 = vector.broadcast %mul3A_1244 : i32 to vector<16xi32>
        %add3A_1249 = arith.addi %iota3A, %add3A_1248 : vector<16xi32>
        %swap3A_1250 = arith.index_cast %min3A_1238 : i32 to index
        %swap3A_1251 = tpu.vector_load %arg22[%swap3A_1250] masked %le3A_1245 {strides = array<i32>} : memref<2112xi32, #tpu.memory_space<vmem>>, vector<16xi32>, vector<16xi1>
        tpu.vector_store %arg22[%swap3A_1250], %add3A_1249 masked %le3A_1245 {strides = array<i32>} : memref<2112xi32, #tpu.memory_space<vmem>>, vector<16xi32>, vector<16xi1>
        %add3A_1252 = arith.addi %min3A_1238, %squeeze3A_878 : i32
        %mul3A_1253 = arith.constant 8 : i32
        %mul3A_1254 = arith.muli %scan3A_754, %mul3A_1253 : i32
        %add3A_1255 = arith.constant 3 : i32
        %add3A_1256 = arith.addi %mul3A_1254, %add3A_1255 : i32
        %mul3A_1257 = arith.constant 16 : i32
        %mul3A_1258 = arith.muli %add3A_1256, %mul3A_1257 : i32
        %le3A_1259 = arith.cmpf ole, %add3A_912, %add3A_442 : vector<16xf32>
        %swap3A_1260 = arith.index_cast %add3A_1252 : i32 to index
        %swap3A_1261 = tpu.vector_load %arg21[%swap3A_1260] masked %le3A_1259 {strides = array<i32>} : memref<2112xf32, #tpu.memory_space<vmem>>, vector<16xf32>, vector<16xi1>
        tpu.vector_store %arg21[%swap3A_1260], %add3A_912 masked %le3A_1259 {strides = array<i32>} : memref<2112xf32, #tpu.memory_space<vmem>>, vector<16xf32>, vector<16xi1>
        %add3A_1262 = vector.broadcast %mul3A_1258 : i32 to vector<16xi32>
        %add3A_1263 = arith.addi %iota3A, %add3A_1262 : vector<16xi32>
        %swap3A_1264 = arith.index_cast %add3A_1252 : i32 to index
        %swap3A_1265 = tpu.vector_load %arg22[%swap3A_1264] masked %le3A_1259 {strides = array<i32>} : memref<2112xi32, #tpu.memory_space<vmem>>, vector<16xi32>, vector<16xi1>
        tpu.vector_store %arg22[%swap3A_1264], %add3A_1263 masked %le3A_1259 {strides = array<i32>} : memref<2112xi32, #tpu.memory_space<vmem>>, vector<16xi32>, vector<16xi1>
        %add3A_1266 = arith.addi %add3A_1252, %squeeze3A_920 : i32
        %min3A_1267 = arith.constant 2048 : i32
        %min3A_1268 = arith.minsi %add3A_1266, %min3A_1267 : i32
        %mul3A_1269 = arith.constant 8 : i32
        %mul3A_1270 = arith.muli %scan3A_754, %mul3A_1269 : i32
        %add3A_1271 = arith.constant 4 : i32
        %add3A_1272 = arith.addi %mul3A_1270, %add3A_1271 : i32
        %mul3A_1273 = arith.constant 16 : i32
        %mul3A_1274 = arith.muli %add3A_1272, %mul3A_1273 : i32
        %le3A_1275 = arith.cmpf ole, %add3A_954, %add3A_442 : vector<16xf32>
        %swap3A_1276 = arith.index_cast %min3A_1268 : i32 to index
        %swap3A_1277 = tpu.vector_load %arg21[%swap3A_1276] masked %le3A_1275 {strides = array<i32>} : memref<2112xf32, #tpu.memory_space<vmem>>, vector<16xf32>, vector<16xi1>
        tpu.vector_store %arg21[%swap3A_1276], %add3A_954 masked %le3A_1275 {strides = array<i32>} : memref<2112xf32, #tpu.memory_space<vmem>>, vector<16xf32>, vector<16xi1>
        %add3A_1278 = vector.broadcast %mul3A_1274 : i32 to vector<16xi32>
        %add3A_1279 = arith.addi %iota3A, %add3A_1278 : vector<16xi32>
        %swap3A_1280 = arith.index_cast %min3A_1268 : i32 to index
        %swap3A_1281 = tpu.vector_load %arg22[%swap3A_1280] masked %le3A_1275 {strides = array<i32>} : memref<2112xi32, #tpu.memory_space<vmem>>, vector<16xi32>, vector<16xi1>
        tpu.vector_store %arg22[%swap3A_1280], %add3A_1279 masked %le3A_1275 {strides = array<i32>} : memref<2112xi32, #tpu.memory_space<vmem>>, vector<16xi32>, vector<16xi1>
        %add3A_1282 = arith.addi %min3A_1268, %squeeze3A_962 : i32
        %mul3A_1283 = arith.constant 8 : i32
        %mul3A_1284 = arith.muli %scan3A_754, %mul3A_1283 : i32
        %add3A_1285 = arith.constant 5 : i32
        %add3A_1286 = arith.addi %mul3A_1284, %add3A_1285 : i32
        %mul3A_1287 = arith.constant 16 : i32
        %mul3A_1288 = arith.muli %add3A_1286, %mul3A_1287 : i32
        %le3A_1289 = arith.cmpf ole, %add3A_996, %add3A_442 : vector<16xf32>
        %swap3A_1290 = arith.index_cast %add3A_1282 : i32 to index
        %swap3A_1291 = tpu.vector_load %arg21[%swap3A_1290] masked %le3A_1289 {strides = array<i32>} : memref<2112xf32, #tpu.memory_space<vmem>>, vector<16xf32>, vector<16xi1>
        tpu.vector_store %arg21[%swap3A_1290], %add3A_996 masked %le3A_1289 {strides = array<i32>} : memref<2112xf32, #tpu.memory_space<vmem>>, vector<16xf32>, vector<16xi1>
        %add3A_1292 = vector.broadcast %mul3A_1288 : i32 to vector<16xi32>
        %add3A_1293 = arith.addi %iota3A, %add3A_1292 : vector<16xi32>
        %swap3A_1294 = arith.index_cast %add3A_1282 : i32 to index
        %swap3A_1295 = tpu.vector_load %arg22[%swap3A_1294] masked %le3A_1289 {strides = array<i32>} : memref<2112xi32, #tpu.memory_space<vmem>>, vector<16xi32>, vector<16xi1>
        tpu.vector_store %arg22[%swap3A_1294], %add3A_1293 masked %le3A_1289 {strides = array<i32>} : memref<2112xi32, #tpu.memory_space<vmem>>, vector<16xi32>, vector<16xi1>
        %add3A_1296 = arith.addi %add3A_1282, %squeeze3A_1004 : i32
        %min3A_1297 = arith.constant 2048 : i32
        %min3A_1298 = arith.minsi %add3A_1296, %min3A_1297 : i32
        %mul3A_1299 = arith.constant 8 : i32
        %mul3A_1300 = arith.muli %scan3A_754, %mul3A_1299 : i32
        %add3A_1301 = arith.constant 6 : i32
        %add3A_1302 = arith.addi %mul3A_1300, %add3A_1301 : i32
        %mul3A_1303 = arith.constant 16 : i32
        %mul3A_1304 = arith.muli %add3A_1302, %mul3A_1303 : i32
        %le3A_1305 = arith.cmpf ole, %add3A_1038, %add3A_442 : vector<16xf32>
        %swap3A_1306 = arith.index_cast %min3A_1298 : i32 to index
        %swap3A_1307 = tpu.vector_load %arg21[%swap3A_1306] masked %le3A_1305 {strides = array<i32>} : memref<2112xf32, #tpu.memory_space<vmem>>, vector<16xf32>, vector<16xi1>
        tpu.vector_store %arg21[%swap3A_1306], %add3A_1038 masked %le3A_1305 {strides = array<i32>} : memref<2112xf32, #tpu.memory_space<vmem>>, vector<16xf32>, vector<16xi1>
        %add3A_1308 = vector.broadcast %mul3A_1304 : i32 to vector<16xi32>
        %add3A_1309 = arith.addi %iota3A, %add3A_1308 : vector<16xi32>
        %swap3A_1310 = arith.index_cast %min3A_1298 : i32 to index
        %swap3A_1311 = tpu.vector_load %arg22[%swap3A_1310] masked %le3A_1305 {strides = array<i32>} : memref<2112xi32, #tpu.memory_space<vmem>>, vector<16xi32>, vector<16xi1>
        tpu.vector_store %arg22[%swap3A_1310], %add3A_1309 masked %le3A_1305 {strides = array<i32>} : memref<2112xi32, #tpu.memory_space<vmem>>, vector<16xi32>, vector<16xi1>
        %add3A_1312 = arith.addi %min3A_1298, %squeeze3A_1046 : i32
        %mul3A_1313 = arith.constant 8 : i32
        %mul3A_1314 = arith.muli %scan3A_754, %mul3A_1313 : i32
        %add3A_1315 = arith.constant 7 : i32
        %add3A_1316 = arith.addi %mul3A_1314, %add3A_1315 : i32
        %mul3A_1317 = arith.constant 16 : i32
        %mul3A_1318 = arith.muli %add3A_1316, %mul3A_1317 : i32
        %le3A_1319 = arith.cmpf ole, %add3A_1080, %add3A_442 : vector<16xf32>
        %swap3A_1320 = arith.index_cast %add3A_1312 : i32 to index
        %swap3A_1321 = tpu.vector_load %arg21[%swap3A_1320] masked %le3A_1319 {strides = array<i32>} : memref<2112xf32, #tpu.memory_space<vmem>>, vector<16xf32>, vector<16xi1>
        tpu.vector_store %arg21[%swap3A_1320], %add3A_1080 masked %le3A_1319 {strides = array<i32>} : memref<2112xf32, #tpu.memory_space<vmem>>, vector<16xf32>, vector<16xi1>
        %add3A_1322 = vector.broadcast %mul3A_1318 : i32 to vector<16xi32>
        %add3A_1323 = arith.addi %iota3A, %add3A_1322 : vector<16xi32>
        %swap3A_1324 = arith.index_cast %add3A_1312 : i32 to index
        %swap3A_1325 = tpu.vector_load %arg22[%swap3A_1324] masked %le3A_1319 {strides = array<i32>} : memref<2112xi32, #tpu.memory_space<vmem>>, vector<16xi32>, vector<16xi1>
        tpu.vector_store %arg22[%swap3A_1324], %add3A_1323 masked %le3A_1319 {strides = array<i32>} : memref<2112xi32, #tpu.memory_space<vmem>>, vector<16xi32>, vector<16xi1>
        %add3A_1326 = arith.addi %add3A_1312, %squeeze3A_1088 : i32
        %min3A_1327 = arith.constant 2048 : i32
        %min3A_1328 = arith.minsi %add3A_1326, %min3A_1327 : i32
        scf.yield %min3A_1208, %min3A_1328 : i32, i32
      }
      %scan3A_450 = arith.constant 128 : i32
      %broadcast_in_dim3A_451 = arith.constant 0x7F800000 : f32
      %broadcast_in_dim3A_452 = vector.broadcast %broadcast_in_dim3A_451 : f32 to vector<16xf32>
      %broadcast_in_dim3A_453 = arith.constant 16384 : i32
      %broadcast_in_dim3A_454 = vector.broadcast %broadcast_in_dim3A_453 : i32 to vector<16xi32>
      %add3A_455 = arith.constant 0 : i32
      %add3A_456 = arith.addi %scan3A_449#0, %add3A_455 : i32
      %swap3A = arith.index_cast %add3A_456 : i32 to index
      %swap3A_457 = tpu.vector_load %arg19[%swap3A] {strides = array<i32>} : memref<2112xf32, #tpu.memory_space<vmem>>, vector<16xf32>,
      tpu.vector_store %arg19[%swap3A], %broadcast_in_dim3A_452 {strides = array<i32>} : memref<2112xf32, #tpu.memory_space<vmem>>, vector<16xf32>,
      %add3A_458 = arith.constant 0 : i32
      %add3A_459 = arith.addi %scan3A_449#0, %add3A_458 : i32
      %swap3A_460 = arith.index_cast %add3A_459 : i32 to index
      %swap3A_461 = tpu.vector_load %arg20[%swap3A_460] {strides = array<i32>} : memref<2112xi32, #tpu.memory_space<vmem>>, vector<16xi32>,
      tpu.vector_store %arg20[%swap3A_460], %broadcast_in_dim3A_454 {strides = array<i32>} : memref<2112xi32, #tpu.memory_space<vmem>>, vector<16xi32>,
      %add3A_462 = arith.constant 16 : i32
      %add3A_463 = arith.addi %scan3A_449#0, %add3A_462 : i32
      %swap3A_464 = arith.index_cast %add3A_463 : i32 to index
      %swap3A_465 = tpu.vector_load %arg19[%swap3A_464] {strides = array<i32>} : memref<2112xf32, #tpu.memory_space<vmem>>, vector<16xf32>,
      tpu.vector_store %arg19[%swap3A_464], %broadcast_in_dim3A_452 {strides = array<i32>} : memref<2112xf32, #tpu.memory_space<vmem>>, vector<16xf32>,
      %add3A_466 = arith.constant 16 : i32
      %add3A_467 = arith.addi %scan3A_449#0, %add3A_466 : i32
      %swap3A_468 = arith.index_cast %add3A_467 : i32 to index
      %swap3A_469 = tpu.vector_load %arg20[%swap3A_468] {strides = array<i32>} : memref<2112xi32, #tpu.memory_space<vmem>>, vector<16xi32>,
      tpu.vector_store %arg20[%swap3A_468], %broadcast_in_dim3A_454 {strides = array<i32>} : memref<2112xi32, #tpu.memory_space<vmem>>, vector<16xi32>,
      %add3A_470 = arith.constant 32 : i32
      %add3A_471 = arith.addi %scan3A_449#0, %add3A_470 : i32
      %swap3A_472 = arith.index_cast %add3A_471 : i32 to index
      %swap3A_473 = tpu.vector_load %arg19[%swap3A_472] {strides = array<i32>} : memref<2112xf32, #tpu.memory_space<vmem>>, vector<16xf32>,
      tpu.vector_store %arg19[%swap3A_472], %broadcast_in_dim3A_452 {strides = array<i32>} : memref<2112xf32, #tpu.memory_space<vmem>>, vector<16xf32>,
      %add3A_474 = arith.constant 32 : i32
      %add3A_475 = arith.addi %scan3A_449#0, %add3A_474 : i32
      %swap3A_476 = arith.index_cast %add3A_475 : i32 to index
      %swap3A_477 = tpu.vector_load %arg20[%swap3A_476] {strides = array<i32>} : memref<2112xi32, #tpu.memory_space<vmem>>, vector<16xi32>,
      tpu.vector_store %arg20[%swap3A_476], %broadcast_in_dim3A_454 {strides = array<i32>} : memref<2112xi32, #tpu.memory_space<vmem>>, vector<16xi32>,
      %add3A_478 = arith.constant 48 : i32
      %add3A_479 = arith.addi %scan3A_449#0, %add3A_478 : i32
      %swap3A_480 = arith.index_cast %add3A_479 : i32 to index
      %swap3A_481 = tpu.vector_load %arg19[%swap3A_480] {strides = array<i32>} : memref<2112xf32, #tpu.memory_space<vmem>>, vector<16xf32>,
      tpu.vector_store %arg19[%swap3A_480], %broadcast_in_dim3A_452 {strides = array<i32>} : memref<2112xf32, #tpu.memory_space<vmem>>, vector<16xf32>,
      %add3A_482 = arith.constant 48 : i32
      %add3A_483 = arith.addi %scan3A_449#0, %add3A_482 : i32
      %swap3A_484 = arith.index_cast %add3A_483 : i32 to index
      %swap3A_485 = tpu.vector_load %arg20[%swap3A_484] {strides = array<i32>} : memref<2112xi32, #tpu.memory_space<vmem>>, vector<16xi32>,
      tpu.vector_store %arg20[%swap3A_484], %broadcast_in_dim3A_454 {strides = array<i32>} : memref<2112xi32, #tpu.memory_space<vmem>>, vector<16xi32>,
      %add3A_486 = arith.constant 63 : i32
      %add3A_487 = arith.addi %scan3A_449#0, %add3A_486 : i32
      %jit3A_488 = arith.constant 64 : i32
      %div3A_489 = arith.divsi %add3A_487, %jit3A_488 : i32
      %sign3A_490 = arith.constant 0 : i32
      %sign3A_491 = arith.cmpi sgt, %add3A_487, %sign3A_490 : i32
      %sign3A_492 = arith.extui %sign3A_491 : i1 to i32
      %sign3A_493 = arith.constant 0 : i32
      %sign3A_494 = arith.cmpi slt, %add3A_487, %sign3A_493 : i32
      %sign3A_495 = arith.extui %sign3A_494 : i1 to i32
      %sign3A_496 = arith.subi %sign3A_492, %sign3A_495 : i32
      %sign3A_497 = arith.constant 0 : i32
      %sign3A_498 = arith.cmpi sgt, %jit3A_488, %sign3A_497 : i32
      %sign3A_499 = arith.extui %sign3A_498 : i1 to i32
      %sign3A_500 = arith.constant 0 : i32
      %sign3A_501 = arith.cmpi slt, %jit3A_488, %sign3A_500 : i32
      %sign3A_502 = arith.extui %sign3A_501 : i1 to i32
      %sign3A_503 = arith.subi %sign3A_499, %sign3A_502 : i32
      %ne3A_504 = arith.cmpi ne, %sign3A_496, %sign3A_503 : i32
      %rem3A_505 = arith.remsi %add3A_487, %jit3A_488 : i32
      %ne3A_506 = arith.constant 0 : i32
      %ne3A_507 = arith.cmpi ne, %rem3A_505, %ne3A_506 : i32
      %and3A_508 = arith.andi %ne3A_504, %ne3A_507 : i1
      %sub3A_509 = arith.constant 1 : i32
      %sub3A_510 = arith.subi %div3A_489, %sub3A_509 : i32
      %select_n3A_511 = arith.select %and3A_508, %sub3A_510, %div3A_489 : i32
      %scan3A_512 = arith.constant 0 : i32
      %scan3A_513 = arith.constant 0 : i32
      %scan3A_514 = arith.constant 32 : i32
      %scan3A_515 = arith.addi %scan3A_513, %scan3A_514 : i32
      %scan3A_516 = arith.constant 1 : i32
      %scan3A_517 = scf.for %scan3A_754 = %scan3A_513 to %scan3A_515 step %scan3A_516 iter_args(%scan3A_755 = %scan3A_512) -> (i32)  : i32 {
        %broadcast_in_dim3A_756 = arith.constant 0x7F800000 : f32
        %broadcast_in_dim3A_757 = vector.broadcast %broadcast_in_dim3A_756 : f32 to vector<16xf32>
        %broadcast_in_dim3A_758 = arith.constant 67108864 : i32
        %broadcast_in_dim3A_759 = vector.broadcast %broadcast_in_dim3A_758 : i32 to vector<16xi32>
        %broadcast_in_dim3A_760 = arith.constant 0x7F800000 : f32
        %broadcast_in_dim3A_761 = vector.broadcast %broadcast_in_dim3A_760 : f32 to vector<16xf32>
        %broadcast_in_dim3A_762 = arith.constant 67108864 : i32
        %broadcast_in_dim3A_763 = vector.broadcast %broadcast_in_dim3A_762 : i32 to vector<16xi32>
        %while3A = arith.constant 0 : i32
        %while3A_764 = arith.subi %select_n3A_511, %while3A : i32
        %while3A_765 = arith.addi %while3A, %while3A_764 : i32
        %while3A_766 = arith.constant 1 : i32
        %while3A_767 = arith.divsi %while3A_764, %while3A_766 : i32
        %while3A_768 = arith.muli %while3A_767, %while3A_766 : i32
        %while3A_769 = arith.addi %while3A, %while3A_768 : i32
        %while3A_770 = arith.constant 1 : i32
        %while3A_771:4 = scf.for %while3A_832 = %while3A to %while3A_769 step %while3A_770 iter_args(%while3A_833 = %broadcast_in_dim3A_757, %while3A_834 = %broadcast_in_dim3A_759, %while3A_835 = %broadcast_in_dim3A_761, %while3A_836 = %broadcast_in_dim3A_763) -> (vector<16xf32>, vector<16xi32>, vector<16xf32>, vector<16xi32>)  : i32 {
          %mul3A_837 = arith.constant 4 : i32
          %mul3A_838 = arith.muli %while3A_832, %mul3A_837 : i32
          %add3A_839 = arith.constant 0 : i32
          %add3A_840 = arith.addi %mul3A_838, %add3A_839 : i32
          %mul3A_841 = arith.constant 16 : i32
          %mul3A_842 = arith.muli %add3A_840, %mul3A_841 : i32
          %get3A_843 = arith.index_cast %mul3A_842 : i32 to index
          %get3A_844 = tpu.vector_load %arg19[%get3A_843] {strides = array<i32>} : memref<2112xf32, #tpu.memory_space<vmem>>, vector<16xf32>,
          %get3A_845 = arith.index_cast %mul3A_842 : i32 to index
          %get3A_846 = tpu.vector_load %arg20[%get3A_845] {strides = array<i32>} : memref<2112xi32, #tpu.memory_space<vmem>>, vector<16xi32>,
          %mul3A_847 = arith.constant 4096 : i32
          %mul3A_848 = vector.broadcast %mul3A_847 : i32 to vector<16xi32>
          %mul3A_849 = arith.muli %get3A_846, %mul3A_848 : vector<16xi32>
          %add3A_850 = vector.broadcast %mul3A_842 : i32 to vector<16xi32>
          %add3A_851 = arith.addi %iota3A, %add3A_850 : vector<16xi32>
          %add3A_852 = arith.addi %mul3A_849, %add3A_851 : vector<16xi32>
          %lt3A_853 = arith.cmpf olt, %get3A_844, %while3A_833 : vector<16xf32>
          %eq3A_854 = arith.cmpf oeq, %get3A_844, %while3A_833 : vector<16xf32>
          %lt3A_855 = arith.cmpi slt, %add3A_852, %while3A_834 : vector<16xi32>
          %and3A_856 = arith.andi %eq3A_854, %lt3A_855 : vector<16xi1>
          %or3A = arith.ori %lt3A_853, %and3A_856 : vector<16xi1>
          %select_n3A_857 = arith.select %or3A, %while3A_833, %get3A_844 : vector<16xi1>, vector<16xf32>
          %select_n3A_858 = arith.select %or3A, %while3A_834, %add3A_852 : vector<16xi1>, vector<16xi32>
          %select_n3A_859 = arith.select %or3A, %get3A_844, %while3A_833 : vector<16xi1>, vector<16xf32>
          %select_n3A_860 = arith.select %or3A, %add3A_852, %while3A_834 : vector<16xi1>, vector<16xi32>
          %lt3A_861 = arith.cmpf olt, %select_n3A_857, %while3A_835 : vector<16xf32>
          %eq3A_862 = arith.cmpf oeq, %select_n3A_857, %while3A_835 : vector<16xf32>
          %lt3A_863 = arith.cmpi slt, %select_n3A_858, %while3A_836 : vector<16xi32>
          %and3A_864 = arith.andi %eq3A_862, %lt3A_863 : vector<16xi1>
          %or3A_865 = arith.ori %lt3A_861, %and3A_864 : vector<16xi1>
          %select_n3A_866 = arith.select %or3A_865, %select_n3A_857, %while3A_835 : vector<16xi1>, vector<16xf32>
          %select_n3A_867 = arith.select %or3A_865, %select_n3A_858, %while3A_836 : vector<16xi1>, vector<16xi32>
          %mul3A_868 = arith.constant 4 : i32
          %mul3A_869 = arith.muli %while3A_832, %mul3A_868 : i32
          %add3A_870 = arith.constant 1 : i32
          %add3A_871 = arith.addi %mul3A_869, %add3A_870 : i32
          %mul3A_872 = arith.constant 16 : i32
          %mul3A_873 = arith.muli %add3A_871, %mul3A_872 : i32
          %get3A_874 = arith.index_cast %mul3A_873 : i32 to index
          %get3A_875 = tpu.vector_load %arg19[%get3A_874] {strides = array<i32>} : memref<2112xf32, #tpu.memory_space<vmem>>, vector<16xf32>,
          %get3A_876 = arith.index_cast %mul3A_873 : i32 to index
          %get3A_877 = tpu.vector_load %arg20[%get3A_876] {strides = array<i32>} : memref<2112xi32, #tpu.memory_space<vmem>>, vector<16xi32>,
          %mul3A_878 = arith.constant 4096 : i32
          %mul3A_879 = vector.broadcast %mul3A_878 : i32 to vector<16xi32>
          %mul3A_880 = arith.muli %get3A_877, %mul3A_879 : vector<16xi32>
          %add3A_881 = vector.broadcast %mul3A_873 : i32 to vector<16xi32>
          %add3A_882 = arith.addi %iota3A, %add3A_881 : vector<16xi32>
          %add3A_883 = arith.addi %mul3A_880, %add3A_882 : vector<16xi32>
          %lt3A_884 = arith.cmpf olt, %get3A_875, %select_n3A_859 : vector<16xf32>
          %eq3A_885 = arith.cmpf oeq, %get3A_875, %select_n3A_859 : vector<16xf32>
          %lt3A_886 = arith.cmpi slt, %add3A_883, %select_n3A_860 : vector<16xi32>
          %and3A_887 = arith.andi %eq3A_885, %lt3A_886 : vector<16xi1>
          %or3A_888 = arith.ori %lt3A_884, %and3A_887 : vector<16xi1>
          %select_n3A_889 = arith.select %or3A_888, %select_n3A_859, %get3A_875 : vector<16xi1>, vector<16xf32>
          %select_n3A_890 = arith.select %or3A_888, %select_n3A_860, %add3A_883 : vector<16xi1>, vector<16xi32>
          %select_n3A_891 = arith.select %or3A_888, %get3A_875, %select_n3A_859 : vector<16xi1>, vector<16xf32>
          %select_n3A_892 = arith.select %or3A_888, %add3A_883, %select_n3A_860 : vector<16xi1>, vector<16xi32>
          %lt3A_893 = arith.cmpf olt, %select_n3A_889, %select_n3A_866 : vector<16xf32>
          %eq3A_894 = arith.cmpf oeq, %select_n3A_889, %select_n3A_866 : vector<16xf32>
          %lt3A_895 = arith.cmpi slt, %select_n3A_890, %select_n3A_867 : vector<16xi32>
          %and3A_896 = arith.andi %eq3A_894, %lt3A_895 : vector<16xi1>
          %or3A_897 = arith.ori %lt3A_893, %and3A_896 : vector<16xi1>
          %select_n3A_898 = arith.select %or3A_897, %select_n3A_889, %select_n3A_866 : vector<16xi1>, vector<16xf32>
          %select_n3A_899 = arith.select %or3A_897, %select_n3A_890, %select_n3A_867 : vector<16xi1>, vector<16xi32>
          %mul3A_900 = arith.constant 4 : i32
          %mul3A_901 = arith.muli %while3A_832, %mul3A_900 : i32
          %add3A_902 = arith.constant 2 : i32
          %add3A_903 = arith.addi %mul3A_901, %add3A_902 : i32
          %mul3A_904 = arith.constant 16 : i32
          %mul3A_905 = arith.muli %add3A_903, %mul3A_904 : i32
          %get3A_906 = arith.index_cast %mul3A_905 : i32 to index
          %get3A_907 = tpu.vector_load %arg19[%get3A_906] {strides = array<i32>} : memref<2112xf32, #tpu.memory_space<vmem>>, vector<16xf32>,
          %get3A_908 = arith.index_cast %mul3A_905 : i32 to index
          %get3A_909 = tpu.vector_load %arg20[%get3A_908] {strides = array<i32>} : memref<2112xi32, #tpu.memory_space<vmem>>, vector<16xi32>,
          %mul3A_910 = arith.constant 4096 : i32
          %mul3A_911 = vector.broadcast %mul3A_910 : i32 to vector<16xi32>
          %mul3A_912 = arith.muli %get3A_909, %mul3A_911 : vector<16xi32>
          %add3A_913 = vector.broadcast %mul3A_905 : i32 to vector<16xi32>
          %add3A_914 = arith.addi %iota3A, %add3A_913 : vector<16xi32>
          %add3A_915 = arith.addi %mul3A_912, %add3A_914 : vector<16xi32>
          %lt3A_916 = arith.cmpf olt, %get3A_907, %select_n3A_891 : vector<16xf32>
          %eq3A_917 = arith.cmpf oeq, %get3A_907, %select_n3A_891 : vector<16xf32>
          %lt3A_918 = arith.cmpi slt, %add3A_915, %select_n3A_892 : vector<16xi32>
          %and3A_919 = arith.andi %eq3A_917, %lt3A_918 : vector<16xi1>
          %or3A_920 = arith.ori %lt3A_916, %and3A_919 : vector<16xi1>
          %select_n3A_921 = arith.select %or3A_920, %select_n3A_891, %get3A_907 : vector<16xi1>, vector<16xf32>
          %select_n3A_922 = arith.select %or3A_920, %select_n3A_892, %add3A_915 : vector<16xi1>, vector<16xi32>
          %select_n3A_923 = arith.select %or3A_920, %get3A_907, %select_n3A_891 : vector<16xi1>, vector<16xf32>
          %select_n3A_924 = arith.select %or3A_920, %add3A_915, %select_n3A_892 : vector<16xi1>, vector<16xi32>
          %lt3A_925 = arith.cmpf olt, %select_n3A_921, %select_n3A_898 : vector<16xf32>
          %eq3A_926 = arith.cmpf oeq, %select_n3A_921, %select_n3A_898 : vector<16xf32>
          %lt3A_927 = arith.cmpi slt, %select_n3A_922, %select_n3A_899 : vector<16xi32>
          %and3A_928 = arith.andi %eq3A_926, %lt3A_927 : vector<16xi1>
          %or3A_929 = arith.ori %lt3A_925, %and3A_928 : vector<16xi1>
          %select_n3A_930 = arith.select %or3A_929, %select_n3A_921, %select_n3A_898 : vector<16xi1>, vector<16xf32>
          %select_n3A_931 = arith.select %or3A_929, %select_n3A_922, %select_n3A_899 : vector<16xi1>, vector<16xi32>
          %mul3A_932 = arith.constant 4 : i32
          %mul3A_933 = arith.muli %while3A_832, %mul3A_932 : i32
          %add3A_934 = arith.constant 3 : i32
          %add3A_935 = arith.addi %mul3A_933, %add3A_934 : i32
          %mul3A_936 = arith.constant 16 : i32
          %mul3A_937 = arith.muli %add3A_935, %mul3A_936 : i32
          %get3A_938 = arith.index_cast %mul3A_937 : i32 to index
          %get3A_939 = tpu.vector_load %arg19[%get3A_938] {strides = array<i32>} : memref<2112xf32, #tpu.memory_space<vmem>>, vector<16xf32>,
          %get3A_940 = arith.index_cast %mul3A_937 : i32 to index
          %get3A_941 = tpu.vector_load %arg20[%get3A_940] {strides = array<i32>} : memref<2112xi32, #tpu.memory_space<vmem>>, vector<16xi32>,
          %mul3A_942 = arith.constant 4096 : i32
          %mul3A_943 = vector.broadcast %mul3A_942 : i32 to vector<16xi32>
          %mul3A_944 = arith.muli %get3A_941, %mul3A_943 : vector<16xi32>
          %add3A_945 = vector.broadcast %mul3A_937 : i32 to vector<16xi32>
          %add3A_946 = arith.addi %iota3A, %add3A_945 : vector<16xi32>
          %add3A_947 = arith.addi %mul3A_944, %add3A_946 : vector<16xi32>
          %lt3A_948 = arith.cmpf olt, %get3A_939, %select_n3A_923 : vector<16xf32>
          %eq3A_949 = arith.cmpf oeq, %get3A_939, %select_n3A_923 : vector<16xf32>
          %lt3A_950 = arith.cmpi slt, %add3A_947, %select_n3A_924 : vector<16xi32>
          %and3A_951 = arith.andi %eq3A_949, %lt3A_950 : vector<16xi1>
          %or3A_952 = arith.ori %lt3A_948, %and3A_951 : vector<16xi1>
          %select_n3A_953 = arith.select %or3A_952, %select_n3A_923, %get3A_939 : vector<16xi1>, vector<16xf32>
          %select_n3A_954 = arith.select %or3A_952, %select_n3A_924, %add3A_947 : vector<16xi1>, vector<16xi32>
          %select_n3A_955 = arith.select %or3A_952, %get3A_939, %select_n3A_923 : vector<16xi1>, vector<16xf32>
          %select_n3A_956 = arith.select %or3A_952, %add3A_947, %select_n3A_924 : vector<16xi1>, vector<16xi32>
          %lt3A_957 = arith.cmpf olt, %select_n3A_953, %select_n3A_930 : vector<16xf32>
          %eq3A_958 = arith.cmpf oeq, %select_n3A_953, %select_n3A_930 : vector<16xf32>
          %lt3A_959 = arith.cmpi slt, %select_n3A_954, %select_n3A_931 : vector<16xi32>
          %and3A_960 = arith.andi %eq3A_958, %lt3A_959 : vector<16xi1>
          %or3A_961 = arith.ori %lt3A_957, %and3A_960 : vector<16xi1>
          %select_n3A_962 = arith.select %or3A_961, %select_n3A_953, %select_n3A_930 : vector<16xi1>, vector<16xf32>
          %select_n3A_963 = arith.select %or3A_961, %select_n3A_954, %select_n3A_931 : vector<16xi1>, vector<16xi32>
          scf.yield %select_n3A_955, %select_n3A_956, %select_n3A_962, %select_n3A_963 : vector<16xf32>, vector<16xi32>, vector<16xf32>, vector<16xi32>
        }
        %while3A_772 = arith.constant 1 : i32
        %while3A_773:4 = scf.for %while3A_832 = %while3A_769 to %while3A_765 step %while3A_772 iter_args(%while3A_833 = %while3A_771#0, %while3A_834 = %while3A_771#1, %while3A_835 = %while3A_771#2, %while3A_836 = %while3A_771#3) -> (vector<16xf32>, vector<16xi32>, vector<16xf32>, vector<16xi32>)  : i32 {
          %mul3A_837 = arith.constant 4 : i32
          %mul3A_838 = arith.muli %while3A_832, %mul3A_837 : i32
          %add3A_839 = arith.constant 0 : i32
          %add3A_840 = arith.addi %mul3A_838, %add3A_839 : i32
          %mul3A_841 = arith.constant 16 : i32
          %mul3A_842 = arith.muli %add3A_840, %mul3A_841 : i32
          %get3A_843 = arith.index_cast %mul3A_842 : i32 to index
          %get3A_844 = tpu.vector_load %arg19[%get3A_843] {strides = array<i32>} : memref<2112xf32, #tpu.memory_space<vmem>>, vector<16xf32>,
          %get3A_845 = arith.index_cast %mul3A_842 : i32 to index
          %get3A_846 = tpu.vector_load %arg20[%get3A_845] {strides = array<i32>} : memref<2112xi32, #tpu.memory_space<vmem>>, vector<16xi32>,
          %mul3A_847 = arith.constant 4096 : i32
          %mul3A_848 = vector.broadcast %mul3A_847 : i32 to vector<16xi32>
          %mul3A_849 = arith.muli %get3A_846, %mul3A_848 : vector<16xi32>
          %add3A_850 = vector.broadcast %mul3A_842 : i32 to vector<16xi32>
          %add3A_851 = arith.addi %iota3A, %add3A_850 : vector<16xi32>
          %add3A_852 = arith.addi %mul3A_849, %add3A_851 : vector<16xi32>
          %lt3A_853 = arith.cmpf olt, %get3A_844, %while3A_833 : vector<16xf32>
          %eq3A_854 = arith.cmpf oeq, %get3A_844, %while3A_833 : vector<16xf32>
          %lt3A_855 = arith.cmpi slt, %add3A_852, %while3A_834 : vector<16xi32>
          %and3A_856 = arith.andi %eq3A_854, %lt3A_855 : vector<16xi1>
          %or3A = arith.ori %lt3A_853, %and3A_856 : vector<16xi1>
          %select_n3A_857 = arith.select %or3A, %while3A_833, %get3A_844 : vector<16xi1>, vector<16xf32>
          %select_n3A_858 = arith.select %or3A, %while3A_834, %add3A_852 : vector<16xi1>, vector<16xi32>
          %select_n3A_859 = arith.select %or3A, %get3A_844, %while3A_833 : vector<16xi1>, vector<16xf32>
          %select_n3A_860 = arith.select %or3A, %add3A_852, %while3A_834 : vector<16xi1>, vector<16xi32>
          %lt3A_861 = arith.cmpf olt, %select_n3A_857, %while3A_835 : vector<16xf32>
          %eq3A_862 = arith.cmpf oeq, %select_n3A_857, %while3A_835 : vector<16xf32>
          %lt3A_863 = arith.cmpi slt, %select_n3A_858, %while3A_836 : vector<16xi32>
          %and3A_864 = arith.andi %eq3A_862, %lt3A_863 : vector<16xi1>
          %or3A_865 = arith.ori %lt3A_861, %and3A_864 : vector<16xi1>
          %select_n3A_866 = arith.select %or3A_865, %select_n3A_857, %while3A_835 : vector<16xi1>, vector<16xf32>
          %select_n3A_867 = arith.select %or3A_865, %select_n3A_858, %while3A_836 : vector<16xi1>, vector<16xi32>
          %mul3A_868 = arith.constant 4 : i32
          %mul3A_869 = arith.muli %while3A_832, %mul3A_868 : i32
          %add3A_870 = arith.constant 1 : i32
          %add3A_871 = arith.addi %mul3A_869, %add3A_870 : i32
          %mul3A_872 = arith.constant 16 : i32
          %mul3A_873 = arith.muli %add3A_871, %mul3A_872 : i32
          %get3A_874 = arith.index_cast %mul3A_873 : i32 to index
          %get3A_875 = tpu.vector_load %arg19[%get3A_874] {strides = array<i32>} : memref<2112xf32, #tpu.memory_space<vmem>>, vector<16xf32>,
          %get3A_876 = arith.index_cast %mul3A_873 : i32 to index
          %get3A_877 = tpu.vector_load %arg20[%get3A_876] {strides = array<i32>} : memref<2112xi32, #tpu.memory_space<vmem>>, vector<16xi32>,
          %mul3A_878 = arith.constant 4096 : i32
          %mul3A_879 = vector.broadcast %mul3A_878 : i32 to vector<16xi32>
          %mul3A_880 = arith.muli %get3A_877, %mul3A_879 : vector<16xi32>
          %add3A_881 = vector.broadcast %mul3A_873 : i32 to vector<16xi32>
          %add3A_882 = arith.addi %iota3A, %add3A_881 : vector<16xi32>
          %add3A_883 = arith.addi %mul3A_880, %add3A_882 : vector<16xi32>
          %lt3A_884 = arith.cmpf olt, %get3A_875, %select_n3A_859 : vector<16xf32>
          %eq3A_885 = arith.cmpf oeq, %get3A_875, %select_n3A_859 : vector<16xf32>
          %lt3A_886 = arith.cmpi slt, %add3A_883, %select_n3A_860 : vector<16xi32>
          %and3A_887 = arith.andi %eq3A_885, %lt3A_886 : vector<16xi1>
          %or3A_888 = arith.ori %lt3A_884, %and3A_887 : vector<16xi1>
          %select_n3A_889 = arith.select %or3A_888, %select_n3A_859, %get3A_875 : vector<16xi1>, vector<16xf32>
          %select_n3A_890 = arith.select %or3A_888, %select_n3A_860, %add3A_883 : vector<16xi1>, vector<16xi32>
          %select_n3A_891 = arith.select %or3A_888, %get3A_875, %select_n3A_859 : vector<16xi1>, vector<16xf32>
          %select_n3A_892 = arith.select %or3A_888, %add3A_883, %select_n3A_860 : vector<16xi1>, vector<16xi32>
          %lt3A_893 = arith.cmpf olt, %select_n3A_889, %select_n3A_866 : vector<16xf32>
          %eq3A_894 = arith.cmpf oeq, %select_n3A_889, %select_n3A_866 : vector<16xf32>
          %lt3A_895 = arith.cmpi slt, %select_n3A_890, %select_n3A_867 : vector<16xi32>
          %and3A_896 = arith.andi %eq3A_894, %lt3A_895 : vector<16xi1>
          %or3A_897 = arith.ori %lt3A_893, %and3A_896 : vector<16xi1>
          %select_n3A_898 = arith.select %or3A_897, %select_n3A_889, %select_n3A_866 : vector<16xi1>, vector<16xf32>
          %select_n3A_899 = arith.select %or3A_897, %select_n3A_890, %select_n3A_867 : vector<16xi1>, vector<16xi32>
          %mul3A_900 = arith.constant 4 : i32
          %mul3A_901 = arith.muli %while3A_832, %mul3A_900 : i32
          %add3A_902 = arith.constant 2 : i32
          %add3A_903 = arith.addi %mul3A_901, %add3A_902 : i32
          %mul3A_904 = arith.constant 16 : i32
          %mul3A_905 = arith.muli %add3A_903, %mul3A_904 : i32
          %get3A_906 = arith.index_cast %mul3A_905 : i32 to index
          %get3A_907 = tpu.vector_load %arg19[%get3A_906] {strides = array<i32>} : memref<2112xf32, #tpu.memory_space<vmem>>, vector<16xf32>,
          %get3A_908 = arith.index_cast %mul3A_905 : i32 to index
          %get3A_909 = tpu.vector_load %arg20[%get3A_908] {strides = array<i32>} : memref<2112xi32, #tpu.memory_space<vmem>>, vector<16xi32>,
          %mul3A_910 = arith.constant 4096 : i32
          %mul3A_911 = vector.broadcast %mul3A_910 : i32 to vector<16xi32>
          %mul3A_912 = arith.muli %get3A_909, %mul3A_911 : vector<16xi32>
          %add3A_913 = vector.broadcast %mul3A_905 : i32 to vector<16xi32>
          %add3A_914 = arith.addi %iota3A, %add3A_913 : vector<16xi32>
          %add3A_915 = arith.addi %mul3A_912, %add3A_914 : vector<16xi32>
          %lt3A_916 = arith.cmpf olt, %get3A_907, %select_n3A_891 : vector<16xf32>
          %eq3A_917 = arith.cmpf oeq, %get3A_907, %select_n3A_891 : vector<16xf32>
          %lt3A_918 = arith.cmpi slt, %add3A_915, %select_n3A_892 : vector<16xi32>
          %and3A_919 = arith.andi %eq3A_917, %lt3A_918 : vector<16xi1>
          %or3A_920 = arith.ori %lt3A_916, %and3A_919 : vector<16xi1>
          %select_n3A_921 = arith.select %or3A_920, %select_n3A_891, %get3A_907 : vector<16xi1>, vector<16xf32>
          %select_n3A_922 = arith.select %or3A_920, %select_n3A_892, %add3A_915 : vector<16xi1>, vector<16xi32>
          %select_n3A_923 = arith.select %or3A_920, %get3A_907, %select_n3A_891 : vector<16xi1>, vector<16xf32>
          %select_n3A_924 = arith.select %or3A_920, %add3A_915, %select_n3A_892 : vector<16xi1>, vector<16xi32>
          %lt3A_925 = arith.cmpf olt, %select_n3A_921, %select_n3A_898 : vector<16xf32>
          %eq3A_926 = arith.cmpf oeq, %select_n3A_921, %select_n3A_898 : vector<16xf32>
          %lt3A_927 = arith.cmpi slt, %select_n3A_922, %select_n3A_899 : vector<16xi32>
          %and3A_928 = arith.andi %eq3A_926, %lt3A_927 : vector<16xi1>
          %or3A_929 = arith.ori %lt3A_925, %and3A_928 : vector<16xi1>
          %select_n3A_930 = arith.select %or3A_929, %select_n3A_921, %select_n3A_898 : vector<16xi1>, vector<16xf32>
          %select_n3A_931 = arith.select %or3A_929, %select_n3A_922, %select_n3A_899 : vector<16xi1>, vector<16xi32>
          %mul3A_932 = arith.constant 4 : i32
          %mul3A_933 = arith.muli %while3A_832, %mul3A_932 : i32
          %add3A_934 = arith.constant 3 : i32
          %add3A_935 = arith.addi %mul3A_933, %add3A_934 : i32
          %mul3A_936 = arith.constant 16 : i32
          %mul3A_937 = arith.muli %add3A_935, %mul3A_936 : i32
          %get3A_938 = arith.index_cast %mul3A_937 : i32 to index
          %get3A_939 = tpu.vector_load %arg19[%get3A_938] {strides = array<i32>} : memref<2112xf32, #tpu.memory_space<vmem>>, vector<16xf32>,
          %get3A_940 = arith.index_cast %mul3A_937 : i32 to index
          %get3A_941 = tpu.vector_load %arg20[%get3A_940] {strides = array<i32>} : memref<2112xi32, #tpu.memory_space<vmem>>, vector<16xi32>,
          %mul3A_942 = arith.constant 4096 : i32
          %mul3A_943 = vector.broadcast %mul3A_942 : i32 to vector<16xi32>
          %mul3A_944 = arith.muli %get3A_941, %mul3A_943 : vector<16xi32>
          %add3A_945 = vector.broadcast %mul3A_937 : i32 to vector<16xi32>
          %add3A_946 = arith.addi %iota3A, %add3A_945 : vector<16xi32>
          %add3A_947 = arith.addi %mul3A_944, %add3A_946 : vector<16xi32>
          %lt3A_948 = arith.cmpf olt, %get3A_939, %select_n3A_923 : vector<16xf32>
          %eq3A_949 = arith.cmpf oeq, %get3A_939, %select_n3A_923 : vector<16xf32>
          %lt3A_950 = arith.cmpi slt, %add3A_947, %select_n3A_924 : vector<16xi32>
          %and3A_951 = arith.andi %eq3A_949, %lt3A_950 : vector<16xi1>
          %or3A_952 = arith.ori %lt3A_948, %and3A_951 : vector<16xi1>
          %select_n3A_953 = arith.select %or3A_952, %select_n3A_923, %get3A_939 : vector<16xi1>, vector<16xf32>
          %select_n3A_954 = arith.select %or3A_952, %select_n3A_924, %add3A_947 : vector<16xi1>, vector<16xi32>
          %select_n3A_955 = arith.select %or3A_952, %get3A_939, %select_n3A_923 : vector<16xi1>, vector<16xf32>
          %select_n3A_956 = arith.select %or3A_952, %add3A_947, %select_n3A_924 : vector<16xi1>, vector<16xi32>
          %lt3A_957 = arith.cmpf olt, %select_n3A_953, %select_n3A_930 : vector<16xf32>
          %eq3A_958 = arith.cmpf oeq, %select_n3A_953, %select_n3A_930 : vector<16xf32>
          %lt3A_959 = arith.cmpi slt, %select_n3A_954, %select_n3A_931 : vector<16xi32>
          %and3A_960 = arith.andi %eq3A_958, %lt3A_959 : vector<16xi1>
          %or3A_961 = arith.ori %lt3A_957, %and3A_960 : vector<16xi1>
          %select_n3A_962 = arith.select %or3A_961, %select_n3A_953, %select_n3A_930 : vector<16xi1>, vector<16xf32>
          %select_n3A_963 = arith.select %or3A_961, %select_n3A_954, %select_n3A_931 : vector<16xi1>, vector<16xi32>
          scf.yield %select_n3A_955, %select_n3A_956, %select_n3A_962, %select_n3A_963 : vector<16xf32>, vector<16xi32>, vector<16xf32>, vector<16xi32>
        }
        %reduce_min3A = arith.constant true
        %reduce_min3A_774 = vector.broadcast %reduce_min3A : i1 to vector<16xi1>
        %reduce_min3A_775 = tpu.scan <min>, %while3A_773#0 masked %reduce_min3A_774 : vector<16xf32>, vector<16xi1> -> vector<16xf32>
        %reduce_min3A_776 = vector.extract %reduce_min3A_775[15] : f32 from vector<16xf32>
        %eq3A_777 = vector.broadcast %reduce_min3A_776 : f32 to vector<16xf32>
        %eq3A_778 = arith.cmpf oeq, %while3A_773#0, %eq3A_777 : vector<16xf32>
        %jit3A_779 = arith.constant 67108864 : i32
        %broadcast_in_dim3A_780 = vector.broadcast %jit3A_779 : i32 to vector<16xi32>
        %select_n3A_781 = arith.select %eq3A_778, %while3A_773#1, %broadcast_in_dim3A_780 : vector<16xi1>, vector<16xi32>
        %reduce_min3A_782 = arith.constant true
        %reduce_min3A_783 = vector.broadcast %reduce_min3A_782 : i1 to vector<16xi1>
        %reduce_min3A_784 = arith.constant -2147483648 : i32
        %reduce_min3A_785 = vector.broadcast %reduce_min3A_784 : i32 to vector<16xi32>
        %reduce_min3A_786 = arith.xori %select_n3A_781, %reduce_min3A_785 : vector<16xi32>
        %reduce_min3A_787 = tpu.scan <min>, %reduce_min3A_786 masked %reduce_min3A_783 : vector<16xi32>, vector<16xi1> -> vector<16xi32>
        %reduce_min3A_788 = arith.xori %reduce_min3A_787, %reduce_min3A_785 : vector<16xi32>
        %reduce_min3A_789 = vector.extract %reduce_min3A_788[15] : i32 from vector<16xi32>
        %eq3A_790 = vector.broadcast %reduce_min3A_776 : f32 to vector<16xf32>
        %eq3A_791 = arith.cmpf oeq, %while3A_773#0, %eq3A_790 : vector<16xf32>
        %eq3A_792 = vector.broadcast %reduce_min3A_789 : i32 to vector<16xi32>
        %eq3A_793 = arith.cmpi eq, %while3A_773#1, %eq3A_792 : vector<16xi32>
        %and3A_794 = arith.andi %eq3A_791, %eq3A_793 : vector<16xi1>
        %select_n3A_795 = arith.select %and3A_794, %while3A_773#2, %while3A_773#0 : vector<16xi1>, vector<16xf32>
        %select_n3A_796 = arith.select %and3A_794, %while3A_773#3, %while3A_773#1 : vector<16xi1>, vector<16xi32>
        %reduce_min3A_797 = arith.constant true
        %reduce_min3A_798 = vector.broadcast %reduce_min3A_797 : i1 to vector<16xi1>
        %reduce_min3A_799 = tpu.scan <min>, %select_n3A_795 masked %reduce_min3A_798 : vector<16xf32>, vector<16xi1> -> vector<16xf32>
        %reduce_min3A_800 = vector.extract %reduce_min3A_799[15] : f32 from vector<16xf32>
        %eq3A_801 = vector.broadcast %reduce_min3A_800 : f32 to vector<16xf32>
        %eq3A_802 = arith.cmpf oeq, %select_n3A_795, %eq3A_801 : vector<16xf32>
        %jit3A_803 = arith.constant 67108864 : i32
        %broadcast_in_dim3A_804 = vector.broadcast %jit3A_803 : i32 to vector<16xi32>
        %select_n3A_805 = arith.select %eq3A_802, %select_n3A_796, %broadcast_in_dim3A_804 : vector<16xi1>, vector<16xi32>
        %reduce_min3A_806 = arith.constant true
        %reduce_min3A_807 = vector.broadcast %reduce_min3A_806 : i1 to vector<16xi1>
        %reduce_min3A_808 = arith.constant -2147483648 : i32
        %reduce_min3A_809 = vector.broadcast %reduce_min3A_808 : i32 to vector<16xi32>
        %reduce_min3A_810 = arith.xori %select_n3A_805, %reduce_min3A_809 : vector<16xi32>
        %reduce_min3A_811 = tpu.scan <min>, %reduce_min3A_810 masked %reduce_min3A_807 : vector<16xi32>, vector<16xi1> -> vector<16xi32>
        %reduce_min3A_812 = arith.xori %reduce_min3A_811, %reduce_min3A_809 : vector<16xi32>
        %reduce_min3A_813 = vector.extract %reduce_min3A_812[15] : i32 from vector<16xi32>
        %broadcast_in_dim3A_814 = vector.broadcast %reduce_min3A_789 : i32 to vector<16xi32>
        %broadcast_in_dim3A_815 = vector.broadcast %reduce_min3A_813 : i32 to vector<16xi32>
        %select_n3A_816 = arith.select %eq3A_40, %broadcast_in_dim3A_814, %broadcast_in_dim3A_815 : vector<16xi1>, vector<16xi32>
        %lt3A_817 = arith.constant 2 : i32
        %lt3A_818 = vector.broadcast %lt3A_817 : i32 to vector<16xi32>
        %lt3A_819 = arith.cmpi slt, %iota3A, %lt3A_818 : vector<16xi32>
        %and3A_820 = arith.constant 4095 : i32
        %and3A_821 = vector.broadcast %and3A_820 : i32 to vector<16xi32>
        %and3A_822 = arith.andi %select_n3A_816, %and3A_821 : vector<16xi32>
        %broadcast_in_dim3A_823 = arith.constant 0x7F800000 : f32
        %broadcast_in_dim3A_824 = vector.broadcast %broadcast_in_dim3A_823 : f32 to vector<16xf32>
        tpu.vector_store_idx %arg19[%and3A_822], %broadcast_in_dim3A_824 masked %lt3A_819 : memref<2112xf32, #tpu.memory_space<vmem>>[vector<16xi32>], vector<16xf32>, vector<16xi1>
        %mul3A_825 = arith.constant 2 : i32
        %mul3A_826 = arith.muli %scan3A_754, %mul3A_825 : i32
        %add3A_827 = vector.broadcast %mul3A_826 : i32 to vector<16xi32>
        %add3A_828 = arith.addi %add3A_827, %iota3A : vector<16xi32>
        %shift_right_arithmetic3A = arith.constant 12 : i32
        %shift_right_arithmetic3A_829 = vector.broadcast %shift_right_arithmetic3A : i32 to vector<16xi32>
        %shift_right_arithmetic3A_830 = arith.shrsi %select_n3A_816, %shift_right_arithmetic3A_829 : vector<16xi32>
        tpu.vector_store_idx %arg23[%add3A_828], %shift_right_arithmetic3A_830 masked %lt3A_819 : memref<64xi32, #tpu.memory_space<vmem>>[vector<16xi32>], vector<16xi32>, vector<16xi1>
        %scan3A_831 = arith.constant 0 : i32
        scf.yield %scan3A_831 : i32
      }
      %scan3A_518 = arith.constant 32 : i32
      %get3A = arith.constant 0 : index
      %get3A_519 = tpu.vector_load %arg23[%get3A] {strides = array<i32>} : memref<64xi32, #tpu.memory_space<vmem>>, vector<16xi32>,
      %gather3A_520 = tpu.vector_load_idx %arg9[%get3A_519] : memref<16384xf32, #tpu.memory_space<vmem>>[vector<16xi32>], vector<16xf32>,
      %sub3A_521 = arith.subf %gather3A_520, %gather3A : vector<16xf32>
      %gather3A_522 = tpu.vector_load_idx %arg10[%get3A_519] : memref<16384xf32, #tpu.memory_space<vmem>>[vector<16xi32>], vector<16xf32>,
      %sub3A_523 = arith.subf %gather3A_522, %gather3A_63 : vector<16xf32>
      %gather3A_524 = tpu.vector_load_idx %arg11[%get3A_519] : memref<16384xf32, #tpu.memory_space<vmem>>[vector<16xi32>], vector<16xf32>,
      %sub3A_525 = arith.subf %gather3A_524, %gather3A_64 : vector<16xf32>
      %add3A_526 = arith.constant 0 : i32
      %add3A_527 = vector.broadcast %add3A_526 : i32 to vector<16xi32>
      %add3A_528 = arith.addi %iota3A, %add3A_527 : vector<16xi32>
      %mul3A_529 = arith.constant 3 : i32
      %mul3A_530 = vector.broadcast %mul3A_529 : i32 to vector<16xi32>
      %mul3A_531 = arith.muli %add3A_528, %mul3A_530 : vector<16xi32>
      tpu.vector_store_idx %arg24[%mul3A_531], %sub3A_521 masked %eq3A_37 : memref<192xf32, #tpu.memory_space<vmem>>[vector<16xi32>], vector<16xf32>, vector<16xi1>
      %add3A_532 = arith.constant 1 : i32
      %add3A_533 = vector.broadcast %add3A_532 : i32 to vector<16xi32>
      %add3A_534 = arith.addi %mul3A_531, %add3A_533 : vector<16xi32>
      tpu.vector_store_idx %arg24[%add3A_534], %sub3A_523 masked %eq3A_37 : memref<192xf32, #tpu.memory_space<vmem>>[vector<16xi32>], vector<16xf32>, vector<16xi1>
      %add3A_535 = arith.constant 2 : i32
      %add3A_536 = vector.broadcast %add3A_535 : i32 to vector<16xi32>
      %add3A_537 = arith.addi %mul3A_531, %add3A_536 : vector<16xi32>
      tpu.vector_store_idx %arg24[%add3A_537], %sub3A_525 masked %eq3A_37 : memref<192xf32, #tpu.memory_space<vmem>>[vector<16xi32>], vector<16xf32>, vector<16xi1>
      %get3A_538 = arith.constant 16 : index
      %get3A_539 = tpu.vector_load %arg23[%get3A_538] {strides = array<i32>} : memref<64xi32, #tpu.memory_space<vmem>>, vector<16xi32>,
      %gather3A_540 = tpu.vector_load_idx %arg9[%get3A_539] : memref<16384xf32, #tpu.memory_space<vmem>>[vector<16xi32>], vector<16xf32>,
      %sub3A_541 = arith.subf %gather3A_540, %gather3A : vector<16xf32>
      %gather3A_542 = tpu.vector_load_idx %arg10[%get3A_539] : memref<16384xf32, #tpu.memory_space<vmem>>[vector<16xi32>], vector<16xf32>,
      %sub3A_543 = arith.subf %gather3A_542, %gather3A_63 : vector<16xf32>
      %gather3A_544 = tpu.vector_load_idx %arg11[%get3A_539] : memref<16384xf32, #tpu.memory_space<vmem>>[vector<16xi32>], vector<16xf32>,
      %sub3A_545 = arith.subf %gather3A_544, %gather3A_64 : vector<16xf32>
      %add3A_546 = arith.constant 16 : i32
      %add3A_547 = vector.broadcast %add3A_546 : i32 to vector<16xi32>
      %add3A_548 = arith.addi %iota3A, %add3A_547 : vector<16xi32>
      %mul3A_549 = arith.constant 3 : i32
      %mul3A_550 = vector.broadcast %mul3A_549 : i32 to vector<16xi32>
      %mul3A_551 = arith.muli %add3A_548, %mul3A_550 : vector<16xi32>
      tpu.vector_store_idx %arg24[%mul3A_551], %sub3A_541 masked %eq3A_37 : memref<192xf32, #tpu.memory_space<vmem>>[vector<16xi32>], vector<16xf32>, vector<16xi1>
      %add3A_552 = arith.constant 1 : i32
      %add3A_553 = vector.broadcast %add3A_552 : i32 to vector<16xi32>
      %add3A_554 = arith.addi %mul3A_551, %add3A_553 : vector<16xi32>
      tpu.vector_store_idx %arg24[%add3A_554], %sub3A_543 masked %eq3A_37 : memref<192xf32, #tpu.memory_space<vmem>>[vector<16xi32>], vector<16xf32>, vector<16xi1>
      %add3A_555 = arith.constant 2 : i32
      %add3A_556 = vector.broadcast %add3A_555 : i32 to vector<16xi32>
      %add3A_557 = arith.addi %mul3A_551, %add3A_556 : vector<16xi32>
      tpu.vector_store_idx %arg24[%add3A_557], %sub3A_545 masked %eq3A_37 : memref<192xf32, #tpu.memory_space<vmem>>[vector<16xi32>], vector<16xf32>, vector<16xi1>
      %get3A_558 = arith.constant 32 : index
      %get3A_559 = tpu.vector_load %arg23[%get3A_558] {strides = array<i32>} : memref<64xi32, #tpu.memory_space<vmem>>, vector<16xi32>,
      %gather3A_560 = tpu.vector_load_idx %arg9[%get3A_559] : memref<16384xf32, #tpu.memory_space<vmem>>[vector<16xi32>], vector<16xf32>,
      %sub3A_561 = arith.subf %gather3A_560, %gather3A : vector<16xf32>
      %gather3A_562 = tpu.vector_load_idx %arg10[%get3A_559] : memref<16384xf32, #tpu.memory_space<vmem>>[vector<16xi32>], vector<16xf32>,
      %sub3A_563 = arith.subf %gather3A_562, %gather3A_63 : vector<16xf32>
      %gather3A_564 = tpu.vector_load_idx %arg11[%get3A_559] : memref<16384xf32, #tpu.memory_space<vmem>>[vector<16xi32>], vector<16xf32>,
      %sub3A_565 = arith.subf %gather3A_564, %gather3A_64 : vector<16xf32>
      %add3A_566 = arith.constant 32 : i32
      %add3A_567 = vector.broadcast %add3A_566 : i32 to vector<16xi32>
      %add3A_568 = arith.addi %iota3A, %add3A_567 : vector<16xi32>
      %mul3A_569 = arith.constant 3 : i32
      %mul3A_570 = vector.broadcast %mul3A_569 : i32 to vector<16xi32>
      %mul3A_571 = arith.muli %add3A_568, %mul3A_570 : vector<16xi32>
      tpu.vector_store_idx %arg24[%mul3A_571], %sub3A_561 masked %eq3A_37 : memref<192xf32, #tpu.memory_space<vmem>>[vector<16xi32>], vector<16xf32>, vector<16xi1>
      %add3A_572 = arith.constant 1 : i32
      %add3A_573 = vector.broadcast %add3A_572 : i32 to vector<16xi32>
      %add3A_574 = arith.addi %mul3A_571, %add3A_573 : vector<16xi32>
      tpu.vector_store_idx %arg24[%add3A_574], %sub3A_563 masked %eq3A_37 : memref<192xf32, #tpu.memory_space<vmem>>[vector<16xi32>], vector<16xf32>, vector<16xi1>
      %add3A_575 = arith.constant 2 : i32
      %add3A_576 = vector.broadcast %add3A_575 : i32 to vector<16xi32>
      %add3A_577 = arith.addi %mul3A_571, %add3A_576 : vector<16xi32>
      tpu.vector_store_idx %arg24[%add3A_577], %sub3A_565 masked %eq3A_37 : memref<192xf32, #tpu.memory_space<vmem>>[vector<16xi32>], vector<16xf32>, vector<16xi1>
      %get3A_578 = arith.constant 48 : index
      %get3A_579 = tpu.vector_load %arg23[%get3A_578] {strides = array<i32>} : memref<64xi32, #tpu.memory_space<vmem>>, vector<16xi32>,
      %gather3A_580 = tpu.vector_load_idx %arg9[%get3A_579] : memref<16384xf32, #tpu.memory_space<vmem>>[vector<16xi32>], vector<16xf32>,
      %sub3A_581 = arith.subf %gather3A_580, %gather3A : vector<16xf32>
      %gather3A_582 = tpu.vector_load_idx %arg10[%get3A_579] : memref<16384xf32, #tpu.memory_space<vmem>>[vector<16xi32>], vector<16xf32>,
      %sub3A_583 = arith.subf %gather3A_582, %gather3A_63 : vector<16xf32>
      %gather3A_584 = tpu.vector_load_idx %arg11[%get3A_579] : memref<16384xf32, #tpu.memory_space<vmem>>[vector<16xi32>], vector<16xf32>,
      %sub3A_585 = arith.subf %gather3A_584, %gather3A_64 : vector<16xf32>
      %add3A_586 = arith.constant 48 : i32
      %add3A_587 = vector.broadcast %add3A_586 : i32 to vector<16xi32>
      %add3A_588 = arith.addi %iota3A, %add3A_587 : vector<16xi32>
      %mul3A_589 = arith.constant 3 : i32
      %mul3A_590 = vector.broadcast %mul3A_589 : i32 to vector<16xi32>
      %mul3A_591 = arith.muli %add3A_588, %mul3A_590 : vector<16xi32>
      tpu.vector_store_idx %arg24[%mul3A_591], %sub3A_581 masked %eq3A_37 : memref<192xf32, #tpu.memory_space<vmem>>[vector<16xi32>], vector<16xf32>, vector<16xi1>
      %add3A_592 = arith.constant 1 : i32
      %add3A_593 = vector.broadcast %add3A_592 : i32 to vector<16xi32>
      %add3A_594 = arith.addi %mul3A_591, %add3A_593 : vector<16xi32>
      tpu.vector_store_idx %arg24[%add3A_594], %sub3A_583 masked %eq3A_37 : memref<192xf32, #tpu.memory_space<vmem>>[vector<16xi32>], vector<16xf32>, vector<16xi1>
      %add3A_595 = arith.constant 2 : i32
      %add3A_596 = vector.broadcast %add3A_595 : i32 to vector<16xi32>
      %add3A_597 = arith.addi %mul3A_591, %add3A_596 : vector<16xi32>
      tpu.vector_store_idx %arg24[%add3A_597], %sub3A_585 masked %eq3A_37 : memref<192xf32, #tpu.memory_space<vmem>>[vector<16xi32>], vector<16xf32>, vector<16xi1>
      %mul3A_598 = arith.constant 128 : i32
      %mul3A_599 = arith.muli %select_n3A_30, %mul3A_598 : i32
      %add3A_600 = arith.addi %mul3A_599, %mul3A_57 : i32
      "tpu.region"() ({
        %run_scoped3A = tpu.sem_alloc : memref<!tpu.dma_semaphore, #tpu.memory_space<semaphore_mem>>
        %dma_start3A = arith.constant 0 : i32
        %dma_start3A_754 = tpu.memref_slice %arg8[%select_n3A, %add3A_600, %dma_start3A] : memref<8x512x192xf32, #tpu.memory_space<hbm>> -> memref<1x1x192xf32, #tpu.memory_space<hbm>>
        %dma_start3A_755 = tpu.memref_squeeze %dma_start3A_754 : memref<1x1x192xf32, #tpu.memory_space<hbm>> -> memref<192xf32, #tpu.memory_space<hbm>>
        %dma_start3A_756 = arith.constant 0 : i32
        %dma_start3A_757 = tpu.memref_slice %arg8[%select_n3A, %add3A_600, %dma_start3A_756] : memref<8x512x192xf32, #tpu.memory_space<hbm>> -> memref<1x1x192xf32, #tpu.memory_space<hbm>>
        %dma_start3A_758 = tpu.memref_squeeze %dma_start3A_757 : memref<1x1x192xf32, #tpu.memory_space<hbm>> -> memref<192xf32, #tpu.memory_space<hbm>>
        tpu.enqueue_dma source(%arg24 : memref<192xf32, #tpu.memory_space<vmem>>) target(%dma_start3A_758 : memref<192xf32, #tpu.memory_space<hbm>>) target_semaphore(%run_scoped3A : memref<!tpu.dma_semaphore, #tpu.memory_space<semaphore_mem>>)
        %dma_wait3A = arith.constant 0 : i32
        %dma_wait3A_759 = tpu.memref_slice %arg8[%select_n3A, %add3A_600, %dma_wait3A] : memref<8x512x192xf32, #tpu.memory_space<hbm>> -> memref<1x1x192xf32, #tpu.memory_space<hbm>>
        %dma_wait3A_760 = tpu.memref_squeeze %dma_wait3A_759 : memref<1x1x192xf32, #tpu.memory_space<hbm>> -> memref<192xf32, #tpu.memory_space<hbm>>
        %dma_wait3A_761 = arith.constant 0 : i32
        %dma_wait3A_762 = tpu.memref_slice %arg8[%select_n3A, %add3A_600, %dma_wait3A_761] : memref<8x512x192xf32, #tpu.memory_space<hbm>> -> memref<1x1x192xf32, #tpu.memory_space<hbm>>
        %dma_wait3A_763 = tpu.memref_squeeze %dma_wait3A_762 : memref<1x1x192xf32, #tpu.memory_space<hbm>> -> memref<192xf32, #tpu.memory_space<hbm>>
        tpu.wait_dma2 semaphore(%run_scoped3A : memref<!tpu.dma_semaphore, #tpu.memory_space<semaphore_mem>>) src(%arg24 : memref<192xf32, #tpu.memory_space<vmem>>) dst(%dma_wait3A_763 : memref<192xf32, #tpu.memory_space<hbm>>)
        tpu.yield
      }) : () -> ()
      %broadcast_in_dim3A_601 = arith.constant 0x7F800000 : f32
      %broadcast_in_dim3A_602 = vector.broadcast %broadcast_in_dim3A_601 : f32 to vector<16xf32>
      %broadcast_in_dim3A_603 = arith.constant 16384 : i32
      %broadcast_in_dim3A_604 = vector.broadcast %broadcast_in_dim3A_603 : i32 to vector<16xi32>
      %add3A_605 = arith.constant 0 : i32
      %add3A_606 = arith.addi %scan3A_449#1, %add3A_605 : i32
      %swap3A_607 = arith.index_cast %add3A_606 : i32 to index
      %swap3A_608 = tpu.vector_load %arg21[%swap3A_607] {strides = array<i32>} : memref<2112xf32, #tpu.memory_space<vmem>>, vector<16xf32>,
      tpu.vector_store %arg21[%swap3A_607], %broadcast_in_dim3A_602 {strides = array<i32>} : memref<2112xf32, #tpu.memory_space<vmem>>, vector<16xf32>,
      %add3A_609 = arith.constant 0 : i32
      %add3A_610 = arith.addi %scan3A_449#1, %add3A_609 : i32
      %swap3A_611 = arith.index_cast %add3A_610 : i32 to index
      %swap3A_612 = tpu.vector_load %arg22[%swap3A_611] {strides = array<i32>} : memref<2112xi32, #tpu.memory_space<vmem>>, vector<16xi32>,
      tpu.vector_store %arg22[%swap3A_611], %broadcast_in_dim3A_604 {strides = array<i32>} : memref<2112xi32, #tpu.memory_space<vmem>>, vector<16xi32>,
      %add3A_613 = arith.constant 16 : i32
      %add3A_614 = arith.addi %scan3A_449#1, %add3A_613 : i32
      %swap3A_615 = arith.index_cast %add3A_614 : i32 to index
      %swap3A_616 = tpu.vector_load %arg21[%swap3A_615] {strides = array<i32>} : memref<2112xf32, #tpu.memory_space<vmem>>, vector<16xf32>,
      tpu.vector_store %arg21[%swap3A_615], %broadcast_in_dim3A_602 {strides = array<i32>} : memref<2112xf32, #tpu.memory_space<vmem>>, vector<16xf32>,
      %add3A_617 = arith.constant 16 : i32
      %add3A_618 = arith.addi %scan3A_449#1, %add3A_617 : i32
      %swap3A_619 = arith.index_cast %add3A_618 : i32 to index
      %swap3A_620 = tpu.vector_load %arg22[%swap3A_619] {strides = array<i32>} : memref<2112xi32, #tpu.memory_space<vmem>>, vector<16xi32>,
      tpu.vector_store %arg22[%swap3A_619], %broadcast_in_dim3A_604 {strides = array<i32>} : memref<2112xi32, #tpu.memory_space<vmem>>, vector<16xi32>,
      %add3A_621 = arith.constant 32 : i32
      %add3A_622 = arith.addi %scan3A_449#1, %add3A_621 : i32
      %swap3A_623 = arith.index_cast %add3A_622 : i32 to index
      %swap3A_624 = tpu.vector_load %arg21[%swap3A_623] {strides = array<i32>} : memref<2112xf32, #tpu.memory_space<vmem>>, vector<16xf32>,
      tpu.vector_store %arg21[%swap3A_623], %broadcast_in_dim3A_602 {strides = array<i32>} : memref<2112xf32, #tpu.memory_space<vmem>>, vector<16xf32>,
      %add3A_625 = arith.constant 32 : i32
      %add3A_626 = arith.addi %scan3A_449#1, %add3A_625 : i32
      %swap3A_627 = arith.index_cast %add3A_626 : i32 to index
      %swap3A_628 = tpu.vector_load %arg22[%swap3A_627] {strides = array<i32>} : memref<2112xi32, #tpu.memory_space<vmem>>, vector<16xi32>,
      tpu.vector_store %arg22[%swap3A_627], %broadcast_in_dim3A_604 {strides = array<i32>} : memref<2112xi32, #tpu.memory_space<vmem>>, vector<16xi32>,
      %add3A_629 = arith.constant 48 : i32
      %add3A_630 = arith.addi %scan3A_449#1, %add3A_629 : i32
      %swap3A_631 = arith.index_cast %add3A_630 : i32 to index
      %swap3A_632 = tpu.vector_load %arg21[%swap3A_631] {strides = array<i32>} : memref<2112xf32, #tpu.memory_space<vmem>>, vector<16xf32>,
      tpu.vector_store %arg21[%swap3A_631], %broadcast_in_dim3A_602 {strides = array<i32>} : memref<2112xf32, #tpu.memory_space<vmem>>, vector<16xf32>,
      %add3A_633 = arith.constant 48 : i32
      %add3A_634 = arith.addi %scan3A_449#1, %add3A_633 : i32
      %swap3A_635 = arith.index_cast %add3A_634 : i32 to index
      %swap3A_636 = tpu.vector_load %arg22[%swap3A_635] {strides = array<i32>} : memref<2112xi32, #tpu.memory_space<vmem>>, vector<16xi32>,
      tpu.vector_store %arg22[%swap3A_635], %broadcast_in_dim3A_604 {strides = array<i32>} : memref<2112xi32, #tpu.memory_space<vmem>>, vector<16xi32>,
      %add3A_637 = arith.constant 63 : i32
      %add3A_638 = arith.addi %scan3A_449#1, %add3A_637 : i32
      %jit3A_639 = arith.constant 64 : i32
      %div3A_640 = arith.divsi %add3A_638, %jit3A_639 : i32
      %sign3A_641 = arith.constant 0 : i32
      %sign3A_642 = arith.cmpi sgt, %add3A_638, %sign3A_641 : i32
      %sign3A_643 = arith.extui %sign3A_642 : i1 to i32
      %sign3A_644 = arith.constant 0 : i32
      %sign3A_645 = arith.cmpi slt, %add3A_638, %sign3A_644 : i32
      %sign3A_646 = arith.extui %sign3A_645 : i1 to i32
      %sign3A_647 = arith.subi %sign3A_643, %sign3A_646 : i32
      %sign3A_648 = arith.constant 0 : i32
      %sign3A_649 = arith.cmpi sgt, %jit3A_639, %sign3A_648 : i32
      %sign3A_650 = arith.extui %sign3A_649 : i1 to i32
      %sign3A_651 = arith.constant 0 : i32
      %sign3A_652 = arith.cmpi slt, %jit3A_639, %sign3A_651 : i32
      %sign3A_653 = arith.extui %sign3A_652 : i1 to i32
      %sign3A_654 = arith.subi %sign3A_650, %sign3A_653 : i32
      %ne3A_655 = arith.cmpi ne, %sign3A_647, %sign3A_654 : i32
      %rem3A_656 = arith.remsi %add3A_638, %jit3A_639 : i32
      %ne3A_657 = arith.constant 0 : i32
      %ne3A_658 = arith.cmpi ne, %rem3A_656, %ne3A_657 : i32
      %and3A_659 = arith.andi %ne3A_655, %ne3A_658 : i1
      %sub3A_660 = arith.constant 1 : i32
      %sub3A_661 = arith.subi %div3A_640, %sub3A_660 : i32
      %select_n3A_662 = arith.select %and3A_659, %sub3A_661, %div3A_640 : i32
      %scan3A_663 = arith.constant 0 : i32
      %scan3A_664 = arith.constant 0 : i32
      %scan3A_665 = arith.constant 32 : i32
      %scan3A_666 = arith.addi %scan3A_664, %scan3A_665 : i32
      %scan3A_667 = arith.constant 1 : i32
      %scan3A_668 = scf.for %scan3A_754 = %scan3A_664 to %scan3A_666 step %scan3A_667 iter_args(%scan3A_755 = %scan3A_663) -> (i32)  : i32 {
        %broadcast_in_dim3A_756 = arith.constant 0x7F800000 : f32
        %broadcast_in_dim3A_757 = vector.broadcast %broadcast_in_dim3A_756 : f32 to vector<16xf32>
        %broadcast_in_dim3A_758 = arith.constant 67108864 : i32
        %broadcast_in_dim3A_759 = vector.broadcast %broadcast_in_dim3A_758 : i32 to vector<16xi32>
        %broadcast_in_dim3A_760 = arith.constant 0x7F800000 : f32
        %broadcast_in_dim3A_761 = vector.broadcast %broadcast_in_dim3A_760 : f32 to vector<16xf32>
        %broadcast_in_dim3A_762 = arith.constant 67108864 : i32
        %broadcast_in_dim3A_763 = vector.broadcast %broadcast_in_dim3A_762 : i32 to vector<16xi32>
        %while3A = arith.constant 0 : i32
        %while3A_764 = arith.subi %select_n3A_662, %while3A : i32
        %while3A_765 = arith.addi %while3A, %while3A_764 : i32
        %while3A_766 = arith.constant 1 : i32
        %while3A_767 = arith.divsi %while3A_764, %while3A_766 : i32
        %while3A_768 = arith.muli %while3A_767, %while3A_766 : i32
        %while3A_769 = arith.addi %while3A, %while3A_768 : i32
        %while3A_770 = arith.constant 1 : i32
        %while3A_771:4 = scf.for %while3A_832 = %while3A to %while3A_769 step %while3A_770 iter_args(%while3A_833 = %broadcast_in_dim3A_757, %while3A_834 = %broadcast_in_dim3A_759, %while3A_835 = %broadcast_in_dim3A_761, %while3A_836 = %broadcast_in_dim3A_763) -> (vector<16xf32>, vector<16xi32>, vector<16xf32>, vector<16xi32>)  : i32 {
          %mul3A_837 = arith.constant 4 : i32
          %mul3A_838 = arith.muli %while3A_832, %mul3A_837 : i32
          %add3A_839 = arith.constant 0 : i32
          %add3A_840 = arith.addi %mul3A_838, %add3A_839 : i32
          %mul3A_841 = arith.constant 16 : i32
          %mul3A_842 = arith.muli %add3A_840, %mul3A_841 : i32
          %get3A_843 = arith.index_cast %mul3A_842 : i32 to index
          %get3A_844 = tpu.vector_load %arg21[%get3A_843] {strides = array<i32>} : memref<2112xf32, #tpu.memory_space<vmem>>, vector<16xf32>,
          %get3A_845 = arith.index_cast %mul3A_842 : i32 to index
          %get3A_846 = tpu.vector_load %arg22[%get3A_845] {strides = array<i32>} : memref<2112xi32, #tpu.memory_space<vmem>>, vector<16xi32>,
          %mul3A_847 = arith.constant 4096 : i32
          %mul3A_848 = vector.broadcast %mul3A_847 : i32 to vector<16xi32>
          %mul3A_849 = arith.muli %get3A_846, %mul3A_848 : vector<16xi32>
          %add3A_850 = vector.broadcast %mul3A_842 : i32 to vector<16xi32>
          %add3A_851 = arith.addi %iota3A, %add3A_850 : vector<16xi32>
          %add3A_852 = arith.addi %mul3A_849, %add3A_851 : vector<16xi32>
          %lt3A_853 = arith.cmpf olt, %get3A_844, %while3A_833 : vector<16xf32>
          %eq3A_854 = arith.cmpf oeq, %get3A_844, %while3A_833 : vector<16xf32>
          %lt3A_855 = arith.cmpi slt, %add3A_852, %while3A_834 : vector<16xi32>
          %and3A_856 = arith.andi %eq3A_854, %lt3A_855 : vector<16xi1>
          %or3A = arith.ori %lt3A_853, %and3A_856 : vector<16xi1>
          %select_n3A_857 = arith.select %or3A, %while3A_833, %get3A_844 : vector<16xi1>, vector<16xf32>
          %select_n3A_858 = arith.select %or3A, %while3A_834, %add3A_852 : vector<16xi1>, vector<16xi32>
          %select_n3A_859 = arith.select %or3A, %get3A_844, %while3A_833 : vector<16xi1>, vector<16xf32>
          %select_n3A_860 = arith.select %or3A, %add3A_852, %while3A_834 : vector<16xi1>, vector<16xi32>
          %lt3A_861 = arith.cmpf olt, %select_n3A_857, %while3A_835 : vector<16xf32>
          %eq3A_862 = arith.cmpf oeq, %select_n3A_857, %while3A_835 : vector<16xf32>
          %lt3A_863 = arith.cmpi slt, %select_n3A_858, %while3A_836 : vector<16xi32>
          %and3A_864 = arith.andi %eq3A_862, %lt3A_863 : vector<16xi1>
          %or3A_865 = arith.ori %lt3A_861, %and3A_864 : vector<16xi1>
          %select_n3A_866 = arith.select %or3A_865, %select_n3A_857, %while3A_835 : vector<16xi1>, vector<16xf32>
          %select_n3A_867 = arith.select %or3A_865, %select_n3A_858, %while3A_836 : vector<16xi1>, vector<16xi32>
          %mul3A_868 = arith.constant 4 : i32
          %mul3A_869 = arith.muli %while3A_832, %mul3A_868 : i32
          %add3A_870 = arith.constant 1 : i32
          %add3A_871 = arith.addi %mul3A_869, %add3A_870 : i32
          %mul3A_872 = arith.constant 16 : i32
          %mul3A_873 = arith.muli %add3A_871, %mul3A_872 : i32
          %get3A_874 = arith.index_cast %mul3A_873 : i32 to index
          %get3A_875 = tpu.vector_load %arg21[%get3A_874] {strides = array<i32>} : memref<2112xf32, #tpu.memory_space<vmem>>, vector<16xf32>,
          %get3A_876 = arith.index_cast %mul3A_873 : i32 to index
          %get3A_877 = tpu.vector_load %arg22[%get3A_876] {strides = array<i32>} : memref<2112xi32, #tpu.memory_space<vmem>>, vector<16xi32>,
          %mul3A_878 = arith.constant 4096 : i32
          %mul3A_879 = vector.broadcast %mul3A_878 : i32 to vector<16xi32>
          %mul3A_880 = arith.muli %get3A_877, %mul3A_879 : vector<16xi32>
          %add3A_881 = vector.broadcast %mul3A_873 : i32 to vector<16xi32>
          %add3A_882 = arith.addi %iota3A, %add3A_881 : vector<16xi32>
          %add3A_883 = arith.addi %mul3A_880, %add3A_882 : vector<16xi32>
          %lt3A_884 = arith.cmpf olt, %get3A_875, %select_n3A_859 : vector<16xf32>
          %eq3A_885 = arith.cmpf oeq, %get3A_875, %select_n3A_859 : vector<16xf32>
          %lt3A_886 = arith.cmpi slt, %add3A_883, %select_n3A_860 : vector<16xi32>
          %and3A_887 = arith.andi %eq3A_885, %lt3A_886 : vector<16xi1>
          %or3A_888 = arith.ori %lt3A_884, %and3A_887 : vector<16xi1>
          %select_n3A_889 = arith.select %or3A_888, %select_n3A_859, %get3A_875 : vector<16xi1>, vector<16xf32>
          %select_n3A_890 = arith.select %or3A_888, %select_n3A_860, %add3A_883 : vector<16xi1>, vector<16xi32>
          %select_n3A_891 = arith.select %or3A_888, %get3A_875, %select_n3A_859 : vector<16xi1>, vector<16xf32>
          %select_n3A_892 = arith.select %or3A_888, %add3A_883, %select_n3A_860 : vector<16xi1>, vector<16xi32>
          %lt3A_893 = arith.cmpf olt, %select_n3A_889, %select_n3A_866 : vector<16xf32>
          %eq3A_894 = arith.cmpf oeq, %select_n3A_889, %select_n3A_866 : vector<16xf32>
          %lt3A_895 = arith.cmpi slt, %select_n3A_890, %select_n3A_867 : vector<16xi32>
          %and3A_896 = arith.andi %eq3A_894, %lt3A_895 : vector<16xi1>
          %or3A_897 = arith.ori %lt3A_893, %and3A_896 : vector<16xi1>
          %select_n3A_898 = arith.select %or3A_897, %select_n3A_889, %select_n3A_866 : vector<16xi1>, vector<16xf32>
          %select_n3A_899 = arith.select %or3A_897, %select_n3A_890, %select_n3A_867 : vector<16xi1>, vector<16xi32>
          %mul3A_900 = arith.constant 4 : i32
          %mul3A_901 = arith.muli %while3A_832, %mul3A_900 : i32
          %add3A_902 = arith.constant 2 : i32
          %add3A_903 = arith.addi %mul3A_901, %add3A_902 : i32
          %mul3A_904 = arith.constant 16 : i32
          %mul3A_905 = arith.muli %add3A_903, %mul3A_904 : i32
          %get3A_906 = arith.index_cast %mul3A_905 : i32 to index
          %get3A_907 = tpu.vector_load %arg21[%get3A_906] {strides = array<i32>} : memref<2112xf32, #tpu.memory_space<vmem>>, vector<16xf32>,
          %get3A_908 = arith.index_cast %mul3A_905 : i32 to index
          %get3A_909 = tpu.vector_load %arg22[%get3A_908] {strides = array<i32>} : memref<2112xi32, #tpu.memory_space<vmem>>, vector<16xi32>,
          %mul3A_910 = arith.constant 4096 : i32
          %mul3A_911 = vector.broadcast %mul3A_910 : i32 to vector<16xi32>
          %mul3A_912 = arith.muli %get3A_909, %mul3A_911 : vector<16xi32>
          %add3A_913 = vector.broadcast %mul3A_905 : i32 to vector<16xi32>
          %add3A_914 = arith.addi %iota3A, %add3A_913 : vector<16xi32>
          %add3A_915 = arith.addi %mul3A_912, %add3A_914 : vector<16xi32>
          %lt3A_916 = arith.cmpf olt, %get3A_907, %select_n3A_891 : vector<16xf32>
          %eq3A_917 = arith.cmpf oeq, %get3A_907, %select_n3A_891 : vector<16xf32>
          %lt3A_918 = arith.cmpi slt, %add3A_915, %select_n3A_892 : vector<16xi32>
          %and3A_919 = arith.andi %eq3A_917, %lt3A_918 : vector<16xi1>
          %or3A_920 = arith.ori %lt3A_916, %and3A_919 : vector<16xi1>
          %select_n3A_921 = arith.select %or3A_920, %select_n3A_891, %get3A_907 : vector<16xi1>, vector<16xf32>
          %select_n3A_922 = arith.select %or3A_920, %select_n3A_892, %add3A_915 : vector<16xi1>, vector<16xi32>
          %select_n3A_923 = arith.select %or3A_920, %get3A_907, %select_n3A_891 : vector<16xi1>, vector<16xf32>
          %select_n3A_924 = arith.select %or3A_920, %add3A_915, %select_n3A_892 : vector<16xi1>, vector<16xi32>
          %lt3A_925 = arith.cmpf olt, %select_n3A_921, %select_n3A_898 : vector<16xf32>
          %eq3A_926 = arith.cmpf oeq, %select_n3A_921, %select_n3A_898 : vector<16xf32>
          %lt3A_927 = arith.cmpi slt, %select_n3A_922, %select_n3A_899 : vector<16xi32>
          %and3A_928 = arith.andi %eq3A_926, %lt3A_927 : vector<16xi1>
          %or3A_929 = arith.ori %lt3A_925, %and3A_928 : vector<16xi1>
          %select_n3A_930 = arith.select %or3A_929, %select_n3A_921, %select_n3A_898 : vector<16xi1>, vector<16xf32>
          %select_n3A_931 = arith.select %or3A_929, %select_n3A_922, %select_n3A_899 : vector<16xi1>, vector<16xi32>
          %mul3A_932 = arith.constant 4 : i32
          %mul3A_933 = arith.muli %while3A_832, %mul3A_932 : i32
          %add3A_934 = arith.constant 3 : i32
          %add3A_935 = arith.addi %mul3A_933, %add3A_934 : i32
          %mul3A_936 = arith.constant 16 : i32
          %mul3A_937 = arith.muli %add3A_935, %mul3A_936 : i32
          %get3A_938 = arith.index_cast %mul3A_937 : i32 to index
          %get3A_939 = tpu.vector_load %arg21[%get3A_938] {strides = array<i32>} : memref<2112xf32, #tpu.memory_space<vmem>>, vector<16xf32>,
          %get3A_940 = arith.index_cast %mul3A_937 : i32 to index
          %get3A_941 = tpu.vector_load %arg22[%get3A_940] {strides = array<i32>} : memref<2112xi32, #tpu.memory_space<vmem>>, vector<16xi32>,
          %mul3A_942 = arith.constant 4096 : i32
          %mul3A_943 = vector.broadcast %mul3A_942 : i32 to vector<16xi32>
          %mul3A_944 = arith.muli %get3A_941, %mul3A_943 : vector<16xi32>
          %add3A_945 = vector.broadcast %mul3A_937 : i32 to vector<16xi32>
          %add3A_946 = arith.addi %iota3A, %add3A_945 : vector<16xi32>
          %add3A_947 = arith.addi %mul3A_944, %add3A_946 : vector<16xi32>
          %lt3A_948 = arith.cmpf olt, %get3A_939, %select_n3A_923 : vector<16xf32>
          %eq3A_949 = arith.cmpf oeq, %get3A_939, %select_n3A_923 : vector<16xf32>
          %lt3A_950 = arith.cmpi slt, %add3A_947, %select_n3A_924 : vector<16xi32>
          %and3A_951 = arith.andi %eq3A_949, %lt3A_950 : vector<16xi1>
          %or3A_952 = arith.ori %lt3A_948, %and3A_951 : vector<16xi1>
          %select_n3A_953 = arith.select %or3A_952, %select_n3A_923, %get3A_939 : vector<16xi1>, vector<16xf32>
          %select_n3A_954 = arith.select %or3A_952, %select_n3A_924, %add3A_947 : vector<16xi1>, vector<16xi32>
          %select_n3A_955 = arith.select %or3A_952, %get3A_939, %select_n3A_923 : vector<16xi1>, vector<16xf32>
          %select_n3A_956 = arith.select %or3A_952, %add3A_947, %select_n3A_924 : vector<16xi1>, vector<16xi32>
          %lt3A_957 = arith.cmpf olt, %select_n3A_953, %select_n3A_930 : vector<16xf32>
          %eq3A_958 = arith.cmpf oeq, %select_n3A_953, %select_n3A_930 : vector<16xf32>
          %lt3A_959 = arith.cmpi slt, %select_n3A_954, %select_n3A_931 : vector<16xi32>
          %and3A_960 = arith.andi %eq3A_958, %lt3A_959 : vector<16xi1>
          %or3A_961 = arith.ori %lt3A_957, %and3A_960 : vector<16xi1>
          %select_n3A_962 = arith.select %or3A_961, %select_n3A_953, %select_n3A_930 : vector<16xi1>, vector<16xf32>
          %select_n3A_963 = arith.select %or3A_961, %select_n3A_954, %select_n3A_931 : vector<16xi1>, vector<16xi32>
          scf.yield %select_n3A_955, %select_n3A_956, %select_n3A_962, %select_n3A_963 : vector<16xf32>, vector<16xi32>, vector<16xf32>, vector<16xi32>
        }
        %while3A_772 = arith.constant 1 : i32
        %while3A_773:4 = scf.for %while3A_832 = %while3A_769 to %while3A_765 step %while3A_772 iter_args(%while3A_833 = %while3A_771#0, %while3A_834 = %while3A_771#1, %while3A_835 = %while3A_771#2, %while3A_836 = %while3A_771#3) -> (vector<16xf32>, vector<16xi32>, vector<16xf32>, vector<16xi32>)  : i32 {
          %mul3A_837 = arith.constant 4 : i32
          %mul3A_838 = arith.muli %while3A_832, %mul3A_837 : i32
          %add3A_839 = arith.constant 0 : i32
          %add3A_840 = arith.addi %mul3A_838, %add3A_839 : i32
          %mul3A_841 = arith.constant 16 : i32
          %mul3A_842 = arith.muli %add3A_840, %mul3A_841 : i32
          %get3A_843 = arith.index_cast %mul3A_842 : i32 to index
          %get3A_844 = tpu.vector_load %arg21[%get3A_843] {strides = array<i32>} : memref<2112xf32, #tpu.memory_space<vmem>>, vector<16xf32>,
          %get3A_845 = arith.index_cast %mul3A_842 : i32 to index
          %get3A_846 = tpu.vector_load %arg22[%get3A_845] {strides = array<i32>} : memref<2112xi32, #tpu.memory_space<vmem>>, vector<16xi32>,
          %mul3A_847 = arith.constant 4096 : i32
          %mul3A_848 = vector.broadcast %mul3A_847 : i32 to vector<16xi32>
          %mul3A_849 = arith.muli %get3A_846, %mul3A_848 : vector<16xi32>
          %add3A_850 = vector.broadcast %mul3A_842 : i32 to vector<16xi32>
          %add3A_851 = arith.addi %iota3A, %add3A_850 : vector<16xi32>
          %add3A_852 = arith.addi %mul3A_849, %add3A_851 : vector<16xi32>
          %lt3A_853 = arith.cmpf olt, %get3A_844, %while3A_833 : vector<16xf32>
          %eq3A_854 = arith.cmpf oeq, %get3A_844, %while3A_833 : vector<16xf32>
          %lt3A_855 = arith.cmpi slt, %add3A_852, %while3A_834 : vector<16xi32>
          %and3A_856 = arith.andi %eq3A_854, %lt3A_855 : vector<16xi1>
          %or3A = arith.ori %lt3A_853, %and3A_856 : vector<16xi1>
          %select_n3A_857 = arith.select %or3A, %while3A_833, %get3A_844 : vector<16xi1>, vector<16xf32>
          %select_n3A_858 = arith.select %or3A, %while3A_834, %add3A_852 : vector<16xi1>, vector<16xi32>
          %select_n3A_859 = arith.select %or3A, %get3A_844, %while3A_833 : vector<16xi1>, vector<16xf32>
          %select_n3A_860 = arith.select %or3A, %add3A_852, %while3A_834 : vector<16xi1>, vector<16xi32>
          %lt3A_861 = arith.cmpf olt, %select_n3A_857, %while3A_835 : vector<16xf32>
          %eq3A_862 = arith.cmpf oeq, %select_n3A_857, %while3A_835 : vector<16xf32>
          %lt3A_863 = arith.cmpi slt, %select_n3A_858, %while3A_836 : vector<16xi32>
          %and3A_864 = arith.andi %eq3A_862, %lt3A_863 : vector<16xi1>
          %or3A_865 = arith.ori %lt3A_861, %and3A_864 : vector<16xi1>
          %select_n3A_866 = arith.select %or3A_865, %select_n3A_857, %while3A_835 : vector<16xi1>, vector<16xf32>
          %select_n3A_867 = arith.select %or3A_865, %select_n3A_858, %while3A_836 : vector<16xi1>, vector<16xi32>
          %mul3A_868 = arith.constant 4 : i32
          %mul3A_869 = arith.muli %while3A_832, %mul3A_868 : i32
          %add3A_870 = arith.constant 1 : i32
          %add3A_871 = arith.addi %mul3A_869, %add3A_870 : i32
          %mul3A_872 = arith.constant 16 : i32
          %mul3A_873 = arith.muli %add3A_871, %mul3A_872 : i32
          %get3A_874 = arith.index_cast %mul3A_873 : i32 to index
          %get3A_875 = tpu.vector_load %arg21[%get3A_874] {strides = array<i32>} : memref<2112xf32, #tpu.memory_space<vmem>>, vector<16xf32>,
          %get3A_876 = arith.index_cast %mul3A_873 : i32 to index
          %get3A_877 = tpu.vector_load %arg22[%get3A_876] {strides = array<i32>} : memref<2112xi32, #tpu.memory_space<vmem>>, vector<16xi32>,
          %mul3A_878 = arith.constant 4096 : i32
          %mul3A_879 = vector.broadcast %mul3A_878 : i32 to vector<16xi32>
          %mul3A_880 = arith.muli %get3A_877, %mul3A_879 : vector<16xi32>
          %add3A_881 = vector.broadcast %mul3A_873 : i32 to vector<16xi32>
          %add3A_882 = arith.addi %iota3A, %add3A_881 : vector<16xi32>
          %add3A_883 = arith.addi %mul3A_880, %add3A_882 : vector<16xi32>
          %lt3A_884 = arith.cmpf olt, %get3A_875, %select_n3A_859 : vector<16xf32>
          %eq3A_885 = arith.cmpf oeq, %get3A_875, %select_n3A_859 : vector<16xf32>
          %lt3A_886 = arith.cmpi slt, %add3A_883, %select_n3A_860 : vector<16xi32>
          %and3A_887 = arith.andi %eq3A_885, %lt3A_886 : vector<16xi1>
          %or3A_888 = arith.ori %lt3A_884, %and3A_887 : vector<16xi1>
          %select_n3A_889 = arith.select %or3A_888, %select_n3A_859, %get3A_875 : vector<16xi1>, vector<16xf32>
          %select_n3A_890 = arith.select %or3A_888, %select_n3A_860, %add3A_883 : vector<16xi1>, vector<16xi32>
          %select_n3A_891 = arith.select %or3A_888, %get3A_875, %select_n3A_859 : vector<16xi1>, vector<16xf32>
          %select_n3A_892 = arith.select %or3A_888, %add3A_883, %select_n3A_860 : vector<16xi1>, vector<16xi32>
          %lt3A_893 = arith.cmpf olt, %select_n3A_889, %select_n3A_866 : vector<16xf32>
          %eq3A_894 = arith.cmpf oeq, %select_n3A_889, %select_n3A_866 : vector<16xf32>
          %lt3A_895 = arith.cmpi slt, %select_n3A_890, %select_n3A_867 : vector<16xi32>
          %and3A_896 = arith.andi %eq3A_894, %lt3A_895 : vector<16xi1>
          %or3A_897 = arith.ori %lt3A_893, %and3A_896 : vector<16xi1>
          %select_n3A_898 = arith.select %or3A_897, %select_n3A_889, %select_n3A_866 : vector<16xi1>, vector<16xf32>
          %select_n3A_899 = arith.select %or3A_897, %select_n3A_890, %select_n3A_867 : vector<16xi1>, vector<16xi32>
          %mul3A_900 = arith.constant 4 : i32
          %mul3A_901 = arith.muli %while3A_832, %mul3A_900 : i32
          %add3A_902 = arith.constant 2 : i32
          %add3A_903 = arith.addi %mul3A_901, %add3A_902 : i32
          %mul3A_904 = arith.constant 16 : i32
          %mul3A_905 = arith.muli %add3A_903, %mul3A_904 : i32
          %get3A_906 = arith.index_cast %mul3A_905 : i32 to index
          %get3A_907 = tpu.vector_load %arg21[%get3A_906] {strides = array<i32>} : memref<2112xf32, #tpu.memory_space<vmem>>, vector<16xf32>,
          %get3A_908 = arith.index_cast %mul3A_905 : i32 to index
          %get3A_909 = tpu.vector_load %arg22[%get3A_908] {strides = array<i32>} : memref<2112xi32, #tpu.memory_space<vmem>>, vector<16xi32>,
          %mul3A_910 = arith.constant 4096 : i32
          %mul3A_911 = vector.broadcast %mul3A_910 : i32 to vector<16xi32>
          %mul3A_912 = arith.muli %get3A_909, %mul3A_911 : vector<16xi32>
          %add3A_913 = vector.broadcast %mul3A_905 : i32 to vector<16xi32>
          %add3A_914 = arith.addi %iota3A, %add3A_913 : vector<16xi32>
          %add3A_915 = arith.addi %mul3A_912, %add3A_914 : vector<16xi32>
          %lt3A_916 = arith.cmpf olt, %get3A_907, %select_n3A_891 : vector<16xf32>
          %eq3A_917 = arith.cmpf oeq, %get3A_907, %select_n3A_891 : vector<16xf32>
          %lt3A_918 = arith.cmpi slt, %add3A_915, %select_n3A_892 : vector<16xi32>
          %and3A_919 = arith.andi %eq3A_917, %lt3A_918 : vector<16xi1>
          %or3A_920 = arith.ori %lt3A_916, %and3A_919 : vector<16xi1>
          %select_n3A_921 = arith.select %or3A_920, %select_n3A_891, %get3A_907 : vector<16xi1>, vector<16xf32>
          %select_n3A_922 = arith.select %or3A_920, %select_n3A_892, %add3A_915 : vector<16xi1>, vector<16xi32>
          %select_n3A_923 = arith.select %or3A_920, %get3A_907, %select_n3A_891 : vector<16xi1>, vector<16xf32>
          %select_n3A_924 = arith.select %or3A_920, %add3A_915, %select_n3A_892 : vector<16xi1>, vector<16xi32>
          %lt3A_925 = arith.cmpf olt, %select_n3A_921, %select_n3A_898 : vector<16xf32>
          %eq3A_926 = arith.cmpf oeq, %select_n3A_921, %select_n3A_898 : vector<16xf32>
          %lt3A_927 = arith.cmpi slt, %select_n3A_922, %select_n3A_899 : vector<16xi32>
          %and3A_928 = arith.andi %eq3A_926, %lt3A_927 : vector<16xi1>
          %or3A_929 = arith.ori %lt3A_925, %and3A_928 : vector<16xi1>
          %select_n3A_930 = arith.select %or3A_929, %select_n3A_921, %select_n3A_898 : vector<16xi1>, vector<16xf32>
          %select_n3A_931 = arith.select %or3A_929, %select_n3A_922, %select_n3A_899 : vector<16xi1>, vector<16xi32>
          %mul3A_932 = arith.constant 4 : i32
          %mul3A_933 = arith.muli %while3A_832, %mul3A_932 : i32
          %add3A_934 = arith.constant 3 : i32
          %add3A_935 = arith.addi %mul3A_933, %add3A_934 : i32
          %mul3A_936 = arith.constant 16 : i32
          %mul3A_937 = arith.muli %add3A_935, %mul3A_936 : i32
          %get3A_938 = arith.index_cast %mul3A_937 : i32 to index
          %get3A_939 = tpu.vector_load %arg21[%get3A_938] {strides = array<i32>} : memref<2112xf32, #tpu.memory_space<vmem>>, vector<16xf32>,
          %get3A_940 = arith.index_cast %mul3A_937 : i32 to index
          %get3A_941 = tpu.vector_load %arg22[%get3A_940] {strides = array<i32>} : memref<2112xi32, #tpu.memory_space<vmem>>, vector<16xi32>,
          %mul3A_942 = arith.constant 4096 : i32
          %mul3A_943 = vector.broadcast %mul3A_942 : i32 to vector<16xi32>
          %mul3A_944 = arith.muli %get3A_941, %mul3A_943 : vector<16xi32>
          %add3A_945 = vector.broadcast %mul3A_937 : i32 to vector<16xi32>
          %add3A_946 = arith.addi %iota3A, %add3A_945 : vector<16xi32>
          %add3A_947 = arith.addi %mul3A_944, %add3A_946 : vector<16xi32>
          %lt3A_948 = arith.cmpf olt, %get3A_939, %select_n3A_923 : vector<16xf32>
          %eq3A_949 = arith.cmpf oeq, %get3A_939, %select_n3A_923 : vector<16xf32>
          %lt3A_950 = arith.cmpi slt, %add3A_947, %select_n3A_924 : vector<16xi32>
          %and3A_951 = arith.andi %eq3A_949, %lt3A_950 : vector<16xi1>
          %or3A_952 = arith.ori %lt3A_948, %and3A_951 : vector<16xi1>
          %select_n3A_953 = arith.select %or3A_952, %select_n3A_923, %get3A_939 : vector<16xi1>, vector<16xf32>
          %select_n3A_954 = arith.select %or3A_952, %select_n3A_924, %add3A_947 : vector<16xi1>, vector<16xi32>
          %select_n3A_955 = arith.select %or3A_952, %get3A_939, %select_n3A_923 : vector<16xi1>, vector<16xf32>
          %select_n3A_956 = arith.select %or3A_952, %add3A_947, %select_n3A_924 : vector<16xi1>, vector<16xi32>
          %lt3A_957 = arith.cmpf olt, %select_n3A_953, %select_n3A_930 : vector<16xf32>
          %eq3A_958 = arith.cmpf oeq, %select_n3A_953, %select_n3A_930 : vector<16xf32>
          %lt3A_959 = arith.cmpi slt, %select_n3A_954, %select_n3A_931 : vector<16xi32>
          %and3A_960 = arith.andi %eq3A_958, %lt3A_959 : vector<16xi1>
          %or3A_961 = arith.ori %lt3A_957, %and3A_960 : vector<16xi1>
          %select_n3A_962 = arith.select %or3A_961, %select_n3A_953, %select_n3A_930 : vector<16xi1>, vector<16xf32>
          %select_n3A_963 = arith.select %or3A_961, %select_n3A_954, %select_n3A_931 : vector<16xi1>, vector<16xi32>
          scf.yield %select_n3A_955, %select_n3A_956, %select_n3A_962, %select_n3A_963 : vector<16xf32>, vector<16xi32>, vector<16xf32>, vector<16xi32>
        }
        %reduce_min3A = arith.constant true
        %reduce_min3A_774 = vector.broadcast %reduce_min3A : i1 to vector<16xi1>
        %reduce_min3A_775 = tpu.scan <min>, %while3A_773#0 masked %reduce_min3A_774 : vector<16xf32>, vector<16xi1> -> vector<16xf32>
        %reduce_min3A_776 = vector.extract %reduce_min3A_775[15] : f32 from vector<16xf32>
        %eq3A_777 = vector.broadcast %reduce_min3A_776 : f32 to vector<16xf32>
        %eq3A_778 = arith.cmpf oeq, %while3A_773#0, %eq3A_777 : vector<16xf32>
        %jit3A_779 = arith.constant 67108864 : i32
        %broadcast_in_dim3A_780 = vector.broadcast %jit3A_779 : i32 to vector<16xi32>
        %select_n3A_781 = arith.select %eq3A_778, %while3A_773#1, %broadcast_in_dim3A_780 : vector<16xi1>, vector<16xi32>
        %reduce_min3A_782 = arith.constant true
        %reduce_min3A_783 = vector.broadcast %reduce_min3A_782 : i1 to vector<16xi1>
        %reduce_min3A_784 = arith.constant -2147483648 : i32
        %reduce_min3A_785 = vector.broadcast %reduce_min3A_784 : i32 to vector<16xi32>
        %reduce_min3A_786 = arith.xori %select_n3A_781, %reduce_min3A_785 : vector<16xi32>
        %reduce_min3A_787 = tpu.scan <min>, %reduce_min3A_786 masked %reduce_min3A_783 : vector<16xi32>, vector<16xi1> -> vector<16xi32>
        %reduce_min3A_788 = arith.xori %reduce_min3A_787, %reduce_min3A_785 : vector<16xi32>
        %reduce_min3A_789 = vector.extract %reduce_min3A_788[15] : i32 from vector<16xi32>
        %eq3A_790 = vector.broadcast %reduce_min3A_776 : f32 to vector<16xf32>
        %eq3A_791 = arith.cmpf oeq, %while3A_773#0, %eq3A_790 : vector<16xf32>
        %eq3A_792 = vector.broadcast %reduce_min3A_789 : i32 to vector<16xi32>
        %eq3A_793 = arith.cmpi eq, %while3A_773#1, %eq3A_792 : vector<16xi32>
        %and3A_794 = arith.andi %eq3A_791, %eq3A_793 : vector<16xi1>
        %select_n3A_795 = arith.select %and3A_794, %while3A_773#2, %while3A_773#0 : vector<16xi1>, vector<16xf32>
        %select_n3A_796 = arith.select %and3A_794, %while3A_773#3, %while3A_773#1 : vector<16xi1>, vector<16xi32>
        %reduce_min3A_797 = arith.constant true
        %reduce_min3A_798 = vector.broadcast %reduce_min3A_797 : i1 to vector<16xi1>
        %reduce_min3A_799 = tpu.scan <min>, %select_n3A_795 masked %reduce_min3A_798 : vector<16xf32>, vector<16xi1> -> vector<16xf32>
        %reduce_min3A_800 = vector.extract %reduce_min3A_799[15] : f32 from vector<16xf32>
        %eq3A_801 = vector.broadcast %reduce_min3A_800 : f32 to vector<16xf32>
        %eq3A_802 = arith.cmpf oeq, %select_n3A_795, %eq3A_801 : vector<16xf32>
        %jit3A_803 = arith.constant 67108864 : i32
        %broadcast_in_dim3A_804 = vector.broadcast %jit3A_803 : i32 to vector<16xi32>
        %select_n3A_805 = arith.select %eq3A_802, %select_n3A_796, %broadcast_in_dim3A_804 : vector<16xi1>, vector<16xi32>
        %reduce_min3A_806 = arith.constant true
        %reduce_min3A_807 = vector.broadcast %reduce_min3A_806 : i1 to vector<16xi1>
        %reduce_min3A_808 = arith.constant -2147483648 : i32
        %reduce_min3A_809 = vector.broadcast %reduce_min3A_808 : i32 to vector<16xi32>
        %reduce_min3A_810 = arith.xori %select_n3A_805, %reduce_min3A_809 : vector<16xi32>
        %reduce_min3A_811 = tpu.scan <min>, %reduce_min3A_810 masked %reduce_min3A_807 : vector<16xi32>, vector<16xi1> -> vector<16xi32>
        %reduce_min3A_812 = arith.xori %reduce_min3A_811, %reduce_min3A_809 : vector<16xi32>
        %reduce_min3A_813 = vector.extract %reduce_min3A_812[15] : i32 from vector<16xi32>
        %broadcast_in_dim3A_814 = vector.broadcast %reduce_min3A_789 : i32 to vector<16xi32>
        %broadcast_in_dim3A_815 = vector.broadcast %reduce_min3A_813 : i32 to vector<16xi32>
        %select_n3A_816 = arith.select %eq3A_40, %broadcast_in_dim3A_814, %broadcast_in_dim3A_815 : vector<16xi1>, vector<16xi32>
        %lt3A_817 = arith.constant 2 : i32
        %lt3A_818 = vector.broadcast %lt3A_817 : i32 to vector<16xi32>
        %lt3A_819 = arith.cmpi slt, %iota3A, %lt3A_818 : vector<16xi32>
        %and3A_820 = arith.constant 4095 : i32
        %and3A_821 = vector.broadcast %and3A_820 : i32 to vector<16xi32>
        %and3A_822 = arith.andi %select_n3A_816, %and3A_821 : vector<16xi32>
        %broadcast_in_dim3A_823 = arith.constant 0x7F800000 : f32
        %broadcast_in_dim3A_824 = vector.broadcast %broadcast_in_dim3A_823 : f32 to vector<16xf32>
        tpu.vector_store_idx %arg21[%and3A_822], %broadcast_in_dim3A_824 masked %lt3A_819 : memref<2112xf32, #tpu.memory_space<vmem>>[vector<16xi32>], vector<16xf32>, vector<16xi1>
        %mul3A_825 = arith.constant 2 : i32
        %mul3A_826 = arith.muli %scan3A_754, %mul3A_825 : i32
        %add3A_827 = vector.broadcast %mul3A_826 : i32 to vector<16xi32>
        %add3A_828 = arith.addi %add3A_827, %iota3A : vector<16xi32>
        %shift_right_arithmetic3A = arith.constant 12 : i32
        %shift_right_arithmetic3A_829 = vector.broadcast %shift_right_arithmetic3A : i32 to vector<16xi32>
        %shift_right_arithmetic3A_830 = arith.shrsi %select_n3A_816, %shift_right_arithmetic3A_829 : vector<16xi32>
        tpu.vector_store_idx %arg23[%add3A_828], %shift_right_arithmetic3A_830 masked %lt3A_819 : memref<64xi32, #tpu.memory_space<vmem>>[vector<16xi32>], vector<16xi32>, vector<16xi1>
        %scan3A_831 = arith.constant 0 : i32
        scf.yield %scan3A_831 : i32
      }
      %scan3A_669 = arith.constant 32 : i32
      %get3A_670 = arith.constant 0 : index
      %get3A_671 = tpu.vector_load %arg23[%get3A_670] {strides = array<i32>} : memref<64xi32, #tpu.memory_space<vmem>>, vector<16xi32>,
      %gather3A_672 = tpu.vector_load_idx %arg9[%get3A_671] : memref<16384xf32, #tpu.memory_space<vmem>>[vector<16xi32>], vector<16xf32>,
      %sub3A_673 = arith.subf %gather3A_672, %gather3A_117 : vector<16xf32>
      %gather3A_674 = tpu.vector_load_idx %arg10[%get3A_671] : memref<16384xf32, #tpu.memory_space<vmem>>[vector<16xi32>], vector<16xf32>,
      %sub3A_675 = arith.subf %gather3A_674, %gather3A_118 : vector<16xf32>
      %gather3A_676 = tpu.vector_load_idx %arg11[%get3A_671] : memref<16384xf32, #tpu.memory_space<vmem>>[vector<16xi32>], vector<16xf32>,
      %sub3A_677 = arith.subf %gather3A_676, %gather3A_119 : vector<16xf32>
      %add3A_678 = arith.constant 0 : i32
      %add3A_679 = vector.broadcast %add3A_678 : i32 to vector<16xi32>
      %add3A_680 = arith.addi %iota3A, %add3A_679 : vector<16xi32>
      %mul3A_681 = arith.constant 3 : i32
      %mul3A_682 = vector.broadcast %mul3A_681 : i32 to vector<16xi32>
      %mul3A_683 = arith.muli %add3A_680, %mul3A_682 : vector<16xi32>
      tpu.vector_store_idx %arg24[%mul3A_683], %sub3A_673 masked %eq3A_37 : memref<192xf32, #tpu.memory_space<vmem>>[vector<16xi32>], vector<16xf32>, vector<16xi1>
      %add3A_684 = arith.constant 1 : i32
      %add3A_685 = vector.broadcast %add3A_684 : i32 to vector<16xi32>
      %add3A_686 = arith.addi %mul3A_683, %add3A_685 : vector<16xi32>
      tpu.vector_store_idx %arg24[%add3A_686], %sub3A_675 masked %eq3A_37 : memref<192xf32, #tpu.memory_space<vmem>>[vector<16xi32>], vector<16xf32>, vector<16xi1>
      %add3A_687 = arith.constant 2 : i32
      %add3A_688 = vector.broadcast %add3A_687 : i32 to vector<16xi32>
      %add3A_689 = arith.addi %mul3A_683, %add3A_688 : vector<16xi32>
      tpu.vector_store_idx %arg24[%add3A_689], %sub3A_677 masked %eq3A_37 : memref<192xf32, #tpu.memory_space<vmem>>[vector<16xi32>], vector<16xf32>, vector<16xi1>
      %get3A_690 = arith.constant 16 : index
      %get3A_691 = tpu.vector_load %arg23[%get3A_690] {strides = array<i32>} : memref<64xi32, #tpu.memory_space<vmem>>, vector<16xi32>,
      %gather3A_692 = tpu.vector_load_idx %arg9[%get3A_691] : memref<16384xf32, #tpu.memory_space<vmem>>[vector<16xi32>], vector<16xf32>,
      %sub3A_693 = arith.subf %gather3A_692, %gather3A_117 : vector<16xf32>
      %gather3A_694 = tpu.vector_load_idx %arg10[%get3A_691] : memref<16384xf32, #tpu.memory_space<vmem>>[vector<16xi32>], vector<16xf32>,
      %sub3A_695 = arith.subf %gather3A_694, %gather3A_118 : vector<16xf32>
      %gather3A_696 = tpu.vector_load_idx %arg11[%get3A_691] : memref<16384xf32, #tpu.memory_space<vmem>>[vector<16xi32>], vector<16xf32>,
      %sub3A_697 = arith.subf %gather3A_696, %gather3A_119 : vector<16xf32>
      %add3A_698 = arith.constant 16 : i32
      %add3A_699 = vector.broadcast %add3A_698 : i32 to vector<16xi32>
      %add3A_700 = arith.addi %iota3A, %add3A_699 : vector<16xi32>
      %mul3A_701 = arith.constant 3 : i32
      %mul3A_702 = vector.broadcast %mul3A_701 : i32 to vector<16xi32>
      %mul3A_703 = arith.muli %add3A_700, %mul3A_702 : vector<16xi32>
      tpu.vector_store_idx %arg24[%mul3A_703], %sub3A_693 masked %eq3A_37 : memref<192xf32, #tpu.memory_space<vmem>>[vector<16xi32>], vector<16xf32>, vector<16xi1>
      %add3A_704 = arith.constant 1 : i32
      %add3A_705 = vector.broadcast %add3A_704 : i32 to vector<16xi32>
      %add3A_706 = arith.addi %mul3A_703, %add3A_705 : vector<16xi32>
      tpu.vector_store_idx %arg24[%add3A_706], %sub3A_695 masked %eq3A_37 : memref<192xf32, #tpu.memory_space<vmem>>[vector<16xi32>], vector<16xf32>, vector<16xi1>
      %add3A_707 = arith.constant 2 : i32
      %add3A_708 = vector.broadcast %add3A_707 : i32 to vector<16xi32>
      %add3A_709 = arith.addi %mul3A_703, %add3A_708 : vector<16xi32>
      tpu.vector_store_idx %arg24[%add3A_709], %sub3A_697 masked %eq3A_37 : memref<192xf32, #tpu.memory_space<vmem>>[vector<16xi32>], vector<16xf32>, vector<16xi1>
      %get3A_710 = arith.constant 32 : index
      %get3A_711 = tpu.vector_load %arg23[%get3A_710] {strides = array<i32>} : memref<64xi32, #tpu.memory_space<vmem>>, vector<16xi32>,
      %gather3A_712 = tpu.vector_load_idx %arg9[%get3A_711] : memref<16384xf32, #tpu.memory_space<vmem>>[vector<16xi32>], vector<16xf32>,
      %sub3A_713 = arith.subf %gather3A_712, %gather3A_117 : vector<16xf32>
      %gather3A_714 = tpu.vector_load_idx %arg10[%get3A_711] : memref<16384xf32, #tpu.memory_space<vmem>>[vector<16xi32>], vector<16xf32>,
      %sub3A_715 = arith.subf %gather3A_714, %gather3A_118 : vector<16xf32>
      %gather3A_716 = tpu.vector_load_idx %arg11[%get3A_711] : memref<16384xf32, #tpu.memory_space<vmem>>[vector<16xi32>], vector<16xf32>,
      %sub3A_717 = arith.subf %gather3A_716, %gather3A_119 : vector<16xf32>
      %add3A_718 = arith.constant 32 : i32
      %add3A_719 = vector.broadcast %add3A_718 : i32 to vector<16xi32>
      %add3A_720 = arith.addi %iota3A, %add3A_719 : vector<16xi32>
      %mul3A_721 = arith.constant 3 : i32
      %mul3A_722 = vector.broadcast %mul3A_721 : i32 to vector<16xi32>
      %mul3A_723 = arith.muli %add3A_720, %mul3A_722 : vector<16xi32>
      tpu.vector_store_idx %arg24[%mul3A_723], %sub3A_713 masked %eq3A_37 : memref<192xf32, #tpu.memory_space<vmem>>[vector<16xi32>], vector<16xf32>, vector<16xi1>
      %add3A_724 = arith.constant 1 : i32
      %add3A_725 = vector.broadcast %add3A_724 : i32 to vector<16xi32>
      %add3A_726 = arith.addi %mul3A_723, %add3A_725 : vector<16xi32>
      tpu.vector_store_idx %arg24[%add3A_726], %sub3A_715 masked %eq3A_37 : memref<192xf32, #tpu.memory_space<vmem>>[vector<16xi32>], vector<16xf32>, vector<16xi1>
      %add3A_727 = arith.constant 2 : i32
      %add3A_728 = vector.broadcast %add3A_727 : i32 to vector<16xi32>
      %add3A_729 = arith.addi %mul3A_723, %add3A_728 : vector<16xi32>
      tpu.vector_store_idx %arg24[%add3A_729], %sub3A_717 masked %eq3A_37 : memref<192xf32, #tpu.memory_space<vmem>>[vector<16xi32>], vector<16xf32>, vector<16xi1>
      %get3A_730 = arith.constant 48 : index
      %get3A_731 = tpu.vector_load %arg23[%get3A_730] {strides = array<i32>} : memref<64xi32, #tpu.memory_space<vmem>>, vector<16xi32>,
      %gather3A_732 = tpu.vector_load_idx %arg9[%get3A_731] : memref<16384xf32, #tpu.memory_space<vmem>>[vector<16xi32>], vector<16xf32>,
      %sub3A_733 = arith.subf %gather3A_732, %gather3A_117 : vector<16xf32>
      %gather3A_734 = tpu.vector_load_idx %arg10[%get3A_731] : memref<16384xf32, #tpu.memory_space<vmem>>[vector<16xi32>], vector<16xf32>,
      %sub3A_735 = arith.subf %gather3A_734, %gather3A_118 : vector<16xf32>
      %gather3A_736 = tpu.vector_load_idx %arg11[%get3A_731] : memref<16384xf32, #tpu.memory_space<vmem>>[vector<16xi32>], vector<16xf32>,
      %sub3A_737 = arith.subf %gather3A_736, %gather3A_119 : vector<16xf32>
      %add3A_738 = arith.constant 48 : i32
      %add3A_739 = vector.broadcast %add3A_738 : i32 to vector<16xi32>
      %add3A_740 = arith.addi %iota3A, %add3A_739 : vector<16xi32>
      %mul3A_741 = arith.constant 3 : i32
      %mul3A_742 = vector.broadcast %mul3A_741 : i32 to vector<16xi32>
      %mul3A_743 = arith.muli %add3A_740, %mul3A_742 : vector<16xi32>
      tpu.vector_store_idx %arg24[%mul3A_743], %sub3A_733 masked %eq3A_37 : memref<192xf32, #tpu.memory_space<vmem>>[vector<16xi32>], vector<16xf32>, vector<16xi1>
      %add3A_744 = arith.constant 1 : i32
      %add3A_745 = vector.broadcast %add3A_744 : i32 to vector<16xi32>
      %add3A_746 = arith.addi %mul3A_743, %add3A_745 : vector<16xi32>
      tpu.vector_store_idx %arg24[%add3A_746], %sub3A_735 masked %eq3A_37 : memref<192xf32, #tpu.memory_space<vmem>>[vector<16xi32>], vector<16xf32>, vector<16xi1>
      %add3A_747 = arith.constant 2 : i32
      %add3A_748 = vector.broadcast %add3A_747 : i32 to vector<16xi32>
      %add3A_749 = arith.addi %mul3A_743, %add3A_748 : vector<16xi32>
      tpu.vector_store_idx %arg24[%add3A_749], %sub3A_737 masked %eq3A_37 : memref<192xf32, #tpu.memory_space<vmem>>[vector<16xi32>], vector<16xf32>, vector<16xi1>
      %mul3A_750 = arith.constant 128 : i32
      %mul3A_751 = arith.muli %select_n3A_30, %mul3A_750 : i32
      %add3A_752 = arith.addi %mul3A_751, %add3A_59 : i32
      "tpu.region"() ({
        %run_scoped3A = tpu.sem_alloc : memref<!tpu.dma_semaphore, #tpu.memory_space<semaphore_mem>>
        %dma_start3A = arith.constant 0 : i32
        %dma_start3A_754 = tpu.memref_slice %arg8[%select_n3A, %add3A_752, %dma_start3A] : memref<8x512x192xf32, #tpu.memory_space<hbm>> -> memref<1x1x192xf32, #tpu.memory_space<hbm>>
        %dma_start3A_755 = tpu.memref_squeeze %dma_start3A_754 : memref<1x1x192xf32, #tpu.memory_space<hbm>> -> memref<192xf32, #tpu.memory_space<hbm>>
        %dma_start3A_756 = arith.constant 0 : i32
        %dma_start3A_757 = tpu.memref_slice %arg8[%select_n3A, %add3A_752, %dma_start3A_756] : memref<8x512x192xf32, #tpu.memory_space<hbm>> -> memref<1x1x192xf32, #tpu.memory_space<hbm>>
        %dma_start3A_758 = tpu.memref_squeeze %dma_start3A_757 : memref<1x1x192xf32, #tpu.memory_space<hbm>> -> memref<192xf32, #tpu.memory_space<hbm>>
        tpu.enqueue_dma source(%arg24 : memref<192xf32, #tpu.memory_space<vmem>>) target(%dma_start3A_758 : memref<192xf32, #tpu.memory_space<hbm>>) target_semaphore(%run_scoped3A : memref<!tpu.dma_semaphore, #tpu.memory_space<semaphore_mem>>)
        %dma_wait3A = arith.constant 0 : i32
        %dma_wait3A_759 = tpu.memref_slice %arg8[%select_n3A, %add3A_752, %dma_wait3A] : memref<8x512x192xf32, #tpu.memory_space<hbm>> -> memref<1x1x192xf32, #tpu.memory_space<hbm>>
        %dma_wait3A_760 = tpu.memref_squeeze %dma_wait3A_759 : memref<1x1x192xf32, #tpu.memory_space<hbm>> -> memref<192xf32, #tpu.memory_space<hbm>>
        %dma_wait3A_761 = arith.constant 0 : i32
        %dma_wait3A_762 = tpu.memref_slice %arg8[%select_n3A, %add3A_752, %dma_wait3A_761] : memref<8x512x192xf32, #tpu.memory_space<hbm>> -> memref<1x1x192xf32, #tpu.memory_space<hbm>>
        %dma_wait3A_763 = tpu.memref_squeeze %dma_wait3A_762 : memref<1x1x192xf32, #tpu.memory_space<hbm>> -> memref<192xf32, #tpu.memory_space<hbm>>
        tpu.wait_dma2 semaphore(%run_scoped3A : memref<!tpu.dma_semaphore, #tpu.memory_space<semaphore_mem>>) src(%arg24 : memref<192xf32, #tpu.memory_space<vmem>>) dst(%dma_wait3A_763 : memref<192xf32, #tpu.memory_space<hbm>>)
        tpu.yield
      }) : () -> ()
      %scan3A_753 = arith.constant 0 : i32
      scf.yield %scan3A_753 : i32
    }
    %scan3A_53 = arith.constant 64 : i32
    return
  }
}

module attributes {stable_mosaic.version = 14 : i64} {
  func.func @_fps_body(%arg0: memref<8x16384xf32, #tpu.memory_space<vmem>>, %arg1: memref<8x16384xf32, #tpu.memory_space<vmem>>, %arg2: memref<8x16384xf32, #tpu.memory_space<vmem>>, %arg3: memref<8x512xf32, #tpu.memory_space<vmem>>, %arg4: memref<8x512xf32, #tpu.memory_space<vmem>>, %arg5: memref<8x512xf32, #tpu.memory_space<vmem>>, %arg6: memref<8x16384xf32, #tpu.memory_space<vmem>>) attributes {dimension_semantics = [], scalar_prefetch = 0 : i64, scratch_operands = 1 : i64, tpu.core_type = #tpu.core_type<tc>} {
    %get3A = arith.constant 0 : index
    %get3A_0 = arith.constant 0 : index
    %get3A_1 = vector.load %arg0[%get3A, %get3A_0] : memref<8x16384xf32, #tpu.memory_space<vmem>>, vector<8x16384xf32>
    %get3A_2 = arith.constant 0 : index
    %get3A_3 = arith.constant 0 : index
    %get3A_4 = vector.load %arg1[%get3A_2, %get3A_3] : memref<8x16384xf32, #tpu.memory_space<vmem>>, vector<8x16384xf32>
    %get3A_5 = arith.constant 0 : index
    %get3A_6 = arith.constant 0 : index
    %get3A_7 = vector.load %arg2[%get3A_5, %get3A_6] : memref<8x16384xf32, #tpu.memory_space<vmem>>, vector<8x16384xf32>
    %iota3A = tpu.iota {dimensions = array<i32: 1>} : vector<8x16384xi32>
    %iota3A_8 = tpu.iota {dimensions = array<i32: 1>} : vector<8x512xi32>
    %slice3A = vector.extract_strided_slice %get3A_1 {offsets = [0, 0], sizes = [8, 1], strides = [1, 1]} : vector<8x16384xf32> to vector<8x1xf32>
    %slice3A_9 = vector.extract_strided_slice %get3A_4 {offsets = [0, 0], sizes = [8, 1], strides = [1, 1]} : vector<8x16384xf32> to vector<8x1xf32>
    %slice3A_10 = vector.extract_strided_slice %get3A_7 {offsets = [0, 0], sizes = [8, 1], strides = [1, 1]} : vector<8x16384xf32> to vector<8x1xf32>
    %eq3A = arith.constant 0 : i32
    %eq3A_11 = vector.broadcast %eq3A : i32 to vector<8x512xi32>
    %eq3A_12 = arith.cmpi eq, %iota3A_8, %eq3A_11 : vector<8x512xi32>
    %broadcast_in_dim3A = vector.shape_cast %slice3A : vector<8x1xf32> to vector<8x1xf32>
    %broadcast_in_dim3A_13 = vector.broadcast %broadcast_in_dim3A : vector<8x1xf32> to vector<8x512xf32>
    %jit3A = arith.constant 0.000000e+00 : f32
    %broadcast_in_dim3A_14 = vector.broadcast %jit3A : f32 to vector<8x512xf32>
    %select_n3A = arith.select %eq3A_12, %broadcast_in_dim3A_13, %broadcast_in_dim3A_14 : vector<8x512xi1>, vector<8x512xf32>
    %broadcast_in_dim3A_15 = vector.shape_cast %slice3A_9 : vector<8x1xf32> to vector<8x1xf32>
    %broadcast_in_dim3A_16 = vector.broadcast %broadcast_in_dim3A_15 : vector<8x1xf32> to vector<8x512xf32>
    %jit3A_17 = arith.constant 0.000000e+00 : f32
    %broadcast_in_dim3A_18 = vector.broadcast %jit3A_17 : f32 to vector<8x512xf32>
    %select_n3A_19 = arith.select %eq3A_12, %broadcast_in_dim3A_16, %broadcast_in_dim3A_18 : vector<8x512xi1>, vector<8x512xf32>
    %broadcast_in_dim3A_20 = vector.shape_cast %slice3A_10 : vector<8x1xf32> to vector<8x1xf32>
    %broadcast_in_dim3A_21 = vector.broadcast %broadcast_in_dim3A_20 : vector<8x1xf32> to vector<8x512xf32>
    %jit3A_22 = arith.constant 0.000000e+00 : f32
    %broadcast_in_dim3A_23 = vector.broadcast %jit3A_22 : f32 to vector<8x512xf32>
    %select_n3A_24 = arith.select %eq3A_12, %broadcast_in_dim3A_21, %broadcast_in_dim3A_23 : vector<8x512xi1>, vector<8x512xf32>
    %broadcast_in_dim3A_25 = arith.constant 1.000000e+10 : f32
    %broadcast_in_dim3A_26 = vector.broadcast %broadcast_in_dim3A_25 : f32 to vector<8x16384xf32>
    %swap3A = arith.constant 0 : index
    %swap3A_27 = arith.constant 0 : index
    %swap3A_28 = vector.load %arg6[%swap3A, %swap3A_27] : memref<8x16384xf32, #tpu.memory_space<vmem>>, vector<8x16384xf32>
    tpu.vector_store %arg6[%swap3A, %swap3A_27], %broadcast_in_dim3A_26 {strides = array<i32>} : memref<8x16384xf32, #tpu.memory_space<vmem>>, vector<8x16384xf32>,
    %scan3A = arith.constant 1 : i32
    %scan3A_29 = arith.constant 511 : i32
    %scan3A_30 = arith.addi %scan3A, %scan3A_29 : i32
    %scan3A_31 = arith.constant 1 : i32
    %scan3A_32:6 = scf.for %scan3A_43 = %scan3A to %scan3A_30 step %scan3A_31 iter_args(%scan3A_44 = %slice3A, %scan3A_45 = %slice3A_9, %scan3A_46 = %slice3A_10, %scan3A_47 = %select_n3A, %scan3A_48 = %select_n3A_19, %scan3A_49 = %select_n3A_24) -> (vector<8x1xf32>, vector<8x1xf32>, vector<8x1xf32>, vector<8x512xf32>, vector<8x512xf32>, vector<8x512xf32>)  : i32 {
      %sub3A = vector.broadcast %scan3A_44 : vector<8x1xf32> to vector<8x16384xf32>
      %sub3A_50 = arith.subf %get3A_1, %sub3A : vector<8x16384xf32>
      %sub3A_51 = vector.broadcast %scan3A_45 : vector<8x1xf32> to vector<8x16384xf32>
      %sub3A_52 = arith.subf %get3A_4, %sub3A_51 : vector<8x16384xf32>
      %sub3A_53 = vector.broadcast %scan3A_46 : vector<8x1xf32> to vector<8x16384xf32>
      %sub3A_54 = arith.subf %get3A_7, %sub3A_53 : vector<8x16384xf32>
      %mul3A = arith.mulf %sub3A_50, %sub3A_50 : vector<8x16384xf32>
      %mul3A_55 = arith.mulf %sub3A_52, %sub3A_52 : vector<8x16384xf32>
      %add3A = arith.addf %mul3A, %mul3A_55 : vector<8x16384xf32>
      %mul3A_56 = arith.mulf %sub3A_54, %sub3A_54 : vector<8x16384xf32>
      %add3A_57 = arith.addf %add3A, %mul3A_56 : vector<8x16384xf32>
      %get3A_58 = arith.constant 0 : index
      %get3A_59 = arith.constant 0 : index
      %get3A_60 = vector.load %arg6[%get3A_58, %get3A_59] : memref<8x16384xf32, #tpu.memory_space<vmem>>, vector<8x16384xf32>
      %min3A = arith.minimumf %get3A_60, %add3A_57 : vector<8x16384xf32>
      %swap3A_61 = arith.constant 0 : index
      %swap3A_62 = arith.constant 0 : index
      %swap3A_63 = vector.load %arg6[%swap3A_61, %swap3A_62] : memref<8x16384xf32, #tpu.memory_space<vmem>>, vector<8x16384xf32>
      tpu.vector_store %arg6[%swap3A_61, %swap3A_62], %min3A {strides = array<i32>} : memref<8x16384xf32, #tpu.memory_space<vmem>>, vector<8x16384xf32>,
      %reduce_max3A = arith.constant dense<0xFF800000> : vector<8xf32>
      %reduce_max3A_64 = vector.multi_reduction <maximumf>, %min3A, %reduce_max3A [1] : vector<8x16384xf32> to vector<8xf32>
      %broadcast_in_dim3A_65 = vector.shape_cast %reduce_max3A_64 : vector<8xf32> to vector<8x1xf32>
      %eq3A_66 = vector.broadcast %broadcast_in_dim3A_65 : vector<8x1xf32> to vector<8x16384xf32>
      %eq3A_67 = arith.cmpf oeq, %min3A, %eq3A_66 : vector<8x16384xf32>
      %jit3A_68 = arith.constant 16384 : i32
      %broadcast_in_dim3A_69 = vector.broadcast %jit3A_68 : i32 to vector<8x16384xi32>
      %select_n3A_70 = arith.select %eq3A_67, %iota3A, %broadcast_in_dim3A_69 : vector<8x16384xi1>, vector<8x16384xi32>
      %reduce_min3A = arith.constant dense<2147483647> : vector<8xi32>
      %reduce_min3A_71 = vector.multi_reduction <minsi>, %select_n3A_70, %reduce_min3A [1] : vector<8x16384xi32> to vector<8xi32>
      %broadcast_in_dim3A_72 = vector.shape_cast %reduce_min3A_71 : vector<8xi32> to vector<8x1xi32>
      %eq3A_73 = vector.broadcast %broadcast_in_dim3A_72 : vector<8x1xi32> to vector<8x16384xi32>
      %eq3A_74 = arith.cmpi eq, %iota3A, %eq3A_73 : vector<8x16384xi32>
      %jit3A_75 = arith.constant 0.000000e+00 : f32
      %broadcast_in_dim3A_76 = vector.broadcast %jit3A_75 : f32 to vector<8x16384xf32>
      %select_n3A_77 = arith.select %eq3A_74, %get3A_1, %broadcast_in_dim3A_76 : vector<8x16384xi1>, vector<8x16384xf32>
      %reduce_sum3A = arith.constant dense<0.000000e+00> : vector<8xf32>
      %reduce_sum3A_78 = vector.multi_reduction <add>, %select_n3A_77, %reduce_sum3A [1] : vector<8x16384xf32> to vector<8xf32>
      %broadcast_in_dim3A_79 = vector.shape_cast %reduce_sum3A_78 : vector<8xf32> to vector<8x1xf32>
      %jit3A_80 = arith.constant 0.000000e+00 : f32
      %broadcast_in_dim3A_81 = vector.broadcast %jit3A_80 : f32 to vector<8x16384xf32>
      %select_n3A_82 = arith.select %eq3A_74, %get3A_4, %broadcast_in_dim3A_81 : vector<8x16384xi1>, vector<8x16384xf32>
      %reduce_sum3A_83 = arith.constant dense<0.000000e+00> : vector<8xf32>
      %reduce_sum3A_84 = vector.multi_reduction <add>, %select_n3A_82, %reduce_sum3A_83 [1] : vector<8x16384xf32> to vector<8xf32>
      %broadcast_in_dim3A_85 = vector.shape_cast %reduce_sum3A_84 : vector<8xf32> to vector<8x1xf32>
      %jit3A_86 = arith.constant 0.000000e+00 : f32
      %broadcast_in_dim3A_87 = vector.broadcast %jit3A_86 : f32 to vector<8x16384xf32>
      %select_n3A_88 = arith.select %eq3A_74, %get3A_7, %broadcast_in_dim3A_87 : vector<8x16384xi1>, vector<8x16384xf32>
      %reduce_sum3A_89 = arith.constant dense<0.000000e+00> : vector<8xf32>
      %reduce_sum3A_90 = vector.multi_reduction <add>, %select_n3A_88, %reduce_sum3A_89 [1] : vector<8x16384xf32> to vector<8xf32>
      %broadcast_in_dim3A_91 = vector.shape_cast %reduce_sum3A_90 : vector<8xf32> to vector<8x1xf32>
      %eq3A_92 = vector.broadcast %scan3A_43 : i32 to vector<8x512xi32>
      %eq3A_93 = arith.cmpi eq, %iota3A_8, %eq3A_92 : vector<8x512xi32>
      %broadcast_in_dim3A_94 = vector.shape_cast %broadcast_in_dim3A_79 : vector<8x1xf32> to vector<8x1xf32>
      %broadcast_in_dim3A_95 = vector.broadcast %broadcast_in_dim3A_94 : vector<8x1xf32> to vector<8x512xf32>
      %select_n3A_96 = arith.select %eq3A_93, %broadcast_in_dim3A_95, %scan3A_47 : vector<8x512xi1>, vector<8x512xf32>
      %broadcast_in_dim3A_97 = vector.shape_cast %broadcast_in_dim3A_85 : vector<8x1xf32> to vector<8x1xf32>
      %broadcast_in_dim3A_98 = vector.broadcast %broadcast_in_dim3A_97 : vector<8x1xf32> to vector<8x512xf32>
      %select_n3A_99 = arith.select %eq3A_93, %broadcast_in_dim3A_98, %scan3A_48 : vector<8x512xi1>, vector<8x512xf32>
      %broadcast_in_dim3A_100 = vector.shape_cast %broadcast_in_dim3A_91 : vector<8x1xf32> to vector<8x1xf32>
      %broadcast_in_dim3A_101 = vector.broadcast %broadcast_in_dim3A_100 : vector<8x1xf32> to vector<8x512xf32>
      %select_n3A_102 = arith.select %eq3A_93, %broadcast_in_dim3A_101, %scan3A_49 : vector<8x512xi1>, vector<8x512xf32>
      scf.yield %broadcast_in_dim3A_79, %broadcast_in_dim3A_85, %broadcast_in_dim3A_91, %select_n3A_96, %select_n3A_99, %select_n3A_102 : vector<8x1xf32>, vector<8x1xf32>, vector<8x1xf32>, vector<8x512xf32>, vector<8x512xf32>, vector<8x512xf32>
    }
    %scan3A_33 = arith.constant 511 : i32
    %swap3A_34 = arith.constant 0 : index
    %swap3A_35 = arith.constant 0 : index
    %swap3A_36 = vector.load %arg3[%swap3A_34, %swap3A_35] : memref<8x512xf32, #tpu.memory_space<vmem>>, vector<8x512xf32>
    tpu.vector_store %arg3[%swap3A_34, %swap3A_35], %scan3A_32#3 {strides = array<i32>} : memref<8x512xf32, #tpu.memory_space<vmem>>, vector<8x512xf32>,
    %swap3A_37 = arith.constant 0 : index
    %swap3A_38 = arith.constant 0 : index
    %swap3A_39 = vector.load %arg4[%swap3A_37, %swap3A_38] : memref<8x512xf32, #tpu.memory_space<vmem>>, vector<8x512xf32>
    tpu.vector_store %arg4[%swap3A_37, %swap3A_38], %scan3A_32#4 {strides = array<i32>} : memref<8x512xf32, #tpu.memory_space<vmem>>, vector<8x512xf32>,
    %swap3A_40 = arith.constant 0 : index
    %swap3A_41 = arith.constant 0 : index
    %swap3A_42 = vector.load %arg5[%swap3A_40, %swap3A_41] : memref<8x512xf32, #tpu.memory_space<vmem>>, vector<8x512xf32>
    tpu.vector_store %arg5[%swap3A_40, %swap3A_41], %scan3A_32#5 {strides = array<i32>} : memref<8x512xf32, #tpu.memory_space<vmem>>, vector<8x512xf32>,
    return
  }
}

</mosaic_0001>

<sc_bundles>
// kernel: kernel.4.cloned.1.call-start
scs
__scs_entry_jumppad:
0x0: {  	(pc) =	sbr.rel $0x88, $3  }
0x1: {  	(tag) =	ssettag $0x0;
	lr =	simm.s32 $0x1  }
0x2: {  	[smem:$0x3FA0] =	sst lr;
	_ =	strace $0xD0000000  }
0x3: {  	_ = 	snop  }
0x4: {  	_ = 	snop  }
0x5: {  	_ = 	snop  }
0x6: {  	_ = 	snop  }
0x7: {  	_ = 	snop  }
__scs_overlays_trampoline_lowered:
0x8: {  	[smem:$0x3FAF] =	sst s0  }
0x9: {  	[smem:$0x3FB0] =	sst s1  }
0xa: {  	[smem:$0x3FB1] =	sst s2  }
0xb: {  	[smem:$0x3FB2] =	sst s3  }
0xc: {  	[smem:$0x3FB3] =	sst s4  }
0xd: {  	[smem:$0x3FB4] =	sst s5  }
0xe: {  	[smem:$0x3FB5] =	sst s6  }
0xf: {  	[smem:$0x3FB6] =	sst s7  }
0x10: {  	[smem:$0x3FB7] =	sst s8  }
0x11: {  	[smem:$0x3FB8] =	sst s9;
	s0 =	simm.s32 @!p0 $0x0  }
0x12: {  	s1 =	sld [smem:$0x3F9E];
	s0 =	simm.s32 @p0 $0x1  }
0x13: {  	[smem:$0x3FB9] =	sst s0;
	s0 =	simm.s32 @!p1 $0x0  }
0x14: {  	s2 =	sld [smem:$0x3F9D];
	s0 =	simm.s32 @p1 $0x1  }
0x15: {  	[smem:$0x3FBA] =	sst s0;
	s0 =	simm.s32 @!p2 $0x0  }
0x16: {  	s3 =	sld [smem:$0x3FDB];
	s0 =	simm.s32 @p2 $0x1  }
0x17: {  	s4 =	simm.s32 $0x1BF5;
	[smem:$0x3FBC] =	sst s0  }
0x18: {  	s0 =	sld [smem:$0x3F9F];
	_ =	swait.ge [sflag:s4], $0x0  }
0x19: {  	s7 =	sld [smem:$0x3FA0]  }
0x1a: {  	s8 =	sadd.s32 $0xFFFFE003, lr  }
0x1b: {  	s9 =	sadd.s32 $0xFFFFFEF7, lr;
	s5 =	simm.s32 $0xFFFFFFFF;
	p2 =	slt.u32 s8, $0xFFFFF086  }
0x1c: {  	p1 =	slt.u32 s9, $0xF7A;
	s5 =	simm.s32 @!p2 $0x0  }
0x1d: {  	s5 =	simm.s32 @p1 $0x1;
	p0 =	seq.s32 s7, s2  }
0x1e: {  	s7 =	smul.u32 @!p0 $0xF7A, s2;
	p2 =	seq.s32 @!p0 s5, $0x0  }
0x1f: {  	s9 =	smul.u32 $0xF7A, s1;
	s8 =	simm.s32 @!p0 $0x1BF5;
	p2 =	por !p2, p0  }
0x20: {  	[sflag:s8] =	ssyncset.s32 @!p0 $0xFFFFF086;
	s6 =	sadd.s32 @!p0 s3, s7;
	s7 =	simm.s32 @!p0 $0x108  }
0x21: {  	s3 =	sadd.s32 s3, s9;
	s6 =	sadd.s32 @!p0 $0x88, s6;
	s7 =	simm.s32 @p2 $0x1082  }
0x22: {  	[simem:s7], [sflag:s8] =	dma.local @!p0 [hbm:s6], $0xF7A  }
0x23: {  	s9 =	sor.u32 $0xD0000000, s2;
	s6 =	simm.s32 $0x108;
	_ =	swait.ge @!p0 [sflag:s8], $0x0  }
0x24: {  	s3 =	sadd.s32 $0x88, s3;
	s6 =	simm.s32 @!p1 $0x1082;
	[sflag:s4] =	ssyncset.s32 $0xFFFFF086  }
0x25: {  	[simem:s6], [sflag:s4] =	dma.local [hbm:s3], $0xF7A  }
0x26: {  	[smem:$0x3FA0] =	sst s1;
	(tag) =	ssettag s2;
	_ =	strace s9  }
0x27: {  	s1 =	sld [smem:$0x3FB0]  }
0x28: {  	s2 =	sld [smem:$0x3FB1]  }
0x29: {  	s4 =	sld [smem:$0x3FB3]  }
0x2a: {  	p0 =	seq.s32 s5, $0x0;
	s5 =	sld [smem:$0x3FB4]  }
0x2b: {  	s6 =	sld [smem:$0x3FB5]  }
0x2c: {  	s7 =	sld [smem:$0x3FB6]  }
0x2d: {  	s3 =	simm.s32 $0x108;
	s8 =	sld [smem:$0x3FB7]  }
0x2e: {  	s3 =	simm.s32 @!p0 $0x1082;
	s9 =	sld [smem:$0x3FB8]  }
0x2f: {  	lr =	sadd.s32 s0, s3;
	s0 =	sld [smem:$0x3FAF]  }
0x30: {  	s3 =	sld [smem:$0x3FB2]  }
0x31: {  	[smem:$0x3FBB] =	sst s10  }
0x32: {  	s10 =	sld [smem:$0x3FB9];
	_ =	sdelay $0x3  }
0x33: {  	p0 =	seq.s32 s10, $0x1;
	s10 =	sld [smem:$0x3FBB];
	_ =	sdelay $0x3  }
0x34: {  	[smem:$0x3FBB] =	sst s10  }
0x35: {  	s10 =	sld [smem:$0x3FBA];
	_ =	sdelay $0x3  }
0x36: {  	p1 =	seq.s32 s10, $0x1;
	s10 =	sld [smem:$0x3FBB];
	_ =	sdelay $0x3  }
0x37: {  	[smem:$0x3FBB] =	sst s10  }
0x38: {  	s10 =	sld [smem:$0x3FBC]  }
0x39: {  	_ = 	snop;
	(pc) =	sbr.ind lr, $3  }
0x3a: {  	_ = 	snop  }
0x3b: {  	_ = 	snop  }
0x3c: {  	p2 =	seq.s32 s10, $0x1;
	s10 =	sld [smem:$0x3FBB]  }
0x3d: {  	_ =	shalt  }
0x3e: {  	_ =	shalt  }
0x3f: {  	_ =	shalt  }
0x40: {  	_ =	shalt  }
0x41: {  	_ =	shalt  }
0x42: {  	_ =	shalt  }
0x43: {  	_ =	shalt  }
0x44: {  	_ =	shalt  }
0x45: {  	_ =	shalt  }
0x46: {  	_ =	shalt  }
0x47: {  	_ =	shalt  }
0x48: {  	_ =	shalt  }
0x49: {  	_ =	shalt  }
0x4a: {  	_ =	shalt  }
0x4b: {  	_ =	shalt  }
0x4c: {  	_ =	shalt  }
0x4d: {  	_ =	shalt  }
0x4e: {  	_ =	shalt  }
0x4f: {  	_ =	shalt  }
0x50: {  	_ =	shalt  }
0x51: {  	_ =	shalt  }
0x52: {  	_ =	shalt  }
0x53: {  	_ =	shalt  }
0x54: {  	_ =	shalt  }
0x55: {  	_ =	shalt  }
0x56: {  	_ =	shalt  }
0x57: {  	_ =	shalt  }
0x58: {  	_ =	shalt  }
0x59: {  	_ =	shalt  }
0x5a: {  	_ =	shalt  }
0x5b: {  	_ =	shalt  }
0x5c: {  	_ =	shalt  }
0x5d: {  	_ =	shalt  }
0x5e: {  	_ =	shalt  }
0x5f: {  	_ =	shalt  }
0x60: {  	_ =	shalt  }
0x61: {  	_ =	shalt  }
0x62: {  	_ =	shalt  }
0x63: {  	_ =	shalt  }
0x64: {  	_ =	shalt  }
0x65: {  	_ =	shalt  }
0x66: {  	_ =	shalt  }
0x67: {  	_ =	shalt  }
0x68: {  	_ =	shalt  }
0x69: {  	_ =	shalt  }
0x6a: {  	_ =	shalt  }
0x6b: {  	_ =	shalt  }
0x6c: {  	_ =	shalt  }
0x6d: {  	_ =	shalt  }
0x6e: {  	_ =	shalt  }
0x6f: {  	_ =	shalt  }
0x70: {  	_ =	shalt  }
0x71: {  	_ =	shalt  }
0x72: {  	_ =	shalt  }
0x73: {  	_ =	shalt  }
0x74: {  	_ =	shalt  }
0x75: {  	_ =	shalt  }
0x76: {  	_ =	shalt  }
0x77: {  	_ =	shalt  }
0x78: {  	_ =	shalt  }
0x79: {  	_ =	shalt  }
0x7a: {  	_ =	shalt  }
0x7b: {  	_ =	shalt  }
0x7c: {  	_ =	shalt  }
0x7d: {  	_ =	shalt  }
0x7e: {  	_ =	shalt  }
0x7f: {  	_ =	shalt  }
0x80: {  	_ =	shalt  }
0x81: {  	_ =	shalt  }
0x82: {  	_ =	shalt  }
0x83: {  	_ =	shalt  }
0x84: {  	_ =	shalt  }
0x85: {  	_ =	shalt  }
0x86: {  	_ =	shalt  }
0x87: {  	_ =	shalt  }
.Lfunc_end0:
.L_simem_size_0:
called_computation_lowered:
.L_overlay_start_0:
0x88: {  	s2 =	sld [smem:$0x3FD9]  }
0x89: {  	s3 =	sld [smem:$0x3FFE];
	_ =	sdelay $0x1  }
0x8a: {  	s1 =	srdreg.scid  }
0x8b: {  	s0 =	sand.u32 $0x1, s1  }
0x8c: {  	s14 =	sshll.u32 s0, $0xA;
	s2 =	sadd.s32 s3, s2  }
0x8d: {  	s2 =	sadd.s32 s2, s14  }
0x8e: {  	[smem:$0x3FC7] =	sst s2  }
0x8f: {  	_ = 	snop  }
0x90: {  	s2 =	sld [smem:$0x3FD0];
	_ =	sdelay $0x2  }
0x91: {  	s15 =	simm.s32 $0xA;
	s4 =	simm.s32 $0x10  }
0x92: {  	[smem:s4], [sflag:s15] =	dma.local [hbm:s2], $0x1  }
0x93: {  	_ =	swait.eq [sflag:s15], $0x1  }
0x94: {  	[sflag:s15] =	ssyncset.done $0x0  }
0x95: {  	[sflag:s15] =	ssyncadd.s32 $0xFFFFFFFF  }
0x96: {  	s16 =	sld [smem:$0x10];
	(tm) =	ssettm $0x1  }
0x97: {  	s17 =	sld [smem:$0x3FFB];
	_ =	sdelay $0x3  }
0x98: {  	_ =	strace s17  }
0x99: {  	s3 =	sld [smem:$0x3FFC];
	_ =	sdelay $0x3  }
0x9a: {  	_ =	strace s3  }
0x9b: {  	s3 =	sld [smem:$0x3FFD];
	_ =	sdelay $0x3  }
0x9c: {  	_ =	strace s3  }
0x9d: {  	_ =	strace $0x8FFFFFFF  }
0x9e: {  	s18 =	sld [smem:$0x3FDB];
	_ =	sdelay $0x1  }
0x9f: {  	s19 =	simm.s32 $_scs_section_size  }
0xa0: {  	s5 =	simm.s32 $_size__tile_overlayer_lowered;
	s6 =	simm.s32 $_tile_overlayer_lowered  }
0xa1: {  	s22 =	simm.s32 $0x1BFF;
	s21 =	sshll.u32 s6, $0x1;
	s3 =	sadd.s32 s19, s18  }
0xa2: {  	s7 =	simm.s32 $0x0;
	s20 =	sshll.u32 s5, $0x1;
	s5 =	sadd.s32 s21, s3  }
0xa3: {  	[timem:s7], [sflag:s22] =	dma.local [hbm:s5], s20  }
0xa4: {  	_ =	swait.ge [sflag:s22], s20  }
0xa5: {  	s4 =	ssub.s32 $0x0, s20;
	[sflag:s22] =	ssyncset.done $0x0  }
0xa6: {  	[sflag:s22] =	ssyncadd.s32 s4;
	_ =	sdelay $0x1  }
0xa7: {  	s23 =	simm.s32 $0x1B8B  }
0xa8: {  	_ =	swait.ge [sflag:s23], $0x1  }
0xa9: {  	[sflag:s23] =	ssyncset.done $0x0  }
0xaa: {  	s25 =	simm.s32 $0x1B8E;
	s24 =	sld [smem:$0x3FFE];
	[sflag:s23] =	ssyncadd.s32 $0xFFFFFFFF  }
0xab: {  	s26 =	simm.s32 $execute0_lowered;
	[smem:$0x3FD2] =	sst s25  }
0xac: {  	s5 =	sshll.u32 s26, $0x1;
	_ =	strace $0x80000046;
	[dreg:$0x1] =	wrdreg $0xFFFFFFFF  }
0xad: {  	s28 =	simm.s32 $_size_execute0_lowered;
	s3 =	sadd.s32 s3, s5;
	[dreg:$0x0] =	wrdreg $0x0  }
0xae: {  	s5 =	sshll.u32 s28, $0x1;
	[dreg:$0x2] =	wrdreg s3  }
0xaf: {  	[dreg:$0x3] =	wrdreg s5  }
0xb0: {  	[dreg:$0x4] =	wrdreg $0xC0  }
0xb1: {  	_ =	task [dreg:s7], $0x5FFFF  }
0xb2: {  	[dreg:$0x1] =	wrdreg $0xFFFFFFFF  }
0xb3: {  	[dreg:$0x0] =	wrdreg $0x60  }
0xb4: {  	[dreg:$0x2] =	wrdreg s16  }
0xb5: {  	[dreg:$0x3] =	wrdreg s24  }
0xb6: {  	[dreg:$0x4] =	wrdreg $0x9  }
0xb7: {  	_ =	task.clear_ibuf [dreg:s7], $0x5FFFF;
	_ =	strace $0x90000046  }
0xb8: {  	s29 =	simm.s32 $0x9;
	_ =	strace $0x80000048  }
0xb9: {  	_ =	swait.ge [sflag:s29], $0x1  }
0xba: {  	[sflag:s29] =	ssyncadd.s32 $0xFFFFFFFF  }
0xbb: {  	_ =	strace $0x90000048  }
0xbc: {  	_ =	sfence  }
0xbd: {  	s30 =	sld [smem:$0x0];
	_ =	sdelay $0x2  }
0xbe: {  	s31 =	sshll.u32 s1, $0xD;
	s1 =	sshrl.u32 s1, $0x2  }
0xbf: {  	s3 =	sand.u32 $0x4000, s31;
	s1 =	sadd.s32 s1, s30  }
0xc0: {  	s0 =	sor.u32 s3, s0;
	s1 =	sshll.u32 s1, $0x11  }
0xc1: {  	s0 =	sor.u32 s1, s0  }
0xc2: {  	s0 =	sadd.s32 $0x8F2B, s0  }
0xc3: {  	[sflag:s0] =	ssyncadd.remote.s32 $0x1  }
0xc4: {  	_ =	sfence.sel $0xFFFF  }
0xc5: {  	[dreg:$0x0] =	wrdreg $0xFFFFFFFF;
	(pc) =	sbr.abs _section_cstart, $3  }
0xc6: {  	[dreg:$0x1] =	wrdreg $0xFFFFFFFF  }
0xc7: {  	_ =	task.clear_ibuf [dreg:s7], $0x2FFFF;
	_ =	strace $0x9FFFFFFF  }
0xc8: {  	(tm) =	ssettm $0x7FFFFFFF  }
0xc9: {  	_ =	shalt  }
tec
execute0_lowered:
.L_overlay_start_1:
0x0: {  	(tag) =	ssettag $0x1  }
0x1: {  	s0 =	rddreg [dreg:$0x0]  }
0x2: {  	s5 =	stileid.u32;
	s1 =	rddreg [dreg:$0x1]  }
0x3: {  	s2 =	srdreg.scid;
	s13 =	simm.s32 $0x80;
	s14 =	simm.s32 $0x400  }
0x4: {  	s15 =	simm.s32 $0x1;
	s16 =	simm.s32 $0x4000;
	s17 =	simm.s32 $0x8000  }
0x5: {  	s18 =	simm.s32 $0x1C000;
	s19 =	simm.s32 $0x1C080;
	s20 =	simm.s32 $0x1C100  }
0x6: {  	s21 =	simm.s32 $0x1C180;
	s22 =	simm.s32 $0x1E380;
	s23 =	simm.s32 $0x1E400  }
0x7: {  	s3 =	sshll.u32 s5, $0x1;
	s4 =	sand.u32 $0x1, s2;
	s2 =	simm.s32 $0x0  }
0x8: {  	s5 =	sshrl.u32 s5, $0x1;
	s3 =	sand.u32 $0x2, s3;
	[smem:$0x7FF] =	sst s2  }
0x9: {  	s7 =	sshll.u32 s5, $0x4;
	s6 =	sor.u32 s4, s3;
	_ =	strace $0x80000047  }
0xa: {  	s4 =	ssub.s32 $0x2, s4;
	s8 =	sadd.s32 s7, s1;
	s0 =	sadd.s32 s0, s7  }
0xb: {  	s3 =	sshll.u32 s6, $0x7;
	[dreg:$0x3] =	wrdreg s0;
	s25 =	sadd.s32 $0x5A00, s8  }
0xc: {  	s10 =	sshrl.u32 s4, $0x1;
	s26 =	sadd.s32 $0x1A00, s8;
	[dreg:$0x4] =	wrdreg s25  }
0xd: {  	s3 =	sor.u32 s7, s3;
	s24 =	ssub.s32 s4, s10;
	[dreg:$0x5] =	wrdreg s26  }
.Ltmp0:
0xe: {  	s9 =	sadd.s32 s3, s1;
	s31 =	smax.u32 s24, $0x1;
	(pc) =	sbr.rel .LBB2_1-.Ltmp0, $4  }
0xf: {  	s11 =	sshll.u32 s6, $0xF;
	s28 =	sadd.s32 $0x9A00, s9;
	[dreg:$0x9] =	wrdreg s31  }
0x10: {  	s10 =	sshll.u32 s5, $0x11;
	s29 =	sadd.s32 $0x9C00, s9;
	[dreg:$0x6] =	wrdreg s28  }
0x11: {  	s3 =	sadd.s32 $0xA000, s1;
	s30 =	sadd.s32 $0x9E00, s9;
	[dreg:$0x7] =	wrdreg s29  }
0x12: {  	v0 =	vlaneseq.u32;
	s24 =	simm.s32 $0x1D280;
	s1 =	simm.s32 $0x0;
	[dreg:$0x8] =	wrdreg s30  }
.LBB2_31:
0x13: {  	s1 =	rddreg [dreg:$0xa]  }
0x14: {  	s0 =	rddreg [dreg:$0x9];
	s1 =	sadd.s32 $0x1, s1  }
0x15: {  	p0 =	sne.s32 s1, s0  }
.Ltmp1:
0x16: {  	_ = 	snop;
	(pc) =	sbr.rel @!p0 .LBB2_32-.Ltmp1, $1  }
0x17: {  	_ =	sdelay $0x3  }
.LBB2_1:
0x18: {  	[dreg:$0xa] =	wrdreg s1  }
0x19: {  	s0 =	rddreg [dreg:$0x3]  }
0x1a: {  	[tilespmem:s2], [sflag:$0x1] =	stream.strided.gather [hbm4b:s0+s13], $0x4000, s14, s13, $0x38;
	[tilespmem:$0x1E500] =	vst v63  }
0x1b: {  	_ =	swait.ge [sflag:s15], $0x4000  }
0x1c: {  	[sflag:s15] =	ssyncset.done $0x0  }
0x1d: {  	s26 =	rddreg [dreg:$0x4];
	[sflag:s15] =	ssyncadd.s32 $0xFFFFC000  }
0x1e: {  	[tilespmem:s16], [sflag:$0x1] =	stream.strided.gather [hbm4b:s26+s13], $0x4000, s14, s13, $0x38;
	[tilespmem:$0x1E500] =	vst v63  }
0x1f: {  	_ =	swait.ge [sflag:s15], $0x4000  }
0x20: {  	[sflag:s15] =	ssyncset.done $0x0  }
0x21: {  	s28 =	rddreg [dreg:$0x5];
	[sflag:s15] =	ssyncadd.s32 $0xFFFFC000  }
0x22: {  	[tilespmem:s17], [sflag:$0x1] =	stream.strided.gather [hbm4b:s28+s13], $0x4000, s14, s13, $0x38;
	[tilespmem:$0x1E500] =	vst v63  }
0x23: {  	_ =	swait.ge [sflag:s15], $0x4000  }
0x24: {  	[sflag:s15] =	ssyncset.done $0x0  }
0x25: {  	s29 =	rddreg [dreg:$0x6];
	[sflag:s15] =	ssyncadd.s32 $0xFFFFC000  }
0x26: {  	[tilespmem:s18], [sflag:$0x1] =	stream.linear.gather [hbm4b:s29+s2], $0x80, $0x38;
	[tilespmem:$0x1E500] =	vst v63  }
0x27: {  	_ =	swait.ge [sflag:s15], $0x80  }
0x28: {  	[sflag:s15] =	ssyncset.done $0x0  }
0x29: {  	s30 =	rddreg [dreg:$0x7];
	[sflag:s15] =	ssyncadd.s32 $0xFFFFFF80  }
0x2a: {  	[tilespmem:s19], [sflag:$0x1] =	stream.linear.gather [hbm4b:s30+s2], $0x80, $0x38;
	[tilespmem:$0x1E500] =	vst v63  }
0x2b: {  	_ =	swait.ge [sflag:s15], $0x80  }
0x2c: {  	[sflag:s15] =	ssyncset.done $0x0  }
0x2d: {  	s31 =	rddreg [dreg:$0x8];
	[sflag:s15] =	ssyncadd.s32 $0xFFFFFF80  }
0x2e: {  	[tilespmem:s20], [sflag:$0x1] =	stream.linear.gather [hbm4b:s31+s2], $0x80, $0x38;
	[tilespmem:$0x1E500] =	vst v63  }
0x2f: {  	_ =	swait.ge [sflag:s15], $0x80  }
0x30: {  	[sflag:s15] =	ssyncset.done $0x0  }
0x31: {  	s1 =	simm.s32 $0x0;
	[sflag:s15] =	ssyncadd.s32 $0xFFFFFF80  }
0x32: {  	v1 =	vld [tilespmem:s1+$0x0]  }
0x33: {  	v2 =	vld [tilespmem:s1+$0x4000]  }
0x34: {  	v5 =	vld [tilespmem:s1+$0x8000];
	_ =	sdelay $0x3  }
0x35: {  	s0 =	simm.s32 $0x10;
	v4 =	vmul.f32 v1, v1;
	v6 =	vmul.f32 v2, v2;
	v7 =	vshrl.u32 v1, $0x10  }
0x36: {  	v3 =	vld [tilespmem:s0+$0x0];
	v8 =	vshrl.u32 v2, $0x10;
	v9 =	vmul.f32 v5, v5;
	v10 =	vshrl.u32 v5, $0x10  }
0x37: {  	v7 =	vand.u32 $0x1, v7;
	v8 =	vand.u32 $0x1, v8;
	v6 =	vadd.f32 v6, v4;
	v4 =	vld [tilespmem:s0+$0x4000]  }
0x38: {  	v7 =	vadd.s32 v7, v1;
	v2 =	vadd.s32 v8, v2;
	v8 =	vand.u32 $0x1, v10  }
0x39: {  	v1 =	vld [tilespmem:s0+$0x8000];
	v7 =	vadd.s32 $0x7FFF, v7;
	v5 =	vadd.s32 v8, v5  }
0x3a: {  	v2 =	vadd.s32 $0x7FFF, v2;
	v6 =	vadd.f32 v9, v6;
	v7 =	vand.u32 $0xFFFF0000, v7  }
0x3b: {  	v8 =	vshrl.u32 v3, $0x10;
	v5 =	vadd.s32 $0x7FFF, v5;
	v10 =	vand.u32 $0xFFFF0000, v2;
	[tilespmem:s1+$0xC000] =	vst v7  }
0x3c: {  	s4 =	simm.s32 $0x20;
	[tilespmem:s1+$0x18000] =	vst v6;
	v6 =	vmul.f32 v3, v3;
	v7 =	vshrl.u32 v4, $0x10;
	v9 =	vmul.f32 v4, v4  }
0x3d: {  	s5 =	simm.s32 $0xC0;
	v8 =	vand.u32 $0x1, v8;
	v5 =	vand.u32 $0xFFFF0000, v5;
	v2 =	vld [tilespmem:s4+$0x0];
	[tilespmem:s1+$0x10000] =	vst v10;
	v7 =	vand.u32 $0x1, v7  }
.LBB2_2:
0x3e: {  	p0 =	sne.s32 s5, $0xFFC0;
	v10 =	vld [tilespmem:s4+$0x4000];
	v6 =	vadd.f32 v9, v6;
	v9 =	vmul.f32 v1, v1;
	v11 =	vshrl.u32 v1, $0x10;
	[tilespmem:s1+$0x14000] =	vst v5;
	s1 =	smov.u32 s0;
	s0 =	smov.u32 s4  }
0x3f: {  	v3 =	vadd.s32 v8, v3;
	v4 =	vadd.s32 v7, v4;
	v5 =	vand.u32 $0x1, v11  }
.Ltmp2:
0x40: {  	v12 =	vadd.s32 $0x7FFF, v3;
	v6 =	vadd.f32 v9, v6;
	v5 =	vadd.s32 v5, v1;
	v1 =	vld [tilespmem:s0+$0x8000];
	(pc) =	sbr.rel @p0 .LBB2_2-.Ltmp2, $4  }
0x41: {  	v7 =	vand.u32 $0xFFFF0000, v12;
	v9 =	vadd.s32 $0x7FFF, v4;
	v13 =	vadd.s32 $0x7FFF, v5  }
0x42: {  	v11 =	vand.u32 $0xFFFF0000, v9;
	v8 =	vshrl.u32 v2, $0x10;
	[tilespmem:s1+$0x18000] =	vst v6;
	v5 =	vand.u32 $0xFFFF0000, v13;
	v3 =	vmovc v2  }
0x43: {  	s4 =	sshra.s32 s5, $0x2;
	v6 =	vmul.f32 v2, v3;
	v9 =	vmul.f32 v10, v10;
	v12 =	vshrl.u32 v10, $0x10;
	[tilespmem:s1+$0xC000] =	vst v7;
	v4 =	vmovc v10  }
0x44: {  	s5 =	sadd.s32 $0x40, s5;
	v8 =	vand.u32 $0x1, v8;
	v2 =	vld [tilespmem:s4+$0x0];
	v7 =	vand.u32 $0x1, v12;
	[tilespmem:s1+$0x10000] =	vst v11  }
0x45: {  	v10 =	vld [tilespmem:s4+$0x4000];
	v6 =	vadd.f32 v9, v6;
	[tilespmem:s1+$0x14000] =	vst v5;
	v54 =	vmul.f32 v1, v1  }
0x46: {  	v55 =	vshrl.u32 v1, $0x10;
	v3 =	vadd.s32 v8, v3;
	v4 =	vadd.s32 v7, v4;
	v56 =	vld [tilespmem:s4+$0x8000]  }
0x47: {  	v57 =	vand.u32 $0x1, v55;
	v3 =	vadd.s32 $0x7FFF, v3;
	v4 =	vadd.s32 $0x7FFF, v4  }
0x48: {  	v5 =	vadd.f32 v54, v6;
	v1 =	vadd.s32 v57, v1;
	v3 =	vand.u32 $0xFFFF0000, v3  }
0x49: {  	v4 =	vand.u32 $0xFFFF0000, v4;
	v1 =	vadd.s32 $0x7FFF, v1;
	v58 =	vmul.f32 v2, v2  }
0x4a: {  	v60 =	vshrl.u32 v2, $0x10;
	v1 =	vand.u32 $0xFFFF0000, v1;
	v59 =	vmul.f32 v10, v10  }
0x4b: {  	[tilespmem:s0+$0xC000] =	vst v3;
	v61 =	vshrl.u32 v10, $0x10;
	v3 =	vand.u32 $0x1, v60;
	v62 =	vmul.f32 v56, v56  }
0x4c: {  	[tilespmem:s0+$0x18000] =	vst v5;
	v5 =	vand.u32 $0x1, v61;
	v2 =	vadd.s32 v3, v2;
	v6 =	vadd.f32 v59, v58  }
0x4d: {  	[tilespmem:s0+$0x14000] =	vst v1;
	v63 =	vshrl.u32 v56, $0x10;
	v1 =	vadd.s32 v5, v10;
	v2 =	vadd.s32 $0x7FFF, v2  }
.Ltmp3:
0x4e: {  	[tilespmem:s0+$0x10000] =	vst v4;
	v4 =	vand.u32 $0x1, v63;
	v2 =	vand.u32 $0xFFFF0000, v2;
	v3 =	vadd.f32 v62, v6;
	(pc) =	sbr.rel .LBB2_4-.Ltmp3, $4  }
0x4f: {  	v4 =	vadd.s32 v4, v56;
	v1 =	vadd.s32 $0x7FFF, v1;
	[tilespmem:s4+$0xC000] =	vst v2  }
0x50: {  	v1 =	vand.u32 $0xFFFF0000, v1;
	[tilespmem:s4+$0x18000] =	vst v3;
	v3 =	vadd.s32 $0x7FFF, v4  }
0x51: {  	[tilespmem:s4+$0x10000] =	vst v1;
	v2 =	vand.u32 $0xFFFF0000, v3  }
0x52: {  	s26 =	simm.s32 $0x0;
	[tilespmem:s4+$0x14000] =	vst v2  }
.LBB2_30:
0x53: {  	v1 =	vld [tilespmem:$0x1E380];
	_ =	sdelay $0x4  }
0x54: {  	v5 =	vld [tilespmem:$0x1FFB0]  }
0x55: {  	v4 =	vld [tilespmem:$0x1FFC0]  }
0x56: {  	v6 =	vld [tilespmem:$0x1FFD0]  }
0x57: {  	v2 =	vld.idx.msk [tilespmem:v1+s2+$0x0], $0xffff  }
0x58: {  	v3 =	vld.idx.msk [tilespmem:v1+s16+$0x0], $0xffff  }
0x59: {  	v1 =	vld.idx.msk [tilespmem:v1+s17+$0x0], $0xffff;
	_ =	sdelay $0x2  }
0x5a: {  	v2 =	vsub.f32 v2, v5  }
0x5b: {  	v3 =	vsub.f32 v3, v4  }
0x5c: {  	v1 =	vsub.f32 v1, v6;
	[tilespmem:v9+s23+$0x0] =	vst.idx.msk $0xffff, v2  }
0x5d: {  	[tilespmem:v10+s23+$0x0] =	vst.idx.msk $0xffff, v3  }
0x5e: {  	[tilespmem:v11+s23+$0x0] =	vst.idx.msk $0xffff, v1  }
0x5f: {  	v1 =	vld [tilespmem:$0x1E390];
	_ =	sdelay $0x7  }
0x60: {  	v2 =	vld.idx.msk [tilespmem:v1+s2+$0x0], $0xffff  }
0x61: {  	v3 =	vld.idx.msk [tilespmem:v1+s16+$0x0], $0xffff  }
0x62: {  	v1 =	vld.idx.msk [tilespmem:v1+s17+$0x0], $0xffff;
	_ =	sdelay $0x2  }
0x63: {  	v2 =	vsub.f32 v2, v5  }
0x64: {  	v3 =	vsub.f32 v3, v4  }
0x65: {  	v1 =	vsub.f32 v1, v6;
	[tilespmem:v12+s23+$0x0] =	vst.idx.msk $0xffff, v2  }
0x66: {  	[tilespmem:v13+s23+$0x0] =	vst.idx.msk $0xffff, v3  }
0x67: {  	[tilespmem:v14+s23+$0x0] =	vst.idx.msk $0xffff, v1  }
0x68: {  	v1 =	vld [tilespmem:$0x1E3A0];
	_ =	sdelay $0x7  }
0x69: {  	v2 =	vld.idx.msk [tilespmem:v1+s2+$0x0], $0xffff  }
0x6a: {  	v3 =	vld.idx.msk [tilespmem:v1+s16+$0x0], $0xffff  }
0x6b: {  	v1 =	vld.idx.msk [tilespmem:v1+s17+$0x0], $0xffff;
	_ =	sdelay $0x2  }
0x6c: {  	v2 =	vsub.f32 v2, v5  }
0x6d: {  	v3 =	vsub.f32 v3, v4  }
0x6e: {  	v1 =	vsub.f32 v1, v6;
	[tilespmem:v17+s23+$0x0] =	vst.idx.msk $0xffff, v2  }
0x6f: {  	[tilespmem:v18+s23+$0x0] =	vst.idx.msk $0xffff, v3  }
0x70: {  	[tilespmem:v19+s23+$0x0] =	vst.idx.msk $0xffff, v1  }
0x71: {  	v1 =	vld [tilespmem:$0x1E3B0];
	_ =	sdelay $0x7  }
0x72: {  	v2 =	vld.idx.msk [tilespmem:v1+s2+$0x0], $0xffff  }
0x73: {  	v3 =	vld.idx.msk [tilespmem:v1+s16+$0x0], $0xffff  }
0x74: {  	v1 =	vld.idx.msk [tilespmem:v1+s17+$0x0], $0xffff;
	_ =	sdelay $0x1  }
0x75: {  	s0 =	sshll.u32 s28, $0x7  }
0x76: {  	s0 =	sand.u32 $0x380, s0;
	v2 =	vsub.f32 v2, v5  }
0x77: {  	s0 =	sor.u32 s0, s10;
	v3 =	vsub.f32 v3, v4  }
0x78: {  	s26 =	sadd.s32 $0x1, s26;
	s0 =	sor.u32 s1, s0;
	v1 =	vsub.f32 v1, v6;
	[tilespmem:v20+s23+$0x0] =	vst.idx.msk $0xffff, v2  }
0x79: {  	p0 =	sne.s32 s26, $0x40;
	s0 =	sshrl.u32 s0, $0x3;
	[tilespmem:v16+s23+$0x0] =	vst.idx.msk $0xffff, v3  }
.Ltmp4:
0x7a: {  	s0 =	sadd.s32 s3, s0;
	[tilespmem:v15+s23+$0x0] =	vst.idx.msk $0xffff, v1;
	(pc) =	sbr.rel @!p0 .LBB2_31-.Ltmp4, $4  }
0x7b: {  	[hbm4b:s0+s13] =	stream.strided.scatter [tilespmem:s23], [sflag:$0x1], $0x100, s14, s13, $0x38;
	[tilespmem:$0x1E500] =	vst v63  }
0x7c: {  	_ =	swait.ge [sflag:s15], $0x100  }
0x7d: {  	[sflag:s15] =	ssyncset.done $0x0  }
0x7e: {  	[sflag:s15] =	ssyncadd.s32 $0xFFFFFF00  }
.LBB2_4:
0x7f: {  	s0 =	sshll.u32 s26, $0x1  }
0x80: {  	v1 =	vmov s0  }
0x81: {  	v1 =	vbroadcast v1, $0x0;
	_ =	sdelay $0x4  }
0x82: {  	s28 =	sshllo.u32 s26, $0x1  }
0x83: {  	v2 =	vmov s28;
	v11 =	vld.idx.msk [tilespmem:v1+s18+$0x0], $0xffff  }
0x84: {  	v10 =	vld.idx.msk [tilespmem:v1+s19+$0x0], $0xffff;
	_ =	sdelay $0x1  }
0x85: {  	v9 =	vld.idx.msk [tilespmem:v1+s20+$0x0], $0xffff;
	_ =	sdelay $0x1  }
0x86: {  	v6 =	vld.idx.msk [tilespmem:v2+s19+$0x0], $0xffff  }
0x87: {  	v7 =	vld.idx.msk [tilespmem:v2+s18+$0x0], $0xffff;
	v1 =	vmul.f32 v11, v11;
	v3 =	vmul.f32 v10, v10  }
0x88: {  	v4 =	vshrl.u32 v11, $0x10  }
0x89: {  	v8 =	vld.idx.msk [tilespmem:v2+s20+$0x0], $0xffff;
	v5 =	vshrl.u32 v10, $0x10;
	v1 =	vadd.f32 v3, v1;
	v3 =	vmul.f32 v9, v9  }
0x8a: {  	v2 =	vand.u32 $0x1, v4;
	v4 =	vand.u32 $0x1, v5  }
0x8b: {  	v5 =	vmul.f32 v6, v6;
	v12 =	vadd.f32 v3, v1;
	v1 =	vadd.s32 v2, v11  }
0x8c: {  	v2 =	vadd.s32 v4, v10;
	v3 =	vshrl.u32 v9, $0x10;
	v4 =	vmul.f32 v7, v7  }
0x8d: {  	v1 =	vadd.s32 $0x7FFF, v1;
	v2 =	vadd.s32 $0x7FFF, v2;
	v3 =	vand.u32 $0x1, v3  }
0x8e: {  	[tilespmem:$0x1FFB0] =	vst v7;
	v3 =	vadd.s32 v3, v9;
	v4 =	vadd.f32 v5, v4;
	v5 =	vmul.f32 v8, v8  }
0x8f: {  	[tilespmem:$0x1FFC0] =	vst v6;
	v59 =	vand.u32 $0xFFFF0000, v1;
	v52 =	vand.u32 $0xFFFF0000, v2;
	v1 =	vadd.s32 $0x7FFF, v3  }
0x90: {  	p1 =	por $0x1, $0x1;
	[tilespmem:$0x1FF90] =	vst v10;
	v2 =	vshrl.u32 v6, $0x10;
	v10 =	vand.u32 $0xFFFF0000, v1;
	v1 =	vshrl.u32 v7, $0x10  }
.Ltmp5:
0x91: {  	[tilespmem:$0x1FFD0] =	vst v8;
	v3 =	vshrl.u32 v8, $0x10;
	v2 =	vand.u32 $0x1, v2;
	v1 =	vand.u32 $0x1, v1;
	(pc) =	sbr.rel @!p1 .LBB2_5-.Ltmp5, $4  }
0x92: {  	[tilespmem:$0x1FF80] =	vst v11;
	v11 =	vadd.f32 v5, v4;
	v3 =	vand.u32 $0x1, v3;
	v1 =	vadd.s32 v1, v7  }
0x93: {  	[tilespmem:$0x1FFA0] =	vst v9;
	v2 =	vadd.s32 v2, v6;
	v3 =	vadd.s32 v3, v8;
	v1 =	vadd.s32 $0x7FFF, v1  }
0x94: {  	s29 =	simm.s32 $0x0;
	[tilespmem:$0x1FFE0] =	vst v59;
	v9 =	vand.u32 $0xFFFF0000, v1;
	v1 =	vadd.s32 $0x7FFF, v2;
	v2 =	vadd.s32 $0x7FFF, v3  }
0x95: {  	v15 =	vimm.f32 $+Inf;
	p0 =	por $0x0, $0x0;
	[tilespmem:$0x1FFF0] =	vst v11;
	v3 =	vld [tilespmem:s29+$0xC0F0];
	v13 =	vand.u32 $0xFFFF0000, v1;
	v14 =	vand.u32 $0xFFFF0000, v2  }
0x96: {  	v1 =	vld [tilespmem:s29+$0x100F0]  }
0x97: {  	v2 =	vld [tilespmem:s29+$0xC000]  }
0x98: {  	v5 =	vld [tilespmem:s29+$0x140F0]  }
0x99: {  	v7 =	vld [tilespmem:s29+$0xC010]  }
0x9a: {  	v21 =	vld [tilespmem:s29+$0x10020]  }
0x9b: {  	v22 =	vld [tilespmem:s29+$0xC030];
	v4 =	vmul.f32 v59, v3;
	v17 =	vmul.f32 v9, v3  }
0x9c: {  	v38 =	vld [tilespmem:s29+$0xC0A0];
	v18 =	vmul.f32 v13, v1;
	v19 =	vmul.f32 v59, v2  }
0x9d: {  	v40 =	vld [tilespmem:s29+$0xC0B0];
	v2 =	vmul.f32 v9, v2;
	v3 =	vmul.f32 v52, v1  }
0x9e: {  	v42 =	vld [tilespmem:s29+$0xC0C0];
	v1 =	vmul.f32 v14, v5;
	v23 =	vmul.f32 v59, v7  }
0x9f: {  	v43 =	vld [tilespmem:s29+$0x100C0];
	v7 =	vmul.f32 v9, v7;
	v26 =	vmul.f32 v52, v21  }
0xa0: {  	v44 =	vld [tilespmem:s29+$0xC0D0];
	v21 =	vmul.f32 v13, v21;
	v28 =	vmul.f32 v59, v22  }
0xa1: {  	v45 =	vld [tilespmem:s29+$0x100D0];
	v22 =	vmul.f32 v9, v22;
	v58 =	vmul.f32 v59, v38  }
0xa2: {  	v46 =	vld [tilespmem:s29+$0xC0E0];
	v38 =	vmul.f32 v9, v38;
	v60 =	vmul.f32 v59, v40  }
0xa3: {  	v48 =	vld [tilespmem:s29+$0x14000];
	v40 =	vmul.f32 v9, v40;
	v61 =	vmul.f32 v59, v42  }
0xa4: {  	v6 =	vld [tilespmem:s29+$0x10000];
	v42 =	vmul.f32 v9, v42;
	v62 =	vmul.f32 v52, v43  }
0xa5: {  	v8 =	vld [tilespmem:s29+$0x10010];
	v43 =	vmul.f32 v13, v43;
	v63 =	vmul.f32 v59, v44  }
0xa6: {  	v51 =	vld [tilespmem:s29+$0x14030];
	v44 =	vmul.f32 v9, v44;
	v56 =	vmul.f32 v52, v45  }
0xa7: {  	v20 =	vld [tilespmem:s29+$0xC020];
	v45 =	vmul.f32 v13, v45;
	v57 =	vmul.f32 v59, v46  }
0xa8: {  	v46 =	vmul.f32 v9, v46;
	v53 =	vmul.f32 v10, v48  }
0xa9: {  	v25 =	vld [tilespmem:s29+$0xC040];
	v17 =	vadd.f32 v18, v17;
	v18 =	vmul.f32 v52, v6;
	v42 =	vadd.f32 v43, v42  }
0xaa: {  	v24 =	vld [tilespmem:s29+$0x10030];
	v6 =	vmul.f32 v13, v6;
	v44 =	vadd.f32 v45, v44;
	v3 =	vadd.f32 v3, v4  }
0xab: {  	v27 =	vld [tilespmem:s29+$0x10040];
	v45 =	vmul.f32 v14, v51;
	v1 =	vadd.f32 v1, v17;
	v17 =	vmul.f32 v52, v8  }
0xac: {  	v29 =	vld [tilespmem:s29+$0xC050];
	v8 =	vmul.f32 v13, v8;
	v18 =	vadd.f32 v18, v19;
	v19 =	vmul.f32 v59, v20  }
0xad: {  	v20 =	vmul.f32 v9, v20;
	v6 =	vadd.f32 v6, v2;
	v2 =	vmul.f32 v10, v5  }
0xae: {  	v30 =	vld [tilespmem:s29+$0x10050];
	v5 =	vmul.f32 v59, v25;
	v25 =	vmul.f32 v9, v25;
	v1 =	vadd.f32 v1, v1  }
0xaf: {  	v17 =	vadd.f32 v17, v23;
	v23 =	vmul.f32 v52, v24;
	v24 =	vmul.f32 v13, v24  }
0xb0: {  	v31 =	vld [tilespmem:s29+$0x10060];
	v7 =	vadd.f32 v8, v7;
	v19 =	vadd.f32 v26, v19;
	v26 =	vmul.f32 v52, v27  }
0xb1: {  	v32 =	vld [tilespmem:s29+$0xC070];
	v27 =	vmul.f32 v13, v27;
	v20 =	vadd.f32 v21, v20;
	v21 =	vmul.f32 v59, v29  }
0xb2: {  	v16 =	vld [tilespmem:s29+$0x180F0];
	v29 =	vmul.f32 v9, v29;
	v18 =	vadd.f32 v53, v18;
	v2 =	vadd.f32 v2, v3  }
0xb3: {  	v33 =	vld [tilespmem:s29+$0x10070];
	v1 =	vsub.f32 v11, v1;
	v23 =	vadd.f32 v23, v28;
	v28 =	vmul.f32 v52, v30  }
0xb4: {  	v34 =	vld [tilespmem:s29+$0xC080];
	v30 =	vmul.f32 v13, v30;
	v22 =	vadd.f32 v24, v22;
	v5 =	vadd.f32 v26, v5  }
0xb5: {  	v8 =	vld [tilespmem:s29+$0xC060];
	v26 =	vmul.f32 v52, v31;
	v31 =	vmul.f32 v13, v31;
	v25 =	vadd.f32 v27, v25  }
0xb6: {  	v37 =	vld [tilespmem:s29+$0x10090];
	v27 =	vmul.f32 v59, v32;
	v3 =	vadd.f32 v18, v18;
	v2 =	vadd.f32 v2, v2  }
0xb7: {  	v49 =	vld [tilespmem:s29+$0x14010];
	v32 =	vmul.f32 v9, v32;
	v1 =	vadd.f32 v1, v16;
	v21 =	vadd.f32 v28, v21  }
0xb8: {  	v28 =	vmul.f32 v52, v33;
	v33 =	vmul.f32 v13, v33;
	v29 =	vadd.f32 v30, v29  }
0xb9: {  	v35 =	vld [tilespmem:s29+$0x10080];
	v30 =	vmul.f32 v59, v34;
	v34 =	vmul.f32 v9, v34;
	v22 =	vadd.f32 v45, v22  }
0xba: {  	v36 =	vld [tilespmem:s29+$0xC090];
	v3 =	vsub.f32 v12, v3;
	v24 =	vmul.f32 v59, v8;
	v8 =	vmul.f32 v9, v8  }
0xbb: {  	v27 =	vadd.f32 v28, v27;
	v28 =	vmul.f32 v52, v37;
	v37 =	vmul.f32 v13, v37  }
0xbc: {  	v39 =	vld [tilespmem:s29+$0x100A0];
	v32 =	vadd.f32 v33, v32;
	v33 =	vadd.f32 v62, v61;
	v61 =	vmul.f32 v10, v49  }
0xbd: {  	v41 =	vld [tilespmem:s29+$0x100B0];
	v62 =	vmul.f32 v14, v49;
	v22 =	vadd.f32 v22, v22;
	v24 =	vadd.f32 v26, v24  }
0xbe: {  	v26 =	vmul.f32 v52, v35;
	v35 =	vmul.f32 v13, v35;
	v8 =	vadd.f32 v31, v8  }
0xbf: {  	v50 =	vld [tilespmem:s29+$0x14020];
	v31 =	vmul.f32 v59, v36;
	v17 =	vadd.f32 v61, v17;
	v7 =	vadd.f32 v62, v7  }
0xc0: {  	v47 =	vld [tilespmem:s29+$0x100E0];
	v36 =	vmul.f32 v9, v36;
	v22 =	vsub.f32 v11, v22;
	v26 =	vadd.f32 v26, v30  }
0xc1: {  	v4 =	vld [tilespmem:s29+$0x14070];
	v30 =	vmul.f32 v52, v39;
	v39 =	vmul.f32 v13, v39;
	v34 =	vadd.f32 v35, v34  }
0xc2: {  	v49 =	vld [tilespmem:s29+$0x14080];
	v28 =	vadd.f32 v28, v31;
	v31 =	vmul.f32 v52, v41;
	v36 =	vadd.f32 v37, v36  }
0xc3: {  	[tilespmem:$0x1FD50] =	vst v9;
	v9 =	vld [tilespmem:s29+$0x14040];
	v41 =	vmul.f32 v13, v41;
	v35 =	vadd.f32 v56, v63;
	v17 =	vadd.f32 v17, v17  }
0xc4: {  	v63 =	vmul.f32 v10, v50;
	v7 =	vadd.f32 v7, v7;
	v30 =	vadd.f32 v30, v58  }
0xc5: {  	v38 =	vadd.f32 v39, v38;
	v31 =	vadd.f32 v31, v60;
	v58 =	vmul.f32 v52, v47  }
0xc6: {  	v40 =	vadd.f32 v41, v40;
	v47 =	vmul.f32 v13, v47;
	v60 =	vmul.f32 v14, v48  }
0xc7: {  	v53 =	vld [tilespmem:s29+$0x14090];
	v19 =	vadd.f32 v63, v19;
	v63 =	vmul.f32 v10, v4;
	v4 =	vmul.f32 v14, v4  }
0xc8: {  	v45 =	vmul.f32 v14, v49;
	v61 =	vmul.f32 v14, v9;
	v17 =	vsub.f32 v12, v17  }
0xc9: {  	v54 =	vld [tilespmem:s29+$0x140A0];
	v37 =	vadd.f32 v58, v57;
	v46 =	vadd.f32 v47, v46;
	v57 =	vmul.f32 v14, v50  }
0xca: {  	v56 =	vld [tilespmem:s29+$0x140C0];
	v6 =	vadd.f32 v60, v6;
	v58 =	vmul.f32 v10, v51;
	v60 =	vmul.f32 v10, v9  }
0xcb: {  	v50 =	vmul.f32 v10, v49;
	v27 =	vadd.f32 v63, v27;
	v4 =	vadd.f32 v4, v32  }
0xcc: {  	v49 =	vmul.f32 v10, v53;
	v34 =	vadd.f32 v45, v34;
	v18 =	vadd.f32 v19, v19  }
0xcd: {  	v51 =	vmul.f32 v14, v53;
	v25 =	vadd.f32 v61, v25;
	v20 =	vadd.f32 v57, v20  }
0xce: {  	v53 =	vmul.f32 v10, v54;
	v23 =	vadd.f32 v58, v23;
	v5 =	vadd.f32 v60, v5  }
0xcf: {  	v63 =	vmul.f32 v10, v56;
	v26 =	vadd.f32 v50, v26;
	v28 =	vadd.f32 v49, v28  }
0xd0: {  	v39 =	vld [tilespmem:s29+$0x14050];
	v60 =	vmul.f32 v14, v54;
	v36 =	vadd.f32 v51, v36;
	v30 =	vadd.f32 v53, v30  }
0xd1: {  	v50 =	vmul.f32 v14, v56;
	v6 =	vadd.f32 v6, v6;
	v27 =	vadd.f32 v27, v27  }
0xd2: {  	v41 =	vld [tilespmem:s29+$0x14060];
	v4 =	vadd.f32 v4, v4;
	v33 =	vadd.f32 v63, v33  }
0xd3: {  	v38 =	vadd.f32 v60, v38;
	v32 =	vadd.f32 v50, v42  }
0xd4: {  	v19 =	vadd.f32 v20, v20;
	v20 =	vadd.f32 v23, v23  }
0xd5: {  	v9 =	vmul.f32 v10, v39;
	v5 =	vadd.f32 v5, v5;
	v23 =	vadd.f32 v25, v25  }
0xd6: {  	v61 =	vld [tilespmem:s29+$0x140E0];
	v39 =	vmul.f32 v14, v39;
	v26 =	vadd.f32 v26, v26;
	v28 =	vadd.f32 v28, v28  }
0xd7: {  	v62 =	vmul.f32 v10, v41;
	v56 =	vadd.f32 v36, v36;
	v30 =	vadd.f32 v30, v30  }
0xd8: {  	v41 =	vmul.f32 v14, v41;
	v60 =	vsub.f32 v11, v6;
	v27 =	vsub.f32 v12, v27  }
0xd9: {  	v55 =	vld [tilespmem:s29+$0x140B0];
	v21 =	vadd.f32 v9, v21;
	v29 =	vadd.f32 v39, v29  }
0xda: {  	v24 =	vadd.f32 v62, v24;
	v8 =	vadd.f32 v41, v8  }
0xdb: {  	v33 =	vadd.f32 v33, v33;
	v54 =	vmul.f32 v10, v61;
	v32 =	vadd.f32 v32, v32  }
0xdc: {  	v39 =	vmul.f32 v14, v61;
	v61 =	vsub.f32 v11, v7;
	v19 =	vsub.f32 v11, v19  }
0xdd: {  	v20 =	vsub.f32 v12, v20;
	v63 =	vsub.f32 v12, v5  }
0xde: {  	v57 =	vld [tilespmem:s29+$0x140D0];
	v9 =	vmul.f32 v10, v55;
	v23 =	vsub.f32 v11, v23;
	v26 =	vsub.f32 v12, v26  }
0xdf: {  	v62 =	vmul.f32 v14, v55;
	v5 =	vsub.f32 v12, v28;
	v6 =	vsub.f32 v11, v56  }
0xe0: {  	v7 =	vsub.f32 v12, v30;
	v31 =	vadd.f32 v9, v31  }
0xe1: {  	v40 =	vadd.f32 v62, v40;
	v21 =	vadd.f32 v21, v21  }
0xe2: {  	v25 =	vadd.f32 v29, v29;
	v24 =	vadd.f32 v24, v24  }
0xe3: {  	[tilespmem:$0x1FD60] =	vst v52;
	v52 =	vmul.f32 v10, v57;
	v8 =	vadd.f32 v8, v8;
	v29 =	vadd.f32 v34, v34  }
0xe4: {  	v53 =	vmul.f32 v14, v57;
	v57 =	vadd.f32 v38, v38;
	v62 =	vsub.f32 v12, v18  }
0xe5: {  	v37 =	vadd.f32 v54, v37;
	v39 =	vadd.f32 v39, v46  }
0xe6: {  	v46 =	vsub.f32 v11, v4;
	v54 =	vsub.f32 v12, v33  }
0xe7: {  	v28 =	vld [tilespmem:s29+$0x18000];
	v18 =	vsub.f32 v11, v32;
	v4 =	vsub.f32 v12, v2  }
0xe8: {  	v35 =	vadd.f32 v52, v35;
	v55 =	vadd.f32 v53, v44  }
0xe9: {  	v2 =	vld [tilespmem:s29+$0x18050];
	v31 =	vadd.f32 v31, v31;
	v58 =	vadd.f32 v40, v40  }
0xea: {  	v21 =	vsub.f32 v12, v21;
	v25 =	vsub.f32 v11, v25  }
0xeb: {  	v24 =	vsub.f32 v12, v24;
	v40 =	vadd.f32 v55, v55  }
0xec: {  	v49 =	vsub.f32 v11, v57;
	v3 =	vadd.f32 v3, v28  }
0xed: {  	[tilespmem:$0x1FD40] =	vst v16;
	v16 =	vmin.f32 v15, v1;
	v28 =	vadd.f32 v60, v28;
	v57 =	vsub.f32 v11, v40  }
0xee: {  	[tilespmem:$0x1FD70] =	vst v13;
	v30 =	vld [tilespmem:s29+$0x18010];
	v60 =	vadd.f32 v21, v2;
	v40 =	vadd.f32 v25, v2;
	v2 =	vimm.f32 $+Inf  }
0xef: {  	v45 =	vsub.f32 v11, v8;
	v47 =	vsub.f32 v12, v31;
	v31 =	vld [tilespmem:s29+$0x18020];
	v21 =	vimm.f32 $+Inf;
	[tilespmem:$0x1FDD0] =	vst v2  }
0xf0: {  	v13 =	vsub.f32 v11, v29;
	v44 =	vimm.f32 $+Inf;
	v55 =	vld [tilespmem:s29+$0x18030];
	v2 =	vimm.f32 $+Inf;
	[tilespmem:$0x1FEE0] =	vst v21  }
0xf1: {  	v37 =	vadd.f32 v37, v37;
	v39 =	vadd.f32 v39, v39;
	v21 =	vimm.f32 $+Inf;
	[tilespmem:$0x1FDE0] =	vst v2  }
0xf2: {  	v1 =	vld [tilespmem:s29+$0x18060];
	v35 =	vadd.f32 v35, v35;
	v29 =	vsub.f32 v11, v58;
	v2 =	vimm.f32 $+Inf;
	[tilespmem:$0x1FEF0] =	vst v21  }
0xf3: {  	v34 =	vld [tilespmem:s29+$0x18070];
	v17 =	vadd.f32 v17, v30;
	v51 =	vsub.f32 v11, v39;
	v21 =	vimm.f32 $+Inf;
	[tilespmem:$0x1FDF0] =	vst v2  }
0xf4: {  	v39 =	vmin.f32 v15, v3;
	v3 =	vadd.f32 v62, v31;
	v2 =	vimm.f32 $+Inf;
	[tilespmem:$0x1FF00] =	vst v21  }
0xf5: {  	v30 =	vadd.f32 v61, v30;
	v9 =	vadd.f32 v22, v55;
	[tilespmem:$0x1FE00] =	vst v2;
	v2 =	vimm.f32 $+Inf  }
0xf6: {  	v58 =	vld [tilespmem:s29+$0x18040];
	v22 =	vmin.f32 v15, v17;
	v17 =	vmin.f32 v15, v3;
	[tilespmem:$0x1FE10] =	vst v2;
	v3 =	vimm.f32 $+Inf  }
0xf7: {  	v53 =	vmovc v10;
	v33 =	vadd.f32 v24, v1;
	v10 =	vimm.f32 $+Inf;
	[tilespmem:$0x1FE20] =	vst v3;
	v3 =	vimm.f32 $+Inf  }
0xf8: {  	v8 =	vsub.f32 v12, v37;
	v32 =	vadd.f32 v27, v34;
	[tilespmem:$0x1FE30] =	vst v3;
	v3 =	vimm.f32 $+Inf  }
0xf9: {  	v24 =	vadd.f32 v46, v34;
	v19 =	vadd.f32 v19, v31;
	v31 =	vld [tilespmem:s29+$0x18080];
	[tilespmem:$0x1FE40] =	vst v3;
	v3 =	vimm.f32 $+Inf  }
0xfa: {  	v28 =	vmin.f32 v15, v28;
	v20 =	vadd.f32 v20, v55;
	v62 =	vld [tilespmem:s29+$0x180B0];
	[tilespmem:$0x1FE50] =	vst v3;
	v3 =	vimm.f32 $+Inf  }
0xfb: {  	p1 =	por $0x1, $0x1;
	v52 =	vmovc v14;
	v14 =	vmin.f32 v15, v30;
	v61 =	vadd.f32 v63, v58;
	v63 =	vld [tilespmem:s29+$0x180E0];
	[tilespmem:$0x1FE60] =	vst v3;
	v3 =	vimm.f32 $+Inf  }
.Ltmp6:
0xfc: {  	v19 =	vmin.f32 v15, v19;
	v20 =	vmin.f32 v15, v20;
	v15 =	vld [tilespmem:s29+$0x180A0];
	[tilespmem:$0x1FE70] =	vst v3;
	v3 =	vimm.f32 $+Inf;
	(pc) =	sbr.rel @!p1 .LBB2_7-.Ltmp6, $4  }
0xfd: {  	v56 =	vsub.f32 v12, v35;
	v30 =	vadd.f32 v45, v1;
	v2 =	vld [tilespmem:s29+$0x180C0];
	[tilespmem:$0x1FE80] =	vst v3;
	v3 =	vimm.f32 $+Inf  }
0xfe: {  	v58 =	vadd.f32 v23, v58;
	v23 =	vadd.f32 v13, v31;
	v13 =	vld [tilespmem:s29+$0x18090];
	[tilespmem:$0x1FEB0] =	vst v3;
	v3 =	vimm.f32 $+Inf  }
0xff: {  	v1 =	vimm.f32 $+Inf;
	v25 =	vadd.f32 v26, v31;
	v26 =	vld [tilespmem:s29+$0x180D0];
	s29 =	simm.s32 $0x100;
	[tilespmem:$0x1FEC0] =	vst v3;
	v3 =	vimm.f32 $+Inf  }
0x100: {  	s30 =	simm.s32 $0x800;
	p0 =	por $0x1, $0x1;
	v50 =	vmovc v12;
	v12 =	vimm.f32 $+Inf;
	v45 =	vimm.f32 $+Inf;
	v55 =	vmovc v11;
	v11 =	vimm.f32 $+Inf;
	[tilespmem:$0x1FED0] =	vst v3;
	v3 =	vld [tilespmem:s29+$0xC0F0]  }
.LBB2_8:
0x101: {  	[tilespmem:$0x1FF60] =	vst v19  }
0x102: {  	[tilespmem:$0x1FF50] =	vst v17  }
0x103: {  	[tilespmem:$0x1FF30] =	vst v22  }
0x104: {  	[tilespmem:$0x1FF10] =	vst v39;
	v1 =	vmin.f32 v1, v9  }
0x105: {  	v19 =	vld [tilespmem:s29+$0x100F0];
	[tilespmem:$0x1FD80] =	vst v1;
	v1 =	vadd.f32 v5, v13  }
0x106: {  	[tilespmem:$0x1FE90] =	vst v45;
	v17 =	vld [tilespmem:s29+$0x10000]  }
0x107: {  	v45 =	vld [tilespmem:s29+$0x10040];
	[tilespmem:$0x1FC00] =	vst v1;
	v1 =	vadd.f32 v6, v13  }
0x108: {  	[tilespmem:$0x1FEA0] =	vst v44;
	v34 =	vld [tilespmem:s29+$0x10050]  }
0x109: {  	v35 =	vld [tilespmem:s29+$0xC060];
	v11 =	vmin.f32 v11, v58;
	[tilespmem:$0x1FC10] =	vst v1;
	v1 =	vadd.f32 v7, v15  }
0x10a: {  	v9 =	vld [tilespmem:$0x1FD50];
	[tilespmem:$0x1FDA0] =	vst v11  }
0x10b: {  	v10 =	vmin.f32 v10, v61;
	v11 =	vld [tilespmem:$0x1FD70];
	[tilespmem:$0x1FC20] =	vst v1;
	v1 =	vadd.f32 v49, v15  }
0x10c: {  	[tilespmem:$0x1FD90] =	vst v10;
	v10 =	vld [tilespmem:$0x1FD60]  }
0x10d: {  	v36 =	vld [tilespmem:s29+$0x10060];
	[tilespmem:$0x1FC30] =	vst v1;
	v1 =	vadd.f32 v47, v62  }
0x10e: {  	v41 =	vld [tilespmem:s29+$0x10090];
	[tilespmem:$0x1FD30] =	vst v23  }
0x10f: {  	v39 =	vmul.f32 v59, v35;
	v6 =	vmov v30;
	v30 =	vld [tilespmem:s29+$0xC080];
	[tilespmem:$0x1FC40] =	vst v1;
	v1 =	vadd.f32 v29, v62  }
0x110: {  	v44 =	vld [tilespmem:s29+$0x10030];
	[tilespmem:$0x1FF70] =	vst v20;
	v31 =	vmul.f32 v9, v35;
	v23 =	vmul.f32 v11, v19  }
0x111: {  	v20 =	vld [tilespmem:s29+$0xC000];
	v37 =	vmul.f32 v10, v45;
	v38 =	vmul.f32 v11, v45;
	[tilespmem:$0x1FC50] =	vst v1;
	v1 =	vadd.f32 v54, v2  }
0x112: {  	[tilespmem:$0x1FD20] =	vst v24;
	v12 =	vmin.f32 v12, v60;
	v61 =	vmul.f32 v11, v34;
	v45 =	vmul.f32 v10, v36;
	v47 =	vld [tilespmem:s29+$0xC050]  }
0x113: {  	v22 =	vld [tilespmem:s29+$0x10010];
	v60 =	vmul.f32 v11, v36;
	[tilespmem:$0x1FC60] =	vst v1;
	v1 =	vadd.f32 v18, v2;
	v2 =	vadd.f32 v56, v26  }
0x114: {  	[tilespmem:$0x1FD10] =	vst v25;
	v5 =	vmov v33;
	v33 =	vmul.f32 v11, v41;
	v42 =	vmul.f32 v59, v30;
	v18 =	vld [tilespmem:s29+$0xC010]  }
0x115: {  	v7 =	vld [tilespmem:$0x1FD40];
	v30 =	vmul.f32 v9, v30;
	v54 =	vmul.f32 v11, v44;
	[tilespmem:$0x1FC80] =	vst v2;
	v2 =	vadd.f32 v57, v26  }
0x116: {  	v24 =	vld [tilespmem:s29+$0xC020];
	[tilespmem:$0x1FC70] =	vst v1;
	v1 =	vmul.f32 v59, v3;
	v3 =	vmul.f32 v9, v3  }
0x117: {  	v25 =	vld [tilespmem:s29+$0x10020];
	v58 =	vmul.f32 v9, v47;
	[tilespmem:$0x1FC90] =	vst v2;
	v2 =	vadd.f32 v8, v63;
	v8 =	vmul.f32 v59, v20  }
0x118: {  	v21 =	vld [tilespmem:s29+$0x140F0];
	v20 =	vmul.f32 v9, v20;
	v3 =	vadd.f32 v23, v3;
	v23 =	vmul.f32 v10, v17  }
0x119: {  	v26 =	vld [tilespmem:s29+$0xC030];
	v17 =	vmul.f32 v11, v17;
	v27 =	vmul.f32 v59, v18  }
0x11a: {  	v4 =	vadd.f32 v4, v7;
	v43 =	vmul.f32 v9, v18;
	v18 =	vmul.f32 v10, v22  }
0x11b: {  	[tilespmem:$0x1FCA0] =	vst v2;
	v2 =	vadd.f32 v51, v63;
	v8 =	vadd.f32 v23, v8;
	v23 =	vmul.f32 v9, v24  }
0x11c: {  	[tilespmem:$0x1FF20] =	vst v28;
	v28 =	vld [tilespmem:s29+$0xC070];
	v17 =	vadd.f32 v17, v20;
	v20 =	vmul.f32 v10, v25;
	v25 =	vmul.f32 v11, v25  }
0x11d: {  	v7 =	vld [tilespmem:s29+$0x180F0];
	v51 =	vadd.f32 v45, v39;
	[tilespmem:$0x1FCB0] =	vst v2;
	v2 =	vmul.f32 v10, v19;
	v19 =	vmul.f32 v52, v21  }
0x11e: {  	v39 =	vld [tilespmem:s29+$0x100C0];
	v46 =	vmul.f32 v59, v26;
	v18 =	vadd.f32 v18, v27;
	v27 =	vmul.f32 v10, v44  }
0x11f: {  	v3 =	vadd.f32 v19, v3;
	v19 =	vmul.f32 v11, v22;
	v22 =	vmul.f32 v59, v24;
	v24 =	vld [tilespmem:s29+$0xC040]  }
0x120: {  	v26 =	vmul.f32 v9, v26;
	v44 =	vld [tilespmem:s29+$0x10080];
	v56 =	vadd.f32 v25, v23;
	v25 =	vmul.f32 v59, v47  }
0x121: {  	v47 =	vmul.f32 v59, v28;
	v57 =	vadd.f32 v27, v46;
	v46 =	vld [tilespmem:s29+$0xC090];
	v3 =	vadd.f32 v3, v3  }
0x122: {  	v29 =	vld [tilespmem:s29+$0x10070];
	v28 =	vmul.f32 v9, v28;
	v27 =	vmul.f32 v10, v34  }
0x123: {  	[tilespmem:$0x1FD00] =	vst v32;
	v49 =	vmul.f32 v10, v39;
	v19 =	vadd.f32 v19, v43;
	v43 =	vld [tilespmem:s29+$0x100A0];
	v32 =	vsub.f32 v55, v3  }
0x124: {  	v20 =	vadd.f32 v20, v22;
	v22 =	vmul.f32 v59, v24;
	v24 =	vmul.f32 v9, v24  }
0x125: {  	v34 =	vmul.f32 v10, v44;
	v3 =	vmul.f32 v53, v21;
	v21 =	vadd.f32 v32, v7  }
0x126: {  	v35 =	vld [tilespmem:s29+$0xC0B0];
	v32 =	vmul.f32 v11, v44;
	v44 =	vmul.f32 v9, v46;
	v23 =	vadd.f32 v38, v24  }
0x127: {  	v36 =	vld [tilespmem:s29+$0x100B0];
	[tilespmem:$0x1FCC0] =	vst v4;
	v24 =	vadd.f32 v27, v25;
	v25 =	vmul.f32 v10, v29;
	v27 =	vmul.f32 v11, v29  }
0x128: {  	v4 =	vmovc v40;
	v40 =	vld [tilespmem:s29+$0xC0E0];
	v22 =	vadd.f32 v37, v22;
	v37 =	vmul.f32 v10, v41;
	v45 =	vmul.f32 v10, v43  }
0x129: {  	v29 =	vld [tilespmem:s29+$0xC0A0];
	v16 =	vmin.f32 v16, v21;
	v21 =	vadd.f32 v54, v26;
	v26 =	vadd.f32 v61, v58  }
0x12a: {  	v38 =	vld [tilespmem:s29+$0xC0C0];
	v54 =	vadd.f32 v60, v31;
	v31 =	vmul.f32 v59, v46;
	v33 =	vadd.f32 v33, v44  }
0x12b: {  	v46 =	vmul.f32 v11, v43;
	v62 =	vadd.f32 v25, v47;
	v63 =	vadd.f32 v27, v28;
	v47 =	vld [tilespmem:s29+$0xC0D0]  }
0x12c: {  	v41 =	vld [tilespmem:s29+$0x100E0];
	v27 =	vadd.f32 v32, v30;
	v30 =	vmul.f32 v59, v35;
	v32 =	vmul.f32 v9, v35  }
0x12d: {  	v31 =	vadd.f32 v37, v31;
	v37 =	vmul.f32 v10, v36;
	v36 =	vmul.f32 v11, v36  }
0x12e: {  	v43 =	vld [tilespmem:s29+$0x14010];
	v25 =	vadd.f32 v34, v42;
	v28 =	vmul.f32 v59, v29;
	v29 =	vmul.f32 v9, v29  }
0x12f: {  	v44 =	vld [tilespmem:s29+$0x14020];
	v48 =	vmul.f32 v59, v38;
	v32 =	vadd.f32 v36, v32;
	v36 =	vmul.f32 v59, v40  }
0x130: {  	v40 =	vmul.f32 v9, v40;
	v29 =	vadd.f32 v46, v29;
	v58 =	vmul.f32 v59, v47;
	v46 =	vld [tilespmem:s29+$0x14040]  }
0x131: {  	v34 =	vadd.f32 v49, v48;
	v59 =	vmul.f32 v10, v41;
	v41 =	vmul.f32 v11, v41;
	v48 =	vld [tilespmem:s29+$0x14050];
	_ =	sdelay $0x1  }
0x132: {  	v40 =	vadd.f32 v41, v40;
	v41 =	vadd.f32 v2, v1;
	v1 =	vmul.f32 v52, v43  }
0x133: {  	v2 =	vmul.f32 v53, v44  }
0x134: {  	[tilespmem:$0x1FD40] =	vst v7;
	v7 =	vadd.f32 v1, v19  }
0x135: {  	[tilespmem:$0x1FBF0] =	vst v3;
	v3 =	vadd.f32 v2, v20;
	v1 =	vmul.f32 v52, v46;
	v2 =	vmul.f32 v52, v48;
	_ =	sdelay $0x1  }
0x136: {  	[tilespmem:$0x1FDC0] =	vst v16;
	v16 =	vadd.f32 v1, v23;
	v23 =	vadd.f32 v2, v26;
	v2 =	vld [tilespmem:$0x1FDD0];
	_ =	sdelay $0x2  }
0x137: {  	[tilespmem:$0x1FDB0] =	vst v12;
	v12 =	vld [tilespmem:s29+$0x140E0]  }
0x138: {  	v42 =	vld [tilespmem:s29+$0x14000]  }
0x139: {  	v35 =	vld [tilespmem:s29+$0x100D0];
	v2 =	vmin.f32 v2, v4  }
0x13a: {  	[tilespmem:$0x1FDD0] =	vst v2;
	v2 =	vld [tilespmem:$0x1FDE0]  }
0x13b: {  	v39 =	vmul.f32 v11, v39;
	v60 =	vld [tilespmem:s29+$0x14070];
	v38 =	vmul.f32 v9, v38  }
0x13c: {  	v28 =	vadd.f32 v45, v28;
	v61 =	vmul.f32 v9, v47;
	v45 =	vld [tilespmem:s29+$0x14030]  }
0x13d: {  	v47 =	vmul.f32 v53, v42;
	v38 =	vadd.f32 v39, v38;
	v39 =	vmul.f32 v52, v42;
	v42 =	vld [tilespmem:s29+$0x14060]  }
0x13e: {  	v9 =	vld [tilespmem:s29+$0x140B0]  }
0x13f: {  	v30 =	vadd.f32 v37, v30;
	v37 =	vmul.f32 v10, v35;
	v10 =	vld [tilespmem:s29+$0x140D0];
	v2 =	vmin.f32 v2, v5  }
0x140: {  	[tilespmem:$0x1FDE0] =	vst v2;
	v2 =	vld [tilespmem:$0x1FDF0]  }
0x141: {  	v35 =	vmul.f32 v11, v35;
	v49 =	vmul.f32 v53, v43;
	v43 =	vld [tilespmem:s29+$0x14080]  }
0x142: {  	v8 =	vadd.f32 v47, v8;
	v47 =	vld [tilespmem:s29+$0x14090]  }
0x143: {  	v35 =	vadd.f32 v35, v61;
	v18 =	vadd.f32 v49, v18;
	v49 =	vld [tilespmem:s29+$0x140A0]  }
0x144: {  	v36 =	vadd.f32 v59, v36;
	v39 =	vadd.f32 v39, v17;
	v59 =	vld [tilespmem:s29+$0x140C0]  }
0x145: {  	v17 =	vmul.f32 v52, v44;
	v61 =	vmul.f32 v53, v45;
	v4 =	vld [tilespmem:$0x1FD00];
	v2 =	vmin.f32 v2, v6  }
0x146: {  	v37 =	vadd.f32 v37, v58;
	v58 =	vmul.f32 v53, v46;
	v46 =	vmul.f32 v53, v48;
	[tilespmem:$0x1FDF0] =	vst v2;
	v2 =	vld [tilespmem:$0x1FE00]  }
0x147: {  	v56 =	vadd.f32 v17, v56;
	v19 =	vld [tilespmem:s29+$0x18030];
	v48 =	vmul.f32 v53, v42;
	v17 =	vmul.f32 v52, v42  }
0x148: {  	v42 =	vmul.f32 v53, v60;
	v44 =	vadd.f32 v61, v57;
	v57 =	vmul.f32 v52, v60;
	v60 =	vld [tilespmem:s29+$0x18000]  }
0x149: {  	v61 =	vld [tilespmem:s29+$0x18010]  }
0x14a: {  	[tilespmem:$0x1FF40] =	vst v14;
	v14 =	vadd.f32 v58, v22;
	v58 =	vld [tilespmem:s29+$0x18020]  }
0x14b: {  	v45 =	vmul.f32 v52, v45;
	v2 =	vmin.f32 v2, v4;
	v4 =	vld [tilespmem:$0x1FD20]  }
0x14c: {  	[tilespmem:$0x1FE00] =	vst v2;
	v2 =	vld [tilespmem:$0x1FE10]  }
0x14d: {  	v20 =	vmul.f32 v53, v9;
	v45 =	vadd.f32 v45, v21;
	v21 =	vadd.f32 v46, v24;
	v46 =	vld [tilespmem:s29+$0x18040]  }
0x14e: {  	v22 =	vmul.f32 v53, v59;
	v26 =	vmul.f32 v52, v59;
	v59 =	vld [tilespmem:s29+$0x18050]  }
0x14f: {  	v51 =	vadd.f32 v48, v51;
	v48 =	vld [tilespmem:s29+$0x18060]  }
0x150: {  	v20 =	vadd.f32 v20, v30;
	v30 =	vadd.f32 v26, v38;
	v26 =	vld [tilespmem:$0x1FE20]  }
0x151: {  	v11 =	vmul.f32 v53, v43;
	v2 =	vmin.f32 v2, v4;
	v4 =	vld [tilespmem:$0x1FD10]  }
0x152: {  	v1 =	vmul.f32 v53, v12;
	v54 =	vadd.f32 v17, v54;
	v17 =	vmul.f32 v52, v12;
	v12 =	vld [tilespmem:s29+$0x18070]  }
0x153: {  	v24 =	vmul.f32 v53, v10;
	v42 =	vadd.f32 v42, v62;
	v62 =	vld [tilespmem:s29+$0x180B0]  }
0x154: {  	v25 =	vadd.f32 v11, v25;
	v11 =	vld [tilespmem:s29+$0x18080]  }
0x155: {  	v24 =	vadd.f32 v24, v37;
	v37 =	vld [tilespmem:$0x1FE30]  }
0x156: {  	v9 =	vmul.f32 v52, v9;
	v43 =	vmul.f32 v52, v43;
	v26 =	vmin.f32 v26, v4;
	v4 =	vld [tilespmem:$0x1FD30]  }
0x157: {  	v3 =	vadd.f32 v3, v3;
	v13 =	vmul.f32 v53, v47;
	v47 =	vmul.f32 v52, v47;
	v38 =	vld [tilespmem:$0x1FE40]  }
0x158: {  	v15 =	vmul.f32 v53, v49;
	v9 =	vadd.f32 v9, v32;
	v17 =	vadd.f32 v17, v40;
	v40 =	vld [tilespmem:$0x1FE50]  }
0x159: {  	v49 =	vmul.f32 v52, v49;
	v3 =	vsub.f32 v50, v3;
	v57 =	vadd.f32 v57, v63;
	v5 =	vld [tilespmem:$0x1FC00]  }
0x15a: {  	v10 =	vmul.f32 v52, v10;
	v27 =	vadd.f32 v43, v27;
	v31 =	vadd.f32 v13, v31;
	v6 =	vld [tilespmem:$0x1FC10]  }
0x15b: {  	v33 =	vadd.f32 v47, v33;
	v28 =	vadd.f32 v15, v28;
	v32 =	vmin.f32 v37, v4;
	v4 =	vld [tilespmem:$0x1FBF0]  }
0x15c: {  	v13 =	vld [tilespmem:s29+$0x18090];
	v29 =	vadd.f32 v49, v29;
	v22 =	vadd.f32 v22, v34  }
0x15d: {  	v15 =	vld [tilespmem:s29+$0x180A0];
	v10 =	vadd.f32 v10, v35;
	v1 =	vadd.f32 v1, v36  }
0x15e: {  	v63 =	vld [tilespmem:s29+$0x180E0];
	v34 =	vadd.f32 v45, v45;
	v14 =	vadd.f32 v14, v14;
	[tilespmem:$0x1FE30] =	vst v32;
	v32 =	vmin.f32 v38, v5  }
0x15f: {  	[tilespmem:$0x1FE40] =	vst v32;
	v32 =	vmin.f32 v40, v6;
	v6 =	vadd.f32 v18, v18;
	v18 =	vadd.f32 v7, v7;
	v7 =	vld [tilespmem:$0x1FE60]  }
0x160: {  	v16 =	vadd.f32 v16, v16;
	v4 =	vadd.f32 v4, v41;
	v41 =	vld [tilespmem:$0x1FC20]  }
0x161: {  	v43 =	vld [tilespmem:$0x1FE70];
	v21 =	vadd.f32 v21, v21;
	v23 =	vadd.f32 v23, v23  }
0x162: {  	v47 =	vld [tilespmem:$0x1FC30];
	v36 =	vadd.f32 v54, v54;
	v20 =	vadd.f32 v20, v20  }
0x163: {  	v49 =	vld [tilespmem:$0x1FE90];
	v9 =	vadd.f32 v9, v9;
	v25 =	vadd.f32 v25, v25  }
0x164: {  	v27 =	vadd.f32 v27, v27;
	v31 =	vadd.f32 v31, v31;
	v40 =	vld [tilespmem:$0x1FC40]  }
0x165: {  	v33 =	vadd.f32 v33, v33;
	v28 =	vadd.f32 v28, v28;
	v7 =	vmin.f32 v7, v41;
	v41 =	vld [tilespmem:$0x1FC50]  }
0x166: {  	v29 =	vadd.f32 v29, v29;
	[tilespmem:$0x1FE60] =	vst v7;
	v7 =	vadd.f32 v56, v56;
	v56 =	vld [tilespmem:$0x1FE80]  }
0x167: {  	v54 =	vld [tilespmem:$0x1FC80];
	v22 =	vadd.f32 v22, v22;
	v24 =	vadd.f32 v24, v24  }
0x168: {  	v10 =	vadd.f32 v10, v10;
	v1 =	vadd.f32 v1, v1;
	[tilespmem:$0x1FE50] =	vst v32;
	v32 =	vmin.f32 v43, v47;
	v43 =	vld [tilespmem:$0x1FC60]  }
0x169: {  	v17 =	vadd.f32 v17, v17;
	v34 =	vsub.f32 v55, v34;
	v47 =	vld [tilespmem:$0x1FEB0]  }
0x16a: {  	v14 =	vsub.f32 v50, v14;
	v21 =	vsub.f32 v50, v21;
	v45 =	vmin.f32 v49, v41;
	v49 =	vld [tilespmem:$0x1FC70]  }
0x16b: {  	v23 =	vsub.f32 v55, v23;
	[tilespmem:$0x1FE70] =	vst v32;
	v32 =	vadd.f32 v44, v44;
	v44 =	vld [tilespmem:$0x1FEA0];
	v35 =	vmin.f32 v56, v40  }
0x16c: {  	v25 =	vsub.f32 v50, v25;
	[tilespmem:$0x1FE80] =	vst v35;
	v35 =	vadd.f32 v51, v51;
	v51 =	vld [tilespmem:$0x1FEC0]  }
0x16d: {  	v27 =	vsub.f32 v55, v27;
	v38 =	vadd.f32 v57, v57;
	v57 =	vld [tilespmem:$0x1FC90]  }
0x16e: {  	v25 =	vadd.f32 v25, v11;
	v5 =	vadd.f32 v8, v8;
	v56 =	vld [tilespmem:$0x1FED0]  }
0x16f: {  	v8 =	vadd.f32 v39, v39;
	v38 =	vsub.f32 v55, v38;
	v37 =	vmin.f32 v47, v49;
	v47 =	vld [tilespmem:$0x1FEE0]  }
0x170: {  	v32 =	vsub.f32 v50, v32;
	v44 =	vmin.f32 v44, v43;
	v43 =	vsub.f32 v55, v7;
	v49 =	vld [tilespmem:$0x1FCA0]  }
0x171: {  	v7 =	vsub.f32 v50, v28;
	v41 =	vsub.f32 v50, v6;
	v39 =	vmin.f32 v51, v54;
	v51 =	vld [tilespmem:$0x1FEF0]  }
0x172: {  	v6 =	vsub.f32 v55, v33;
	[tilespmem:$0x1FEB0] =	vst v37;
	v37 =	vadd.f32 v42, v42;
	v54 =	vld [tilespmem:$0x1FCB0]  }
0x173: {  	v40 =	vsub.f32 v55, v8;
	v8 =	vsub.f32 v50, v1;
	[tilespmem:$0x1FEC0] =	vst v39;
	v39 =	vmin.f32 v56, v57;
	v56 =	vld [tilespmem:$0x1FF00]  }
0x174: {  	[tilespmem:$0x1FE10] =	vst v2;
	v42 =	vsub.f32 v55, v18;
	v57 =	vld [tilespmem:$0x1FCC0];
	v37 =	vsub.f32 v50, v37  }
0x175: {  	v2 =	vld [tilespmem:s29+$0x180C0];
	[tilespmem:$0x1FED0] =	vst v39;
	v39 =	vmin.f32 v47, v49;
	v49 =	vsub.f32 v55, v29;
	v47 =	vsub.f32 v50, v20  }
0x176: {  	[tilespmem:$0x1FE20] =	vst v26;
	v26 =	vld [tilespmem:s29+$0x180D0];
	v29 =	vsub.f32 v55, v9;
	v9 =	vadd.f32 v40, v60  }
0x177: {  	v28 =	vld [tilespmem:$0x1FF20];
	v20 =	vadd.f32 v32, v19;
	v40 =	vadd.f32 v23, v59  }
0x178: {  	v33 =	vld [tilespmem:$0x1FF10];
	v23 =	vadd.f32 v27, v11;
	[tilespmem:$0x1FEE0] =	vst v39;
	v39 =	vmin.f32 v51, v54;
	v51 =	vsub.f32 v55, v17  }
0x179: {  	v11 =	vld [tilespmem:$0x1FDA0];
	v17 =	vadd.f32 v42, v61;
	[tilespmem:$0x1FEF0] =	vst v39;
	v39 =	vmin.f32 v56, v57;
	v57 =	vsub.f32 v55, v10  }
0x17a: {  	v10 =	vadd.f32 v41, v61;
	v61 =	vadd.f32 v14, v46;
	v14 =	vld [tilespmem:$0x1FF40]  }
0x17b: {  	v32 =	vadd.f32 v37, v12;
	v54 =	vsub.f32 v50, v22;
	v22 =	vld [tilespmem:$0x1FF30]  }
0x17c: {  	v28 =	vmin.f32 v28, v9;
	v9 =	vadd.f32 v34, v19;
	v19 =	vld [tilespmem:$0x1FF60];
	[tilespmem:$0x1FF00] =	vst v39;
	v39 =	vsub.f32 v50, v5  }
0x17d: {  	v56 =	vsub.f32 v50, v24;
	v24 =	vadd.f32 v38, v12;
	v12 =	vld [tilespmem:$0x1FDB0]  }
0x17e: {  	v1 =	vadd.f32 v39, v60;
	v60 =	vadd.f32 v21, v59;
	v21 =	vld [tilespmem:$0x1FF70]  }
0x17f: {  	v30 =	vadd.f32 v30, v30;
	v16 =	vsub.f32 v55, v16;
	v14 =	vmin.f32 v14, v17;
	v17 =	vld [tilespmem:$0x1FF50]  }
0x180: {  	p1 =	sne.s32 s30, $0xFC00;
	v36 =	vsub.f32 v55, v36;
	v4 =	vadd.f32 v4, v4;
	v59 =	vld [tilespmem:$0x1FFE0];
	v22 =	vmin.f32 v22, v10  }
.Ltmp7:
0x181: {  	v10 =	vld [tilespmem:$0x1FD90];
	v39 =	vmin.f32 v33, v1;
	v1 =	vadd.f32 v3, v58;
	v3 =	vadd.f32 v43, v58;
	(pc) =	sbr.rel @p1 .LBB2_8-.Ltmp7, $4  }
0x182: {  	s29 =	sshra.s32 s30, $0x2;
	v4 =	vsub.f32 v50, v4;
	v58 =	vadd.f32 v16, v46;
	v16 =	vld [tilespmem:$0x1FDC0]  }
0x183: {  	v35 =	vsub.f32 v50, v35;
	v19 =	vmin.f32 v19, v3;
	v3 =	vld [tilespmem:s29+$0xC0F0];
	v21 =	vmin.f32 v21, v20  }
0x184: {  	v18 =	vsub.f32 v55, v30;
	v30 =	vadd.f32 v36, v48;
	[tilespmem:$0x1FF70] =	vst v21;
	v17 =	vmin.f32 v17, v1;
	v1 =	vld [tilespmem:$0x1FD80]  }
0x185: {  	s30 =	sadd.s32 $0x400, s30;
	v5 =	vsub.f32 v50, v31;
	v33 =	vadd.f32 v35, v48;
	v20 =	vld [tilespmem:$0x1FF70]  }
0x186: {  	[tilespmem:$0x1FCD0] =	vst v40  }
0x187: {  	[tilespmem:$0x1FCF0] =	vst v30  }
0x188: {  	[tilespmem:$0x1FD00] =	vst v32  }
0x189: {  	[tilespmem:$0x1FD10] =	vst v25  }
0x18a: {  	[tilespmem:$0x1FD20] =	vst v24  }
0x18b: {  	[tilespmem:$0x1FD30] =	vst v23  }
0x18c: {  	[tilespmem:$0x1FE90] =	vst v45  }
0x18d: {  	[tilespmem:$0x1FEA0] =	vst v44  }
0x18e: {  	[tilespmem:$0x1FF60] =	vst v19  }
0x18f: {  	[tilespmem:$0x1FF50] =	vst v17  }
0x190: {  	[tilespmem:$0x1FF40] =	vst v14  }
0x191: {  	[tilespmem:$0x1FF30] =	vst v22;
	v16 =	vld [tilespmem:$0x1FD70]  }
0x192: {  	[tilespmem:$0x1FF20] =	vst v28;
	v14 =	vld [tilespmem:$0x1FD50]  }
0x193: {  	[tilespmem:$0x1FF10] =	vst v39;
	v20 =	vmov v52;
	v52 =	vld [tilespmem:$0x1FD60]  }
0x194: {  	v48 =	vmov v53;
	v21 =	vld [tilespmem:$0x1FD40];
	[tilespmem:$0x1FCE0] =	vst v33  }
.LBB2_10:
0x195: {  	v19 =	vld [tilespmem:s29+$0x100F0]  }
0x196: {  	v10 =	vld [tilespmem:s29+$0xC000]  }
0x197: {  	v17 =	vadd.f32 @p0 v5, v13;
	v1 =	vld [tilespmem:s29+$0x140F0];
	v5 =	vadd.f32 @p0 v47, v62  }
0x198: {  	v11 =	vld [tilespmem:s29+$0x10000]  }
0x199: {  	v35 =	vld [tilespmem:s29+$0x10010];
	[tilespmem:$0x1FB20] =	vst v5;
	v5 =	vadd.f32 @p0 v29, v62  }
0x19a: {  	v37 =	vld [tilespmem:s29+$0x10030]  }
0x19b: {  	v53 =	vadd.f32 @p0 v6, v13;
	v39 =	vld [tilespmem:s29+$0x10040];
	[tilespmem:$0x1FB30] =	vst v5;
	v5 =	vadd.f32 @p0 v54, v2  }
0x19c: {  	v7 =	vadd.f32 @p0 v7, v15;
	v55 =	vadd.f32 @p0 v49, v15;
	v12 =	vld [tilespmem:s29+$0xC010]  }
0x19d: {  	v8 =	vadd.f32 @p0 v8, v63;
	v27 =	vld [tilespmem:s29+$0xC060];
	v36 =	vmul.f32 v14, v3;
	[tilespmem:$0x1FB40] =	vst v5;
	v5 =	vadd.f32 @p0 v56, v26  }
0x19e: {  	v31 =	vld [tilespmem:s29+$0xC080];
	v6 =	vmovc v16;
	v3 =	vmul.f32 v59, v3;
	v15 =	vmul.f32 v16, v19;
	v16 =	vadd.f32 @p0 v51, v63  }
0x19f: {  	v33 =	vld [tilespmem:s29+$0xC090];
	[tilespmem:$0x1FB60] =	vst v8;
	v2 =	vadd.f32 @p0 v18, v2;
	v18 =	vmul.f32 v59, v10;
	v38 =	vmul.f32 v6, v35  }
0x1a0: {  	v8 =	vld [tilespmem:s29+$0xC020];
	v4 =	vadd.f32 @p0 v4, v21;
	v25 =	vmul.f32 v52, v37;
	v28 =	vmul.f32 v52, v39;
	[tilespmem:$0x1FB70] =	vst v16  }
0x1a1: {  	v29 =	vld [tilespmem:s29+$0xC070];
	v16 =	vmul.f32 v20, v1;
	[tilespmem:$0x1FB50] =	vst v5;
	v5 =	vmov v14;
	v14 =	vadd.f32 v15, v36  }
0x1a2: {  	v49 =	vmov v20;
	v13 =	vmul.f32 v6, v39;
	v20 =	vmul.f32 v52, v11;
	v15 =	vld [tilespmem:s29+$0x10020]  }
0x1a3: {  	v21 =	vld [tilespmem:s29+$0xC030];
	v44 =	vmul.f32 v59, v27;
	v46 =	vmul.f32 v59, v31;
	[tilespmem:$0x1FB80] =	vst v4;
	v4 =	vadd.f32 v16, v14  }
0x1a4: {  	v22 =	vld [tilespmem:s29+$0xC040];
	v16 =	vadd.f32 v20, v18;
	v18 =	vmul.f32 v59, v12;
	v20 =	vmul.f32 v52, v35  }
0x1a5: {  	v24 =	vld [tilespmem:s29+$0xC050];
	v51 =	vmul.f32 v59, v33;
	v11 =	vmul.f32 v6, v11  }
0x1a6: {  	v47 =	vld [tilespmem:s29+$0x100B0];
	v45 =	vmul.f32 v59, v29;
	v18 =	vadd.f32 v20, v18;
	v20 =	vmul.f32 v59, v8  }
0x1a7: {  	v23 =	vmul.f32 v52, v15;
	v40 =	vmul.f32 v6, v15;
	v15 =	vld [tilespmem:s29+$0x10050]  }
0x1a8: {  	v26 =	vadd.f32 @p0 v57, v26;
	v10 =	vmul.f32 v5, v10;
	v41 =	vmul.f32 v5, v21  }
0x1a9: {  	v42 =	vmul.f32 v5, v22;
	v20 =	vadd.f32 v23, v20;
	v23 =	vmul.f32 v59, v21;
	v21 =	vld [tilespmem:s29+$0x10060]  }
0x1aa: {  	v43 =	vmul.f32 v5, v24;
	v14 =	vmul.f32 v6, v37;
	v35 =	vld [tilespmem:s29+$0xC0A0];
	v10 =	vadd.f32 v11, v10  }
0x1ab: {  	v11 =	vmul.f32 v5, v12;
	v23 =	vadd.f32 v25, v23;
	v25 =	vmul.f32 v59, v22;
	v22 =	vld [tilespmem:s29+$0x10070]  }
0x1ac: {  	v37 =	vld [tilespmem:s29+$0xC0B0];
	v13 =	vadd.f32 v13, v42;
	v42 =	vmul.f32 v52, v47;
	v30 =	vmul.f32 v52, v15  }
0x1ad: {  	v15 =	vmul.f32 v6, v15;
	v25 =	vadd.f32 v28, v25;
	v28 =	vmul.f32 v59, v24;
	v24 =	vld [tilespmem:s29+$0x10080]  }
0x1ae: {  	v8 =	vmul.f32 v5, v8;
	v12 =	vadd.f32 v14, v41;
	v32 =	vmul.f32 v52, v21  }
0x1af: {  	v14 =	vadd.f32 v15, v43;
	v15 =	vmul.f32 v5, v27;
	v21 =	vmul.f32 v6, v21;
	v27 =	vld [tilespmem:s29+$0x10090]  }
0x1b0: {  	v11 =	vadd.f32 v38, v11;
	v54 =	vmul.f32 v59, v35;
	v34 =	vmul.f32 v52, v22  }
0x1b1: {  	v15 =	vadd.f32 v21, v15;
	v21 =	vmul.f32 v5, v29;
	v22 =	vmul.f32 v6, v22;
	v29 =	vld [tilespmem:s29+$0x100A0]  }
0x1b2: {  	v8 =	vadd.f32 v40, v8;
	v57 =	vmul.f32 v59, v37;
	v36 =	vmul.f32 v52, v24  }
0x1b3: {  	v39 =	vld [tilespmem:s29+$0xC0C0];
	v21 =	vadd.f32 v22, v21;
	v22 =	vmul.f32 v5, v31;
	v24 =	vmul.f32 v6, v24  }
0x1b4: {  	v28 =	vadd.f32 v30, v28;
	v30 =	vadd.f32 v32, v44;
	v38 =	vmul.f32 v52, v27  }
0x1b5: {  	v27 =	vmul.f32 v6, v27;
	v22 =	vadd.f32 v24, v22;
	v24 =	vmul.f32 v5, v33;
	v33 =	vld [tilespmem:s29+$0x100C0]  }
0x1b6: {  	v56 =	vld [tilespmem:s29+$0x100D0];
	v32 =	vadd.f32 v34, v45;
	v31 =	vmul.f32 v6, v47;
	v40 =	vmul.f32 v52, v29  }
0x1b7: {  	v41 =	vld [tilespmem:s29+$0xC0D0];
	v29 =	vmul.f32 v6, v29;
	v24 =	vadd.f32 v27, v24;
	v27 =	vmul.f32 v5, v35  }
0x1b8: {  	v43 =	vld [tilespmem:s29+$0xC0E0];
	v34 =	vadd.f32 v36, v46;
	v36 =	vadd.f32 v38, v51;
	v51 =	vmul.f32 v5, v39  }
0x1b9: {  	v38 =	vadd.f32 v40, v54;
	v54 =	vld [tilespmem:s29+$0x14000];
	v27 =	vadd.f32 v29, v27;
	v29 =	vmul.f32 v5, v37  }
0x1ba: {  	v37 =	vld [tilespmem:s29+$0x100E0];
	v44 =	vmul.f32 v52, v33;
	v33 =	vmul.f32 v6, v33  }
0x1bb: {  	v63 =	vmul.f32 v59, v39;
	v45 =	vmul.f32 v52, v56;
	v40 =	vadd.f32 v42, v57  }
0x1bc: {  	v57 =	vmul.f32 v59, v41;
	v29 =	vadd.f32 v31, v29;
	v31 =	vadd.f32 v33, v51;
	v51 =	vld [tilespmem:s29+$0x14010]  }
0x1bd: {  	v19 =	vmul.f32 v52, v19;
	v35 =	vmul.f32 v6, v56;
	v39 =	vadd.f32 v44, v63  }
0x1be: {  	v63 =	vmul.f32 v5, v41;
	v44 =	vadd.f32 v45, v57;
	v45 =	vld [tilespmem:s29+$0x14020];
	v57 =	vmul.f32 v5, v43  }
0x1bf: {  	v42 =	vmul.f32 v49, v54;
	v56 =	vmul.f32 v52, v37  }
0x1c0: {  	v62 =	vmovc v52;
	v3 =	vadd.f32 v19, v3;
	v37 =	vmul.f32 v6, v37;
	v52 =	vmul.f32 v48, v54;
	v54 =	vld [tilespmem:s29+$0x14040]  }
0x1c1: {  	v46 =	vmul.f32 v59, v43;
	v33 =	vadd.f32 v35, v63;
	v63 =	vld [tilespmem:s29+$0x14030];
	v19 =	vmul.f32 v48, v51  }
0x1c2: {  	v35 =	vadd.f32 v37, v57;
	v57 =	vmov v48;
	v48 =	vld [tilespmem:s29+$0x14050]  }
0x1c3: {  	v43 =	vadd.f32 v56, v46;
	v19 =	vadd.f32 v19, v18;
	v18 =	vmul.f32 v49, v45  }
0x1c4: {  	v16 =	vadd.f32 v52, v16;
	v41 =	vmul.f32 v49, v51;
	v51 =	vld [tilespmem:s29+$0x14070];
	v1 =	vmul.f32 v57, v1  }
0x1c5: {  	v52 =	vld [tilespmem:s29+$0x14080];
	v46 =	vadd.f32 v18, v8;
	v8 =	vmul.f32 v57, v54;
	v18 =	vmul.f32 v49, v54  }
0x1c6: {  	v11 =	vadd.f32 v41, v11;
	v41 =	vld [tilespmem:s29+$0x14060];
	v59 =	vmul.f32 v57, v63;
	v63 =	vmul.f32 v49, v63  }
0x1c7: {  	v25 =	vadd.f32 v8, v25;
	v13 =	vadd.f32 v18, v13;
	v8 =	vmul.f32 v49, v48;
	v18 =	vld [tilespmem:s29+$0x14090]  }
0x1c8: {  	v56 =	vmul.f32 v57, v45;
	v1 =	vadd.f32 v1, v3;
	v23 =	vadd.f32 v59, v23;
	v59 =	vld [tilespmem:s29+$0x140A0]  }
0x1c9: {  	v12 =	vadd.f32 v63, v12;
	v63 =	vld [tilespmem:s29+$0x140B0];
	v14 =	vadd.f32 v8, v14;
	v8 =	vmul.f32 v57, v51  }
0x1ca: {  	v10 =	vadd.f32 v42, v10;
	[tilespmem:$0x1FB90] =	vst v1;
	v1 =	vld [tilespmem:$0x1FD80];
	v54 =	vmul.f32 v57, v48;
	v45 =	vmul.f32 v49, v51  }
0x1cb: {  	v51 =	vmul.f32 v57, v52;
	v32 =	vadd.f32 v8, v32;
	v8 =	vmul.f32 v49, v52;
	v52 =	vld [tilespmem:s29+$0x140C0]  }
0x1cc: {  	v28 =	vadd.f32 v54, v28;
	v54 =	vmul.f32 v57, v18;
	v18 =	vmul.f32 v49, v18  }
0x1cd: {  	v42 =	vmul.f32 v49, v59;
	v22 =	vadd.f32 v8, v22;
	v8 =	vmul.f32 v57, v59;
	v59 =	vld [tilespmem:s29+$0x140E0]  }
0x1ce: {  	v20 =	vadd.f32 v56, v20;
	v24 =	vadd.f32 v18, v24;
	v18 =	vmul.f32 v57, v63  }
0x1cf: {  	v56 =	vmul.f32 v57, v41;
	v9 =	vmin.f32 @p0 v1, v9;
	v1 =	vld [tilespmem:$0x1FD90];
	v37 =	vadd.f32 v8, v38  }
0x1d0: {  	v8 =	vmul.f32 v49, v63;
	v63 =	vadd.f32 v18, v40;
	v18 =	vmul.f32 v57, v52;
	_ =	sdelay $0x1  }
0x1d1: {  	v30 =	vadd.f32 v56, v30;
	v56 =	vld [tilespmem:s29+$0x140D0];
	v39 =	vadd.f32 v18, v39;
	v18 =	vmul.f32 v57, v59;
	_ =	sdelay $0x1  }
0x1d2: {  	v27 =	vadd.f32 v42, v27;
	v42 =	vadd.f32 v18, v43;
	v43 =	vmin.f32 @p0 v1, v61;
	v1 =	vld [tilespmem:$0x1FDA0];
	_ =	sdelay $0x2  }
0x1d3: {  	v29 =	vadd.f32 v8, v29;
	v8 =	vmul.f32 v57, v56;
	_ =	sdelay $0x1  }
0x1d4: {  	v40 =	vadd.f32 v8, v44;
	v44 =	vmin.f32 @p0 v1, v58;
	v1 =	vld [tilespmem:$0x1FDB0]  }
0x1d5: {  	v38 =	vld [tilespmem:$0x1FFF0]  }
0x1d6: {  	v48 =	vmul.f32 v49, v52;
	v52 =	vld [tilespmem:s29+$0x18000]  }
0x1d7: {  	v16 =	vadd.f32 v16, v16;
	v8 =	vld [tilespmem:s29+$0x180F0]  }
0x1d8: {  	v4 =	vadd.f32 v4, v4  }
0x1d9: {  	v16 =	vsub.f32 v50, v16;
	v21 =	vadd.f32 v45, v21;
	v45 =	vmin.f32 @p0 v1, v60;
	v1 =	vld [tilespmem:$0x1FDC0]  }
0x1da: {  	v4 =	vsub.f32 v38, v4  }
0x1db: {  	v18 =	vmul.f32 v49, v59;
	v59 =	vadd.f32 v16, v52  }
0x1dc: {  	v16 =	vadd.f32 v19, v19;
	v19 =	vld [tilespmem:s29+$0x18020];
	v3 =	vadd.f32 v4, v8  }
0x1dd: {  	v20 =	vadd.f32 v20, v20;
	v4 =	vld [tilespmem:s29+$0x18010]  }
0x1de: {  	v1 =	vmin.f32 v1, v3;
	v3 =	vld [tilespmem:$0x1FCD0]  }
0x1df: {  	v11 =	vadd.f32 v11, v11;
	v20 =	vsub.f32 v50, v20;
	[tilespmem:$0x1FBE0] =	vst v1;
	v1 =	vld [tilespmem:$0x1FDD0]  }
0x1e0: {  	v41 =	vmul.f32 v49, v41;
	v36 =	vadd.f32 v54, v36;
	v54 =	vadd.f32 v46, v46  }
0x1e1: {  	v11 =	vsub.f32 v38, v11;
	v16 =	vsub.f32 v50, v16  }
0x1e2: {  	v15 =	vadd.f32 v41, v15;
	v41 =	vsub.f32 v38, v54  }
0x1e3: {  	v16 =	vadd.f32 v16, v4;
	v4 =	vadd.f32 v11, v4  }
0x1e4: {  	v11 =	vadd.f32 v20, v19;
	v19 =	vadd.f32 v41, v19;
	v41 =	vmin.f32 @p0 v1, v3;
	v1 =	vld [tilespmem:$0x1FDE0]  }
0x1e5: {  	v3 =	vld [tilespmem:$0x1FCE0];
	_ =	sdelay $0x4  }
0x1e6: {  	v47 =	vmin.f32 @p0 v1, v3;
	v1 =	vld [tilespmem:$0x1FDF0]  }
0x1e7: {  	v3 =	vld [tilespmem:$0x1FCF0];
	_ =	sdelay $0x4  }
0x1e8: {  	v31 =	vadd.f32 v48, v31;
	v48 =	vmin.f32 @p0 v1, v3;
	v1 =	vld [tilespmem:$0x1FE00]  }
0x1e9: {  	v3 =	vld [tilespmem:$0x1FD00];
	_ =	sdelay $0x4  }
0x1ea: {  	v35 =	vadd.f32 v18, v35;
	v18 =	vmin.f32 @p0 v1, v3;
	v1 =	vld [tilespmem:$0x1FE10]  }
0x1eb: {  	v3 =	vld [tilespmem:$0x1FD20];
	_ =	sdelay $0x3  }
0x1ec: {  	v20 =	vld [tilespmem:s29+$0x18030]  }
0x1ed: {  	v60 =	vmin.f32 @p0 v1, v3;
	v1 =	vld [tilespmem:$0x1FE20]  }
0x1ee: {  	v3 =	vld [tilespmem:$0x1FD10]  }
0x1ef: {  	v23 =	vadd.f32 v23, v23;
	v12 =	vadd.f32 v12, v12;
	_ =	sdelay $0x1  }
0x1f0: {  	v23 =	vsub.f32 v50, v23;
	v12 =	vsub.f32 v38, v12;
	_ =	sdelay $0x1  }
0x1f1: {  	v23 =	vadd.f32 v23, v20;
	v12 =	vadd.f32 v12, v20;
	v20 =	vmin.f32 @p0 v1, v3;
	v1 =	vld [tilespmem:$0x1FE30]  }
0x1f2: {  	v3 =	vld [tilespmem:$0x1FD30];
	_ =	sdelay $0x2  }
0x1f3: {  	v34 =	vadd.f32 v51, v34;
	v51 =	vmul.f32 v49, v56;
	_ =	sdelay $0x1  }
0x1f4: {  	v33 =	vadd.f32 v51, v33;
	v51 =	vmin.f32 @p0 v1, v3;
	v1 =	vld [tilespmem:$0x1FE40];
	_ =	sdelay $0x4  }
0x1f5: {  	[tilespmem:$0x1FBA0] =	vst v8;
	v8 =	vmin.f32 @p0 v1, v17;
	v1 =	vld [tilespmem:$0x1FE50];
	_ =	sdelay $0x4  }
0x1f6: {  	v3 =	vmin.f32 @p0 v1, v53;
	v1 =	vld [tilespmem:$0x1FE60];
	_ =	sdelay $0x4  }
0x1f7: {  	v7 =	vmin.f32 @p0 v1, v7;
	v1 =	vld [tilespmem:$0x1FE70];
	_ =	sdelay $0x3  }
0x1f8: {  	v17 =	vld [tilespmem:$0x1FB20]  }
0x1f9: {  	v10 =	vadd.f32 v10, v10;
	v53 =	vmin.f32 @p0 v1, v55;
	v1 =	vld [tilespmem:$0x1FE80];
	_ =	sdelay $0x1  }
0x1fa: {  	v10 =	vsub.f32 v38, v10;
	_ =	sdelay $0x1  }
0x1fb: {  	v10 =	vadd.f32 v10, v52;
	v52 =	vld [tilespmem:$0x1FB30]  }
0x1fc: {  	v17 =	vmin.f32 @p0 v1, v17;
	v1 =	vld [tilespmem:$0x1FE90];
	_ =	sdelay $0x3  }
0x1fd: {  	v55 =	vld [tilespmem:$0x1FB40]  }
0x1fe: {  	v52 =	vmin.f32 @p0 v1, v52;
	v1 =	vld [tilespmem:$0x1FEA0];
	_ =	sdelay $0x3  }
0x1ff: {  	v56 =	vld [tilespmem:s29+$0x18040]  }
0x200: {  	v55 =	vmin.f32 @p0 v1, v55;
	v1 =	vld [tilespmem:$0x1FEB0]  }
0x201: {  	v25 =	vadd.f32 v25, v25;
	v13 =	vadd.f32 v13, v13;
	_ =	sdelay $0x1  }
0x202: {  	v25 =	vsub.f32 v50, v25;
	v13 =	vsub.f32 v38, v13  }
0x203: {  	v32 =	vadd.f32 v32, v32  }
0x204: {  	v25 =	vadd.f32 v25, v56;
	v13 =	vadd.f32 v13, v56;
	v56 =	vmin.f32 @p0 v1, v2;
	v1 =	vld [tilespmem:$0x1FEC0]  }
0x205: {  	v2 =	vsub.f32 v50, v32;
	v32 =	vld [tilespmem:$0x1FB50];
	_ =	sdelay $0x2  }
0x206: {  	v61 =	vld [tilespmem:s29+$0x18060]  }
0x207: {  	v30 =	vadd.f32 v30, v30;
	v46 =	vld [tilespmem:s29+$0x18070]  }
0x208: {  	v15 =	vadd.f32 v15, v15;
	v32 =	vmin.f32 @p0 v1, v32;
	v1 =	vld [tilespmem:$0x1FED0]  }
0x209: {  	v30 =	vsub.f32 v50, v30  }
0x20a: {  	v15 =	vsub.f32 v38, v15  }
0x20b: {  	v30 =	vadd.f32 v30, v61  }
0x20c: {  	v15 =	vadd.f32 v15, v61;
	v61 =	vadd.f32 v2, v46;
	v2 =	vld [tilespmem:$0x1FB60]  }
0x20d: {  	v26 =	vmin.f32 @p0 v1, v26;
	v1 =	vld [tilespmem:$0x1FEE0]  }
0x20e: {  	v21 =	vadd.f32 v21, v21;
	_ =	sdelay $0x1  }
0x20f: {  	v21 =	vsub.f32 v38, v21  }
0x210: {  	v54 =	vld [tilespmem:s29+$0x18080]  }
0x211: {  	v21 =	vadd.f32 v21, v46;
	v46 =	vmin.f32 @p0 v1, v2;
	v1 =	vld [tilespmem:$0x1FEF0]  }
0x212: {  	v2 =	vld [tilespmem:$0x1FB70]  }
0x213: {  	v34 =	vadd.f32 v34, v34;
	v22 =	vadd.f32 v22, v22;
	_ =	sdelay $0x1  }
0x214: {  	v34 =	vsub.f32 v50, v34;
	v22 =	vsub.f32 v38, v22  }
0x215: {  	v58 =	vld [tilespmem:s29+$0x18050]  }
0x216: {  	v34 =	vadd.f32 v34, v54;
	v22 =	vadd.f32 v22, v54;
	v54 =	vmin.f32 @p0 v1, v2;
	v1 =	vld [tilespmem:$0x1FF00]  }
0x217: {  	v2 =	vld [tilespmem:$0x1FB80]  }
0x218: {  	v28 =	vadd.f32 v28, v28;
	v14 =	vadd.f32 v14, v14;
	_ =	sdelay $0x1  }
0x219: {  	v28 =	vsub.f32 v50, v28;
	v14 =	vsub.f32 v38, v14;
	_ =	sdelay $0x1  }
0x21a: {  	v28 =	vadd.f32 v28, v58;
	v14 =	vadd.f32 v14, v58;
	v58 =	vmin.f32 @p0 v1, v2;
	v1 =	vld [tilespmem:$0x1FF10];
	_ =	sdelay $0x4  }
0x21b: {  	v59 =	vmin.f32 v1, v59;
	v1 =	vld [tilespmem:$0x1FF20];
	_ =	sdelay $0x4  }
0x21c: {  	v1 =	vmin.f32 v1, v10  }
0x21d: {  	[tilespmem:$0x1FBB0] =	vst v1;
	v1 =	vld [tilespmem:$0x1FF30];
	_ =	sdelay $0x4  }
0x21e: {  	v16 =	vmin.f32 v1, v16;
	v1 =	vld [tilespmem:$0x1FF40];
	_ =	sdelay $0x4  }
0x21f: {  	v10 =	vadd.f32 v39, v39;
	v39 =	vadd.f32 v40, v40;
	v40 =	vld [tilespmem:s29+$0x18090];
	v1 =	vmin.f32 v1, v4  }
0x220: {  	v36 =	vadd.f32 v36, v36;
	v24 =	vadd.f32 v24, v24;
	[tilespmem:$0x1FBC0] =	vst v1;
	v1 =	vld [tilespmem:$0x1FF50];
	_ =	sdelay $0x1  }
0x221: {  	v36 =	vsub.f32 v50, v36;
	v24 =	vsub.f32 v38, v24;
	_ =	sdelay $0x1  }
0x222: {  	v36 =	vadd.f32 v36, v40;
	v24 =	vadd.f32 v24, v40;
	v40 =	vld [tilespmem:s29+$0x180B0]  }
0x223: {  	v11 =	vmin.f32 v1, v11;
	v1 =	vld [tilespmem:$0x1FF60]  }
0x224: {  	v63 =	vadd.f32 v63, v63;
	v29 =	vadd.f32 v29, v29  }
0x225: {  	v27 =	vadd.f32 v27, v27  }
0x226: {  	v63 =	vsub.f32 v50, v63;
	v29 =	vsub.f32 v38, v29  }
0x227: {  	v37 =	vadd.f32 v37, v37;
	v33 =	vadd.f32 v33, v33  }
0x228: {  	v63 =	vadd.f32 v63, v40;
	v29 =	vadd.f32 v29, v40;
	v40 =	vld [tilespmem:s29+$0x180D0];
	v1 =	vmin.f32 v1, v19  }
0x229: {  	v37 =	vsub.f32 v50, v37;
	v31 =	vadd.f32 v31, v31;
	[tilespmem:$0x1FBD0] =	vst v1;
	v1 =	vld [tilespmem:$0x1FF70]  }
0x22a: {  	v27 =	vsub.f32 v38, v27;
	v42 =	vadd.f32 v42, v42;
	v19 =	vld [tilespmem:s29+$0x180A0]  }
0x22b: {  	v31 =	vsub.f32 v38, v31;
	v35 =	vadd.f32 v35, v35  }
0x22c: {  	v42 =	vsub.f32 v50, v42;
	v39 =	vsub.f32 v50, v39  }
0x22d: {  	v35 =	vsub.f32 v38, v35;
	v10 =	vsub.f32 v50, v10  }
0x22e: {  	v39 =	vadd.f32 v39, v40;
	v23 =	vmin.f32 v1, v23;
	v1 =	vimm.f32 $+Inf  }
0x22f: {  	v37 =	vadd.f32 v37, v19;
	v19 =	vadd.f32 v27, v19;
	v9 =	vpsel p0, v9, v1  }
0x230: {  	v43 =	vpsel p0, v43, v1;
	v44 =	vpsel p0, v44, v1;
	v45 =	vpsel p0, v45, v1  }
0x231: {  	v41 =	vpsel p0, v41, v1;
	v47 =	vpsel p0, v47, v1;
	v48 =	vpsel p0, v48, v1  }
0x232: {  	v2 =	vpsel p0, v18, v1;
	v60 =	vpsel p0, v60, v1;
	v20 =	vpsel p0, v20, v1  }
0x233: {  	v51 =	vpsel p0, v51, v1;
	v4 =	vpsel p0, v8, v1;
	v3 =	vpsel p0, v3, v1  }
0x234: {  	v7 =	vpsel p0, v7, v1;
	v53 =	vpsel p0, v53, v1;
	v17 =	vpsel p0, v17, v1  }
0x235: {  	v52 =	vpsel p0, v52, v1;
	v55 =	vpsel p0, v55, v1;
	v56 =	vpsel p0, v56, v1  }
0x236: {  	v32 =	vpsel p0, v32, v1;
	v26 =	vpsel p0, v26, v1;
	v46 =	vpsel p0, v46, v1  }
0x237: {  	v54 =	vpsel p0, v54, v1;
	v58 =	vpsel p0, v58, v1;
	v9 =	vmin.f32 v9, v12  }
0x238: {  	v27 =	vld [tilespmem:s29+$0x180C0];
	v12 =	vsub.f32 v38, v33;
	v25 =	vmin.f32 v43, v25;
	v13 =	vmin.f32 v44, v13  }
0x239: {  	v28 =	vmin.f32 v45, v28;
	v14 =	vmin.f32 v41, v14;
	v15 =	vmin.f32 v48, v15  }
0x23a: {  	v1 =	vld [tilespmem:$0x1FB90];
	v48 =	vmin.f32 v2, v61;
	v21 =	vmin.f32 v60, v21;
	v20 =	vmin.f32 v20, v34  }
0x23b: {  	v22 =	vmin.f32 v51, v22;
	v3 =	vmin.f32 v3, v24;
	v7 =	vmin.f32 v7, v37  }
0x23c: {  	v19 =	vmin.f32 v53, v19;
	v17 =	vmin.f32 v17, v63;
	v24 =	vmin.f32 v52, v29  }
0x23d: {  	v29 =	vmin.f32 v32, v39;
	v43 =	vmin.f32 v22, v3;
	v10 =	vadd.f32 v10, v27  }
0x23e: {  	v27 =	vadd.f32 v31, v27;
	v31 =	vld [tilespmem:s29+$0x180E0];
	v12 =	vadd.f32 v12, v40;
	v40 =	vmovc v5;
	v5 =	vmin.f32 v4, v36  }
0x23f: {  	v41 =	vmovc v6;
	v6 =	vmax.f32 v22, v3;
	v18 =	vadd.f32 v1, v1;
	v10 =	vmin.f32 v55, v10  }
0x240: {  	v1 =	vld [tilespmem:$0x1FBA0];
	v27 =	vmin.f32 v56, v27;
	v12 =	vmin.f32 v26, v12;
	v55 =	vmin.f32 v59, v16  }
0x241: {  	v16 =	vmax.f32 v59, v16;
	v56 =	vmin.f32 v11, v23;
	v11 =	vmax.f32 v11, v23  }
0x242: {  	v23 =	vmin.f32 v25, v28;
	v25 =	vmax.f32 v25, v28;
	v32 =	vmax.f32 v55, v56  }
0x243: {  	v59 =	vmin.f32 v16, v11;
	v18 =	vsub.f32 v50, v18;
	v33 =	vadd.f32 v42, v31  }
0x244: {  	v11 =	vmax.f32 v16, v11;
	v31 =	vadd.f32 v35, v31;
	v42 =	vmax.f32 v15, v21  }
0x245: {  	v8 =	vadd.f32 v18, v1;
	v18 =	vmin.f32 v47, v30;
	v26 =	vmin.f32 v46, v33  }
0x246: {  	v31 =	vmin.f32 v54, v31;
	v28 =	vmin.f32 v18, v48;
	v18 =	vmax.f32 v18, v48  }
0x247: {  	v8 =	vmin.f32 v58, v8;
	v58 =	vmin.f32 v20, v5;
	v5 =	vmax.f32 v20, v5  }
0x248: {  	v20 =	vmin.f32 v7, v17;
	v7 =	vmax.f32 v7, v17;
	v17 =	vmin.f32 v10, v29  }
0x249: {  	v10 =	vmax.f32 v10, v29;
	v16 =	vmin.f32 v23, v28;
	v23 =	vmax.f32 v23, v28  }
0x24a: {  	v28 =	vmin.f32 v25, v18;
	v18 =	vmax.f32 v25, v18;
	v29 =	vmin.f32 v26, v8  }
0x24b: {  	v8 =	vmax.f32 v26, v8;
	v26 =	vmin.f32 v55, v56;
	v25 =	vmin.f32 v58, v20  }
0x24c: {  	v20 =	vmax.f32 v58, v20;
	v60 =	vmin.f32 v5, v7;
	v5 =	vmax.f32 v5, v7  }
0x24d: {  	v61 =	vmin.f32 v28, v23;
	v23 =	vmax.f32 v28, v23;
	v11 =	vmin.f32 v11, v18  }
0x24e: {  	v7 =	vmin.f32 v17, v29;
	v17 =	vmax.f32 v17, v29;
	v29 =	vmin.f32 v10, v8  }
0x24f: {  	v8 =	vmax.f32 v10, v8;
	v10 =	vmin.f32 v59, v32;
	v32 =	vmax.f32 v59, v32  }
0x250: {  	v28 =	vmin.f32 v60, v20;
	v20 =	vmax.f32 v60, v20;
	v63 =	vmin.f32 v29, v17  }
0x251: {  	v17 =	vmax.f32 v29, v17;
	v29 =	vmin.f32 v26, v16;
	v16 =	vmax.f32 v26, v16  }
0x252: {  	v26 =	vmin.f32 v10, v61;
	v10 =	vmax.f32 v10, v61;
	v36 =	vmin.f32 v32, v23  }
0x253: {  	v23 =	vmax.f32 v32, v23;
	v18 =	vmin.f32 v25, v7;
	v7 =	vmax.f32 v25, v7  }
0x254: {  	v5 =	vmin.f32 v5, v8;
	v25 =	vmin.f32 v28, v63;
	v28 =	vmax.f32 v28, v63  }
0x255: {  	v37 =	vmin.f32 v20, v17;
	v17 =	vmax.f32 v20, v17;
	v8 =	vmin.f32 v36, v16  }
0x256: {  	v16 =	vmax.f32 v36, v16;
	v20 =	vmin.f32 v11, v10;
	v10 =	vmax.f32 v11, v10  }
0x257: {  	v11 =	vmin.f32 v37, v7;
	v7 =	vmax.f32 v37, v7;
	v39 =	vmin.f32 v5, v28  }
0x258: {  	v5 =	vmax.f32 v5, v28;
	v28 =	vmin.f32 v26, v8;
	v8 =	vmax.f32 v26, v8  }
0x259: {  	v26 =	vmin.f32 v20, v16;
	v16 =	vmax.f32 v20, v16;
	v10 =	vmin.f32 v10, v23  }
0x25a: {  	v2 =	vld [tilespmem:$0x1FBC0];
	v20 =	vmin.f32 v25, v11;
	v11 =	vmax.f32 v25, v11;
	v23 =	vmin.f32 v39, v7  }
0x25b: {  	v3 =	vld [tilespmem:$0x1FBE0];
	v7 =	vmax.f32 v39, v7;
	v5 =	vmin.f32 v5, v17;
	v17 =	vmax.f32 v29, v18  }
0x25c: {  	v1 =	vld [tilespmem:$0x1FBB0];
	v18 =	vmax.f32 v28, v20;
	v7 =	vmin.f32 v16, v7;
	v8 =	vmin.f32 v8, v11  }
0x25d: {  	v4 =	vld [tilespmem:$0x1FBD0];
	v5 =	vmin.f32 v10, v5;
	v10 =	vmin.f32 v26, v23;
	v11 =	vmin.f32 v15, v21  }
0x25e: {  	v15 =	vmin.f32 v19, v24;
	v16 =	vmax.f32 v19, v24;
	v7 =	vmin.f32 v7, v17  }
0x25f: {  	v5 =	vmin.f32 v5, v18;
	v17 =	vmin.f32 v27, v12;
	v12 =	vmax.f32 v27, v12  }
0x260: {  	v18 =	vmin.f32 v31, v3;
	v3 =	vmax.f32 v31, v3;
	v44 =	vmin.f32 v43, v15  }
0x261: {  	v7 =	vmax.f32 v8, v7;
	v5 =	vmin.f32 v10, v5;
	v8 =	vmin.f32 v1, v2  }
0x262: {  	v1 =	vmax.f32 v1, v2;
	v2 =	vmin.f32 v4, v9;
	v4 =	vmax.f32 v4, v9  }
0x263: {  	v9 =	vmin.f32 v13, v14;
	v10 =	vmax.f32 v13, v14;
	v14 =	vmax.f32 v43, v15  }
0x264: {  	v15 =	vmin.f32 v6, v16;
	v6 =	vmax.f32 v6, v16;
	v16 =	vmin.f32 v17, v18  }
0x265: {  	v17 =	vmax.f32 v17, v18;
	v18 =	vmin.f32 v12, v3;
	v3 =	vmax.f32 v12, v3  }
0x266: {  	v19 =	vmin.f32 v8, v2;
	v2 =	vmax.f32 v8, v2;
	v8 =	vmin.f32 v1, v4  }
0x267: {  	v1 =	vmax.f32 v1, v4;
	v4 =	vmin.f32 v9, v11;
	v9 =	vmax.f32 v9, v11  }
0x268: {  	v11 =	vmin.f32 v10, v42;
	v10 =	vmax.f32 v10, v42;
	v3 =	vmin.f32 v6, v3  }
0x269: {  	v45 =	vmin.f32 v8, v2;
	v2 =	vmax.f32 v8, v2;
	v8 =	vmin.f32 v11, v9  }
0x26a: {  	v9 =	vmax.f32 v11, v9;
	v11 =	vmin.f32 v15, v14;
	v14 =	vmax.f32 v15, v14  }
0x26b: {  	v15 =	vmin.f32 v18, v17;
	v17 =	vmax.f32 v18, v17;
	v18 =	vmin.f32 v19, v4  }
0x26c: {  	v4 =	vmax.f32 v19, v4;
	v1 =	vmin.f32 v1, v10;
	v10 =	vmax.f32 v44, v16  }
0x26d: {  	v19 =	vmin.f32 v45, v8;
	v8 =	vmax.f32 v45, v8;
	v46 =	vmin.f32 v2, v9  }
0x26e: {  	v2 =	vmax.f32 v2, v9;
	v9 =	vmin.f32 v44, v16;
	v47 =	vmin.f32 v11, v15  }
0x26f: {  	v11 =	vmax.f32 v11, v15;
	v15 =	vmin.f32 v14, v17;
	v14 =	vmax.f32 v14, v17  }
0x270: {  	v6 =	vmin.f32 v46, v4;
	v4 =	vmax.f32 v46, v4;
	v48 =	vmin.f32 v1, v8  }
0x271: {  	v1 =	vmax.f32 v1, v8;
	v8 =	vmin.f32 v15, v10;
	v10 =	vmax.f32 v15, v10  }
0x272: {  	v15 =	vmin.f32 v3, v11;
	v3 =	vmax.f32 v3, v11;
	v9 =	vmax.f32 v18, v9  }
0x273: {  	v11 =	vmin.f32 v19, v6;
	v6 =	vmax.f32 v19, v6;
	v16 =	vmin.f32 v48, v4  }
0x274: {  	v4 =	vmax.f32 v48, v4;
	v1 =	vmin.f32 v1, v2;
	v2 =	vmin.f32 v47, v8  }
0x275: {  	v8 =	vmax.f32 v47, v8;
	v51 =	vmin.f32 v15, v10;
	v10 =	vmax.f32 v15, v10  }
0x276: {  	s30 =	simm.s32 $0xC040;
	v3 =	vmin.f32 v3, v14;
	v2 =	vmax.f32 v11, v2;
	v6 =	vmin.f32 v6, v8  }
0x277: {  	v52 =	vld [tilespmem:s30+$0xFFFFFFC0];
	v4 =	vmin.f32 v4, v10;
	v1 =	vmin.f32 v1, v3;
	v3 =	vmin.f32 v16, v51  }
0x278: {  	v35 =	vld [tilespmem:$0x1FFE0];
	v4 =	vmin.f32 v4, v9;
	v1 =	vmin.f32 v1, v2;
	v2 =	vmin.f32 v5, v7  }
0x279: {  	s0 =	simm.s32 $0x14040;
	v54 =	vld [tilespmem:s30+$0xFFFFFFD0];
	v4 =	vmax.f32 v6, v4;
	v1 =	vmin.f32 v3, v1;
	(xrf0) =	vmax.scan.msk.f32 $0xffff, v2  }
0x27a: {  	v19 =	vld [tilespmem:s0+$0xFFFFFFC0];
	v1 =	vmin.f32 v1, v4  }
0x27b: {  	s29 =	simm.s32 $0x10040;
	v5 =	vld [tilespmem:s30+$0x10];
	(xrf0) =	vmax.scan.msk.f32 $0xffff, v1  }
0x27c: {  	v4 =	vld [tilespmem:s29+$0x10]  }
0x27d: {  	v8 =	vld [tilespmem:s29+$0xFFFFFFF0]  }
0x27e: {  	v2 =	vld [tilespmem:s0+$0xFFFFFFF0]  }
0x27f: {  	v1 =	vld [tilespmem:s0+$0x10];
	v3, _, _ =	vpop (xrf0)  }
0x280: {  	v14 =	vmul.f32 v35, v54;
	v56 =	vmul.f32 v49, v19;
	v6 =	vadd.f32 $0.0e+00, v3;
	v3 =	vld [tilespmem:s30+$0xFFFFFFF0]  }
0x281: {  	v9 =	vld [tilespmem:s29+$0xFFFFFFC0];
	v11 =	vmul.f32 v35, v5;
	v10 =	vmul.f32 v41, v4;
	v7, _, _ =	vpop (xrf0)  }
0x282: {  	v4 =	vmul.f32 v62, v4;
	v7 =	vadd.f32 $0.0e+00, v7;
	v17 =	vbroadcast v6, $0xF;
	v6 =	vld [tilespmem:s29+$0xFFFFFFD0]  }
0x283: {  	v16 =	vmul.f32 v62, v8;
	v5 =	vmul.f32 v40, v5  }
0x284: {  	v4 =	vadd.f32 v4, v11;
	v18 =	vbroadcast v7, $0xF;
	v7 =	vmul.f32 v57, v1  }
0x285: {  	v53 =	vmul.f32 v57, v2;
	v5 =	vadd.f32 v10, v5;
	v15 =	vmul.f32 v35, v3  }
0x286: {  	v20 =	vld [tilespmem:s0+$0xFFFFFFD0];
	v10 =	vmul.f32 v35, v52;
	v4 =	vadd.f32 v7, v4;
	v7 =	vmul.f32 v40, v52  }
0x287: {  	v11 =	vmul.f32 v62, v6;
	v15 =	vadd.f32 v16, v15;
	v16 =	vmul.f32 v62, v9  }
0x288: {  	v22 =	vld [tilespmem:s29+$0x0];
	v6 =	vmul.f32 v41, v6;
	v9 =	vmul.f32 v41, v9;
	v4 =	vadd.f32 v4, v4  }
0x289: {  	v21 =	vld [tilespmem:s30+$0xFFFFFFE0];
	v13 =	vadd.f32 v53, v15;
	v15 =	vmul.f32 v40, v54;
	v10 =	vadd.f32 v16, v10  }
0x28a: {  	v16 =	vmul.f32 v57, v19;
	v7 =	vadd.f32 v9, v7;
	v11 =	vadd.f32 v11, v14  }
0x28b: {  	v9 =	vld [tilespmem:s29+$0xFFFFFFE0];
	v4 =	vsub.f32 v50, v4;
	v6 =	vadd.f32 v6, v15;
	v15 =	vmul.f32 v49, v20  }
0x28c: {  	s1 =	simm.s32 $0x18040;
	v55 =	vld [tilespmem:s0+$0xFFFFFFE0];
	v10 =	vadd.f32 v16, v10;
	v16 =	vmul.f32 v57, v20;
	v7 =	vadd.f32 v56, v7  }
0x28d: {  	v58 =	vld [tilespmem:s1+$0xFFFFFFD0];
	v25 =	vmul.f32 v62, v22;
	v13 =	vadd.f32 v13, v13;
	v6 =	vadd.f32 v15, v6  }
0x28e: {  	v20 =	vld [tilespmem:s1+$0xFFFFFFC0];
	v10 =	vadd.f32 v10, v10;
	v11 =	vadd.f32 v16, v11;
	v16 =	vmul.f32 v35, v21  }
0x28f: {  	v24 =	vld [tilespmem:s0+$0x0];
	v21 =	vmul.f32 v40, v21;
	v13 =	vsub.f32 v50, v13;
	v7 =	vadd.f32 v7, v7  }
0x290: {  	v23 =	vld [tilespmem:s30+$0x0];
	v19 =	vmul.f32 v62, v9;
	v9 =	vmul.f32 v41, v9;
	v6 =	vadd.f32 v6, v6  }
0x291: {  	v22 =	vmul.f32 v41, v22;
	v10 =	vsub.f32 v50, v10;
	v11 =	vadd.f32 v11, v11  }
0x292: {  	v15 =	vmul.f32 v57, v55;
	v16 =	vadd.f32 v19, v16;
	v9 =	vadd.f32 v9, v21  }
0x293: {  	v12 =	vmul.f32 v49, v55;
	v6 =	vsub.f32 v38, v6;
	v10 =	vadd.f32 v10, v20  }
0x294: {  	v26 =	vmul.f32 v57, v24;
	v11 =	vsub.f32 v50, v11;
	v15 =	vadd.f32 v15, v16  }
0x295: {  	v9 =	vadd.f32 v12, v9;
	v19 =	vadd.f32 v6, v58;
	v6 =	vmul.f32 v35, v23  }
0x296: {  	v59 =	vld [tilespmem:s29+$0x20];
	vm2 =	vle.f32 v10, v17;
	v11 =	vadd.f32 v11, v58;
	v23 =	vmul.f32 v40, v23  }
0x297: {  	v60 =	vld [tilespmem:s1+$0xFFFFFFE0];
	v16 =	vmpcnt.ones.xlane vm2;
	v15 =	vadd.f32 v15, v15;
	vm0 =	vle.f32 v19, v18  }
0x298: {  	v6 =	vadd.f32 v25, v6;
	vm3 =	vle.f32 v11, v17;
	v25 =	vld [tilespmem:s30+$0x20];
	v21 =	vmpcnt.ones.xlane vm0  }
0x299: {  	v9 =	vadd.f32 v9, v9;
	(v2sf) =	vpush v16, $0x0;
	v16 =	vmpcnt.ones.xlane vm3  }
0x29a: {  	v24 =	vmul.f32 v49, v24;
	v22 =	vadd.f32 v22, v23;
	(v2sf) =	vpush v21, $0x0;
	v21 =	vld [tilespmem:s1+$0xFFFFFFF0]  }
0x29b: {  	v8 =	vmul.f32 v41, v8;
	v15 =	vsub.f32 v50, v15;
	(v2sf) =	vpush v16, $0x0;
	v16 =	vld [tilespmem:s0+$0x20]  }
0x29c: {  	v14 =	vmul.f32 v41, v59;
	v9 =	vsub.f32 v38, v9;
	v6 =	vadd.f32 v26, v6  }
0x29d: {  	v15 =	vadd.f32 v15, v60;
	v23 =	vmul.f32 v35, v25;
	v25 =	vmul.f32 v40, v25  }
0x29e: {  	v26 =	vmul.f32 v62, v59;
	v22 =	vadd.f32 v24, v22;
	v6 =	vadd.f32 v6, v6  }
0x29f: {  	vm7 =	vle.f32 v15, v17;
	v14 =	vadd.f32 v14, v25;
	v25 =	vld [tilespmem:s1+$0x0];
	v13 =	vadd.f32 v13, v21  }
0x2a0: {  	v23 =	vadd.f32 v26, v23;
	v26 =	vmpcnt.ones.xlane vm7;
	v24 =	vmul.f32 v49, v16  }
0x2a1: {  	v6 =	vsub.f32 v50, v6;
	v16 =	vmul.f32 v57, v16;
	vm6 =	vle.f32 v13, v17  }
0x2a2: {  	v27 =	vld [tilespmem:s30+$0x30];
	(v2sf) =	vpush v26, $0x0;
	v14 =	vadd.f32 v24, v14;
	v26 =	vmpcnt.ones.xlane vm6  }
0x2a3: {  	v24 =	vld [tilespmem:s1+$0x10];
	v16 =	vadd.f32 v16, v23;
	v23 =	vmul.f32 v49, v2;
	v2 =	vsub.f32 v38, v7  }
0x2a4: {  	v1 =	vmul.f32 v49, v1;
	v22 =	vadd.f32 v22, v22;
	v28 =	vadd.f32 v6, v25  }
0x2a5: {  	v7 =	vmul.f32 v40, v3;
	v6 =	vld [tilespmem:s1+$0x20];
	(v2sf) =	vpush v26, $0x0;
	v3 =	vadd.f32 v2, v20  }
0x2a6: {  	v16 =	vadd.f32 v16, v16;
	v20 =	vld [tilespmem:s29+$0x30];
	v2 =	vadd.f32 v9, v60  }
0x2a7: {  	v7 =	vadd.f32 v8, v7;
	v9 =	vadd.f32 v1, v5;
	v1 =	vmul.f32 v40, v27  }
0x2a8: {  	vm9 =	vle.f32 v28, v17;
	v8 =	vsub.f32 v50, v16;
	v29 =	vadd.f32 v4, v24  }
0x2a9: {  	v5 =	vsub.f32 v38, v22;
	v14 =	vadd.f32 v14, v14;
	v4 =	vmpcnt.ones.xlane vm9  }
0x2aa: {  	v7 =	vadd.f32 v23, v7;
	v61 =	vadd.f32 v8, v6;
	vm8 =	vle.f32 v29, v17  }
0x2ab: {  	v8 =	vld [tilespmem:s0+$0x30];
	(v2sf) =	vpush v4, $0x0;
	v16 =	vmul.f32 v41, v20;
	v4 =	vmpcnt.ones.xlane vm8  }
0x2ac: {  	vm1 =	vle.f32 v2, v18;
	v7 =	vadd.f32 v7, v7;
	vm4 =	vle.f32 v61, v17  }
0x2ad: {  	v16 =	vadd.f32 v16, v1;
	v1 =	vmpcnt.ones.xlane vm4;
	(v2sf) =	vpush v4, $0x0  }
0x2ae: {  	v63 =	vmul.f32 v62, v20;
	v4 =	vadd.f32 v5, v25;
	v5 =	vsub.f32 v38, v14  }
0x2af: {  	v7 =	vsub.f32 v38, v7;
	(v2sf) =	vpush v1, $0x0;
	v1 =	vmul.f32 v35, v27  }
0x2b0: {  	vm5 =	vle.f32 v3, v18;
	s5 =	spop (v2sf);
	v5 =	vadd.f32 v5, v6;
	v6 =	vmul.f32 v49, v8  }
0x2b1: {  	s31 =	simm.s32 $0x0;
	s7 =	simm.s32 $0x0;
	s6 =	spop (v2sf);
	v8 =	vmul.f32 v57, v8;
	v14 =	vadd.f32 v63, v1;
	v1 =	vadd.f32 v7, v21  }
0x2b2: {  	v23 =	vld [tilespmem:s1+$0x30];
	[tilespmem:s31+$0x1C180] =	vst.msk vm2, v10;
	s0 =	sadd.s32 $0x0, s5;
	s4 =	spop (v2sf);
	v7 =	vmpcnt.ones.xlane vm1;
	v16 =	vadd.f32 v6, v16;
	v6 =	vor.u32 s7, v0  }
0x2b3: {  	s8 =	simm.s32 $0x10;
	v9 =	vadd.f32 v9, v9;
	v10 =	vmpcnt.ones.xlane vm5;
	s1 =	sadd.s32 s0, s4;
	[tilespmem:s31+$0x1CA00] =	vst.msk vm2, v6  }
0x2b4: {  	p0 =	slt.s32 s1, $0x800;
	v8 =	vadd.f32 v8, v14;
	(v2sf) =	vpush v7, $0x0;
	v7 =	vor.u32 s8, v0;
	[tilespmem:s0+$0x1C180] =	vst.msk vm3, v11  }
0x2b5: {  	s9 =	simm.s32 $0x20;
	s1 =	simm.s32 @!p0 $0x800;
	(v2sf) =	vpush v10, $0x0;
	[tilespmem:s0+$0x1CA00] =	vst.msk vm3, v7  }
0x2b6: {  	v9 =	vsub.f32 v38, v9;
	v14 =	vadd.f32 v8, v8;
	v8 =	vor.u32 s9, v0;
	[tilespmem:s1+$0x1C180] =	vst.msk vm7, v15  }
0x2b7: {  	v11 =	vadd.f32 v16, v16;
	[tilespmem:s1+$0x1CA00] =	vst.msk vm7, v8;
	vm7 =	vle.f32 v1, v18  }
0x2b8: {  	s25 =	simm.s32 $0x30;
	v22 =	vadd.f32 v9, v24;
	s12 =	spop (v2sf);
	v9 =	vmpcnt.ones.xlane vm7  }
0x2b9: {  	v21 =	vor.u32 s25, v0;
	s0 =	sadd.s32 s1, s12;
	s5 =	spop (v2sf);
	v10 =	vsub.f32 v38, v11  }
0x2ba: {  	vm2 =	vle.f32 v4, v18;
	v11 =	vsub.f32 v50, v14;
	s1 =	sadd.s32 s0, s5;
	[tilespmem:s0+$0x1C180] =	vst.msk vm6, v13;
	(v2sf) =	vpush v9, $0x0  }
0x2bb: {  	p0 =	slt.s32 s1, $0x800;
	v20 =	vadd.f32 v10, v23;
	v10 =	vmpcnt.ones.xlane vm2;
	[tilespmem:s0+$0x1CA00] =	vst.msk vm6, v21;
	vm6 =	vle.f32 v22, v18  }
0x2bc: {  	s5 =	simm.s32 $0x40;
	v26 =	vadd.f32 v11, v23;
	s1 =	simm.s32 @!p0 $0x800;
	s7 =	spop (v2sf);
	v9 =	vmpcnt.ones.xlane vm6  }
0x2bd: {  	vm3 =	vle.f32 v5, v18;
	v23 =	vor.u32 s5, v0;
	[tilespmem:s1+$0x1C180] =	vst.msk vm9, v28;
	s4 =	sadd.s32 s1, s7;
	(v2sf) =	vpush v10, $0x0;
	s8 =	spop (v2sf)  }
0x2be: {  	s9 =	simm.s32 $0x50;
	v10 =	vmpcnt.ones.xlane vm3;
	[tilespmem:s1+$0x1CA00] =	vst.msk vm9, v23;
	vm10 =	vle.f32 v26, v17;
	(v2sf) =	vpush v9, $0x0;
	s8 =	sadd.s32 s4, s8  }
0x2bf: {  	s12 =	simm.s32 $0x60;
	v24 =	vor.u32 s9, v0;
	s0 =	simm.s32 $0x70;
	[tilespmem:s4+$0x1C180] =	vst.msk vm8, v29;
	v9 =	vmpcnt.ones.xlane vm10;
	p0 =	slt.s32 s8, $0x800  }
0x2c0: {  	s5 =	simm.s32 $0x140C0;
	(v2sf) =	vpush v10, $0x0;
	[tilespmem:s4+$0x1CA00] =	vst.msk vm8, v24;
	vm8 =	vle.f32 v20, v18;
	s25 =	spop (v2sf);
	s8 =	simm.s32 @!p0 $0x800  }
0x2c1: {  	v25 =	vor.u32 s12, v0;
	s1 =	simm.s32 $0xF0;
	v27 =	vmpcnt.ones.xlane vm8;
	(v2sf) =	vpush v9, $0x0;
	s4 =	simm.s32 $0x180C0;
	[tilespmem:s8+$0x1C180] =	vst.msk vm4, v61;
	s7 =	sadd.s32 s8, s25  }
.LBB2_11:
0x2c2: {  	s30 =	sadd.s32 $0x80, s30  }
0x2c3: {  	[tilespmem:s8+$0x1CA00] =	vst.msk vm4, v25;
	s29 =	sadd.s32 $0x80, s29;
	s8 =	spop (v2sf);
	s9 =	smov.u32 s1  }
0x2c4: {  	p0 =	sne.s32 s1, $0x3FF0;
	s1 =	sadd.s32 $0x80, s1;
	v9 =	vor.u32 s0, v0;
	[tilespmem:s7+$0x1C180] =	vst.msk vm10, v26;
	s0 =	spop (v2sf);
	(v2sf) =	vpush v27, $0x0  }
0x2c5: {  	[tilespmem:s7+$0x1CA00] =	vst.msk vm10, v9;
	s12 =	sadd.s32 s31, s0;
	s0 =	smov.u32 s9  }
0x2c6: {  	[tilespmem:s31+$0x1D280] =	vst.msk vm5, v3;
	s6 =	sadd.s32 s12, s6  }
0x2c7: {  	[tilespmem:s31+$0x1DB00] =	vst.msk vm5, v6;
	p1 =	slt.s32 s6, $0x800  }
0x2c8: {  	[tilespmem:s12+$0x1D280] =	vst.msk vm0, v19;
	s6 =	simm.s32 @!p1 $0x800  }
0x2c9: {  	[tilespmem:s12+$0x1DB00] =	vst.msk vm0, v7;
	s8 =	sadd.s32 s6, s8;
	s9 =	spop (v2sf)  }
0x2ca: {  	[tilespmem:s6+$0x1D280] =	vst.msk vm1, v2;
	s9 =	sadd.s32 s8, s9  }
0x2cb: {  	[tilespmem:s6+$0x1DB00] =	vst.msk vm1, v8;
	p1 =	slt.s32 s9, $0x800  }
0x2cc: {  	[tilespmem:s8+$0x1D280] =	vst.msk vm7, v1;
	s9 =	simm.s32 @!p1 $0x800;
	s6 =	spop (v2sf)  }
0x2cd: {  	[tilespmem:s8+$0x1DB00] =	vst.msk vm7, v21;
	s6 =	sadd.s32 s9, s6;
	s8 =	spop (v2sf)  }
0x2ce: {  	[tilespmem:s9+$0x1D280] =	vst.msk vm2, v4;
	s8 =	sadd.s32 s6, s8  }
0x2cf: {  	[tilespmem:s9+$0x1DB00] =	vst.msk vm2, v23;
	p1 =	slt.s32 s8, $0x800  }
0x2d0: {  	[tilespmem:s6+$0x1D280] =	vst.msk vm6, v22;
	s8 =	simm.s32 @!p1 $0x800;
	s9 =	spop (v2sf)  }
0x2d1: {  	[tilespmem:s6+$0x1DB00] =	vst.msk vm6, v24;
	s6 =	sadd.s32 s8, s9;
	s9 =	spop (v2sf)  }
0x2d2: {  	s7 =	sadd.s32 s7, s9;
	[tilespmem:s8+$0x1D280] =	vst.msk vm3, v5  }
0x2d3: {  	p1 =	slt.s32 s7, $0x800;
	[tilespmem:s8+$0x1DB00] =	vst.msk vm3, v25;
	s8 =	spop (v2sf)  }
0x2d4: {  	s7 =	simm.s32 @!p1 $0x800;
	[tilespmem:s6+$0x1D280] =	vst.msk vm8, v20;
	s31 =	sadd.s32 s6, s8  }
0x2d5: {  	[tilespmem:s6+$0x1DB00] =	vst.msk vm8, v9;
	p1 =	slt.s32 s31, $0x800  }
0x2d6: {  	v4 =	vld [tilespmem:s5+$0xFFFFFFF0];
	s31 =	simm.s32 @!p1 $0x800  }
0x2d7: {  	v2 =	vld [tilespmem:s5+$0x10]  }
0x2d8: {  	v5 =	vld [tilespmem:s29+$0x10]  }
0x2d9: {  	v6 =	vld [tilespmem:s30+$0x10]  }
0x2da: {  	v3 =	vld [tilespmem:s30+$0xFFFFFFF0]  }
0x2db: {  	v7 =	vld [tilespmem:s29+$0xFFFFFFF0]  }
0x2dc: {  	v1 =	vld [tilespmem:s4+$0xFFFFFFF0]  }
0x2dd: {  	v9 =	vmul.f32 v57, v2;
	v8 =	vld [tilespmem:s29+$0xFFFFFFD0];
	v10 =	vmul.f32 v41, v5  }
0x2de: {  	v5 =	vmul.f32 v62, v5;
	v11 =	vld [tilespmem:s29+$0xFFFFFFC0];
	v12 =	vmul.f32 v35, v6  }
0x2df: {  	v14 =	vmul.f32 v57, v4;
	v15 =	vmul.f32 v40, v6;
	v13 =	vld [tilespmem:s30+$0xFFFFFFC0]  }
0x2e0: {  	v19 =	vmul.f32 v35, v3;
	v16 =	vld [tilespmem:s30+$0xFFFFFFD0];
	v20 =	vmul.f32 v62, v7;
	v12 =	vadd.f32 v5, v12  }
0x2e1: {  	v4 =	vmul.f32 v49, v4;
	v6 =	vmul.f32 v41, v7;
	v5 =	vadd.f32 v10, v15;
	v21 =	vld [tilespmem:s5+$0xFFFFFFC0]  }
0x2e2: {  	v7 =	vld [tilespmem:s5+$0xFFFFFFD0];
	v10 =	vmul.f32 v62, v8;
	v8 =	vmul.f32 v41, v8;
	v15 =	vadd.f32 v20, v19  }
0x2e3: {  	v9 =	vadd.f32 v9, v12;
	v19 =	vmul.f32 v62, v11;
	v11 =	vmul.f32 v41, v11  }
0x2e4: {  	v12 =	vmul.f32 v35, v13;
	v13 =	vmul.f32 v40, v13;
	v20 =	vld [tilespmem:s5+$0xFFFFFFE0];
	v14 =	vadd.f32 v14, v15  }
0x2e5: {  	v9 =	vadd.f32 v9, v9;
	v15 =	vmul.f32 v35, v16;
	v16 =	vmul.f32 v40, v16;
	v22 =	vld [tilespmem:s30+$0xFFFFFFE0]  }
0x2e6: {  	v12 =	vadd.f32 v19, v12;
	v19 =	vmul.f32 v57, v21;
	v11 =	vadd.f32 v11, v13;
	v13 =	vld [tilespmem:s29+$0xFFFFFFE0]  }
0x2e7: {  	v10 =	vadd.f32 v10, v15;
	v8 =	vadd.f32 v8, v16;
	v15 =	vmul.f32 v49, v7  }
0x2e8: {  	v16 =	vmul.f32 v49, v21;
	v7 =	vmul.f32 v57, v7;
	v12 =	vadd.f32 v19, v12;
	v21 =	vld [tilespmem:s29+$0x0]  }
0x2e9: {  	v23 =	vld [tilespmem:s4+$0xFFFFFFC0];
	v8 =	vadd.f32 v15, v8;
	v15 =	vmul.f32 v57, v20;
	v20 =	vmul.f32 v49, v20  }
0x2ea: {  	v7 =	vadd.f32 v7, v10;
	v12 =	vadd.f32 v12, v12;
	v10 =	vmul.f32 v35, v22;
	v24 =	vld [tilespmem:s30+$0x0]  }
0x2eb: {  	v11 =	vadd.f32 v16, v11;
	v16 =	vld [tilespmem:s4+$0xFFFFFFD0];
	v8 =	vadd.f32 v8, v8;
	v19 =	vmul.f32 v62, v13  }
0x2ec: {  	v14 =	vadd.f32 v14, v14;
	v22 =	vmul.f32 v40, v22;
	v12 =	vsub.f32 v50, v12  }
0x2ed: {  	v7 =	vadd.f32 v7, v7;
	v13 =	vmul.f32 v41, v13;
	v8 =	vsub.f32 v38, v8;
	v25 =	vld [tilespmem:s5+$0x0]  }
0x2ee: {  	v10 =	vadd.f32 v19, v10;
	v26 =	vmul.f32 v62, v21;
	v12 =	vadd.f32 v12, v23  }
0x2ef: {  	v7 =	vsub.f32 v50, v7;
	v13 =	vadd.f32 v13, v22;
	v22 =	vmul.f32 v35, v24  }
0x2f0: {  	vm2 =	vle.f32 v12, v17;
	v19 =	vadd.f32 v8, v16;
	v8 =	vadd.f32 v15, v10  }
0x2f1: {  	v13 =	vadd.f32 v20, v13;
	v7 =	vadd.f32 v7, v16;
	v10 =	vmpcnt.ones.xlane vm2;
	v15 =	vld [tilespmem:s29+$0x20]  }
0x2f2: {  	v20 =	vadd.f32 v26, v22;
	vm0 =	vle.f32 v19, v18;
	v16 =	vld [tilespmem:s4+$0xFFFFFFE0];
	v8 =	vadd.f32 v8, v8  }
0x2f3: {  	vm3 =	vle.f32 v7, v17;
	v26 =	vmpcnt.ones.xlane vm0;
	v27 =	vld [tilespmem:s30+$0x20];
	(v2sf) =	vpush v10, $0x0  }
0x2f4: {  	v28 =	vmul.f32 v57, v25;
	v10 =	vmpcnt.ones.xlane vm3;
	v8 =	vsub.f32 v50, v8;
	v22 =	vld [tilespmem:s4+$0x10]  }
0x2f5: {  	v24 =	vmul.f32 v40, v24;
	v13 =	vadd.f32 v13, v13;
	v29 =	vld [tilespmem:s5+$0x20];
	(v2sf) =	vpush v26, $0x0  }
0x2f6: {  	v21 =	vmul.f32 v41, v21;
	v26 =	vmul.f32 v62, v15;
	(v2sf) =	vpush v10, $0x0  }
0x2f7: {  	v10 =	vsub.f32 v38, v13;
	v13 =	vadd.f32 v28, v20;
	v20 =	vmul.f32 v49, v25  }
0x2f8: {  	v21 =	vadd.f32 v21, v24;
	v8 =	vadd.f32 v8, v16;
	v24 =	vmul.f32 v35, v27  }
0x2f9: {  	v14 =	vsub.f32 v50, v14;
	v15 =	vmul.f32 v41, v15;
	v25 =	vmul.f32 v40, v27  }
0x2fa: {  	v20 =	vadd.f32 v20, v21;
	v21 =	vadd.f32 v26, v24;
	v24 =	vmul.f32 v49, v29  }
0x2fb: {  	v14 =	vadd.f32 v14, v1;
	v15 =	vadd.f32 v15, v25  }
0x2fc: {  	v13 =	vadd.f32 v13, v13;
	vm5 =	vle.f32 v8, v17;
	v20 =	vadd.f32 v20, v20;
	v25 =	vld [tilespmem:s4+$0x0]  }
0x2fd: {  	v26 =	vmpcnt.ones.xlane vm5;
	v27 =	vmul.f32 v57, v29;
	v15 =	vadd.f32 v24, v15  }
0x2fe: {  	v11 =	vadd.f32 v11, v11;
	v13 =	vsub.f32 v50, v13  }
0x2ff: {  	vm6 =	vle.f32 v14, v17;
	v15 =	vadd.f32 v15, v15;
	v28 =	vld [tilespmem:s30+$0x30];
	(v2sf) =	vpush v26, $0x0  }
0x300: {  	v9 =	vsub.f32 v50, v9;
	v11 =	vsub.f32 v38, v11;
	v26 =	vmpcnt.ones.xlane vm6;
	v24 =	vld [tilespmem:s4+$0x30]  }
0x301: {  	v29 =	vmul.f32 v49, v2;
	v2 =	vadd.f32 v27, v21;
	v13 =	vadd.f32 v13, v25;
	v21 =	vld [tilespmem:s5+$0x30]  }
0x302: {  	v9 =	vadd.f32 v9, v22;
	v27 =	vmul.f32 v40, v3;
	v30 =	vld [tilespmem:s4+$0x20];
	s8 =	spop (v2sf);
	(v2sf) =	vpush v26, $0x0  }
0x303: {  	s9 =	sadd.s32 $0xFFFFFF90, s0;
	v3 =	vadd.f32 v11, v23;
	v11 =	vadd.f32 v2, v2;
	vm8 =	vle.f32 v13, v17;
	v23 =	vld [tilespmem:s29+$0x30]  }
0x304: {  	v2 =	vadd.f32 v10, v16;
	v10 =	vmpcnt.ones.xlane vm8;
	v16 =	vmul.f32 v35, v28;
	[tilespmem:s7+$0x1C180] =	vst.msk vm2, v12;
	s6 =	spop (v2sf)  }
0x305: {  	vm9 =	vle.f32 v9, v17;
	v11 =	vsub.f32 v50, v11;
	s8 =	sadd.s32 s7, s8;
	v12 =	vadd.f32 v6, v27;
	s12 =	spop (v2sf)  }
0x306: {  	v26 =	vadd.f32 v29, v5;
	v5 =	vmul.f32 v40, v28;
	s12 =	sadd.s32 s8, s12;
	(v2sf) =	vpush v10, $0x0  }
0x307: {  	s25 =	sadd.s32 $0xFFFFFFA0, s0;
	vm1 =	vle.f32 v2, v18;
	v6 =	vor.u32 s9, v0;
	v10 =	vsub.f32 v38, v20;
	p1 =	slt.s32 s12, $0x800  }
0x308: {  	v20 =	vmpcnt.ones.xlane vm1;
	v12 =	vadd.f32 v4, v12;
	v27 =	vmul.f32 v62, v23;
	[tilespmem:s7+$0x1CA00] =	vst.msk vm2, v6;
	s12 =	simm.s32 @!p1 $0x800  }
0x309: {  	s7 =	sadd.s32 $0xFFFFFFB0, s0;
	v4 =	vadd.f32 v10, v25;
	v10 =	vmpcnt.ones.xlane vm9;
	v23 =	vmul.f32 v41, v23;
	[tilespmem:s8+$0x1C180] =	vst.msk vm3, v7  }
0x30a: {  	v12 =	vadd.f32 v12, v12;
	v25 =	vmul.f32 v49, v21;
	v7 =	vor.u32 s25, v0  }
0x30b: {  	v15 =	vsub.f32 v38, v15;
	v11 =	vadd.f32 v11, v30;
	vm2 =	vle.f32 v4, v18;
	[tilespmem:s8+$0x1CA00] =	vst.msk vm3, v7  }
0x30c: {  	v12 =	vsub.f32 v38, v12;
	v23 =	vadd.f32 v23, v5;
	v28 =	vmpcnt.ones.xlane vm2;
	[tilespmem:s12+$0x1C180] =	vst.msk vm5, v8  }
0x30d: {  	vm4 =	vle.f32 v11, v17;
	v5 =	vadd.f32 v15, v30;
	v8 =	vor.u32 s7, v0  }
0x30e: {  	v1 =	vadd.f32 v12, v1;
	v12 =	vmul.f32 v57, v21;
	[tilespmem:s12+$0x1CA00] =	vst.msk vm5, v8;
	s7 =	spop (v2sf);
	(v2sf) =	vpush v10, $0x0  }
0x30f: {  	v15 =	vadd.f32 v27, v16;
	s8 =	sadd.s32 $0xFFFFFFC0, s0;
	vm3 =	vle.f32 v5, v18;
	v10 =	vmpcnt.ones.xlane vm4;
	s7 =	sadd.s32 s12, s7  }
0x310: {  	v16 =	vadd.f32 v26, v26;
	v23 =	vadd.f32 v25, v23;
	v29 =	vmpcnt.ones.xlane vm3;
	[tilespmem:s7+$0x1C180] =	vst.msk vm6, v14  }
0x311: {  	v21 =	vor.u32 s8, v0;
	vm5 =	vle.f32 v3, v18;
	s8 =	spop (v2sf);
	(v2sf) =	vpush v10, $0x0  }
0x312: {  	v12 =	vadd.f32 v12, v15;
	v14 =	vadd.f32 v23, v23;
	v10 =	vmpcnt.ones.xlane vm5;
	[tilespmem:s7+$0x1CA00] =	vst.msk vm6, v21;
	s7 =	sadd.s32 s7, s8  }
0x313: {  	p1 =	slt.s32 s7, $0x800;
	(v2sf) =	vpush v20, $0x0  }
0x314: {  	v12 =	vadd.f32 v12, v12;
	s8 =	sadd.s32 $0xFFFFFFD0, s0;
	s7 =	simm.s32 @!p1 $0x800;
	(v2sf) =	vpush v10, $0x0  }
0x315: {  	v23 =	vor.u32 s8, v0;
	v10 =	vsub.f32 v38, v14;
	[tilespmem:s7+$0x1C180] =	vst.msk vm8, v13;
	s8 =	spop (v2sf)  }
0x316: {  	vm7 =	vle.f32 v1, v18;
	v13 =	vsub.f32 v38, v16;
	[tilespmem:s7+$0x1CA00] =	vst.msk vm8, v23  }
0x317: {  	v14 =	vmpcnt.ones.xlane vm7;
	v20 =	vadd.f32 v10, v24  }
0x318: {  	v22 =	vadd.f32 v13, v22  }
0x319: {  	(v2sf) =	vpush v14, $0x0  }
0x31a: {  	v10 =	vsub.f32 v50, v12;
	vm6 =	vle.f32 v22, v18  }
0x31b: {  	v12 =	vmpcnt.ones.xlane vm6  }
0x31c: {  	s9 =	sadd.s32 $0xFFFFFFE0, s0;
	s7 =	sadd.s32 s7, s8;
	v26 =	vadd.f32 v10, v24;
	(v2sf) =	vpush v28, $0x0  }
.Ltmp8:
0x31d: {  	v24 =	vor.u32 s9, v0;
	[tilespmem:s7+$0x1C180] =	vst.msk vm9, v9;
	s8 =	spop (v2sf);
	(v2sf) =	vpush v12, $0x0;
	(pc) =	sbr.rel @p0 .LBB2_11-.Ltmp8, $4  }
0x31e: {  	vm8 =	vle.f32 v20, v18;
	vm10 =	vle.f32 v26, v17;
	[tilespmem:s7+$0x1CA00] =	vst.msk vm9, v24;
	s8 =	sadd.s32 s7, s8  }
0x31f: {  	v27 =	vmpcnt.ones.xlane vm8;
	v9 =	vmpcnt.ones.xlane vm10;
	p1 =	slt.s32 s8, $0x800  }
0x320: {  	s7 =	sadd.s32 $0xFFFFFFF0, s0;
	s8 =	simm.s32 @!p1 $0x800;
	s9 =	spop (v2sf);
	(v2sf) =	vpush v29, $0x0  }
0x321: {  	s5 =	sadd.s32 $0x80, s5;
	s4 =	sadd.s32 $0x80, s4;
	v25 =	vor.u32 s7, v0;
	[tilespmem:s8+$0x1C180] =	vst.msk vm4, v11;
	s7 =	sadd.s32 s8, s9;
	(v2sf) =	vpush v9, $0x0  }
0x322: {  	[tilespmem:s8+$0x1CA00] =	vst.msk vm4, v25  }
0x323: {  	s1 =	spop (v2sf);
	v9 =	vor.u32 s0, v0;
	[tilespmem:s7+$0x1C180] =	vst.msk vm10, v26  }
0x324: {  	s9 =	spop (v2sf);
	[tilespmem:s7+$0x1CA00] =	vst.msk vm10, v9  }
0x325: {  	s0 =	sadd.s32 s31, s9;
	[tilespmem:s31+$0x1D280] =	vst.msk vm5, v3  }
0x326: {  	s4 =	sadd.s32 s0, s6;
	[tilespmem:s31+$0x1DB00] =	vst.msk vm5, v6  }
0x327: {  	p0 =	slt.s32 s4, $0x800;
	[tilespmem:s0+$0x1D280] =	vst.msk vm0, v19  }
0x328: {  	(v2sf) =	vpush v27, $0x0;
	s4 =	simm.s32 @!p0 $0x800;
	[tilespmem:s0+$0x1DB00] =	vst.msk vm0, v7  }
0x329: {  	s12 =	sadd.s32 s4, s1;
	s25 =	spop (v2sf);
	[tilespmem:s4+$0x1D280] =	vst.msk vm1, v2  }
0x32a: {  	s1 =	sadd.s32 s12, s25;
	[tilespmem:s4+$0x1DB00] =	vst.msk vm1, v8  }
0x32b: {  	p0 =	slt.s32 s1, $0x800;
	[tilespmem:s12+$0x1D280] =	vst.msk vm7, v1  }
0x32c: {  	s1 =	simm.s32 @!p0 $0x800;
	s31 =	spop (v2sf);
	[tilespmem:s12+$0x1DB00] =	vst.msk vm7, v21  }
0x32d: {  	s5 =	sadd.s32 s1, s31;
	s6 =	spop (v2sf);
	[tilespmem:s1+$0x1D280] =	vst.msk vm2, v4  }
0x32e: {  	s4 =	sadd.s32 s5, s6;
	[tilespmem:s1+$0x1DB00] =	vst.msk vm2, v23  }
0x32f: {  	p0 =	slt.s32 s4, $0x800;
	[tilespmem:s5+$0x1D280] =	vst.msk vm6, v22  }
0x330: {  	s4 =	simm.s32 @!p0 $0x800;
	s8 =	spop (v2sf);
	[tilespmem:s5+$0x1DB00] =	vst.msk vm6, v24  }
0x331: {  	s9 =	spop (v2sf);
	[tilespmem:s4+$0x1D280] =	vst.msk vm3, v5  }
0x332: {  	s1 =	sadd.s32 s4, s8;
	s0 =	sadd.s32 s7, s9;
	[tilespmem:s4+$0x1DB00] =	vst.msk vm3, v25  }
0x333: {  	p0 =	slt.s32 s0, $0x800;
	s4 =	smov.u32 s0;
	[tilespmem:s1+$0x1D280] =	vst.msk vm8, v20  }
0x334: {  	v37 =	vimm.f32 $+Inf;
	s4 =	simm.s32 @!p0 $0x800;
	[tilespmem:s1+$0x1DB00] =	vst.msk vm8, v9  }
0x335: {  	v25 =	vimm.s32 $0x4000;
	[tilespmem:s4+$0x1C180] =	vst v37  }
0x336: {  	s5 =	sadd.s32 $0x3F, s4;
	[tilespmem:s4+$0x1CA00] =	vst v25  }
0x337: {  	s25 =	spop (v2sf);
	p6 =	slt.s32 s0, $0xFFFFFFC2;
	s12 =	sand.u32 $0x3F, s5;
	[tilespmem:s4+$0x1C190] =	vst v37  }
0x338: {  	s30 =	sadd.s32 s1, s25;
	s31 =	sshra.s32 s5, $0x1F;
	[tilespmem:s4+$0x1CA10] =	vst v25;
	p1 =	sne.s32 s12, $0x0  }
.Ltmp9:
0x339: {  	[tilespmem:s4+$0x1C1A0] =	vst v37;
	s0 =	sshrl.u32 s31, $0x1A;
	p0 =	por !p6, !p1;
	(pc) =	sbr.rel .LBB2_13-.Ltmp9, $4  }
0x33a: {  	s1 =	simm.s32 $0x1;
	[tilespmem:s4+$0x1CA20] =	vst v25;
	s0 =	sadd.s32 s0, s5;
	p0 =	por !p0, !p0  }
0x33b: {  	s29 =	smov.u32 s30;
	[tilespmem:s4+$0x1C1B0] =	vst v37;
	s0 =	sshra.s32 s0, $0x6;
	s1 =	simm.s32 @!p0 $0x0  }
0x33c: {  	[tilespmem:s4+$0x1CA30] =	vst v25;
	s4 =	simm.s32 $0x0;
	p1 =	slt.s32 s30, $0x800;
	s0 =	ssub.s32 s0, s1  }
0x33d: {  	s29 =	simm.s32 @!p1 $0x800;
	s1 =	simm.s32 $0x0;
	p0 =	slt.s32 s0, $0x1  }
.LBB2_14:
0x33e: {  	v4 =	vimm.f32 $+Inf;
	v1 =	vimm.s32 $0x4000000  }
.LBB2_20:
0x33f: {  	(xrf0) =	vmin.scan.msk.f32 $0xffff, v3;
	_ =	sdelay $0x5  }
0x340: {  	v5, _, _ =	vpop (xrf0)  }
0x341: {  	v5 =	vbroadcast v5, $0xF;
	_ =	sdelay $0x1  }
0x342: {  	v62 =	vxor.u32 $0x80000000, v2;
	vm0 =	veq.f32 v3, v5  }
0x343: {  	v5 =	vnsel vm0, $0x84000000, v62  }
0x344: {  	(xrf0) =	vmin.scan.msk.u32 $0xffff, v5;
	_ =	sdelay $0x5  }
0x345: {  	v5, _, _ =	vpop (xrf0)  }
0x346: {  	(v2sf) =	vpush v5, $0xF;
	_ =	sdelay $0xe  }
0x347: {  	s5 =	spop (v2sf)  }
0x348: {  	s5 =	sxor.u32 $0x80000000, s5  }
0x349: {  	vm1 =	veq.s32 v2, s5  }
0x34a: {  	vm0 =	vmand vm0, vm1  }
0x34b: {  	v3 =	vsel vm0, v4, v3  }
0x34c: {  	(xrf0) =	vmin.scan.msk.f32 $0xffff, v3;
	_ =	sdelay $0x5  }
0x34d: {  	v63, _, _ =	vpop (xrf0)  }
0x34e: {  	v4 =	vbroadcast v63, $0xF  }
0x34f: {  	v1 =	vsel vm0, v1, v2  }
0x350: {  	v1 =	vxor.u32 $0x80000000, v1;
	vm14 =	veq.f32 v3, v4  }
0x351: {  	v1 =	vnsel vm14, $0x84000000, v1  }
0x352: {  	(xrf0) =	vmin.scan.msk.u32 $0xffff, v1;
	_ =	sdelay $0x5  }
0x353: {  	v1, _, _ =	vpop (xrf0)  }
0x354: {  	(v2sf) =	vpush v1, $0xF;
	_ =	sdelay $0xe  }
0x355: {  	s6 =	spop (v2sf)  }
0x356: {  	s6 =	sxor.u32 $0x80000000, s6  }
0x357: {  	vm15 =	veq.s32 v0, $0x0;
	v1 =	vmov s6  }
0x358: {  	v1 =	vsel vm15, s5, v1  }
0x359: {  	s31 =	sshll.u32 s4, $0x1;
	s4 =	sadd.s32 $0x1, s4;
	v2 =	vand.u32 $0xFFF, v1  }
0x35a: {  	p1 =	sne.s32 s4, $0x20;
	v3 =	vadd.s32 s31, v0  }
.Ltmp10:
0x35b: {  	_ = 	snop;
	(pc) =	sbr.rel @!p1 .LBB2_21-.Ltmp10, $3  }
0x35c: {  	_ =	sdelay $0x1  }
0x35d: {  	v1 =	vshra.s32 v1, $0xC;
	[tilespmem:v2+s21+$0x0] =	vst.idx.msk $0x3, v37  }
0x35e: {  	[tilespmem:v3+s22+$0x0] =	vst.idx.msk $0x3, v1  }
.LBB2_13:
.Ltmp11:
0x35f: {  	(pc) =	sbr.rel @p0 .LBB2_14-.Ltmp11, $2  }
0x360: {  	_ =	sdelay $0x2  }
0x361: {  	v3 =	vimm.f32 $+Inf;
	v2 =	vimm.s32 $0x4000000  }
0x362: {  	s5 =	simm.s32 $0x1CA20  }
0x363: {  	v1 =	vld [tilespmem:s5+$0xFFFFFFE0];
	_ =	sdelay $0x1  }
0x364: {  	s6 =	simm.s32 $0x1C1A0  }
0x365: {  	v5 =	vld [tilespmem:s6+$0xFFFFFFE0]  }
0x366: {  	v6 =	vld [tilespmem:s5+$0xFFFFFFF0]  }
0x367: {  	v1 =	vshll.u32 v1, $0xC  }
0x368: {  	v1 =	vadd.s32 s1, v1  }
0x369: {  	v4 =	vld [tilespmem:s6+$0xFFFFFFF0];
	v7 =	vadd.s32 v0, v1  }
0x36a: {  	v8 =	vld [tilespmem:s5+$0x0];
	vm0 =	veq.f32 v5, v3;
	vm1 =	vlt.s32 v7, v2  }
0x36b: {  	s7 =	simm.s32 $0x10;
	vm2 =	vlt.f32 v5, v3;
	v1 =	vshll.u32 v6, $0xC;
	vm0 =	vmand vm0, vm1  }
0x36c: {  	v1 =	vadd.s32 s7, v1;
	vm1 =	vmor vm2, vm0  }
0x36d: {  	v10 =	vadd.s32 v0, v1;
	v1 =	vld [tilespmem:s6+$0x0];
	v11 =	vsel vm1, v5, v3;
	v15 =	vsel vm1, v7, v2  }
0x36e: {  	v6 =	vld [tilespmem:s5+$0x10];
	vm0 =	veq.f32 v4, v11;
	vm2 =	vlt.s32 v10, v15  }
0x36f: {  	s25 =	simm.s32 $0x20;
	v8 =	vshll.u32 v8, $0xC;
	vm0 =	vmand vm0, vm2;
	vm2 =	vlt.f32 v4, v11  }
0x370: {  	p2 =	sne.s32 s0, $0x1;
	v8 =	vadd.s32 s25, v8;
	vm2 =	vmor vm2, vm0  }
.Ltmp12:
0x371: {  	v16 =	vadd.s32 v0, v8;
	v9 =	vsel vm2, v4, v11;
	v18 =	vsel vm2, v10, v15;
	(pc) =	sbr.rel @!p2 .LBB2_16-.Ltmp12, $4  }
0x372: {  	vm0 =	veq.f32 v1, v9;
	vm3 =	vlt.s32 v16, v18  }
0x373: {  	s31 =	simm.s32 $0x30;
	v6 =	vshll.u32 v6, $0xC;
	vm4 =	vlt.f32 v1, v9;
	vm0 =	vmand vm0, vm3  }
0x374: {  	v14 =	vsel vm1, v3, v5;
	v6 =	vadd.s32 s31, v6;
	vm0 =	vmor vm4, vm0  }
0x375: {  	s8 =	simm.s32 $0x1CA60;
	p1 =	por $0x0, $0x0;
	s7 =	sadd.s32 $0xFFFFFFFF, s0;
	v8 =	vadd.s32 v0, v6;
	v6 =	vld [tilespmem:s6+$0x10];
	v5 =	vsel vm0, v1, v9;
	v12 =	vsel vm0, v16, v18  }
0x376: {  	v13 =	vld [tilespmem:s8+$0xFFFFFFE0];
	v7 =	vsel vm1, v2, v7  }
0x377: {  	v15 =	vsel vm2, v15, v10;
	v10 =	vld [tilespmem:s8+$0x10];
	vm1 =	veq.f32 v14, v3;
	vm3 =	vlt.s32 v7, v2  }
0x378: {  	v21 =	vsel vm0, v18, v16;
	vm4 =	vlt.f32 v14, v3;
	v22 =	vld [tilespmem:s8+$0x0];
	vm1 =	vmand vm1, vm3  }
0x379: {  	v11 =	vsel vm2, v11, v4;
	v24 =	vsel vm0, v9, v1;
	vm1 =	vmor vm4, vm1  }
0x37a: {  	v16 =	vld [tilespmem:s8+$0xFFFFFFF0];
	vm3 =	vlt.s32 v8, v12;
	vm2 =	vlt.f32 v6, v5;
	v14 =	vsel vm1, v14, v3  }
0x37b: {  	v19 =	vsel vm1, v7, v2;
	vm1 =	veq.f32 v6, v5;
	v4 =	vshll.u32 v13, $0xC  }
0x37c: {  	s5 =	simm.s32 $0x1C1E0;
	s6 =	simm.s32 $0x40;
	v20 =	vshll.u32 v10, $0xC;
	vm1 =	vmand vm1, vm3;
	vm4 =	veq.f32 v11, v14  }
0x37d: {  	v18 =	vld [tilespmem:s5+$0xFFFFFFE0];
	vm5 =	vlt.s32 v15, v19;
	v1 =	vshll.u32 v22, $0xC;
	v4 =	vadd.s32 s6, v4  }
0x37e: {  	s9 =	simm.s32 $0x60;
	vm3 =	vmor vm2, vm1;
	vm2 =	vmand vm4, vm5;
	vm5 =	vlt.f32 v11, v14  }
0x37f: {  	v1 =	vadd.s32 s9, v1;
	v7 =	vadd.s32 v0, v4;
	v4 =	vshll.u32 v16, $0xC  }
0x380: {  	s12 =	simm.s32 $0x50;
	s25 =	simm.s32 $0x70;
	v23 =	vsel vm3, v6, v5;
	v13 =	vsel vm3, v8, v12;
	v17 =	vsel vm3, v12, v8  }
0x381: {  	v8 =	vadd.s32 s25, v20;
	vm2 =	vmor vm5, vm2;
	v4 =	vadd.s32 s12, v4  }
0x382: {  	v16 =	vadd.s32 v0, v1;
	vm1 =	veq.f32 v18, v23;
	v10 =	vadd.s32 v0, v4;
	v4 =	vld [tilespmem:s5+$0xFFFFFFF0]  }
0x383: {  	vm0 =	vlt.f32 v18, v23;
	vm4 =	vlt.s32 v7, v13;
	v12 =	vsel vm2, v11, v14  }
0x384: {  	v22 =	vsel vm2, v15, v19;
	v8 =	vadd.s32 v0, v8;
	vm1 =	vmand vm1, vm4  }
0x385: {  	v19 =	vsel vm3, v5, v6;
	vm5 =	vlt.s32 v21, v22;
	vm1 =	vmor vm0, vm1  }
0x386: {  	v1 =	vld [tilespmem:s5+$0x0];
	vm0 =	veq.f32 v24, v12;
	v11 =	vsel vm1, v18, v23;
	v15 =	vsel vm1, v7, v13  }
0x387: {  	vm0 =	vmand vm0, vm5;
	vm4 =	vlt.s32 v10, v15;
	vm2 =	veq.f32 v4, v11  }
0x388: {  	vm5 =	vlt.f32 v24, v12;
	vm2 =	vmand vm2, vm4;
	vm4 =	vlt.f32 v4, v11  }
0x389: {  	p2 =	sne.s32 s7, $0x1;
	v14 =	vsel vm1, v23, v18;
	vm0 =	vmor vm5, vm0;
	vm2 =	vmor vm4, vm2  }
.Ltmp13:
0x38a: {  	v20 =	vsel vm0, v24, v12;
	v9 =	vsel vm2, v4, v11;
	v18 =	vsel vm2, v10, v15;
	(pc) =	sbr.rel @!p2 .LBB2_19-.Ltmp13, $4  }
0x38b: {  	v21 =	vsel vm0, v21, v22;
	vm4 =	veq.f32 v1, v9;
	vm5 =	vlt.s32 v16, v18  }
0x38c: {  	vm3 =	vlt.f32 v1, v9;
	vm4 =	vmand vm4, vm5;
	vm5 =	veq.f32 v19, v20  }
0x38d: {  	vm0 =	vmor vm3, vm4;
	vm3 =	vlt.f32 v19, v20;
	vm4 =	vlt.s32 v17, v21  }
0x38e: {  	s7 =	sadd.s32 $0xFFFFFFFF, s7;
	s31 =	simm.s32 $0x1CAA0;
	p1 =	por $0x1, $0x1;
	v6 =	vld [tilespmem:s5+$0x10];
	v5 =	vsel vm0, v1, v9;
	v12 =	vsel vm0, v16, v18;
	vm4 =	vmand vm5, vm4  }
.LBB2_18:
0x38f: {  	v22 =	vld [tilespmem:s31+$0xFFFFFFE0];
	p2 =	sne.s32 s7, $0x1;
	s7 =	sadd.s32 $0xFFFFFFFF, s7;
	v15 =	vsel vm2, v15, v10;
	v23 =	vsel vm0, v18, v16;
	s5 =	sadd.s32 $0x40, s5;
	vm3 =	vmor vm3, vm4  }
0x390: {  	v7 =	vsel vm1, v13, v7;
	v18 =	vld [tilespmem:s5+$0xFFFFFFE0];
	v10 =	vsel vm3, v19, v20;
	v13 =	vsel vm3, v17, v21  }
0x391: {  	v16 =	vld [tilespmem:s31+$0x10];
	vm1 =	veq.f32 v14, v10;
	vm3 =	vlt.s32 v7, v13  }
0x392: {  	vm4 =	vlt.f32 v14, v10;
	v19 =	vld [tilespmem:s31+$0x0];
	vm1 =	vmand vm1, vm3  }
0x393: {  	v11 =	vsel vm2, v11, v4;
	s6 =	sadd.s32 $0x40, s6;
	v17 =	vld [tilespmem:s31+$0xFFFFFFF0];
	vm1 =	vmor vm4, vm1;
	vm2 =	vlt.f32 v6, v5  }
0x394: {  	v4 =	vshll.u32 v22, $0xC;
	v14 =	vsel vm1, v14, v10;
	v20 =	vsel vm1, v7, v13  }
0x395: {  	vm3 =	vlt.s32 v8, v12;
	vm1 =	veq.f32 v6, v5;
	v4 =	vadd.s32 s6, v4  }
0x396: {  	vm1 =	vmand vm1, vm3;
	v7 =	vadd.s32 v0, v4;
	v4 =	vld [tilespmem:s5+$0xFFFFFFF0];
	v16 =	vshll.u32 v16, $0xC  }
0x397: {  	vm4 =	veq.f32 v11, v14;
	vm5 =	vlt.s32 v15, v20;
	vm3 =	vmor vm2, vm1  }
0x398: {  	s8 =	sadd.s32 $0x10, s6;
	s9 =	sadd.s32 $0x20, s6;
	v21 =	vsel vm3, v6, v5;
	v13 =	vsel vm3, v8, v12;
	v10 =	vshll.u32 v17, $0xC  }
0x399: {  	vm2 =	vmand vm4, vm5;
	vm1 =	veq.f32 v18, v21;
	v10 =	vadd.s32 s8, v10  }
0x39a: {  	v22 =	vsel vm0, v9, v1;
	v17 =	vsel vm3, v12, v8;
	v10 =	vadd.s32 v0, v10  }
0x39b: {  	vm5 =	vlt.f32 v11, v14;
	vm0 =	vlt.f32 v18, v21;
	vm4 =	vlt.s32 v7, v13;
	s8 =	sadd.s32 $0x30, s6;
	v1 =	vld [tilespmem:s5+$0x0]  }
0x39c: {  	vm2 =	vmor vm5, vm2;
	v8 =	vshll.u32 v19, $0xC;
	v9 =	vadd.s32 s8, v16  }
0x39d: {  	v12 =	vsel vm2, v11, v14;
	vm1 =	vmand vm1, vm4;
	v8 =	vadd.s32 s9, v8  }
0x39e: {  	v24 =	vsel vm2, v15, v20;
	vm1 =	vmor vm0, vm1;
	vm0 =	veq.f32 v22, v12  }
0x39f: {  	v16 =	vadd.s32 v0, v8;
	v11 =	vsel vm1, v18, v21;
	v15 =	vsel vm1, v7, v13  }
0x3a0: {  	vm5 =	vlt.s32 v23, v24;
	vm2 =	veq.f32 v4, v11;
	vm4 =	vlt.s32 v10, v15  }
0x3a1: {  	v14 =	vsel vm1, v21, v18;
	vm0 =	vmand vm0, vm5;
	vm2 =	vmand vm2, vm4  }
0x3a2: {  	v8 =	vadd.s32 v0, v9;
	vm5 =	vlt.f32 v22, v12;
	vm4 =	vlt.f32 v4, v11  }
0x3a3: {  	v19 =	vsel vm3, v5, v6;
	vm0 =	vmor vm5, vm0;
	vm2 =	vmor vm4, vm2  }
.Ltmp14:
0x3a4: {  	v20 =	vsel vm0, v22, v12;
	v9 =	vsel vm2, v4, v11;
	v18 =	vsel vm2, v10, v15;
	(pc) =	sbr.rel @p2 .LBB2_18-.Ltmp14, $4  }
0x3a5: {  	vm3 =	vlt.f32 v1, v9;
	vm4 =	veq.f32 v1, v9;
	vm5 =	vlt.s32 v16, v18  }
0x3a6: {  	v21 =	vsel vm0, v23, v24;
	vm4 =	vmand vm4, vm5;
	vm5 =	veq.f32 v19, v20  }
0x3a7: {  	vm0 =	vmor vm3, vm4;
	vm3 =	vlt.f32 v19, v20;
	vm4 =	vlt.s32 v17, v21  }
0x3a8: {  	s31 =	sadd.s32 $0x40, s31;
	v5 =	vsel vm0, v1, v9;
	v12 =	vsel vm0, v16, v18;
	vm4 =	vmand vm5, vm4;
	v6 =	vld [tilespmem:s5+$0x10]  }
.LBB2_19:
0x3a9: {  	vm3 =	vmor @p1 vm3, vm4  }
0x3aa: {  	v19 =	vsel @p1 vm3, v19, v20;
	v17 =	vsel @p1 vm3, v17, v21  }
0x3ab: {  	v7 =	vsel vm1, v13, v7;
	v3 =	vpsel p1, v19, v3;
	v2 =	vpsel p1, v17, v2  }
0x3ac: {  	vm8 =	veq.f32 v14, v3;
	vm9 =	vlt.s32 v7, v2  }
0x3ad: {  	vm10 =	vlt.f32 v14, v3;
	vm1 =	vmand vm8, vm9  }
0x3ae: {  	v10 =	vsel vm2, v15, v10;
	vm1 =	vmor vm10, vm1  }
0x3af: {  	v4 =	vsel vm2, v11, v4;
	v3 =	vsel vm1, v14, v3;
	v2 =	vsel vm1, v7, v2  }
0x3b0: {  	v1 =	vsel vm0, v9, v1;
	vm11 =	veq.f32 v4, v3;
	vm12 =	vlt.s32 v10, v2  }
0x3b1: {  	vm13 =	vlt.f32 v6, v5;
	vm14 =	vlt.f32 v4, v3;
	vm1 =	vmand vm11, vm12  }
0x3b2: {  	vm15 =	veq.f32 v6, v5;
	vm8 =	vlt.s32 v8, v12;
	vm1 =	vmor vm14, vm1  }
0x3b3: {  	v7 =	vsel vm0, v18, v16;
	v3 =	vsel vm1, v4, v3;
	v2 =	vsel vm1, v10, v2  }
0x3b4: {  	vm9 =	vmand vm15, vm8;
	vm10 =	veq.f32 v1, v3;
	vm11 =	vlt.s32 v7, v2  }
0x3b5: {  	vm0 =	vmor vm13, vm9;
	vm12 =	vlt.f32 v1, v3;
	vm1 =	vmand vm10, vm11  }
0x3b6: {  	v63 =	vsel vm0, v12, v8;
	vm1 =	vmor vm12, vm1  }
.Ltmp15:
0x3b7: {  	v4 =	vsel vm0, v5, v6;
	v1 =	vsel vm1, v1, v3;
	v7 =	vsel vm1, v7, v2;
	(pc) =	sbr.rel .LBB2_20-.Ltmp15, $4  }
0x3b8: {  	vm13 =	veq.f32 v4, v1;
	vm14 =	vlt.s32 v63, v7  }
0x3b9: {  	vm15 =	vlt.f32 v4, v1;
	vm1 =	vmand vm13, vm14  }
0x3ba: {  	v3 =	vsel vm0, v6, v5;
	vm1 =	vmor vm15, vm1  }
0x3bb: {  	v2 =	vsel vm0, v8, v12;
	v4 =	vsel vm1, v4, v1;
	v1 =	vsel vm1, v63, v7  }
.LBB2_16:
.Ltmp16:
0x3bc: {  	(pc) =	sbr.rel .LBB2_19-.Ltmp16, $2  }
0x3bd: {  	_ =	sdelay $0x2  }
0x3be: {  	v13 =	vimm.s32 $0x4000000  }
.LBB2_21:
0x3bf: {  	v1 =	vld [tilespmem:$0x1E380];
	_ =	sdelay $0x4  }
0x3c0: {  	v6 =	vld [tilespmem:$0x1FF80]  }
0x3c1: {  	v5 =	vld [tilespmem:$0x1FF90]  }
0x3c2: {  	s31 =	simm.s32 $0x0;
	v4 =	vld [tilespmem:$0x1FFA0]  }
0x3c3: {  	v2 =	vld.idx.msk [tilespmem:v1+s31+$0x0], $0xffff  }
0x3c4: {  	v9 =	vmul.u32 $0x3, v0;
	v3 =	vld.idx.msk [tilespmem:v1+s16+$0x0], $0xffff  }
0x3c5: {  	v1 =	vld.idx.msk [tilespmem:v1+s17+$0x0], $0xffff  }
0x3c6: {  	v10 =	vadd.s32 $0x1, v9  }
0x3c7: {  	v11 =	vadd.s32 $0x2, v9  }
0x3c8: {  	v2 =	vsub.f32 v2, v6  }
0x3c9: {  	v3 =	vsub.f32 v3, v5  }
0x3ca: {  	v1 =	vsub.f32 v1, v4;
	[tilespmem:v9+s23+$0x0] =	vst.idx.msk $0xffff, v2  }
0x3cb: {  	[tilespmem:v10+s23+$0x0] =	vst.idx.msk $0xffff, v3  }
0x3cc: {  	[tilespmem:v11+s23+$0x0] =	vst.idx.msk $0xffff, v1  }
0x3cd: {  	v1 =	vld [tilespmem:$0x1E390];
	_ =	sdelay $0x7  }
0x3ce: {  	v2 =	vld.idx.msk [tilespmem:v1+s31+$0x0], $0xffff  }
0x3cf: {  	v3 =	vld.idx.msk [tilespmem:v1+s16+$0x0], $0xffff  }
0x3d0: {  	v12 =	vadd.s32 $0x30, v9;
	v1 =	vld.idx.msk [tilespmem:v1+s17+$0x0], $0xffff  }
0x3d1: {  	v13 =	vadd.s32 $0x31, v9  }
0x3d2: {  	v14 =	vadd.s32 $0x32, v9  }
0x3d3: {  	v2 =	vsub.f32 v2, v6  }
0x3d4: {  	v3 =	vsub.f32 v3, v5  }
0x3d5: {  	v1 =	vsub.f32 v1, v4;
	[tilespmem:v12+s23+$0x0] =	vst.idx.msk $0xffff, v2  }
0x3d6: {  	[tilespmem:v13+s23+$0x0] =	vst.idx.msk $0xffff, v3  }
0x3d7: {  	[tilespmem:v14+s23+$0x0] =	vst.idx.msk $0xffff, v1  }
0x3d8: {  	v1 =	vld [tilespmem:$0x1E3A0];
	_ =	sdelay $0x7  }
0x3d9: {  	v2 =	vld.idx.msk [tilespmem:v1+s31+$0x0], $0xffff  }
0x3da: {  	v3 =	vld.idx.msk [tilespmem:v1+s16+$0x0], $0xffff  }
0x3db: {  	v17 =	vadd.s32 $0x60, v9;
	v1 =	vld.idx.msk [tilespmem:v1+s17+$0x0], $0xffff  }
0x3dc: {  	v18 =	vadd.s32 $0x61, v9  }
0x3dd: {  	v19 =	vadd.s32 $0x62, v9  }
0x3de: {  	v2 =	vsub.f32 v2, v6  }
0x3df: {  	v3 =	vsub.f32 v3, v5  }
0x3e0: {  	v1 =	vsub.f32 v1, v4;
	[tilespmem:v17+s23+$0x0] =	vst.idx.msk $0xffff, v2  }
0x3e1: {  	[tilespmem:v18+s23+$0x0] =	vst.idx.msk $0xffff, v3  }
0x3e2: {  	[tilespmem:v19+s23+$0x0] =	vst.idx.msk $0xffff, v1  }
0x3e3: {  	v1 =	vld [tilespmem:$0x1E3B0];
	_ =	sdelay $0x7  }
0x3e4: {  	v2 =	vld.idx.msk [tilespmem:v1+s31+$0x0], $0xffff  }
0x3e5: {  	v3 =	vld.idx.msk [tilespmem:v1+s16+$0x0], $0xffff  }
0x3e6: {  	v20 =	vadd.s32 $0x90, v9;
	v1 =	vld.idx.msk [tilespmem:v1+s17+$0x0], $0xffff  }
0x3e7: {  	v16 =	vadd.s32 $0x91, v9  }
0x3e8: {  	s0 =	sshll.u32 s26, $0x8;
	s1 =	sshll.u32 s26, $0x9;
	v15 =	vadd.s32 $0x92, v9  }
0x3e9: {  	s0 =	sand.u32 $0x300, s0;
	s1 =	sand.u32 $0x7800, s1;
	v2 =	vsub.f32 v2, v6  }
0x3ea: {  	s1 =	sor.u32 s11, s1;
	s0 =	sor.u32 s10, s0;
	v3 =	vsub.f32 v3, v5  }
0x3eb: {  	s0 =	sor.u32 s1, s0;
	v1 =	vsub.f32 v1, v4;
	[tilespmem:v20+s23+$0x0] =	vst.idx.msk $0xffff, v2  }
0x3ec: {  	s0 =	sshrl.u32 s0, $0x3;
	[tilespmem:v16+s23+$0x0] =	vst.idx.msk $0xffff, v3  }
0x3ed: {  	s0 =	sadd.s32 s3, s0;
	[tilespmem:v15+s23+$0x0] =	vst.idx.msk $0xffff, v1  }
0x3ee: {  	[hbm4b:s0+s13] =	stream.strided.scatter [tilespmem:s23], [sflag:$0x1], $0x100, s14, s13, $0x38;
	[tilespmem:$0x1E500] =	vst v63  }
0x3ef: {  	_ =	swait.ge [sflag:s15], $0x100  }
0x3f0: {  	[sflag:s15] =	ssyncset.done $0x0  }
0x3f1: {  	[sflag:s15] =	ssyncadd.s32 $0xFFFFFF00  }
0x3f2: {  	s25 =	sadd.s32 $0x3F, s29;
	[tilespmem:s29+$0x1D280] =	vst v37  }
0x3f3: {  	s4 =	sand.u32 $0x3F, s25;
	[tilespmem:s29+$0x1DB00] =	vst v25  }
0x3f4: {  	p0 =	slt.s32 s30, $0xFFFFFFC2;
	s30 =	sshra.s32 s25, $0x1F;
	p1 =	sne.s32 s4, $0x0;
	[tilespmem:s29+$0x1D290] =	vst v37  }
.Ltmp17:
0x3f5: {  	s4 =	sshrl.u32 s30, $0x1A;
	p0 =	por !p0, !p1;
	[tilespmem:s29+$0x1DB10] =	vst v25;
	(pc) =	sbr.rel .LBB2_22-.Ltmp17, $4  }
0x3f6: {  	p0 =	por !p0, !p0;
	s0 =	sadd.s32 s4, s25;
	s4 =	simm.s32 $0x1;
	[tilespmem:s29+$0x1D2A0] =	vst v37  }
0x3f7: {  	s0 =	sshra.s32 s0, $0x6;
	s4 =	simm.s32 @!p0 $0x0;
	[tilespmem:s29+$0x1DB20] =	vst v25  }
0x3f8: {  	s0 =	ssub.s32 s0, s4;
	[tilespmem:s29+$0x1D2B0] =	vst v37  }
0x3f9: {  	s4 =	simm.s32 $0x0;
	p0 =	slt.s32 s0, $0x1;
	[tilespmem:s29+$0x1DB30] =	vst v25  }
.LBB2_23:
0x3fa: {  	v4 =	vimm.f32 $+Inf;
	v1 =	vimm.s32 $0x4000000  }
.LBB2_29:
0x3fb: {  	(xrf0) =	vmin.scan.msk.f32 $0xffff, v3;
	_ =	sdelay $0x5  }
0x3fc: {  	v5, _, _ =	vpop (xrf0)  }
0x3fd: {  	v5 =	vbroadcast v5, $0xF;
	_ =	sdelay $0x1  }
0x3fe: {  	v62 =	vxor.u32 $0x80000000, v2;
	vm0 =	veq.f32 v3, v5  }
0x3ff: {  	v5 =	vnsel vm0, $0x84000000, v62  }
0x400: {  	(xrf0) =	vmin.scan.msk.u32 $0xffff, v5;
	_ =	sdelay $0x5  }
0x401: {  	v5, _, _ =	vpop (xrf0)  }
0x402: {  	(v2sf) =	vpush v5, $0xF;
	_ =	sdelay $0xe  }
0x403: {  	s5 =	spop (v2sf)  }
0x404: {  	s5 =	sxor.u32 $0x80000000, s5  }
0x405: {  	vm1 =	veq.s32 v2, s5  }
0x406: {  	vm0 =	vmand vm0, vm1  }
0x407: {  	v3 =	vsel vm0, v4, v3  }
0x408: {  	(xrf0) =	vmin.scan.msk.f32 $0xffff, v3;
	_ =	sdelay $0x5  }
0x409: {  	v63, _, _ =	vpop (xrf0)  }
0x40a: {  	v4 =	vbroadcast v63, $0xF  }
0x40b: {  	v1 =	vsel vm0, v1, v2  }
0x40c: {  	v1 =	vxor.u32 $0x80000000, v1;
	vm14 =	veq.f32 v3, v4  }
0x40d: {  	v1 =	vnsel vm14, $0x84000000, v1  }
0x40e: {  	(xrf0) =	vmin.scan.msk.u32 $0xffff, v1;
	_ =	sdelay $0x5  }
0x40f: {  	v1, _, _ =	vpop (xrf0)  }
0x410: {  	(v2sf) =	vpush v1, $0xF;
	_ =	sdelay $0xe  }
0x411: {  	s6 =	spop (v2sf)  }
0x412: {  	s6 =	sxor.u32 $0x80000000, s6  }
0x413: {  	vm15 =	veq.s32 v0, $0x0;
	v1 =	vmov s6  }
0x414: {  	v1 =	vsel vm15, s5, v1  }
0x415: {  	s30 =	sshll.u32 s4, $0x1;
	s4 =	sadd.s32 $0x1, s4;
	v2 =	vand.u32 $0xFFF, v1  }
0x416: {  	p1 =	sne.s32 s4, $0x20;
	v3 =	vadd.s32 s30, v0  }
.Ltmp18:
0x417: {  	_ = 	snop;
	(pc) =	sbr.rel @!p1 .LBB2_30-.Ltmp18, $3  }
0x418: {  	_ =	sdelay $0x1  }
0x419: {  	v1 =	vshra.s32 v1, $0xC;
	[tilespmem:v2+s24+$0x0] =	vst.idx.msk $0x3, v37  }
0x41a: {  	[tilespmem:v3+s22+$0x0] =	vst.idx.msk $0x3, v1  }
.LBB2_22:
.Ltmp19:
0x41b: {  	(pc) =	sbr.rel @p0 .LBB2_23-.Ltmp19, $2  }
0x41c: {  	_ =	sdelay $0x2  }
0x41d: {  	v3 =	vimm.f32 $+Inf;
	v2 =	vimm.s32 $0x4000000  }
0x41e: {  	s5 =	simm.s32 $0x1DB20  }
0x41f: {  	v1 =	vld [tilespmem:s5+$0xFFFFFFE0];
	_ =	sdelay $0x1  }
0x420: {  	s6 =	simm.s32 $0x1D2A0  }
0x421: {  	v5 =	vld [tilespmem:s6+$0xFFFFFFE0]  }
0x422: {  	v6 =	vld [tilespmem:s5+$0xFFFFFFF0]  }
0x423: {  	v1 =	vshll.u32 v1, $0xC  }
0x424: {  	v1 =	vadd.s32 s31, v1  }
0x425: {  	v4 =	vld [tilespmem:s6+$0xFFFFFFF0];
	v7 =	vadd.s32 v0, v1  }
0x426: {  	v8 =	vld [tilespmem:s5+$0x0];
	vm0 =	veq.f32 v5, v3;
	vm1 =	vlt.s32 v7, v2  }
0x427: {  	s7 =	simm.s32 $0x10;
	vm2 =	vlt.f32 v5, v3;
	v1 =	vshll.u32 v6, $0xC;
	vm0 =	vmand vm0, vm1  }
0x428: {  	v1 =	vadd.s32 s7, v1;
	vm1 =	vmor vm2, vm0  }
0x429: {  	v22 =	vadd.s32 v0, v1;
	v1 =	vld [tilespmem:s6+$0x0];
	v23 =	vsel vm1, v5, v3;
	v27 =	vsel vm1, v7, v2  }
0x42a: {  	v6 =	vld [tilespmem:s5+$0x10];
	vm0 =	veq.f32 v4, v23;
	vm2 =	vlt.s32 v22, v27  }
0x42b: {  	s29 =	simm.s32 $0x20;
	v8 =	vshll.u32 v8, $0xC;
	vm0 =	vmand vm0, vm2;
	vm2 =	vlt.f32 v4, v23  }
0x42c: {  	p2 =	sne.s32 s0, $0x1;
	v8 =	vadd.s32 s29, v8;
	vm2 =	vmor vm2, vm0  }
.Ltmp20:
0x42d: {  	v28 =	vadd.s32 v0, v8;
	v21 =	vsel vm2, v4, v23;
	v30 =	vsel vm2, v22, v27;
	(pc) =	sbr.rel @!p2 .LBB2_25-.Ltmp20, $4  }
0x42e: {  	vm0 =	veq.f32 v1, v21;
	vm3 =	vlt.s32 v28, v30  }
0x42f: {  	s30 =	simm.s32 $0x30;
	v6 =	vshll.u32 v6, $0xC;
	vm4 =	vlt.f32 v1, v21;
	vm0 =	vmand vm0, vm3  }
0x430: {  	v26 =	vsel vm1, v3, v5;
	v6 =	vadd.s32 s30, v6;
	vm0 =	vmor vm4, vm0  }
0x431: {  	s8 =	simm.s32 $0x1DB60;
	p1 =	por $0x0, $0x0;
	s7 =	sadd.s32 $0xFFFFFFFF, s0;
	v8 =	vadd.s32 v0, v6;
	v6 =	vld [tilespmem:s6+$0x10];
	v5 =	vsel vm0, v1, v21;
	v24 =	vsel vm0, v28, v30  }
0x432: {  	v25 =	vld [tilespmem:s8+$0xFFFFFFE0];
	v7 =	vsel vm1, v2, v7  }
0x433: {  	v27 =	vsel vm2, v27, v22;
	v22 =	vld [tilespmem:s8+$0x10];
	vm1 =	veq.f32 v26, v3;
	vm3 =	vlt.s32 v7, v2  }
0x434: {  	v33 =	vsel vm0, v30, v28;
	vm4 =	vlt.f32 v26, v3;
	v34 =	vld [tilespmem:s8+$0x0];
	vm1 =	vmand vm1, vm3  }
0x435: {  	v23 =	vsel vm2, v23, v4;
	v36 =	vsel vm0, v21, v1;
	vm1 =	vmor vm4, vm1  }
0x436: {  	v28 =	vld [tilespmem:s8+$0xFFFFFFF0];
	vm3 =	vlt.s32 v8, v24;
	vm2 =	vlt.f32 v6, v5;
	v26 =	vsel vm1, v26, v3  }
0x437: {  	v31 =	vsel vm1, v7, v2;
	vm1 =	veq.f32 v6, v5;
	v4 =	vshll.u32 v25, $0xC  }
0x438: {  	s5 =	simm.s32 $0x1D2E0;
	s6 =	simm.s32 $0x40;
	v32 =	vshll.u32 v22, $0xC;
	vm1 =	vmand vm1, vm3;
	vm4 =	veq.f32 v23, v26  }
0x439: {  	v30 =	vld [tilespmem:s5+$0xFFFFFFE0];
	vm5 =	vlt.s32 v27, v31;
	v1 =	vshll.u32 v34, $0xC;
	v4 =	vadd.s32 s6, v4  }
0x43a: {  	s9 =	simm.s32 $0x60;
	vm3 =	vmor vm2, vm1;
	vm2 =	vmand vm4, vm5;
	vm5 =	vlt.f32 v23, v26  }
0x43b: {  	v1 =	vadd.s32 s9, v1;
	v7 =	vadd.s32 v0, v4;
	v4 =	vshll.u32 v28, $0xC  }
0x43c: {  	s25 =	simm.s32 $0x50;
	s30 =	simm.s32 $0x70;
	v35 =	vsel vm3, v6, v5;
	v25 =	vsel vm3, v8, v24;
	v29 =	vsel vm3, v24, v8  }
0x43d: {  	v8 =	vadd.s32 s30, v32;
	vm2 =	vmor vm5, vm2;
	v4 =	vadd.s32 s25, v4  }
0x43e: {  	v28 =	vadd.s32 v0, v1;
	vm1 =	veq.f32 v30, v35;
	v22 =	vadd.s32 v0, v4;
	v4 =	vld [tilespmem:s5+$0xFFFFFFF0]  }
0x43f: {  	vm0 =	vlt.f32 v30, v35;
	vm4 =	vlt.s32 v7, v25;
	v24 =	vsel vm2, v23, v26  }
0x440: {  	v63 =	vsel vm2, v27, v31;
	v8 =	vadd.s32 v0, v8;
	vm1 =	vmand vm1, vm4  }
0x441: {  	v31 =	vsel vm3, v5, v6;
	vm5 =	vlt.s32 v33, v63;
	vm1 =	vmor vm0, vm1  }
0x442: {  	v1 =	vld [tilespmem:s5+$0x0];
	vm0 =	veq.f32 v36, v24;
	v23 =	vsel vm1, v30, v35;
	v27 =	vsel vm1, v7, v25  }
0x443: {  	vm0 =	vmand vm0, vm5;
	vm4 =	vlt.s32 v22, v27;
	vm2 =	veq.f32 v4, v23  }
0x444: {  	vm5 =	vlt.f32 v36, v24;
	vm2 =	vmand vm2, vm4;
	vm4 =	vlt.f32 v4, v23  }
0x445: {  	p2 =	sne.s32 s7, $0x1;
	v26 =	vsel vm1, v35, v30;
	vm0 =	vmor vm5, vm0;
	vm2 =	vmor vm4, vm2  }
.Ltmp21:
0x446: {  	v32 =	vsel vm0, v36, v24;
	v21 =	vsel vm2, v4, v23;
	v30 =	vsel vm2, v22, v27;
	(pc) =	sbr.rel @!p2 .LBB2_28-.Ltmp21, $4  }
0x447: {  	v33 =	vsel vm0, v33, v63;
	vm4 =	veq.f32 v1, v21;
	vm5 =	vlt.s32 v28, v30  }
0x448: {  	vm3 =	vlt.f32 v1, v21;
	vm4 =	vmand vm4, vm5;
	vm5 =	veq.f32 v31, v32  }
0x449: {  	vm0 =	vmor vm3, vm4;
	vm3 =	vlt.f32 v31, v32;
	vm4 =	vlt.s32 v29, v33  }
0x44a: {  	s7 =	sadd.s32 $0xFFFFFFFF, s7;
	s29 =	simm.s32 $0x1DBA0;
	p1 =	por $0x1, $0x1;
	v6 =	vld [tilespmem:s5+$0x10];
	v5 =	vsel vm0, v1, v21;
	v24 =	vsel vm0, v28, v30;
	vm4 =	vmand vm5, vm4  }
.LBB2_27:
0x44b: {  	v34 =	vld [tilespmem:s29+$0xFFFFFFE0];
	p2 =	sne.s32 s7, $0x1;
	s7 =	sadd.s32 $0xFFFFFFFF, s7;
	v27 =	vsel vm2, v27, v22;
	v35 =	vsel vm0, v30, v28;
	s5 =	sadd.s32 $0x40, s5;
	vm3 =	vmor vm3, vm4  }
0x44c: {  	v7 =	vsel vm1, v25, v7;
	v30 =	vld [tilespmem:s5+$0xFFFFFFE0];
	v22 =	vsel vm3, v31, v32;
	v25 =	vsel vm3, v29, v33  }
0x44d: {  	v28 =	vld [tilespmem:s29+$0x10];
	vm1 =	veq.f32 v26, v22;
	vm3 =	vlt.s32 v7, v25  }
0x44e: {  	vm4 =	vlt.f32 v26, v22;
	v31 =	vld [tilespmem:s29+$0x0];
	vm1 =	vmand vm1, vm3  }
0x44f: {  	v23 =	vsel vm2, v23, v4;
	s6 =	sadd.s32 $0x40, s6;
	v29 =	vld [tilespmem:s29+$0xFFFFFFF0];
	vm1 =	vmor vm4, vm1;
	vm2 =	vlt.f32 v6, v5  }
0x450: {  	v4 =	vshll.u32 v34, $0xC;
	v26 =	vsel vm1, v26, v22;
	v32 =	vsel vm1, v7, v25  }
0x451: {  	vm3 =	vlt.s32 v8, v24;
	vm1 =	veq.f32 v6, v5;
	v4 =	vadd.s32 s6, v4  }
0x452: {  	vm1 =	vmand vm1, vm3;
	v7 =	vadd.s32 v0, v4;
	v4 =	vld [tilespmem:s5+$0xFFFFFFF0];
	v28 =	vshll.u32 v28, $0xC  }
0x453: {  	vm4 =	veq.f32 v23, v26;
	vm5 =	vlt.s32 v27, v32;
	vm3 =	vmor vm2, vm1  }
0x454: {  	s8 =	sadd.s32 $0x10, s6;
	s9 =	sadd.s32 $0x20, s6;
	v33 =	vsel vm3, v6, v5;
	v25 =	vsel vm3, v8, v24;
	v22 =	vshll.u32 v29, $0xC  }
0x455: {  	vm2 =	vmand vm4, vm5;
	vm1 =	veq.f32 v30, v33;
	v22 =	vadd.s32 s8, v22  }
0x456: {  	v34 =	vsel vm0, v21, v1;
	v29 =	vsel vm3, v24, v8;
	v22 =	vadd.s32 v0, v22  }
0x457: {  	vm5 =	vlt.f32 v23, v26;
	vm0 =	vlt.f32 v30, v33;
	vm4 =	vlt.s32 v7, v25;
	s8 =	sadd.s32 $0x30, s6;
	v1 =	vld [tilespmem:s5+$0x0]  }
0x458: {  	vm2 =	vmor vm5, vm2;
	v8 =	vshll.u32 v31, $0xC;
	v21 =	vadd.s32 s8, v28  }
0x459: {  	v24 =	vsel vm2, v23, v26;
	vm1 =	vmand vm1, vm4;
	v8 =	vadd.s32 s9, v8  }
0x45a: {  	v36 =	vsel vm2, v27, v32;
	vm1 =	vmor vm0, vm1;
	vm0 =	veq.f32 v34, v24  }
0x45b: {  	v28 =	vadd.s32 v0, v8;
	v23 =	vsel vm1, v30, v33;
	v27 =	vsel vm1, v7, v25  }
0x45c: {  	vm5 =	vlt.s32 v35, v36;
	vm2 =	veq.f32 v4, v23;
	vm4 =	vlt.s32 v22, v27  }
0x45d: {  	v26 =	vsel vm1, v33, v30;
	vm0 =	vmand vm0, vm5;
	vm2 =	vmand vm2, vm4  }
0x45e: {  	v8 =	vadd.s32 v0, v21;
	vm5 =	vlt.f32 v34, v24;
	vm4 =	vlt.f32 v4, v23  }
0x45f: {  	v31 =	vsel vm3, v5, v6;
	vm0 =	vmor vm5, vm0;
	vm2 =	vmor vm4, vm2  }
.Ltmp22:
0x460: {  	v32 =	vsel vm0, v34, v24;
	v21 =	vsel vm2, v4, v23;
	v30 =	vsel vm2, v22, v27;
	(pc) =	sbr.rel @p2 .LBB2_27-.Ltmp22, $4  }
0x461: {  	vm3 =	vlt.f32 v1, v21;
	vm4 =	veq.f32 v1, v21;
	vm5 =	vlt.s32 v28, v30  }
0x462: {  	v33 =	vsel vm0, v35, v36;
	vm4 =	vmand vm4, vm5;
	vm5 =	veq.f32 v31, v32  }
0x463: {  	vm0 =	vmor vm3, vm4;
	vm3 =	vlt.f32 v31, v32;
	vm4 =	vlt.s32 v29, v33  }
0x464: {  	s29 =	sadd.s32 $0x40, s29;
	v5 =	vsel vm0, v1, v21;
	v24 =	vsel vm0, v28, v30;
	vm4 =	vmand vm5, vm4;
	v6 =	vld [tilespmem:s5+$0x10]  }
.LBB2_28:
0x465: {  	vm3 =	vmor @p1 vm3, vm4  }
0x466: {  	v31 =	vsel @p1 vm3, v31, v32;
	v29 =	vsel @p1 vm3, v29, v33  }
0x467: {  	v7 =	vsel vm1, v25, v7;
	v3 =	vpsel p1, v31, v3;
	v2 =	vpsel p1, v29, v2  }
0x468: {  	vm8 =	veq.f32 v26, v3;
	vm9 =	vlt.s32 v7, v2  }
0x469: {  	vm10 =	vlt.f32 v26, v3;
	vm1 =	vmand vm8, vm9  }
0x46a: {  	v22 =	vsel vm2, v27, v22;
	vm1 =	vmor vm10, vm1  }
0x46b: {  	v4 =	vsel vm2, v23, v4;
	v3 =	vsel vm1, v26, v3;
	v2 =	vsel vm1, v7, v2  }
0x46c: {  	v1 =	vsel vm0, v21, v1;
	vm11 =	veq.f32 v4, v3;
	vm12 =	vlt.s32 v22, v2  }
0x46d: {  	vm13 =	vlt.f32 v6, v5;
	vm14 =	vlt.f32 v4, v3;
	vm1 =	vmand vm11, vm12  }
0x46e: {  	vm15 =	veq.f32 v6, v5;
	vm8 =	vlt.s32 v8, v24;
	vm1 =	vmor vm14, vm1  }
0x46f: {  	v7 =	vsel vm0, v30, v28;
	v3 =	vsel vm1, v4, v3;
	v2 =	vsel vm1, v22, v2  }
0x470: {  	vm9 =	vmand vm15, vm8;
	vm10 =	veq.f32 v1, v3;
	vm11 =	vlt.s32 v7, v2  }
0x471: {  	vm0 =	vmor vm13, vm9;
	vm12 =	vlt.f32 v1, v3;
	vm1 =	vmand vm10, vm11  }
0x472: {  	v21 =	vsel vm0, v24, v8;
	vm1 =	vmor vm12, vm1  }
.Ltmp23:
0x473: {  	v4 =	vsel vm0, v5, v6;
	v1 =	vsel vm1, v1, v3;
	v7 =	vsel vm1, v7, v2;
	(pc) =	sbr.rel .LBB2_29-.Ltmp23, $4  }
0x474: {  	vm13 =	veq.f32 v4, v1;
	vm14 =	vlt.s32 v21, v7  }
0x475: {  	vm15 =	vlt.f32 v4, v1;
	vm1 =	vmand vm13, vm14  }
0x476: {  	v3 =	vsel vm0, v6, v5;
	vm1 =	vmor vm15, vm1  }
0x477: {  	v2 =	vsel vm0, v8, v24;
	v4 =	vsel vm1, v4, v1;
	v1 =	vsel vm1, v21, v7  }
.LBB2_25:
.Ltmp24:
0x478: {  	(pc) =	sbr.rel .LBB2_28-.Ltmp24, $2  }
0x479: {  	_ =	sdelay $0x2  }
0x47a: {  	v25 =	vimm.s32 $0x4000000  }
.LBB2_5:
0x47b: {  	v1 =	vimm.f32 $+Inf  }
0x47c: {  	[tilespmem:$0x1FD80] =	vst v1;
	v1 =	vimm.f32 $+Inf  }
0x47d: {  	[tilespmem:$0x1FD90] =	vst v1;
	v1 =	vimm.f32 $+Inf  }
0x47e: {  	[tilespmem:$0x1FDA0] =	vst v1;
	v1 =	vimm.f32 $+Inf  }
0x47f: {  	[tilespmem:$0x1FDB0] =	vst v1;
	v1 =	vimm.f32 $+Inf  }
0x480: {  	[tilespmem:$0x1FDC0] =	vst v1;
	v1 =	vimm.f32 $+Inf  }
0x481: {  	[tilespmem:$0x1FDD0] =	vst v1;
	v1 =	vimm.f32 $+Inf  }
0x482: {  	[tilespmem:$0x1FDE0] =	vst v1;
	v1 =	vimm.f32 $+Inf  }
0x483: {  	[tilespmem:$0x1FDF0] =	vst v1;
	v1 =	vimm.f32 $+Inf  }
0x484: {  	[tilespmem:$0x1FE00] =	vst v1;
	v1 =	vimm.f32 $+Inf  }
0x485: {  	[tilespmem:$0x1FE10] =	vst v1;
	v1 =	vimm.f32 $+Inf  }
0x486: {  	[tilespmem:$0x1FE20] =	vst v1;
	v1 =	vimm.f32 $+Inf  }
0x487: {  	[tilespmem:$0x1FE30] =	vst v1;
	v1 =	vimm.f32 $+Inf  }
0x488: {  	[tilespmem:$0x1FE40] =	vst v1;
	v1 =	vimm.f32 $+Inf  }
0x489: {  	[tilespmem:$0x1FE50] =	vst v1;
	v1 =	vimm.f32 $+Inf  }
0x48a: {  	[tilespmem:$0x1FE60] =	vst v1;
	v1 =	vimm.f32 $+Inf  }
0x48b: {  	[tilespmem:$0x1FE70] =	vst v1;
	v1 =	vimm.f32 $+Inf  }
0x48c: {  	[tilespmem:$0x1FE80] =	vst v1;
	v1 =	vimm.f32 $+Inf  }
0x48d: {  	[tilespmem:$0x1FE90] =	vst v1;
	v1 =	vimm.f32 $+Inf  }
0x48e: {  	[tilespmem:$0x1FEA0] =	vst v1;
	v1 =	vimm.f32 $+Inf  }
0x48f: {  	[tilespmem:$0x1FEB0] =	vst v1;
	v1 =	vimm.f32 $+Inf  }
0x490: {  	[tilespmem:$0x1FEC0] =	vst v1;
	v1 =	vimm.f32 $+Inf  }
0x491: {  	[tilespmem:$0x1FED0] =	vst v1;
	v1 =	vimm.f32 $+Inf  }
0x492: {  	[tilespmem:$0x1FEE0] =	vst v1;
	v1 =	vimm.f32 $+Inf  }
0x493: {  	[tilespmem:$0x1FEF0] =	vst v1;
	v1 =	vimm.f32 $+Inf  }
0x494: {  	[tilespmem:$0x1FF00] =	vst v1;
	v1 =	vimm.f32 $+Inf  }
0x495: {  	[tilespmem:$0x1FF10] =	vst v1;
	v1 =	vimm.f32 $+Inf  }
0x496: {  	[tilespmem:$0x1FF20] =	vst v1;
	v1 =	vimm.f32 $+Inf  }
0x497: {  	[tilespmem:$0x1FF30] =	vst v1;
	v1 =	vimm.f32 $+Inf  }
0x498: {  	[tilespmem:$0x1FF40] =	vst v1  }
0x499: {  	_ = 	snop  }
0x49a: {  	_ = 	snop  }
0x49b: {  	_ = 	snop  }
0x49c: {  	_ = 	snop  }
0x49d: {  	_ = 	snop  }
.Ltmp25:
0x49e: {  	(pc) =	sbr.rel .LBB2_10-.Ltmp25, $4  }
0x49f: {  	v1 =	vimm.f32 $+Inf  }
0x4a0: {  	[tilespmem:$0x1FF50] =	vst v1;
	v1 =	vimm.f32 $+Inf  }
0x4a1: {  	[tilespmem:$0x1FF60] =	vst v1;
	v1 =	vimm.f32 $+Inf  }
0x4a2: {  	v20 =	vmovc v14;
	v16 =	vmovc v13;
	v14 =	vmov v9;
	v48 =	vmov v10;
	v50 =	vmov v12;
	[tilespmem:$0x1FF70] =	vst v1  }
.LBB2_7:
0x4a3: {  	[tilespmem:$0x1FCD0] =	vst v40  }
0x4a4: {  	[tilespmem:$0x1FCE0] =	vst v33  }
0x4a5: {  	[tilespmem:$0x1FCF0] =	vst v30  }
0x4a6: {  	[tilespmem:$0x1FD00] =	vst v32  }
0x4a7: {  	[tilespmem:$0x1FD10] =	vst v25  }
0x4a8: {  	[tilespmem:$0x1FD20] =	vst v24  }
0x4a9: {  	[tilespmem:$0x1FD30] =	vst v23  }
0x4aa: {  	[tilespmem:$0x1FDC0] =	vst v16  }
0x4ab: {  	[tilespmem:$0x1FF70] =	vst v20  }
0x4ac: {  	[tilespmem:$0x1FF60] =	vst v19  }
0x4ad: {  	[tilespmem:$0x1FF50] =	vst v17  }
0x4ae: {  	[tilespmem:$0x1FF40] =	vst v14  }
0x4af: {  	[tilespmem:$0x1FF30] =	vst v22  }
0x4b0: {  	[tilespmem:$0x1FF20] =	vst v28  }
0x4b1: {  	[tilespmem:$0x1FF10] =	vst v39;
	v1 =	vimm.f32 $+Inf  }
0x4b2: {  	[tilespmem:$0x1FD80] =	vst v1;
	v1 =	vimm.f32 $+Inf  }
0x4b3: {  	[tilespmem:$0x1FD90] =	vst v1;
	v1 =	vimm.f32 $+Inf  }
0x4b4: {  	[tilespmem:$0x1FDA0] =	vst v1;
	v1 =	vimm.f32 $+Inf  }
0x4b5: {  	[tilespmem:$0x1FDB0] =	vst v1;
	v1 =	vimm.f32 $+Inf  }
0x4b6: {  	[tilespmem:$0x1FDD0] =	vst v1;
	v1 =	vimm.f32 $+Inf  }
0x4b7: {  	[tilespmem:$0x1FDE0] =	vst v1;
	v1 =	vimm.f32 $+Inf  }
0x4b8: {  	[tilespmem:$0x1FDF0] =	vst v1;
	v1 =	vimm.f32 $+Inf  }
0x4b9: {  	[tilespmem:$0x1FE00] =	vst v1;
	v1 =	vimm.f32 $+Inf  }
0x4ba: {  	[tilespmem:$0x1FE10] =	vst v1;
	v1 =	vimm.f32 $+Inf  }
0x4bb: {  	[tilespmem:$0x1FE20] =	vst v1;
	v1 =	vimm.f32 $+Inf  }
0x4bc: {  	[tilespmem:$0x1FE30] =	vst v1;
	v1 =	vimm.f32 $+Inf  }
0x4bd: {  	[tilespmem:$0x1FE40] =	vst v1;
	v1 =	vimm.f32 $+Inf  }
0x4be: {  	[tilespmem:$0x1FE50] =	vst v1;
	v1 =	vimm.f32 $+Inf  }
0x4bf: {  	[tilespmem:$0x1FE60] =	vst v1;
	v1 =	vimm.f32 $+Inf  }
0x4c0: {  	[tilespmem:$0x1FE70] =	vst v1;
	v1 =	vimm.f32 $+Inf  }
0x4c1: {  	[tilespmem:$0x1FE80] =	vst v1;
	v1 =	vimm.f32 $+Inf  }
0x4c2: {  	[tilespmem:$0x1FE90] =	vst v1;
	v1 =	vimm.f32 $+Inf  }
0x4c3: {  	[tilespmem:$0x1FEA0] =	vst v1;
	v1 =	vimm.f32 $+Inf  }
0x4c4: {  	[tilespmem:$0x1FEB0] =	vst v1;
	v1 =	vimm.f32 $+Inf  }
.Ltmp26:
0x4c5: {  	[tilespmem:$0x1FEC0] =	vst v1;
	v1 =	vimm.f32 $+Inf;
	(pc) =	sbr.rel .LBB2_10-.Ltmp26, $4  }
0x4c6: {  	v16 =	vld [tilespmem:$0x1FD70];
	[tilespmem:$0x1FED0] =	vst v1;
	v1 =	vimm.f32 $+Inf  }
0x4c7: {  	v14 =	vld [tilespmem:$0x1FD50];
	[tilespmem:$0x1FEE0] =	vst v1;
	v1 =	vimm.f32 $+Inf  }
0x4c8: {  	v20 =	vmov v52;
	v52 =	vld [tilespmem:$0x1FD60];
	[tilespmem:$0x1FEF0] =	vst v1;
	v1 =	vimm.f32 $+Inf  }
0x4c9: {  	v48 =	vmov v53;
	v21 =	vld [tilespmem:$0x1FD40];
	[tilespmem:$0x1FF00] =	vst v1  }
.LBB2_32:
0x4ca: {  	_ =	sfence.sel $0x180000  }
0x4cb: {  	[bflag:$0x0] =	sbarrier.arrive $0xFFFF  }
0x4cc: {  	_ =	strace $0x90000047  }
0x4cd: {  	s0 =	stileid.u32;
	[bflag:$0x2] =	sbarrier.arrive $0xFFFF  }
0x4ce: {  	p0 =	sne.s32 s0, $0x0;
	s0 =	rddreg [dreg:$0x2]  }
0x4cf: {  	s0 =	sadd.s32 @!p0 $0x100000, s0  }
0x4d0: {  	[sflag:s0] =	ssyncadd.tile.s32 @!p0 $0x1;
	_ =	shalt  }
.Lfunc_end2:
_tile_overlayer_lowered:
.L_overlay_start_2:
0x4d1: {  	(tag) =	ssettag $0x2  }
0x4d2: {  	s0 =	rddreg [dreg:$0x0];
	s2 =	stileid.u32  }
0x4d3: {  	s1 =	rddreg [dreg:$0x1];
	p0 =	sne.s32 s2, $0x0  }
0x4d4: {  	s3 =	rddreg [dreg:$0x2];
	[bflag:$0x3] =	sbarrier.arrive $0xFFFF;
	s2 =	simm.s32 @!p0 $0x1C01  }
0x4d5: {  	[timem:s3], [sflag:s2] =	dma.local @!p0 [hbm:s0], s1  }
0x4d6: {  	s0 =	simm.s32 @!p0 $0x1  }
0x4d7: {  	_ =	swait.ge @!p0 [sflag:s0], s1  }
0x4d8: {  	s1 =	ssub.s32 @!p0 $0x0, s1;
	[sflag:s0] =	ssyncset.done @!p0 $0x0  }
0x4d9: {  	[sflag:s0] =	ssyncadd.s32 @!p0 s1  }
0x4da: {  	[bflag:$0x3] =	sbarrier.arrive $0xFFFF  }
0x4db: {  	_ =	shalt  }

</sc_bundles>
